<compile_context>
chip_gen: v7x
topology: tpu7x:2x2x1
jax: 0.10.2.dev20260603
libtpu: 0.0.44.dev20260713+nightly
codegen_flags: <defaults>
</compile_context>

<pallas_src>
import functools

import jax
import jax.numpy as jnp
from jax import lax
from jax.experimental import pallas as pl
from jax.experimental.pallas import tpu as pltpu
from jax.experimental.pallas import tpu_sc as plsc

N = 10000
D = 128
E = 320000
NT = 32
C = 128
EPT = 10240
K_IT = EPT // C
PAD = NT * EPT - E
N_ACC = 10112
RPT = N_ACC // 16

_mesh = plsc.VectorSubcoreMesh(core_axis_name="c", subcore_axis_name="s")


@functools.partial(
    pl.kernel,
    mesh=_mesh,
    out_type=jax.ShapeDtypeStruct((2, N_ACC, D), jnp.float32),
    scratch_types=[
        pltpu.VMEM((K_IT, C), jnp.int32),
        pltpu.VMEM((C, D), jnp.float32),
        pltpu.VMEM_SHARED((N_ACC, D), jnp.float32),
    ],
)
def _deg_sc(dst_hbm, ones_hbm, zeros_hbm, out_hbm, dst_v, ones_v, acc):
    c = lax.axis_index("c")
    s = lax.axis_index("s")
    wid = c * 16 + s
    pltpu.sync_copy(dst_hbm.at[wid], dst_v)
    pltpu.sync_copy(ones_hbm, ones_v)
    pltpu.sync_copy(zeros_hbm, acc.at[pl.ds(s * RPT, RPT)])
    plsc.subcore_barrier()

    def body(j, carry):
        pltpu.sync_copy(ones_v, acc.at[dst_v.at[j]], add=True)
        return carry

    lax.fori_loop(0, K_IT, body, 0)
    plsc.subcore_barrier()
    pltpu.sync_copy(acc.at[pl.ds(s * RPT, RPT)],
                    out_hbm.at[c, pl.ds(s * RPT, RPT)])


@functools.partial(
    pl.kernel,
    mesh=_mesh,
    out_type=jax.ShapeDtypeStruct((2, N_ACC, D), jnp.float32),
    scratch_types=[
        pltpu.VMEM((K_IT // 2, C), jnp.int32),
        pltpu.VMEM((K_IT // 2, C), jnp.int32),
        pltpu.VMEM((C, D), jnp.float32),
        pltpu.VMEM((C, D), jnp.float32),
        pltpu.VMEM_SHARED((N_ACC, D), jnp.float32),
        pltpu.SemaphoreType.DMA,
        pltpu.SemaphoreType.DMA,
        pltpu.SemaphoreType.DMA,
    ],
)
def _agg_sc(g_hbm, src_hbm, dst_hbm, zeros_hbm, out_hbm,
            src_v, dst_v, rows_a, rows_b, acc, sem_g, sem_a, sem_b):
    c = lax.axis_index("c")
    s = lax.axis_index("s")
    wid = c * 16 + s
    half = K_IT // 2
    pltpu.sync_copy(zeros_hbm, acc.at[pl.ds(s * RPT, RPT)])
    plsc.subcore_barrier()

    for p in range(2):
        pltpu.sync_copy(src_hbm.at[wid, pl.ds(p * half, half)], src_v)
        pltpu.sync_copy(dst_hbm.at[wid, pl.ds(p * half, half)], dst_v)
        pltpu.async_copy(g_hbm.at[src_v.at[0]], rows_a, sem_g).wait()
        pltpu.async_copy(rows_a, acc.at[dst_v.at[0]], sem_a, add=True)

        def body(i, carry):
            j0 = 2 * i
            j1 = j0 + 1
            j2 = j0 + 2
            pltpu.async_copy(g_hbm.at[src_v.at[j1]], rows_b, sem_g).wait()
            pltpu.make_async_copy(rows_a, acc.at[dst_v.at[j0]], sem_a).wait()
            pltpu.async_copy(rows_b, acc.at[dst_v.at[j1]], sem_b, add=True)
            pltpu.async_copy(g_hbm.at[src_v.at[j2]], rows_a, sem_g).wait()
            pltpu.make_async_copy(rows_b, acc.at[dst_v.at[j1]], sem_b).wait()
            pltpu.async_copy(rows_a, acc.at[dst_v.at[j2]], sem_a, add=True)
            return carry

        lax.fori_loop(0, half // 2 - 1, body, 0)
        pltpu.async_copy(g_hbm.at[src_v.at[half - 1]], rows_b, sem_g).wait()
        pltpu.make_async_copy(rows_a, acc.at[dst_v.at[half - 2]], sem_a).wait()
        pltpu.sync_copy(rows_b, acc.at[dst_v.at[half - 1]], add=True)
    plsc.subcore_barrier()
    pltpu.sync_copy(acc.at[pl.ds(s * RPT, RPT)],
                    out_hbm.at[c, pl.ds(s * RPT, RPT)])


def _prep_body(degp_ref, h_ref, norm_ref, g0_ref):
    deg = degp_ref[0, :N, 0:1] + degp_ref[1, :N, 0:1]
    norm = 1.0 / jnp.sqrt(jnp.maximum(deg, 1.0))
    norm_ref[...] = norm
    g0_ref[...] = h_ref[...] * norm


_prep_tc = pl.pallas_call(
    _prep_body,
    out_shape=(jax.ShapeDtypeStruct((N, 1), jnp.float32),
               jax.ShapeDtypeStruct((N, D), jnp.float32)),
)


def _layer_math(parts_ref, norm_ref, h_ref, w_ref, b_ref, gm_ref, bt_ref,
                residual):
    norm = norm_ref[...]
    agg = (parts_ref[0, :N, :] + parts_ref[1, :N, :]) * norm
    h2 = jnp.dot(agg, w_ref[...], preferred_element_type=jnp.float32)
    h2 = h2 + b_ref[...]
    mean = jnp.mean(h2, axis=0, keepdims=True)
    var = jnp.mean((h2 - mean) ** 2, axis=0, keepdims=True)
    h2 = (h2 - mean) / jnp.sqrt(var + 1e-5) * gm_ref[...] + bt_ref[...]
    h2 = jnp.maximum(h2, 0.0)
    if residual:
        h2 = h_ref[...] + h2
    return h2, norm


def _layer_body(parts_ref, norm_ref, h_ref, w_ref, b_ref, gm_ref, bt_ref,
                h_out_ref, g_out_ref, *, residual):
    h2, norm = _layer_math(parts_ref, norm_ref, h_ref, w_ref, b_ref,
                           gm_ref, bt_ref, residual)
    h_out_ref[...] = h2
    g_out_ref[...] = h2 * norm


def _make_layer_tc(residual):
    return pl.pallas_call(
        functools.partial(_layer_body, residual=residual),
        out_shape=(jax.ShapeDtypeStruct((N, D), jnp.float32),
                   jax.ShapeDtypeStruct((N, D), jnp.float32)),
    )


_layer_tc_first = _make_layer_tc(False)
_layer_tc_mid = _make_layer_tc(True)


def _final_body(parts_ref, norm_ref, h_ref, w_ref, b_ref, gm_ref, bt_ref,
                mw0_ref, mb0_ref, mw1_ref, mb1_ref, mw2_ref, mb2_ref,
                y_ref):
    h2, _ = _layer_math(parts_ref, norm_ref, h_ref, w_ref, b_ref,
                        gm_ref, bt_ref, True)
    hg = jnp.mean(h2, axis=0, keepdims=True)
    y = jnp.dot(hg, mw0_ref[...], preferred_element_type=jnp.float32)
    y = jnp.maximum(y + mb0_ref[...], 0.0)
    y = jnp.dot(y, mw1_ref[...], preferred_element_type=jnp.float32)
    y = jnp.maximum(y + mb1_ref[...], 0.0)
    y = jnp.dot(y, mw2_ref[...], preferred_element_type=jnp.float32)
    y_ref[...] = y + mb2_ref[...]


_final_tc = pl.pallas_call(
    _final_body,
    out_shape=jax.ShapeDtypeStruct((1, 10), jnp.float32),
)


def kernel(h, edge_index, e, Ws, bs, gammas, betas,
           mW0, mb0, mW1, mb1, mW2, mb2):
    src = edge_index[0]
    dst = edge_index[1]
    pad_src = jnp.arange(PAD, dtype=jnp.int32) % N
    src_p = jnp.concatenate([src, pad_src]).reshape(NT, K_IT, C)
    trash = N + (jnp.arange(PAD, dtype=jnp.int32) % (N_ACC - N))
    dst_p = jnp.concatenate([dst, trash]).reshape(NT, K_IT, C)

    onesD = jnp.ones((C, D), jnp.float32)
    zerosD = jnp.zeros((RPT, D), jnp.float32)

    deg_parts = _deg_sc(dst_p, onesD, zerosD)
    norm, g = _prep_tc(deg_parts, h)

    for i in range(5):
        parts = _agg_sc(g, src_p, dst_p, zerosD)
        wi = Ws[i]
        bi = bs[i].reshape(1, D)
        gi = gammas[i].reshape(1, D)
        ti = betas[i].reshape(1, D)
        if i == 0:
            h, g = _layer_tc_first(parts, norm, h, wi, bi, gi, ti)
        elif i < 4:
            h, g = _layer_tc_mid(parts, norm, h, wi, bi, gi, ti)
        else:
            y = _final_tc(parts, norm, h, wi, bi, gi, ti,
                          mW0, mb0.reshape(1, -1),
                          mW1, mb1.reshape(1, -1),
                          mW2, mb2.reshape(1, -1))
    return y

# --- scband reference (transcript-rebuilt; emitter-appended) ---
"""Pipeline reference for scband-gcnnet-72052371357980 (READ-ONLY COPY).

The authoritative reference and input builder live on the scoring server;
editing this copy changes nothing except your own understanding.
"""

import jax, jax.numpy as jnp
import numpy as np

N = 10000
E = 320000
D = 128
L_GCN = 5  # 1 in->hidden + (L-1)=3 hidden->hidden + 1 hidden->out, all dim 128
N_CLASSES = 10


def setup_inputs(seed: int = 0) -> dict:
    key = jax.random.key(seed)
    ks = jax.random.split(key, 12)
    h = jax.random.normal(ks[0], (N, D), dtype=jnp.float32)
    edge_index = jax.random.randint(ks[1], (2, E), 0, N, dtype=jnp.int32)
    e = jax.random.normal(ks[2], (E, 4), dtype=jnp.float32)
    scale = 1.0 / np.sqrt(D)
    Ws = jax.random.normal(ks[3], (L_GCN, D, D), dtype=jnp.float32) * scale
    bs = jnp.zeros((L_GCN, D), dtype=jnp.float32)
    gammas = jnp.ones((L_GCN, D), dtype=jnp.float32)
    betas = jnp.zeros((L_GCN, D), dtype=jnp.float32)
    mW0 = jax.random.normal(ks[4], (D, D // 2), dtype=jnp.float32) * scale
    mb0 = jnp.zeros((D // 2,), dtype=jnp.float32)
    mW1 = jax.random.normal(ks[5], (D // 2, D // 4), dtype=jnp.float32) * (1.0 / np.sqrt(D // 2))
    mb1 = jnp.zeros((D // 4,), dtype=jnp.float32)
    mW2 = jax.random.normal(ks[6], (D // 4, N_CLASSES), dtype=jnp.float32) * (1.0 / np.sqrt(D // 4))
    mb2 = jnp.zeros((N_CLASSES,), dtype=jnp.float32)
    return {"h": h, "edge_index": edge_index, "e": e, "Ws": Ws, "bs": bs,
            "gammas": gammas, "betas": betas, "mW0": mW0, "mb0": mb0,
            "mW1": mW1, "mb1": mb1, "mW2": mW2, "mb2": mb2}


def _gcn_layer(h, src, dst, norm, W, b, gamma, beta, residual):
    h_in = h
    # GraphConv with symmetric normalization: (D^-1/2 A D^-1/2) h W + b
    msg = h[src] * norm[src][:, None]
    agg = jnp.zeros_like(h).at[dst].add(msg)
    agg = agg * norm[:, None]
    h2 = agg @ W + b
    # batch norm over nodes (training-mode statistics)
    mean = jnp.mean(h2, axis=0)
    var = jnp.var(h2, axis=0)
    h2 = (h2 - mean) / jnp.sqrt(var + 1e-5) * gamma + beta
    h2 = jax.nn.relu(h2)
    if residual:
        h2 = h_in + h2
    return h2


def reference(h, edge_index, e, Ws, bs, gammas, betas, mW0, mb0, mW1, mb1, mW2, mb2):
    src = edge_index[0]
    dst = edge_index[1]
    deg = jnp.zeros((N,), dtype=h.dtype).at[dst].add(1.0)
    norm = 1.0 / jnp.sqrt(jnp.clip(deg, 1.0, None))
    # layer 0: residual=False; layers 1..L_GCN-1: residual=True
    residual_flags = [False] + [True] * (L_GCN - 1)
    for i in range(L_GCN):
        h = _gcn_layer(h, src, dst, norm, Ws[i], bs[i], gammas[i], betas[i], residual_flags[i])
    # readout == 'mean' over nodes of the single batched graph
    hg = jnp.mean(h, axis=0, keepdims=True)  # [1, out_dim]
    # MLPReadout with L=2 halving layers
    y = jax.nn.relu(hg @ mW0 + mb0)
    y = jax.nn.relu(y @ mW1 + mb1)
    y = y @ mW2 + mb2
    return y

if __name__ == "__main__":
    import jax
    _d = setup_inputs()
    print(jax.jit(kernel)(*tuple(_d.values())))

</pallas_src>

<mosaic_0001>
#map = affine_map<(d0, d1) -> (0, 0, 0)>
#map1 = affine_map<(d0, d1) -> (0, 0)>
module attributes {stable_mosaic.version = 14 : i64} {
  func.func @_deg_sc(%arg0: i32, %arg1: i32, %arg2: memref<32x80x128xi32, #tpu.memory_space<hbm>>, %arg3: memref<128x128xf32, #tpu.memory_space<hbm>>, %arg4: memref<632x128xf32, #tpu.memory_space<hbm>>, %arg5: memref<2x10112x128xf32, #tpu.memory_space<hbm>>, %arg6: memref<80x128xi32, #tpu.memory_space<vmem>>, %arg7: memref<128x128xf32, #tpu.memory_space<vmem>>, %arg8: memref<10112x128xf32, #tpu.memory_space<vmem_shared>>) attributes {dimension_semantics = [#tpu.dimension_semantics<core_parallel>, #tpu.dimension_semantics<subcore_parallel>], iteration_bounds = array<i64: 2, 16>, scalar_prefetch = 0 : i64, scratch_operands = 3 : i64, tpu.core_type = #tpu.core_type<sc_vector_subcore>, window_params = [{transform_indices = #map}, {transform_indices = #map1}, {transform_indices = #map1}, {transform_indices = #map}]} {
    %mul3A = arith.constant 16 : i32
    %mul3A_0 = arith.muli %arg0, %mul3A : i32
    %add3A = arith.addi %mul3A_0, %arg1 : i32
    "tpu.region"() ({
      %run_scoped3A = tpu.sem_alloc : memref<!tpu.dma_semaphore, #tpu.memory_space<semaphore_mem>>
      %dma_start3A = arith.constant 0 : i32
      %dma_start3A_13 = arith.constant 0 : i32
      %dma_start3A_14 = tpu.memref_slice %arg2[%add3A, %dma_start3A, %dma_start3A_13] : memref<32x80x128xi32, #tpu.memory_space<hbm>> -> memref<1x80x128xi32, #tpu.memory_space<hbm>>
      %dma_start3A_15 = tpu.memref_squeeze %dma_start3A_14 : memref<1x80x128xi32, #tpu.memory_space<hbm>> -> memref<80x128xi32, #tpu.memory_space<hbm>>
      %dma_start3A_16 = arith.constant 0 : i32
      %dma_start3A_17 = arith.constant 0 : i32
      %dma_start3A_18 = tpu.memref_slice %arg2[%add3A, %dma_start3A_16, %dma_start3A_17] : memref<32x80x128xi32, #tpu.memory_space<hbm>> -> memref<1x80x128xi32, #tpu.memory_space<hbm>>
      %dma_start3A_19 = tpu.memref_squeeze %dma_start3A_18 : memref<1x80x128xi32, #tpu.memory_space<hbm>> -> memref<80x128xi32, #tpu.memory_space<hbm>>
      tpu.enqueue_dma source(%dma_start3A_19 : memref<80x128xi32, #tpu.memory_space<hbm>>) target(%arg6 : memref<80x128xi32, #tpu.memory_space<vmem>>) target_semaphore(%run_scoped3A : memref<!tpu.dma_semaphore, #tpu.memory_space<semaphore_mem>>)
      %dma_wait3A = arith.constant 0 : i32
      %dma_wait3A_20 = arith.constant 0 : i32
      %dma_wait3A_21 = tpu.memref_slice %arg2[%add3A, %dma_wait3A, %dma_wait3A_20] : memref<32x80x128xi32, #tpu.memory_space<hbm>> -> memref<1x80x128xi32, #tpu.memory_space<hbm>>
      %dma_wait3A_22 = tpu.memref_squeeze %dma_wait3A_21 : memref<1x80x128xi32, #tpu.memory_space<hbm>> -> memref<80x128xi32, #tpu.memory_space<hbm>>
      %dma_wait3A_23 = arith.constant 0 : i32
      %dma_wait3A_24 = arith.constant 0 : i32
      %dma_wait3A_25 = tpu.memref_slice %arg2[%add3A, %dma_wait3A_23, %dma_wait3A_24] : memref<32x80x128xi32, #tpu.memory_space<hbm>> -> memref<1x80x128xi32, #tpu.memory_space<hbm>>
      %dma_wait3A_26 = tpu.memref_squeeze %dma_wait3A_25 : memref<1x80x128xi32, #tpu.memory_space<hbm>> -> memref<80x128xi32, #tpu.memory_space<hbm>>
      tpu.wait_dma2 semaphore(%run_scoped3A : memref<!tpu.dma_semaphore, #tpu.memory_space<semaphore_mem>>) src(%dma_wait3A_26 : memref<80x128xi32, #tpu.memory_space<hbm>>) dst(%arg6 : memref<80x128xi32, #tpu.memory_space<vmem>>)
      tpu.yield
    }) : () -> ()
    "tpu.region"() ({
      %run_scoped3A = tpu.sem_alloc : memref<!tpu.dma_semaphore, #tpu.memory_space<semaphore_mem>>
      tpu.enqueue_dma source(%arg3 : memref<128x128xf32, #tpu.memory_space<hbm>>) target(%arg7 : memref<128x128xf32, #tpu.memory_space<vmem>>) target_semaphore(%run_scoped3A : memref<!tpu.dma_semaphore, #tpu.memory_space<semaphore_mem>>)
      tpu.wait_dma2 semaphore(%run_scoped3A : memref<!tpu.dma_semaphore, #tpu.memory_space<semaphore_mem>>) src(%arg3 : memref<128x128xf32, #tpu.memory_space<hbm>>) dst(%arg7 : memref<128x128xf32, #tpu.memory_space<vmem>>)
      tpu.yield
    }) : () -> ()
    %mul3A_1 = arith.constant 632 : i32
    %mul3A_2 = arith.muli %arg1, %mul3A_1 : i32
    "tpu.region"() ({
      %run_scoped3A = tpu.sem_alloc : memref<!tpu.dma_semaphore, #tpu.memory_space<semaphore_mem>>
      %dma_start3A = arith.constant 0 : i32
      %dma_start3A_13 = tpu.memref_slice %arg8[%mul3A_2, %dma_start3A] : memref<10112x128xf32, #tpu.memory_space<vmem_shared>> -> memref<632x128xf32, #tpu.memory_space<vmem_shared>>
      tpu.enqueue_dma source(%arg4 : memref<632x128xf32, #tpu.memory_space<hbm>>) target(%dma_start3A_13 : memref<632x128xf32, #tpu.memory_space<vmem_shared>>) target_semaphore(%run_scoped3A : memref<!tpu.dma_semaphore, #tpu.memory_space<semaphore_mem>>)
      %dma_wait3A = arith.constant 0 : i32
      %dma_wait3A_14 = tpu.memref_slice %arg8[%mul3A_2, %dma_wait3A] : memref<10112x128xf32, #tpu.memory_space<vmem_shared>> -> memref<632x128xf32, #tpu.memory_space<vmem_shared>>
      tpu.wait_dma2 semaphore(%run_scoped3A : memref<!tpu.dma_semaphore, #tpu.memory_space<semaphore_mem>>) src(%arg4 : memref<632x128xf32, #tpu.memory_space<hbm>>) dst(%dma_wait3A_14 : memref<632x128xf32, #tpu.memory_space<vmem_shared>>)
      tpu.yield
    }) : () -> ()
    %barrier3A = arith.constant 0 : index
    tpu.barrier barrier_id(%barrier3A)
    %scan3A = arith.constant 0 : i32
    %scan3A_3 = arith.constant 0 : i32
    %scan3A_4 = arith.constant 80 : i32
    %scan3A_5 = arith.addi %scan3A_3, %scan3A_4 : i32
    %scan3A_6 = arith.constant 1 : i32
    scf.for %scan3A_13 = %scan3A_3 to %scan3A_5 step %scan3A_6  : i32 {
      "tpu.region"() ({
        %run_scoped3A = tpu.sem_alloc : memref<!tpu.dma_semaphore, #tpu.memory_space<semaphore_mem>>
        %dma_start3A = arith.constant 0 : i32
        %dma_start3A_14 = tpu.memref_slice %arg6[%scan3A_13, %dma_start3A] : memref<80x128xi32, #tpu.memory_space<vmem>> -> memref<1x128xi32, #tpu.memory_space<vmem>>
        %dma_start3A_15 = tpu.memref_squeeze %dma_start3A_14 : memref<1x128xi32, #tpu.memory_space<vmem>> -> memref<128xi32, #tpu.memory_space<vmem>>
        %dma_start3A_16 = arith.constant 0 : i32
        %dma_start3A_17 = arith.constant 0 : i32
        %dma_start3A_18 = tpu.memref_slice %arg8[%dma_start3A_16, %dma_start3A_17] : memref<10112x128xf32, #tpu.memory_space<vmem_shared>> -> memref<10112x128xf32, #tpu.memory_space<vmem_shared>>
        tpu.enqueue_indirect_dma source(%arg7 : memref<128x128xf32, #tpu.memory_space<vmem>>) target(%dma_start3A_18 : memref<10112x128xf32, #tpu.memory_space<vmem_shared>>) offsets(%dma_start3A_15 : memref<128xi32, #tpu.memory_space<vmem>>) semaphore(%run_scoped3A : memref<!tpu.dma_semaphore, #tpu.memory_space<semaphore_mem>>) {add = true}
        %dma_wait3A = arith.constant 0 : i32
        %dma_wait3A_19 = tpu.memref_slice %arg6[%scan3A_13, %dma_wait3A] : memref<80x128xi32, #tpu.memory_space<vmem>> -> memref<1x128xi32, #tpu.memory_space<vmem>>
        %dma_wait3A_20 = tpu.memref_squeeze %dma_wait3A_19 : memref<1x128xi32, #tpu.memory_space<vmem>> -> memref<128xi32, #tpu.memory_space<vmem>>
        %dma_wait3A_21 = arith.constant 0 : i32
        %dma_wait3A_22 = arith.constant 0 : i32
        %dma_wait3A_23 = tpu.memref_slice %arg8[%dma_wait3A_21, %dma_wait3A_22] : memref<10112x128xf32, #tpu.memory_space<vmem_shared>> -> memref<10112x128xf32, #tpu.memory_space<vmem_shared>>
        tpu.wait_indirect_dma semaphore(%run_scoped3A : memref<!tpu.dma_semaphore, #tpu.memory_space<semaphore_mem>>) src(%arg7 : memref<128x128xf32, #tpu.memory_space<vmem>>) dst(%dma_wait3A_23 : memref<10112x128xf32, #tpu.memory_space<vmem_shared>>)
        tpu.yield
      }) : () -> ()
    }
    %scan3A_7 = arith.constant 80 : i32
    %barrier3A_8 = arith.constant 0 : index
    tpu.barrier barrier_id(%barrier3A_8)
    %mul3A_9 = arith.constant 632 : i32
    %mul3A_10 = arith.muli %arg1, %mul3A_9 : i32
    %mul3A_11 = arith.constant 632 : i32
    %mul3A_12 = arith.muli %arg1, %mul3A_11 : i32
    "tpu.region"() ({
      %run_scoped3A = tpu.sem_alloc : memref<!tpu.dma_semaphore, #tpu.memory_space<semaphore_mem>>
      %dma_start3A = arith.constant 0 : i32
      %dma_start3A_13 = tpu.memref_slice %arg5[%arg0, %mul3A_12, %dma_start3A] : memref<2x10112x128xf32, #tpu.memory_space<hbm>> -> memref<1x632x128xf32, #tpu.memory_space<hbm>>
      %dma_start3A_14 = tpu.memref_squeeze %dma_start3A_13 : memref<1x632x128xf32, #tpu.memory_space<hbm>> -> memref<632x128xf32, #tpu.memory_space<hbm>>
      %dma_start3A_15 = arith.constant 0 : i32
      %dma_start3A_16 = tpu.memref_slice %arg8[%mul3A_10, %dma_start3A_15] : memref<10112x128xf32, #tpu.memory_space<vmem_shared>> -> memref<632x128xf32, #tpu.memory_space<vmem_shared>>
      tpu.enqueue_dma source(%dma_start3A_16 : memref<632x128xf32, #tpu.memory_space<vmem_shared>>) target(%dma_start3A_14 : memref<632x128xf32, #tpu.memory_space<hbm>>) target_semaphore(%run_scoped3A : memref<!tpu.dma_semaphore, #tpu.memory_space<semaphore_mem>>)
      %dma_wait3A = arith.constant 0 : i32
      %dma_wait3A_17 = tpu.memref_slice %arg5[%arg0, %mul3A_12, %dma_wait3A] : memref<2x10112x128xf32, #tpu.memory_space<hbm>> -> memref<1x632x128xf32, #tpu.memory_space<hbm>>
      %dma_wait3A_18 = tpu.memref_squeeze %dma_wait3A_17 : memref<1x632x128xf32, #tpu.memory_space<hbm>> -> memref<632x128xf32, #tpu.memory_space<hbm>>
      %dma_wait3A_19 = arith.constant 0 : i32
      %dma_wait3A_20 = tpu.memref_slice %arg8[%mul3A_10, %dma_wait3A_19] : memref<10112x128xf32, #tpu.memory_space<vmem_shared>> -> memref<632x128xf32, #tpu.memory_space<vmem_shared>>
      tpu.wait_dma2 semaphore(%run_scoped3A : memref<!tpu.dma_semaphore, #tpu.memory_space<semaphore_mem>>) src(%dma_wait3A_20 : memref<632x128xf32, #tpu.memory_space<vmem_shared>>) dst(%dma_wait3A_18 : memref<632x128xf32, #tpu.memory_space<hbm>>)
      tpu.yield
    }) : () -> ()
    return
  }
}

#map = affine_map<(d0, d1) -> (0, 0)>
#map1 = affine_map<(d0, d1) -> (0, 0, 0)>
module attributes {stable_mosaic.version = 14 : i64} {
  func.func @_agg_sc(%arg0: i32, %arg1: i32, %arg2: memref<10000x128xf32, #tpu.memory_space<hbm>>, %arg3: memref<32x80x128xi32, #tpu.memory_space<hbm>>, %arg4: memref<32x80x128xi32, #tpu.memory_space<hbm>>, %arg5: memref<632x128xf32, #tpu.memory_space<hbm>>, %arg6: memref<2x10112x128xf32, #tpu.memory_space<hbm>>, %arg7: memref<40x128xi32, #tpu.memory_space<vmem>>, %arg8: memref<40x128xi32, #tpu.memory_space<vmem>>, %arg9: memref<128x128xf32, #tpu.memory_space<vmem>>, %arg10: memref<128x128xf32, #tpu.memory_space<vmem>>, %arg11: memref<10112x128xf32, #tpu.memory_space<vmem_shared>>, %arg12: memref<!tpu.dma_semaphore, #tpu.memory_space<semaphore_mem>>, %arg13: memref<!tpu.dma_semaphore, #tpu.memory_space<semaphore_mem>>, %arg14: memref<!tpu.dma_semaphore, #tpu.memory_space<semaphore_mem>>) attributes {dimension_semantics = [#tpu.dimension_semantics<core_parallel>, #tpu.dimension_semantics<subcore_parallel>], iteration_bounds = array<i64: 2, 16>, scalar_prefetch = 0 : i64, scratch_operands = 8 : i64, tpu.core_type = #tpu.core_type<sc_vector_subcore>, window_params = [{transform_indices = #map}, {transform_indices = #map1}, {transform_indices = #map1}, {transform_indices = #map}, {transform_indices = #map1}]} {
    %mul3A = arith.constant 16 : i32
    %mul3A_0 = arith.muli %arg0, %mul3A : i32
    %add3A = arith.addi %mul3A_0, %arg1 : i32
    %mul3A_1 = arith.constant 632 : i32
    %mul3A_2 = arith.muli %arg1, %mul3A_1 : i32
    "tpu.region"() ({
      %run_scoped3A_102 = tpu.sem_alloc : memref<!tpu.dma_semaphore, #tpu.memory_space<semaphore_mem>>
      %dma_start3A_103 = arith.constant 0 : i32
      %dma_start3A_104 = tpu.memref_slice %arg11[%mul3A_2, %dma_start3A_103] : memref<10112x128xf32, #tpu.memory_space<vmem_shared>> -> memref<632x128xf32, #tpu.memory_space<vmem_shared>>
      tpu.enqueue_dma source(%arg5 : memref<632x128xf32, #tpu.memory_space<hbm>>) target(%dma_start3A_104 : memref<632x128xf32, #tpu.memory_space<vmem_shared>>) target_semaphore(%run_scoped3A_102 : memref<!tpu.dma_semaphore, #tpu.memory_space<semaphore_mem>>)
      %dma_wait3A_105 = arith.constant 0 : i32
      %dma_wait3A_106 = tpu.memref_slice %arg11[%mul3A_2, %dma_wait3A_105] : memref<10112x128xf32, #tpu.memory_space<vmem_shared>> -> memref<632x128xf32, #tpu.memory_space<vmem_shared>>
      tpu.wait_dma2 semaphore(%run_scoped3A_102 : memref<!tpu.dma_semaphore, #tpu.memory_space<semaphore_mem>>) src(%arg5 : memref<632x128xf32, #tpu.memory_space<hbm>>) dst(%dma_wait3A_106 : memref<632x128xf32, #tpu.memory_space<vmem_shared>>)
      tpu.yield
    }) : () -> ()
    %barrier3A = arith.constant 0 : index
    tpu.barrier barrier_id(%barrier3A)
    "tpu.region"() ({
      %run_scoped3A_102 = tpu.sem_alloc : memref<!tpu.dma_semaphore, #tpu.memory_space<semaphore_mem>>
      %dma_start3A_103 = arith.constant 0 : i32
      %dma_start3A_104 = arith.constant 0 : i32
      %dma_start3A_105 = tpu.memref_slice %arg3[%add3A, %dma_start3A_103, %dma_start3A_104] : memref<32x80x128xi32, #tpu.memory_space<hbm>> -> memref<1x40x128xi32, #tpu.memory_space<hbm>>
      %dma_start3A_106 = tpu.memref_squeeze %dma_start3A_105 : memref<1x40x128xi32, #tpu.memory_space<hbm>> -> memref<40x128xi32, #tpu.memory_space<hbm>>
      %dma_start3A_107 = arith.constant 0 : i32
      %dma_start3A_108 = arith.constant 0 : i32
      %dma_start3A_109 = tpu.memref_slice %arg3[%add3A, %dma_start3A_107, %dma_start3A_108] : memref<32x80x128xi32, #tpu.memory_space<hbm>> -> memref<1x40x128xi32, #tpu.memory_space<hbm>>
      %dma_start3A_110 = tpu.memref_squeeze %dma_start3A_109 : memref<1x40x128xi32, #tpu.memory_space<hbm>> -> memref<40x128xi32, #tpu.memory_space<hbm>>
      tpu.enqueue_dma source(%dma_start3A_110 : memref<40x128xi32, #tpu.memory_space<hbm>>) target(%arg7 : memref<40x128xi32, #tpu.memory_space<vmem>>) target_semaphore(%run_scoped3A_102 : memref<!tpu.dma_semaphore, #tpu.memory_space<semaphore_mem>>)
      %dma_wait3A_111 = arith.constant 0 : i32
      %dma_wait3A_112 = arith.constant 0 : i32
      %dma_wait3A_113 = tpu.memref_slice %arg3[%add3A, %dma_wait3A_111, %dma_wait3A_112] : memref<32x80x128xi32, #tpu.memory_space<hbm>> -> memref<1x40x128xi32, #tpu.memory_space<hbm>>
      %dma_wait3A_114 = tpu.memref_squeeze %dma_wait3A_113 : memref<1x40x128xi32, #tpu.memory_space<hbm>> -> memref<40x128xi32, #tpu.memory_space<hbm>>
      %dma_wait3A_115 = arith.constant 0 : i32
      %dma_wait3A_116 = arith.constant 0 : i32
      %dma_wait3A_117 = tpu.memref_slice %arg3[%add3A, %dma_wait3A_115, %dma_wait3A_116] : memref<32x80x128xi32, #tpu.memory_space<hbm>> -> memref<1x40x128xi32, #tpu.memory_space<hbm>>
      %dma_wait3A_118 = tpu.memref_squeeze %dma_wait3A_117 : memref<1x40x128xi32, #tpu.memory_space<hbm>> -> memref<40x128xi32, #tpu.memory_space<hbm>>
      tpu.wait_dma2 semaphore(%run_scoped3A_102 : memref<!tpu.dma_semaphore, #tpu.memory_space<semaphore_mem>>) src(%dma_wait3A_118 : memref<40x128xi32, #tpu.memory_space<hbm>>) dst(%arg7 : memref<40x128xi32, #tpu.memory_space<vmem>>)
      tpu.yield
    }) : () -> ()
    "tpu.region"() ({
      %run_scoped3A_102 = tpu.sem_alloc : memref<!tpu.dma_semaphore, #tpu.memory_space<semaphore_mem>>
      %dma_start3A_103 = arith.constant 0 : i32
      %dma_start3A_104 = arith.constant 0 : i32
      %dma_start3A_105 = tpu.memref_slice %arg4[%add3A, %dma_start3A_103, %dma_start3A_104] : memref<32x80x128xi32, #tpu.memory_space<hbm>> -> memref<1x40x128xi32, #tpu.memory_space<hbm>>
      %dma_start3A_106 = tpu.memref_squeeze %dma_start3A_105 : memref<1x40x128xi32, #tpu.memory_space<hbm>> -> memref<40x128xi32, #tpu.memory_space<hbm>>
      %dma_start3A_107 = arith.constant 0 : i32
      %dma_start3A_108 = arith.constant 0 : i32
      %dma_start3A_109 = tpu.memref_slice %arg4[%add3A, %dma_start3A_107, %dma_start3A_108] : memref<32x80x128xi32, #tpu.memory_space<hbm>> -> memref<1x40x128xi32, #tpu.memory_space<hbm>>
      %dma_start3A_110 = tpu.memref_squeeze %dma_start3A_109 : memref<1x40x128xi32, #tpu.memory_space<hbm>> -> memref<40x128xi32, #tpu.memory_space<hbm>>
      tpu.enqueue_dma source(%dma_start3A_110 : memref<40x128xi32, #tpu.memory_space<hbm>>) target(%arg8 : memref<40x128xi32, #tpu.memory_space<vmem>>) target_semaphore(%run_scoped3A_102 : memref<!tpu.dma_semaphore, #tpu.memory_space<semaphore_mem>>)
      %dma_wait3A_111 = arith.constant 0 : i32
      %dma_wait3A_112 = arith.constant 0 : i32
      %dma_wait3A_113 = tpu.memref_slice %arg4[%add3A, %dma_wait3A_111, %dma_wait3A_112] : memref<32x80x128xi32, #tpu.memory_space<hbm>> -> memref<1x40x128xi32, #tpu.memory_space<hbm>>
      %dma_wait3A_114 = tpu.memref_squeeze %dma_wait3A_113 : memref<1x40x128xi32, #tpu.memory_space<hbm>> -> memref<40x128xi32, #tpu.memory_space<hbm>>
      %dma_wait3A_115 = arith.constant 0 : i32
      %dma_wait3A_116 = arith.constant 0 : i32
      %dma_wait3A_117 = tpu.memref_slice %arg4[%add3A, %dma_wait3A_115, %dma_wait3A_116] : memref<32x80x128xi32, #tpu.memory_space<hbm>> -> memref<1x40x128xi32, #tpu.memory_space<hbm>>
      %dma_wait3A_118 = tpu.memref_squeeze %dma_wait3A_117 : memref<1x40x128xi32, #tpu.memory_space<hbm>> -> memref<40x128xi32, #tpu.memory_space<hbm>>
      tpu.wait_dma2 semaphore(%run_scoped3A_102 : memref<!tpu.dma_semaphore, #tpu.memory_space<semaphore_mem>>) src(%dma_wait3A_118 : memref<40x128xi32, #tpu.memory_space<hbm>>) dst(%arg8 : memref<40x128xi32, #tpu.memory_space<vmem>>)
      tpu.yield
    }) : () -> ()
    %dma_start3A = arith.constant 0 : i32
    %dma_start3A_3 = arith.constant 0 : i32
    %dma_start3A_4 = tpu.memref_slice %arg7[%dma_start3A, %dma_start3A_3] : memref<40x128xi32, #tpu.memory_space<vmem>> -> memref<1x128xi32, #tpu.memory_space<vmem>>
    %dma_start3A_5 = tpu.memref_squeeze %dma_start3A_4 : memref<1x128xi32, #tpu.memory_space<vmem>> -> memref<128xi32, #tpu.memory_space<vmem>>
    %dma_start3A_6 = arith.constant 0 : i32
    %dma_start3A_7 = arith.constant 0 : i32
    %dma_start3A_8 = tpu.memref_slice %arg2[%dma_start3A_6, %dma_start3A_7] : memref<10000x128xf32, #tpu.memory_space<hbm>> -> memref<10000x128xf32, #tpu.memory_space<hbm>>
    tpu.enqueue_indirect_dma source(%dma_start3A_8 : memref<10000x128xf32, #tpu.memory_space<hbm>>) target(%arg9 : memref<128x128xf32, #tpu.memory_space<vmem>>) offsets(%dma_start3A_5 : memref<128xi32, #tpu.memory_space<vmem>>) semaphore(%arg12 : memref<!tpu.dma_semaphore, #tpu.memory_space<semaphore_mem>>)
    %dma_wait3A = arith.constant 0 : i32
    %dma_wait3A_9 = arith.constant 0 : i32
    %dma_wait3A_10 = tpu.memref_slice %arg7[%dma_wait3A, %dma_wait3A_9] : memref<40x128xi32, #tpu.memory_space<vmem>> -> memref<1x128xi32, #tpu.memory_space<vmem>>
    %dma_wait3A_11 = tpu.memref_squeeze %dma_wait3A_10 : memref<1x128xi32, #tpu.memory_space<vmem>> -> memref<128xi32, #tpu.memory_space<vmem>>
    %dma_wait3A_12 = arith.constant 0 : i32
    %dma_wait3A_13 = arith.constant 0 : i32
    %dma_wait3A_14 = tpu.memref_slice %arg2[%dma_wait3A_12, %dma_wait3A_13] : memref<10000x128xf32, #tpu.memory_space<hbm>> -> memref<10000x128xf32, #tpu.memory_space<hbm>>
    tpu.wait_indirect_dma semaphore(%arg12 : memref<!tpu.dma_semaphore, #tpu.memory_space<semaphore_mem>>) src(%dma_wait3A_14 : memref<10000x128xf32, #tpu.memory_space<hbm>>) dst(%arg9 : memref<128x128xf32, #tpu.memory_space<vmem>>)
    %dma_start3A_15 = arith.constant 0 : i32
    %dma_start3A_16 = arith.constant 0 : i32
    %dma_start3A_17 = tpu.memref_slice %arg8[%dma_start3A_15, %dma_start3A_16] : memref<40x128xi32, #tpu.memory_space<vmem>> -> memref<1x128xi32, #tpu.memory_space<vmem>>
    %dma_start3A_18 = tpu.memref_squeeze %dma_start3A_17 : memref<1x128xi32, #tpu.memory_space<vmem>> -> memref<128xi32, #tpu.memory_space<vmem>>
    %dma_start3A_19 = arith.constant 0 : i32
    %dma_start3A_20 = arith.constant 0 : i32
    %dma_start3A_21 = tpu.memref_slice %arg11[%dma_start3A_19, %dma_start3A_20] : memref<10112x128xf32, #tpu.memory_space<vmem_shared>> -> memref<10112x128xf32, #tpu.memory_space<vmem_shared>>
    tpu.enqueue_indirect_dma source(%arg9 : memref<128x128xf32, #tpu.memory_space<vmem>>) target(%dma_start3A_21 : memref<10112x128xf32, #tpu.memory_space<vmem_shared>>) offsets(%dma_start3A_18 : memref<128xi32, #tpu.memory_space<vmem>>) semaphore(%arg13 : memref<!tpu.dma_semaphore, #tpu.memory_space<semaphore_mem>>) {add = true}
    %scan3A = arith.constant 0 : i32
    %scan3A_22 = arith.constant 0 : i32
    %scan3A_23 = arith.constant 19 : i32
    %scan3A_24 = arith.addi %scan3A_22, %scan3A_23 : i32
    %scan3A_25 = arith.constant 1 : i32
    scf.for %scan3A_102 = %scan3A_22 to %scan3A_24 step %scan3A_25  : i32 {
      %mul3A_103 = arith.constant 2 : i32
      %mul3A_104 = arith.muli %mul3A_103, %scan3A_102 : i32
      %add3A_105 = arith.constant 1 : i32
      %add3A_106 = arith.addi %mul3A_104, %add3A_105 : i32
      %add3A_107 = arith.constant 2 : i32
      %add3A_108 = arith.addi %mul3A_104, %add3A_107 : i32
      %dma_start3A_109 = arith.constant 0 : i32
      %dma_start3A_110 = tpu.memref_slice %arg7[%add3A_106, %dma_start3A_109] : memref<40x128xi32, #tpu.memory_space<vmem>> -> memref<1x128xi32, #tpu.memory_space<vmem>>
      %dma_start3A_111 = tpu.memref_squeeze %dma_start3A_110 : memref<1x128xi32, #tpu.memory_space<vmem>> -> memref<128xi32, #tpu.memory_space<vmem>>
      %dma_start3A_112 = arith.constant 0 : i32
      %dma_start3A_113 = arith.constant 0 : i32
      %dma_start3A_114 = tpu.memref_slice %arg2[%dma_start3A_112, %dma_start3A_113] : memref<10000x128xf32, #tpu.memory_space<hbm>> -> memref<10000x128xf32, #tpu.memory_space<hbm>>
      tpu.enqueue_indirect_dma source(%dma_start3A_114 : memref<10000x128xf32, #tpu.memory_space<hbm>>) target(%arg10 : memref<128x128xf32, #tpu.memory_space<vmem>>) offsets(%dma_start3A_111 : memref<128xi32, #tpu.memory_space<vmem>>) semaphore(%arg12 : memref<!tpu.dma_semaphore, #tpu.memory_space<semaphore_mem>>)
      %dma_wait3A_115 = arith.constant 0 : i32
      %dma_wait3A_116 = tpu.memref_slice %arg7[%add3A_106, %dma_wait3A_115] : memref<40x128xi32, #tpu.memory_space<vmem>> -> memref<1x128xi32, #tpu.memory_space<vmem>>
      %dma_wait3A_117 = tpu.memref_squeeze %dma_wait3A_116 : memref<1x128xi32, #tpu.memory_space<vmem>> -> memref<128xi32, #tpu.memory_space<vmem>>
      %dma_wait3A_118 = arith.constant 0 : i32
      %dma_wait3A_119 = arith.constant 0 : i32
      %dma_wait3A_120 = tpu.memref_slice %arg2[%dma_wait3A_118, %dma_wait3A_119] : memref<10000x128xf32, #tpu.memory_space<hbm>> -> memref<10000x128xf32, #tpu.memory_space<hbm>>
      tpu.wait_indirect_dma semaphore(%arg12 : memref<!tpu.dma_semaphore, #tpu.memory_space<semaphore_mem>>) src(%dma_wait3A_120 : memref<10000x128xf32, #tpu.memory_space<hbm>>) dst(%arg10 : memref<128x128xf32, #tpu.memory_space<vmem>>)
      %dma_wait3A_121 = arith.constant 0 : i32
      %dma_wait3A_122 = tpu.memref_slice %arg8[%mul3A_104, %dma_wait3A_121] : memref<40x128xi32, #tpu.memory_space<vmem>> -> memref<1x128xi32, #tpu.memory_space<vmem>>
      %dma_wait3A_123 = tpu.memref_squeeze %dma_wait3A_122 : memref<1x128xi32, #tpu.memory_space<vmem>> -> memref<128xi32, #tpu.memory_space<vmem>>
      %dma_wait3A_124 = arith.constant 0 : i32
      %dma_wait3A_125 = arith.constant 0 : i32
      %dma_wait3A_126 = tpu.memref_slice %arg11[%dma_wait3A_124, %dma_wait3A_125] : memref<10112x128xf32, #tpu.memory_space<vmem_shared>> -> memref<10112x128xf32, #tpu.memory_space<vmem_shared>>
      tpu.wait_indirect_dma semaphore(%arg13 : memref<!tpu.dma_semaphore, #tpu.memory_space<semaphore_mem>>) src(%arg9 : memref<128x128xf32, #tpu.memory_space<vmem>>) dst(%dma_wait3A_126 : memref<10112x128xf32, #tpu.memory_space<vmem_shared>>)
      %dma_start3A_127 = arith.constant 0 : i32
      %dma_start3A_128 = tpu.memref_slice %arg8[%add3A_106, %dma_start3A_127] : memref<40x128xi32, #tpu.memory_space<vmem>> -> memref<1x128xi32, #tpu.memory_space<vmem>>
      %dma_start3A_129 = tpu.memref_squeeze %dma_start3A_128 : memref<1x128xi32, #tpu.memory_space<vmem>> -> memref<128xi32, #tpu.memory_space<vmem>>
      %dma_start3A_130 = arith.constant 0 : i32
      %dma_start3A_131 = arith.constant 0 : i32
      %dma_start3A_132 = tpu.memref_slice %arg11[%dma_start3A_130, %dma_start3A_131] : memref<10112x128xf32, #tpu.memory_space<vmem_shared>> -> memref<10112x128xf32, #tpu.memory_space<vmem_shared>>
      tpu.enqueue_indirect_dma source(%arg10 : memref<128x128xf32, #tpu.memory_space<vmem>>) target(%dma_start3A_132 : memref<10112x128xf32, #tpu.memory_space<vmem_shared>>) offsets(%dma_start3A_129 : memref<128xi32, #tpu.memory_space<vmem>>) semaphore(%arg14 : memref<!tpu.dma_semaphore, #tpu.memory_space<semaphore_mem>>) {add = true}
      %dma_start3A_133 = arith.constant 0 : i32
      %dma_start3A_134 = tpu.memref_slice %arg7[%add3A_108, %dma_start3A_133] : memref<40x128xi32, #tpu.memory_space<vmem>> -> memref<1x128xi32, #tpu.memory_space<vmem>>
      %dma_start3A_135 = tpu.memref_squeeze %dma_start3A_134 : memref<1x128xi32, #tpu.memory_space<vmem>> -> memref<128xi32, #tpu.memory_space<vmem>>
      %dma_start3A_136 = arith.constant 0 : i32
      %dma_start3A_137 = arith.constant 0 : i32
      %dma_start3A_138 = tpu.memref_slice %arg2[%dma_start3A_136, %dma_start3A_137] : memref<10000x128xf32, #tpu.memory_space<hbm>> -> memref<10000x128xf32, #tpu.memory_space<hbm>>
      tpu.enqueue_indirect_dma source(%dma_start3A_138 : memref<10000x128xf32, #tpu.memory_space<hbm>>) target(%arg9 : memref<128x128xf32, #tpu.memory_space<vmem>>) offsets(%dma_start3A_135 : memref<128xi32, #tpu.memory_space<vmem>>) semaphore(%arg12 : memref<!tpu.dma_semaphore, #tpu.memory_space<semaphore_mem>>)
      %dma_wait3A_139 = arith.constant 0 : i32
      %dma_wait3A_140 = tpu.memref_slice %arg7[%add3A_108, %dma_wait3A_139] : memref<40x128xi32, #tpu.memory_space<vmem>> -> memref<1x128xi32, #tpu.memory_space<vmem>>
      %dma_wait3A_141 = tpu.memref_squeeze %dma_wait3A_140 : memref<1x128xi32, #tpu.memory_space<vmem>> -> memref<128xi32, #tpu.memory_space<vmem>>
      %dma_wait3A_142 = arith.constant 0 : i32
      %dma_wait3A_143 = arith.constant 0 : i32
      %dma_wait3A_144 = tpu.memref_slice %arg2[%dma_wait3A_142, %dma_wait3A_143] : memref<10000x128xf32, #tpu.memory_space<hbm>> -> memref<10000x128xf32, #tpu.memory_space<hbm>>
      tpu.wait_indirect_dma semaphore(%arg12 : memref<!tpu.dma_semaphore, #tpu.memory_space<semaphore_mem>>) src(%dma_wait3A_144 : memref<10000x128xf32, #tpu.memory_space<hbm>>) dst(%arg9 : memref<128x128xf32, #tpu.memory_space<vmem>>)
      %dma_wait3A_145 = arith.constant 0 : i32
      %dma_wait3A_146 = tpu.memref_slice %arg8[%add3A_106, %dma_wait3A_145] : memref<40x128xi32, #tpu.memory_space<vmem>> -> memref<1x128xi32, #tpu.memory_space<vmem>>
      %dma_wait3A_147 = tpu.memref_squeeze %dma_wait3A_146 : memref<1x128xi32, #tpu.memory_space<vmem>> -> memref<128xi32, #tpu.memory_space<vmem>>
      %dma_wait3A_148 = arith.constant 0 : i32
      %dma_wait3A_149 = arith.constant 0 : i32
      %dma_wait3A_150 = tpu.memref_slice %arg11[%dma_wait3A_148, %dma_wait3A_149] : memref<10112x128xf32, #tpu.memory_space<vmem_shared>> -> memref<10112x128xf32, #tpu.memory_space<vmem_shared>>
      tpu.wait_indirect_dma semaphore(%arg14 : memref<!tpu.dma_semaphore, #tpu.memory_space<semaphore_mem>>) src(%arg10 : memref<128x128xf32, #tpu.memory_space<vmem>>) dst(%dma_wait3A_150 : memref<10112x128xf32, #tpu.memory_space<vmem_shared>>)
      %dma_start3A_151 = arith.constant 0 : i32
      %dma_start3A_152 = tpu.memref_slice %arg8[%add3A_108, %dma_start3A_151] : memref<40x128xi32, #tpu.memory_space<vmem>> -> memref<1x128xi32, #tpu.memory_space<vmem>>
      %dma_start3A_153 = tpu.memref_squeeze %dma_start3A_152 : memref<1x128xi32, #tpu.memory_space<vmem>> -> memref<128xi32, #tpu.memory_space<vmem>>
      %dma_start3A_154 = arith.constant 0 : i32
      %dma_start3A_155 = arith.constant 0 : i32
      %dma_start3A_156 = tpu.memref_slice %arg11[%dma_start3A_154, %dma_start3A_155] : memref<10112x128xf32, #tpu.memory_space<vmem_shared>> -> memref<10112x128xf32, #tpu.memory_space<vmem_shared>>
      tpu.enqueue_indirect_dma source(%arg9 : memref<128x128xf32, #tpu.memory_space<vmem>>) target(%dma_start3A_156 : memref<10112x128xf32, #tpu.memory_space<vmem_shared>>) offsets(%dma_start3A_153 : memref<128xi32, #tpu.memory_space<vmem>>) semaphore(%arg13 : memref<!tpu.dma_semaphore, #tpu.memory_space<semaphore_mem>>) {add = true}
    }
    %scan3A_26 = arith.constant 19 : i32
    %dma_start3A_27 = arith.constant 39 : i32
    %dma_start3A_28 = arith.constant 0 : i32
    %dma_start3A_29 = tpu.memref_slice %arg7[%dma_start3A_27, %dma_start3A_28] : memref<40x128xi32, #tpu.memory_space<vmem>> -> memref<1x128xi32, #tpu.memory_space<vmem>>
    %dma_start3A_30 = tpu.memref_squeeze %dma_start3A_29 : memref<1x128xi32, #tpu.memory_space<vmem>> -> memref<128xi32, #tpu.memory_space<vmem>>
    %dma_start3A_31 = arith.constant 0 : i32
    %dma_start3A_32 = arith.constant 0 : i32
    %dma_start3A_33 = tpu.memref_slice %arg2[%dma_start3A_31, %dma_start3A_32] : memref<10000x128xf32, #tpu.memory_space<hbm>> -> memref<10000x128xf32, #tpu.memory_space<hbm>>
    tpu.enqueue_indirect_dma source(%dma_start3A_33 : memref<10000x128xf32, #tpu.memory_space<hbm>>) target(%arg10 : memref<128x128xf32, #tpu.memory_space<vmem>>) offsets(%dma_start3A_30 : memref<128xi32, #tpu.memory_space<vmem>>) semaphore(%arg12 : memref<!tpu.dma_semaphore, #tpu.memory_space<semaphore_mem>>)
    %dma_wait3A_34 = arith.constant 39 : i32
    %dma_wait3A_35 = arith.constant 0 : i32
    %dma_wait3A_36 = tpu.memref_slice %arg7[%dma_wait3A_34, %dma_wait3A_35] : memref<40x128xi32, #tpu.memory_space<vmem>> -> memref<1x128xi32, #tpu.memory_space<vmem>>
    %dma_wait3A_37 = tpu.memref_squeeze %dma_wait3A_36 : memref<1x128xi32, #tpu.memory_space<vmem>> -> memref<128xi32, #tpu.memory_space<vmem>>
    %dma_wait3A_38 = arith.constant 0 : i32
    %dma_wait3A_39 = arith.constant 0 : i32
    %dma_wait3A_40 = tpu.memref_slice %arg2[%dma_wait3A_38, %dma_wait3A_39] : memref<10000x128xf32, #tpu.memory_space<hbm>> -> memref<10000x128xf32, #tpu.memory_space<hbm>>
    tpu.wait_indirect_dma semaphore(%arg12 : memref<!tpu.dma_semaphore, #tpu.memory_space<semaphore_mem>>) src(%dma_wait3A_40 : memref<10000x128xf32, #tpu.memory_space<hbm>>) dst(%arg10 : memref<128x128xf32, #tpu.memory_space<vmem>>)
    %dma_wait3A_41 = arith.constant 38 : i32
    %dma_wait3A_42 = arith.constant 0 : i32
    %dma_wait3A_43 = tpu.memref_slice %arg8[%dma_wait3A_41, %dma_wait3A_42] : memref<40x128xi32, #tpu.memory_space<vmem>> -> memref<1x128xi32, #tpu.memory_space<vmem>>
    %dma_wait3A_44 = tpu.memref_squeeze %dma_wait3A_43 : memref<1x128xi32, #tpu.memory_space<vmem>> -> memref<128xi32, #tpu.memory_space<vmem>>
    %dma_wait3A_45 = arith.constant 0 : i32
    %dma_wait3A_46 = arith.constant 0 : i32
    %dma_wait3A_47 = tpu.memref_slice %arg11[%dma_wait3A_45, %dma_wait3A_46] : memref<10112x128xf32, #tpu.memory_space<vmem_shared>> -> memref<10112x128xf32, #tpu.memory_space<vmem_shared>>
    tpu.wait_indirect_dma semaphore(%arg13 : memref<!tpu.dma_semaphore, #tpu.memory_space<semaphore_mem>>) src(%arg9 : memref<128x128xf32, #tpu.memory_space<vmem>>) dst(%dma_wait3A_47 : memref<10112x128xf32, #tpu.memory_space<vmem_shared>>)
    %run_scoped3A = arith.constant 39 : i32
    "tpu.region"() ({
      %run_scoped3A_102 = tpu.sem_alloc : memref<!tpu.dma_semaphore, #tpu.memory_space<semaphore_mem>>
      %dma_start3A_103 = arith.constant 0 : i32
      %dma_start3A_104 = tpu.memref_slice %arg8[%run_scoped3A, %dma_start3A_103] : memref<40x128xi32, #tpu.memory_space<vmem>> -> memref<1x128xi32, #tpu.memory_space<vmem>>
      %dma_start3A_105 = tpu.memref_squeeze %dma_start3A_104 : memref<1x128xi32, #tpu.memory_space<vmem>> -> memref<128xi32, #tpu.memory_space<vmem>>
      %dma_start3A_106 = arith.constant 0 : i32
      %dma_start3A_107 = arith.constant 0 : i32
      %dma_start3A_108 = tpu.memref_slice %arg11[%dma_start3A_106, %dma_start3A_107] : memref<10112x128xf32, #tpu.memory_space<vmem_shared>> -> memref<10112x128xf32, #tpu.memory_space<vmem_shared>>
      tpu.enqueue_indirect_dma source(%arg10 : memref<128x128xf32, #tpu.memory_space<vmem>>) target(%dma_start3A_108 : memref<10112x128xf32, #tpu.memory_space<vmem_shared>>) offsets(%dma_start3A_105 : memref<128xi32, #tpu.memory_space<vmem>>) semaphore(%run_scoped3A_102 : memref<!tpu.dma_semaphore, #tpu.memory_space<semaphore_mem>>) {add = true}
      %dma_wait3A_109 = arith.constant 0 : i32
      %dma_wait3A_110 = tpu.memref_slice %arg8[%run_scoped3A, %dma_wait3A_109] : memref<40x128xi32, #tpu.memory_space<vmem>> -> memref<1x128xi32, #tpu.memory_space<vmem>>
      %dma_wait3A_111 = tpu.memref_squeeze %dma_wait3A_110 : memref<1x128xi32, #tpu.memory_space<vmem>> -> memref<128xi32, #tpu.memory_space<vmem>>
      %dma_wait3A_112 = arith.constant 0 : i32
      %dma_wait3A_113 = arith.constant 0 : i32
      %dma_wait3A_114 = tpu.memref_slice %arg11[%dma_wait3A_112, %dma_wait3A_113] : memref<10112x128xf32, #tpu.memory_space<vmem_shared>> -> memref<10112x128xf32, #tpu.memory_space<vmem_shared>>
      tpu.wait_indirect_dma semaphore(%run_scoped3A_102 : memref<!tpu.dma_semaphore, #tpu.memory_space<semaphore_mem>>) src(%arg10 : memref<128x128xf32, #tpu.memory_space<vmem>>) dst(%dma_wait3A_114 : memref<10112x128xf32, #tpu.memory_space<vmem_shared>>)
      tpu.yield
    }) : () -> ()
    "tpu.region"() ({
      %run_scoped3A_102 = tpu.sem_alloc : memref<!tpu.dma_semaphore, #tpu.memory_space<semaphore_mem>>
      %dma_start3A_103 = arith.constant 40 : i32
      %dma_start3A_104 = arith.constant 0 : i32
      %dma_start3A_105 = tpu.memref_slice %arg3[%add3A, %dma_start3A_103, %dma_start3A_104] : memref<32x80x128xi32, #tpu.memory_space<hbm>> -> memref<1x40x128xi32, #tpu.memory_space<hbm>>
      %dma_start3A_106 = tpu.memref_squeeze %dma_start3A_105 : memref<1x40x128xi32, #tpu.memory_space<hbm>> -> memref<40x128xi32, #tpu.memory_space<hbm>>
      %dma_start3A_107 = arith.constant 40 : i32
      %dma_start3A_108 = arith.constant 0 : i32
      %dma_start3A_109 = tpu.memref_slice %arg3[%add3A, %dma_start3A_107, %dma_start3A_108] : memref<32x80x128xi32, #tpu.memory_space<hbm>> -> memref<1x40x128xi32, #tpu.memory_space<hbm>>
      %dma_start3A_110 = tpu.memref_squeeze %dma_start3A_109 : memref<1x40x128xi32, #tpu.memory_space<hbm>> -> memref<40x128xi32, #tpu.memory_space<hbm>>
      tpu.enqueue_dma source(%dma_start3A_110 : memref<40x128xi32, #tpu.memory_space<hbm>>) target(%arg7 : memref<40x128xi32, #tpu.memory_space<vmem>>) target_semaphore(%run_scoped3A_102 : memref<!tpu.dma_semaphore, #tpu.memory_space<semaphore_mem>>)
      %dma_wait3A_111 = arith.constant 40 : i32
      %dma_wait3A_112 = arith.constant 0 : i32
      %dma_wait3A_113 = tpu.memref_slice %arg3[%add3A, %dma_wait3A_111, %dma_wait3A_112] : memref<32x80x128xi32, #tpu.memory_space<hbm>> -> memref<1x40x128xi32, #tpu.memory_space<hbm>>
      %dma_wait3A_114 = tpu.memref_squeeze %dma_wait3A_113 : memref<1x40x128xi32, #tpu.memory_space<hbm>> -> memref<40x128xi32, #tpu.memory_space<hbm>>
      %dma_wait3A_115 = arith.constant 40 : i32
      %dma_wait3A_116 = arith.constant 0 : i32
      %dma_wait3A_117 = tpu.memref_slice %arg3[%add3A, %dma_wait3A_115, %dma_wait3A_116] : memref<32x80x128xi32, #tpu.memory_space<hbm>> -> memref<1x40x128xi32, #tpu.memory_space<hbm>>
      %dma_wait3A_118 = tpu.memref_squeeze %dma_wait3A_117 : memref<1x40x128xi32, #tpu.memory_space<hbm>> -> memref<40x128xi32, #tpu.memory_space<hbm>>
      tpu.wait_dma2 semaphore(%run_scoped3A_102 : memref<!tpu.dma_semaphore, #tpu.memory_space<semaphore_mem>>) src(%dma_wait3A_118 : memref<40x128xi32, #tpu.memory_space<hbm>>) dst(%arg7 : memref<40x128xi32, #tpu.memory_space<vmem>>)
      tpu.yield
    }) : () -> ()
    "tpu.region"() ({
      %run_scoped3A_102 = tpu.sem_alloc : memref<!tpu.dma_semaphore, #tpu.memory_space<semaphore_mem>>
      %dma_start3A_103 = arith.constant 40 : i32
      %dma_start3A_104 = arith.constant 0 : i32
      %dma_start3A_105 = tpu.memref_slice %arg4[%add3A, %dma_start3A_103, %dma_start3A_104] : memref<32x80x128xi32, #tpu.memory_space<hbm>> -> memref<1x40x128xi32, #tpu.memory_space<hbm>>
      %dma_start3A_106 = tpu.memref_squeeze %dma_start3A_105 : memref<1x40x128xi32, #tpu.memory_space<hbm>> -> memref<40x128xi32, #tpu.memory_space<hbm>>
      %dma_start3A_107 = arith.constant 40 : i32
      %dma_start3A_108 = arith.constant 0 : i32
      %dma_start3A_109 = tpu.memref_slice %arg4[%add3A, %dma_start3A_107, %dma_start3A_108] : memref<32x80x128xi32, #tpu.memory_space<hbm>> -> memref<1x40x128xi32, #tpu.memory_space<hbm>>
      %dma_start3A_110 = tpu.memref_squeeze %dma_start3A_109 : memref<1x40x128xi32, #tpu.memory_space<hbm>> -> memref<40x128xi32, #tpu.memory_space<hbm>>
      tpu.enqueue_dma source(%dma_start3A_110 : memref<40x128xi32, #tpu.memory_space<hbm>>) target(%arg8 : memref<40x128xi32, #tpu.memory_space<vmem>>) target_semaphore(%run_scoped3A_102 : memref<!tpu.dma_semaphore, #tpu.memory_space<semaphore_mem>>)
      %dma_wait3A_111 = arith.constant 40 : i32
      %dma_wait3A_112 = arith.constant 0 : i32
      %dma_wait3A_113 = tpu.memref_slice %arg4[%add3A, %dma_wait3A_111, %dma_wait3A_112] : memref<32x80x128xi32, #tpu.memory_space<hbm>> -> memref<1x40x128xi32, #tpu.memory_space<hbm>>
      %dma_wait3A_114 = tpu.memref_squeeze %dma_wait3A_113 : memref<1x40x128xi32, #tpu.memory_space<hbm>> -> memref<40x128xi32, #tpu.memory_space<hbm>>
      %dma_wait3A_115 = arith.constant 40 : i32
      %dma_wait3A_116 = arith.constant 0 : i32
      %dma_wait3A_117 = tpu.memref_slice %arg4[%add3A, %dma_wait3A_115, %dma_wait3A_116] : memref<32x80x128xi32, #tpu.memory_space<hbm>> -> memref<1x40x128xi32, #tpu.memory_space<hbm>>
      %dma_wait3A_118 = tpu.memref_squeeze %dma_wait3A_117 : memref<1x40x128xi32, #tpu.memory_space<hbm>> -> memref<40x128xi32, #tpu.memory_space<hbm>>
      tpu.wait_dma2 semaphore(%run_scoped3A_102 : memref<!tpu.dma_semaphore, #tpu.memory_space<semaphore_mem>>) src(%dma_wait3A_118 : memref<40x128xi32, #tpu.memory_space<hbm>>) dst(%arg8 : memref<40x128xi32, #tpu.memory_space<vmem>>)
      tpu.yield
    }) : () -> ()
    %dma_start3A_48 = arith.constant 0 : i32
    %dma_start3A_49 = arith.constant 0 : i32
    %dma_start3A_50 = tpu.memref_slice %arg7[%dma_start3A_48, %dma_start3A_49] : memref<40x128xi32, #tpu.memory_space<vmem>> -> memref<1x128xi32, #tpu.memory_space<vmem>>
    %dma_start3A_51 = tpu.memref_squeeze %dma_start3A_50 : memref<1x128xi32, #tpu.memory_space<vmem>> -> memref<128xi32, #tpu.memory_space<vmem>>
    %dma_start3A_52 = arith.constant 0 : i32
    %dma_start3A_53 = arith.constant 0 : i32
    %dma_start3A_54 = tpu.memref_slice %arg2[%dma_start3A_52, %dma_start3A_53] : memref<10000x128xf32, #tpu.memory_space<hbm>> -> memref<10000x128xf32, #tpu.memory_space<hbm>>
    tpu.enqueue_indirect_dma source(%dma_start3A_54 : memref<10000x128xf32, #tpu.memory_space<hbm>>) target(%arg9 : memref<128x128xf32, #tpu.memory_space<vmem>>) offsets(%dma_start3A_51 : memref<128xi32, #tpu.memory_space<vmem>>) semaphore(%arg12 : memref<!tpu.dma_semaphore, #tpu.memory_space<semaphore_mem>>)
    %dma_wait3A_55 = arith.constant 0 : i32
    %dma_wait3A_56 = arith.constant 0 : i32
    %dma_wait3A_57 = tpu.memref_slice %arg7[%dma_wait3A_55, %dma_wait3A_56] : memref<40x128xi32, #tpu.memory_space<vmem>> -> memref<1x128xi32, #tpu.memory_space<vmem>>
    %dma_wait3A_58 = tpu.memref_squeeze %dma_wait3A_57 : memref<1x128xi32, #tpu.memory_space<vmem>> -> memref<128xi32, #tpu.memory_space<vmem>>
    %dma_wait3A_59 = arith.constant 0 : i32
    %dma_wait3A_60 = arith.constant 0 : i32
    %dma_wait3A_61 = tpu.memref_slice %arg2[%dma_wait3A_59, %dma_wait3A_60] : memref<10000x128xf32, #tpu.memory_space<hbm>> -> memref<10000x128xf32, #tpu.memory_space<hbm>>
    tpu.wait_indirect_dma semaphore(%arg12 : memref<!tpu.dma_semaphore, #tpu.memory_space<semaphore_mem>>) src(%dma_wait3A_61 : memref<10000x128xf32, #tpu.memory_space<hbm>>) dst(%arg9 : memref<128x128xf32, #tpu.memory_space<vmem>>)
    %dma_start3A_62 = arith.constant 0 : i32
    %dma_start3A_63 = arith.constant 0 : i32
    %dma_start3A_64 = tpu.memref_slice %arg8[%dma_start3A_62, %dma_start3A_63] : memref<40x128xi32, #tpu.memory_space<vmem>> -> memref<1x128xi32, #tpu.memory_space<vmem>>
    %dma_start3A_65 = tpu.memref_squeeze %dma_start3A_64 : memref<1x128xi32, #tpu.memory_space<vmem>> -> memref<128xi32, #tpu.memory_space<vmem>>
    %dma_start3A_66 = arith.constant 0 : i32
    %dma_start3A_67 = arith.constant 0 : i32
    %dma_start3A_68 = tpu.memref_slice %arg11[%dma_start3A_66, %dma_start3A_67] : memref<10112x128xf32, #tpu.memory_space<vmem_shared>> -> memref<10112x128xf32, #tpu.memory_space<vmem_shared>>
    tpu.enqueue_indirect_dma source(%arg9 : memref<128x128xf32, #tpu.memory_space<vmem>>) target(%dma_start3A_68 : memref<10112x128xf32, #tpu.memory_space<vmem_shared>>) offsets(%dma_start3A_65 : memref<128xi32, #tpu.memory_space<vmem>>) semaphore(%arg13 : memref<!tpu.dma_semaphore, #tpu.memory_space<semaphore_mem>>) {add = true}
    %scan3A_69 = arith.constant 0 : i32
    %scan3A_70 = arith.constant 0 : i32
    %scan3A_71 = arith.constant 19 : i32
    %scan3A_72 = arith.addi %scan3A_70, %scan3A_71 : i32
    %scan3A_73 = arith.constant 1 : i32
    scf.for %scan3A_102 = %scan3A_70 to %scan3A_72 step %scan3A_73  : i32 {
      %mul3A_103 = arith.constant 2 : i32
      %mul3A_104 = arith.muli %mul3A_103, %scan3A_102 : i32
      %add3A_105 = arith.constant 1 : i32
      %add3A_106 = arith.addi %mul3A_104, %add3A_105 : i32
      %add3A_107 = arith.constant 2 : i32
      %add3A_108 = arith.addi %mul3A_104, %add3A_107 : i32
      %dma_start3A_109 = arith.constant 0 : i32
      %dma_start3A_110 = tpu.memref_slice %arg7[%add3A_106, %dma_start3A_109] : memref<40x128xi32, #tpu.memory_space<vmem>> -> memref<1x128xi32, #tpu.memory_space<vmem>>
      %dma_start3A_111 = tpu.memref_squeeze %dma_start3A_110 : memref<1x128xi32, #tpu.memory_space<vmem>> -> memref<128xi32, #tpu.memory_space<vmem>>
      %dma_start3A_112 = arith.constant 0 : i32
      %dma_start3A_113 = arith.constant 0 : i32
      %dma_start3A_114 = tpu.memref_slice %arg2[%dma_start3A_112, %dma_start3A_113] : memref<10000x128xf32, #tpu.memory_space<hbm>> -> memref<10000x128xf32, #tpu.memory_space<hbm>>
      tpu.enqueue_indirect_dma source(%dma_start3A_114 : memref<10000x128xf32, #tpu.memory_space<hbm>>) target(%arg10 : memref<128x128xf32, #tpu.memory_space<vmem>>) offsets(%dma_start3A_111 : memref<128xi32, #tpu.memory_space<vmem>>) semaphore(%arg12 : memref<!tpu.dma_semaphore, #tpu.memory_space<semaphore_mem>>)
      %dma_wait3A_115 = arith.constant 0 : i32
      %dma_wait3A_116 = tpu.memref_slice %arg7[%add3A_106, %dma_wait3A_115] : memref<40x128xi32, #tpu.memory_space<vmem>> -> memref<1x128xi32, #tpu.memory_space<vmem>>
      %dma_wait3A_117 = tpu.memref_squeeze %dma_wait3A_116 : memref<1x128xi32, #tpu.memory_space<vmem>> -> memref<128xi32, #tpu.memory_space<vmem>>
      %dma_wait3A_118 = arith.constant 0 : i32
      %dma_wait3A_119 = arith.constant 0 : i32
      %dma_wait3A_120 = tpu.memref_slice %arg2[%dma_wait3A_118, %dma_wait3A_119] : memref<10000x128xf32, #tpu.memory_space<hbm>> -> memref<10000x128xf32, #tpu.memory_space<hbm>>
      tpu.wait_indirect_dma semaphore(%arg12 : memref<!tpu.dma_semaphore, #tpu.memory_space<semaphore_mem>>) src(%dma_wait3A_120 : memref<10000x128xf32, #tpu.memory_space<hbm>>) dst(%arg10 : memref<128x128xf32, #tpu.memory_space<vmem>>)
      %dma_wait3A_121 = arith.constant 0 : i32
      %dma_wait3A_122 = tpu.memref_slice %arg8[%mul3A_104, %dma_wait3A_121] : memref<40x128xi32, #tpu.memory_space<vmem>> -> memref<1x128xi32, #tpu.memory_space<vmem>>
      %dma_wait3A_123 = tpu.memref_squeeze %dma_wait3A_122 : memref<1x128xi32, #tpu.memory_space<vmem>> -> memref<128xi32, #tpu.memory_space<vmem>>
      %dma_wait3A_124 = arith.constant 0 : i32
      %dma_wait3A_125 = arith.constant 0 : i32
      %dma_wait3A_126 = tpu.memref_slice %arg11[%dma_wait3A_124, %dma_wait3A_125] : memref<10112x128xf32, #tpu.memory_space<vmem_shared>> -> memref<10112x128xf32, #tpu.memory_space<vmem_shared>>
      tpu.wait_indirect_dma semaphore(%arg13 : memref<!tpu.dma_semaphore, #tpu.memory_space<semaphore_mem>>) src(%arg9 : memref<128x128xf32, #tpu.memory_space<vmem>>) dst(%dma_wait3A_126 : memref<10112x128xf32, #tpu.memory_space<vmem_shared>>)
      %dma_start3A_127 = arith.constant 0 : i32
      %dma_start3A_128 = tpu.memref_slice %arg8[%add3A_106, %dma_start3A_127] : memref<40x128xi32, #tpu.memory_space<vmem>> -> memref<1x128xi32, #tpu.memory_space<vmem>>
      %dma_start3A_129 = tpu.memref_squeeze %dma_start3A_128 : memref<1x128xi32, #tpu.memory_space<vmem>> -> memref<128xi32, #tpu.memory_space<vmem>>
      %dma_start3A_130 = arith.constant 0 : i32
      %dma_start3A_131 = arith.constant 0 : i32
      %dma_start3A_132 = tpu.memref_slice %arg11[%dma_start3A_130, %dma_start3A_131] : memref<10112x128xf32, #tpu.memory_space<vmem_shared>> -> memref<10112x128xf32, #tpu.memory_space<vmem_shared>>
      tpu.enqueue_indirect_dma source(%arg10 : memref<128x128xf32, #tpu.memory_space<vmem>>) target(%dma_start3A_132 : memref<10112x128xf32, #tpu.memory_space<vmem_shared>>) offsets(%dma_start3A_129 : memref<128xi32, #tpu.memory_space<vmem>>) semaphore(%arg14 : memref<!tpu.dma_semaphore, #tpu.memory_space<semaphore_mem>>) {add = true}
      %dma_start3A_133 = arith.constant 0 : i32
      %dma_start3A_134 = tpu.memref_slice %arg7[%add3A_108, %dma_start3A_133] : memref<40x128xi32, #tpu.memory_space<vmem>> -> memref<1x128xi32, #tpu.memory_space<vmem>>
      %dma_start3A_135 = tpu.memref_squeeze %dma_start3A_134 : memref<1x128xi32, #tpu.memory_space<vmem>> -> memref<128xi32, #tpu.memory_space<vmem>>
      %dma_start3A_136 = arith.constant 0 : i32
      %dma_start3A_137 = arith.constant 0 : i32
      %dma_start3A_138 = tpu.memref_slice %arg2[%dma_start3A_136, %dma_start3A_137] : memref<10000x128xf32, #tpu.memory_space<hbm>> -> memref<10000x128xf32, #tpu.memory_space<hbm>>
      tpu.enqueue_indirect_dma source(%dma_start3A_138 : memref<10000x128xf32, #tpu.memory_space<hbm>>) target(%arg9 : memref<128x128xf32, #tpu.memory_space<vmem>>) offsets(%dma_start3A_135 : memref<128xi32, #tpu.memory_space<vmem>>) semaphore(%arg12 : memref<!tpu.dma_semaphore, #tpu.memory_space<semaphore_mem>>)
      %dma_wait3A_139 = arith.constant 0 : i32
      %dma_wait3A_140 = tpu.memref_slice %arg7[%add3A_108, %dma_wait3A_139] : memref<40x128xi32, #tpu.memory_space<vmem>> -> memref<1x128xi32, #tpu.memory_space<vmem>>
      %dma_wait3A_141 = tpu.memref_squeeze %dma_wait3A_140 : memref<1x128xi32, #tpu.memory_space<vmem>> -> memref<128xi32, #tpu.memory_space<vmem>>
      %dma_wait3A_142 = arith.constant 0 : i32
      %dma_wait3A_143 = arith.constant 0 : i32
      %dma_wait3A_144 = tpu.memref_slice %arg2[%dma_wait3A_142, %dma_wait3A_143] : memref<10000x128xf32, #tpu.memory_space<hbm>> -> memref<10000x128xf32, #tpu.memory_space<hbm>>
      tpu.wait_indirect_dma semaphore(%arg12 : memref<!tpu.dma_semaphore, #tpu.memory_space<semaphore_mem>>) src(%dma_wait3A_144 : memref<10000x128xf32, #tpu.memory_space<hbm>>) dst(%arg9 : memref<128x128xf32, #tpu.memory_space<vmem>>)
      %dma_wait3A_145 = arith.constant 0 : i32
      %dma_wait3A_146 = tpu.memref_slice %arg8[%add3A_106, %dma_wait3A_145] : memref<40x128xi32, #tpu.memory_space<vmem>> -> memref<1x128xi32, #tpu.memory_space<vmem>>
      %dma_wait3A_147 = tpu.memref_squeeze %dma_wait3A_146 : memref<1x128xi32, #tpu.memory_space<vmem>> -> memref<128xi32, #tpu.memory_space<vmem>>
      %dma_wait3A_148 = arith.constant 0 : i32
      %dma_wait3A_149 = arith.constant 0 : i32
      %dma_wait3A_150 = tpu.memref_slice %arg11[%dma_wait3A_148, %dma_wait3A_149] : memref<10112x128xf32, #tpu.memory_space<vmem_shared>> -> memref<10112x128xf32, #tpu.memory_space<vmem_shared>>
      tpu.wait_indirect_dma semaphore(%arg14 : memref<!tpu.dma_semaphore, #tpu.memory_space<semaphore_mem>>) src(%arg10 : memref<128x128xf32, #tpu.memory_space<vmem>>) dst(%dma_wait3A_150 : memref<10112x128xf32, #tpu.memory_space<vmem_shared>>)
      %dma_start3A_151 = arith.constant 0 : i32
      %dma_start3A_152 = tpu.memref_slice %arg8[%add3A_108, %dma_start3A_151] : memref<40x128xi32, #tpu.memory_space<vmem>> -> memref<1x128xi32, #tpu.memory_space<vmem>>
      %dma_start3A_153 = tpu.memref_squeeze %dma_start3A_152 : memref<1x128xi32, #tpu.memory_space<vmem>> -> memref<128xi32, #tpu.memory_space<vmem>>
      %dma_start3A_154 = arith.constant 0 : i32
      %dma_start3A_155 = arith.constant 0 : i32
      %dma_start3A_156 = tpu.memref_slice %arg11[%dma_start3A_154, %dma_start3A_155] : memref<10112x128xf32, #tpu.memory_space<vmem_shared>> -> memref<10112x128xf32, #tpu.memory_space<vmem_shared>>
      tpu.enqueue_indirect_dma source(%arg9 : memref<128x128xf32, #tpu.memory_space<vmem>>) target(%dma_start3A_156 : memref<10112x128xf32, #tpu.memory_space<vmem_shared>>) offsets(%dma_start3A_153 : memref<128xi32, #tpu.memory_space<vmem>>) semaphore(%arg13 : memref<!tpu.dma_semaphore, #tpu.memory_space<semaphore_mem>>) {add = true}
    }
    %scan3A_74 = arith.constant 19 : i32
    %dma_start3A_75 = arith.constant 39 : i32
    %dma_start3A_76 = arith.constant 0 : i32
    %dma_start3A_77 = tpu.memref_slice %arg7[%dma_start3A_75, %dma_start3A_76] : memref<40x128xi32, #tpu.memory_space<vmem>> -> memref<1x128xi32, #tpu.memory_space<vmem>>
    %dma_start3A_78 = tpu.memref_squeeze %dma_start3A_77 : memref<1x128xi32, #tpu.memory_space<vmem>> -> memref<128xi32, #tpu.memory_space<vmem>>
    %dma_start3A_79 = arith.constant 0 : i32
    %dma_start3A_80 = arith.constant 0 : i32
    %dma_start3A_81 = tpu.memref_slice %arg2[%dma_start3A_79, %dma_start3A_80] : memref<10000x128xf32, #tpu.memory_space<hbm>> -> memref<10000x128xf32, #tpu.memory_space<hbm>>
    tpu.enqueue_indirect_dma source(%dma_start3A_81 : memref<10000x128xf32, #tpu.memory_space<hbm>>) target(%arg10 : memref<128x128xf32, #tpu.memory_space<vmem>>) offsets(%dma_start3A_78 : memref<128xi32, #tpu.memory_space<vmem>>) semaphore(%arg12 : memref<!tpu.dma_semaphore, #tpu.memory_space<semaphore_mem>>)
    %dma_wait3A_82 = arith.constant 39 : i32
    %dma_wait3A_83 = arith.constant 0 : i32
    %dma_wait3A_84 = tpu.memref_slice %arg7[%dma_wait3A_82, %dma_wait3A_83] : memref<40x128xi32, #tpu.memory_space<vmem>> -> memref<1x128xi32, #tpu.memory_space<vmem>>
    %dma_wait3A_85 = tpu.memref_squeeze %dma_wait3A_84 : memref<1x128xi32, #tpu.memory_space<vmem>> -> memref<128xi32, #tpu.memory_space<vmem>>
    %dma_wait3A_86 = arith.constant 0 : i32
    %dma_wait3A_87 = arith.constant 0 : i32
    %dma_wait3A_88 = tpu.memref_slice %arg2[%dma_wait3A_86, %dma_wait3A_87] : memref<10000x128xf32, #tpu.memory_space<hbm>> -> memref<10000x128xf32, #tpu.memory_space<hbm>>
    tpu.wait_indirect_dma semaphore(%arg12 : memref<!tpu.dma_semaphore, #tpu.memory_space<semaphore_mem>>) src(%dma_wait3A_88 : memref<10000x128xf32, #tpu.memory_space<hbm>>) dst(%arg10 : memref<128x128xf32, #tpu.memory_space<vmem>>)
    %dma_wait3A_89 = arith.constant 38 : i32
    %dma_wait3A_90 = arith.constant 0 : i32
    %dma_wait3A_91 = tpu.memref_slice %arg8[%dma_wait3A_89, %dma_wait3A_90] : memref<40x128xi32, #tpu.memory_space<vmem>> -> memref<1x128xi32, #tpu.memory_space<vmem>>
    %dma_wait3A_92 = tpu.memref_squeeze %dma_wait3A_91 : memref<1x128xi32, #tpu.memory_space<vmem>> -> memref<128xi32, #tpu.memory_space<vmem>>
    %dma_wait3A_93 = arith.constant 0 : i32
    %dma_wait3A_94 = arith.constant 0 : i32
    %dma_wait3A_95 = tpu.memref_slice %arg11[%dma_wait3A_93, %dma_wait3A_94] : memref<10112x128xf32, #tpu.memory_space<vmem_shared>> -> memref<10112x128xf32, #tpu.memory_space<vmem_shared>>
    tpu.wait_indirect_dma semaphore(%arg13 : memref<!tpu.dma_semaphore, #tpu.memory_space<semaphore_mem>>) src(%arg9 : memref<128x128xf32, #tpu.memory_space<vmem>>) dst(%dma_wait3A_95 : memref<10112x128xf32, #tpu.memory_space<vmem_shared>>)
    %run_scoped3A_96 = arith.constant 39 : i32
    "tpu.region"() ({
      %run_scoped3A_102 = tpu.sem_alloc : memref<!tpu.dma_semaphore, #tpu.memory_space<semaphore_mem>>
      %dma_start3A_103 = arith.constant 0 : i32
      %dma_start3A_104 = tpu.memref_slice %arg8[%run_scoped3A_96, %dma_start3A_103] : memref<40x128xi32, #tpu.memory_space<vmem>> -> memref<1x128xi32, #tpu.memory_space<vmem>>
      %dma_start3A_105 = tpu.memref_squeeze %dma_start3A_104 : memref<1x128xi32, #tpu.memory_space<vmem>> -> memref<128xi32, #tpu.memory_space<vmem>>
      %dma_start3A_106 = arith.constant 0 : i32
      %dma_start3A_107 = arith.constant 0 : i32
      %dma_start3A_108 = tpu.memref_slice %arg11[%dma_start3A_106, %dma_start3A_107] : memref<10112x128xf32, #tpu.memory_space<vmem_shared>> -> memref<10112x128xf32, #tpu.memory_space<vmem_shared>>
      tpu.enqueue_indirect_dma source(%arg10 : memref<128x128xf32, #tpu.memory_space<vmem>>) target(%dma_start3A_108 : memref<10112x128xf32, #tpu.memory_space<vmem_shared>>) offsets(%dma_start3A_105 : memref<128xi32, #tpu.memory_space<vmem>>) semaphore(%run_scoped3A_102 : memref<!tpu.dma_semaphore, #tpu.memory_space<semaphore_mem>>) {add = true}
      %dma_wait3A_109 = arith.constant 0 : i32
      %dma_wait3A_110 = tpu.memref_slice %arg8[%run_scoped3A_96, %dma_wait3A_109] : memref<40x128xi32, #tpu.memory_space<vmem>> -> memref<1x128xi32, #tpu.memory_space<vmem>>
      %dma_wait3A_111 = tpu.memref_squeeze %dma_wait3A_110 : memref<1x128xi32, #tpu.memory_space<vmem>> -> memref<128xi32, #tpu.memory_space<vmem>>
      %dma_wait3A_112 = arith.constant 0 : i32
      %dma_wait3A_113 = arith.constant 0 : i32
      %dma_wait3A_114 = tpu.memref_slice %arg11[%dma_wait3A_112, %dma_wait3A_113] : memref<10112x128xf32, #tpu.memory_space<vmem_shared>> -> memref<10112x128xf32, #tpu.memory_space<vmem_shared>>
      tpu.wait_indirect_dma semaphore(%run_scoped3A_102 : memref<!tpu.dma_semaphore, #tpu.memory_space<semaphore_mem>>) src(%arg10 : memref<128x128xf32, #tpu.memory_space<vmem>>) dst(%dma_wait3A_114 : memref<10112x128xf32, #tpu.memory_space<vmem_shared>>)
      tpu.yield
    }) : () -> ()
    %barrier3A_97 = arith.constant 0 : index
    tpu.barrier barrier_id(%barrier3A_97)
    %mul3A_98 = arith.constant 632 : i32
    %mul3A_99 = arith.muli %arg1, %mul3A_98 : i32
    %mul3A_100 = arith.constant 632 : i32
    %mul3A_101 = arith.muli %arg1, %mul3A_100 : i32
    "tpu.region"() ({
      %run_scoped3A_102 = tpu.sem_alloc : memref<!tpu.dma_semaphore, #tpu.memory_space<semaphore_mem>>
      %dma_start3A_103 = arith.constant 0 : i32
      %dma_start3A_104 = tpu.memref_slice %arg6[%arg0, %mul3A_101, %dma_start3A_103] : memref<2x10112x128xf32, #tpu.memory_space<hbm>> -> memref<1x632x128xf32, #tpu.memory_space<hbm>>
      %dma_start3A_105 = tpu.memref_squeeze %dma_start3A_104 : memref<1x632x128xf32, #tpu.memory_space<hbm>> -> memref<632x128xf32, #tpu.memory_space<hbm>>
      %dma_start3A_106 = arith.constant 0 : i32
      %dma_start3A_107 = tpu.memref_slice %arg11[%mul3A_99, %dma_start3A_106] : memref<10112x128xf32, #tpu.memory_space<vmem_shared>> -> memref<632x128xf32, #tpu.memory_space<vmem_shared>>
      tpu.enqueue_dma source(%dma_start3A_107 : memref<632x128xf32, #tpu.memory_space<vmem_shared>>) target(%dma_start3A_105 : memref<632x128xf32, #tpu.memory_space<hbm>>) target_semaphore(%run_scoped3A_102 : memref<!tpu.dma_semaphore, #tpu.memory_space<semaphore_mem>>)
      %dma_wait3A_108 = arith.constant 0 : i32
      %dma_wait3A_109 = tpu.memref_slice %arg6[%arg0, %mul3A_101, %dma_wait3A_108] : memref<2x10112x128xf32, #tpu.memory_space<hbm>> -> memref<1x632x128xf32, #tpu.memory_space<hbm>>
      %dma_wait3A_110 = tpu.memref_squeeze %dma_wait3A_109 : memref<1x632x128xf32, #tpu.memory_space<hbm>> -> memref<632x128xf32, #tpu.memory_space<hbm>>
      %dma_wait3A_111 = arith.constant 0 : i32
      %dma_wait3A_112 = tpu.memref_slice %arg11[%mul3A_99, %dma_wait3A_111] : memref<10112x128xf32, #tpu.memory_space<vmem_shared>> -> memref<632x128xf32, #tpu.memory_space<vmem_shared>>
      tpu.wait_dma2 semaphore(%run_scoped3A_102 : memref<!tpu.dma_semaphore, #tpu.memory_space<semaphore_mem>>) src(%dma_wait3A_112 : memref<632x128xf32, #tpu.memory_space<vmem_shared>>) dst(%dma_wait3A_110 : memref<632x128xf32, #tpu.memory_space<hbm>>)
      tpu.yield
    }) : () -> ()
    return
  }
}

#map = affine_map<(d0, d1) -> (0, 0)>
#map1 = affine_map<(d0, d1) -> (0, 0, 0)>
module attributes {stable_mosaic.version = 14 : i64} {
  func.func @_agg_sc(%arg0: i32, %arg1: i32, %arg2: memref<10000x128xf32, #tpu.memory_space<hbm>>, %arg3: memref<32x80x128xi32, #tpu.memory_space<hbm>>, %arg4: memref<32x80x128xi32, #tpu.memory_space<hbm>>, %arg5: memref<632x128xf32, #tpu.memory_space<hbm>>, %arg6: memref<2x10112x128xf32, #tpu.memory_space<hbm>>, %arg7: memref<40x128xi32, #tpu.memory_space<vmem>>, %arg8: memref<40x128xi32, #tpu.memory_space<vmem>>, %arg9: memref<128x128xf32, #tpu.memory_space<vmem>>, %arg10: memref<128x128xf32, #tpu.memory_space<vmem>>, %arg11: memref<10112x128xf32, #tpu.memory_space<vmem_shared>>, %arg12: memref<!tpu.dma_semaphore, #tpu.memory_space<semaphore_mem>>, %arg13: memref<!tpu.dma_semaphore, #tpu.memory_space<semaphore_mem>>, %arg14: memref<!tpu.dma_semaphore, #tpu.memory_space<semaphore_mem>>) attributes {dimension_semantics = [#tpu.dimension_semantics<core_parallel>, #tpu.dimension_semantics<subcore_parallel>], iteration_bounds = array<i64: 2, 16>, scalar_prefetch = 0 : i64, scratch_operands = 8 : i64, tpu.core_type = #tpu.core_type<sc_vector_subcore>, window_params = [{transform_indices = #map}, {transform_indices = #map1}, {transform_indices = #map1}, {transform_indices = #map}, {transform_indices = #map1}]} {
    %mul3A = arith.constant 16 : i32
    %mul3A_0 = arith.muli %arg0, %mul3A : i32
    %add3A = arith.addi %mul3A_0, %arg1 : i32
    %mul3A_1 = arith.constant 632 : i32
    %mul3A_2 = arith.muli %arg1, %mul3A_1 : i32
    "tpu.region"() ({
      %run_scoped3A_102 = tpu.sem_alloc : memref<!tpu.dma_semaphore, #tpu.memory_space<semaphore_mem>>
      %dma_start3A_103 = arith.constant 0 : i32
      %dma_start3A_104 = tpu.memref_slice %arg11[%mul3A_2, %dma_start3A_103] : memref<10112x128xf32, #tpu.memory_space<vmem_shared>> -> memref<632x128xf32, #tpu.memory_space<vmem_shared>>
      tpu.enqueue_dma source(%arg5 : memref<632x128xf32, #tpu.memory_space<hbm>>) target(%dma_start3A_104 : memref<632x128xf32, #tpu.memory_space<vmem_shared>>) target_semaphore(%run_scoped3A_102 : memref<!tpu.dma_semaphore, #tpu.memory_space<semaphore_mem>>)
      %dma_wait3A_105 = arith.constant 0 : i32
      %dma_wait3A_106 = tpu.memref_slice %arg11[%mul3A_2, %dma_wait3A_105] : memref<10112x128xf32, #tpu.memory_space<vmem_shared>> -> memref<632x128xf32, #tpu.memory_space<vmem_shared>>
      tpu.wait_dma2 semaphore(%run_scoped3A_102 : memref<!tpu.dma_semaphore, #tpu.memory_space<semaphore_mem>>) src(%arg5 : memref<632x128xf32, #tpu.memory_space<hbm>>) dst(%dma_wait3A_106 : memref<632x128xf32, #tpu.memory_space<vmem_shared>>)
      tpu.yield
    }) : () -> ()
    %barrier3A = arith.constant 0 : index
    tpu.barrier barrier_id(%barrier3A)
    "tpu.region"() ({
      %run_scoped3A_102 = tpu.sem_alloc : memref<!tpu.dma_semaphore, #tpu.memory_space<semaphore_mem>>
      %dma_start3A_103 = arith.constant 0 : i32
      %dma_start3A_104 = arith.constant 0 : i32
      %dma_start3A_105 = tpu.memref_slice %arg3[%add3A, %dma_start3A_103, %dma_start3A_104] : memref<32x80x128xi32, #tpu.memory_space<hbm>> -> memref<1x40x128xi32, #tpu.memory_space<hbm>>
      %dma_start3A_106 = tpu.memref_squeeze %dma_start3A_105 : memref<1x40x128xi32, #tpu.memory_space<hbm>> -> memref<40x128xi32, #tpu.memory_space<hbm>>
      %dma_start3A_107 = arith.constant 0 : i32
      %dma_start3A_108 = arith.constant 0 : i32
      %dma_start3A_109 = tpu.memref_slice %arg3[%add3A, %dma_start3A_107, %dma_start3A_108] : memref<32x80x128xi32, #tpu.memory_space<hbm>> -> memref<1x40x128xi32, #tpu.memory_space<hbm>>
      %dma_start3A_110 = tpu.memref_squeeze %dma_start3A_109 : memref<1x40x128xi32, #tpu.memory_space<hbm>> -> memref<40x128xi32, #tpu.memory_space<hbm>>
      tpu.enqueue_dma source(%dma_start3A_110 : memref<40x128xi32, #tpu.memory_space<hbm>>) target(%arg7 : memref<40x128xi32, #tpu.memory_space<vmem>>) target_semaphore(%run_scoped3A_102 : memref<!tpu.dma_semaphore, #tpu.memory_space<semaphore_mem>>)
      %dma_wait3A_111 = arith.constant 0 : i32
      %dma_wait3A_112 = arith.constant 0 : i32
      %dma_wait3A_113 = tpu.memref_slice %arg3[%add3A, %dma_wait3A_111, %dma_wait3A_112] : memref<32x80x128xi32, #tpu.memory_space<hbm>> -> memref<1x40x128xi32, #tpu.memory_space<hbm>>
      %dma_wait3A_114 = tpu.memref_squeeze %dma_wait3A_113 : memref<1x40x128xi32, #tpu.memory_space<hbm>> -> memref<40x128xi32, #tpu.memory_space<hbm>>
      %dma_wait3A_115 = arith.constant 0 : i32
      %dma_wait3A_116 = arith.constant 0 : i32
      %dma_wait3A_117 = tpu.memref_slice %arg3[%add3A, %dma_wait3A_115, %dma_wait3A_116] : memref<32x80x128xi32, #tpu.memory_space<hbm>> -> memref<1x40x128xi32, #tpu.memory_space<hbm>>
      %dma_wait3A_118 = tpu.memref_squeeze %dma_wait3A_117 : memref<1x40x128xi32, #tpu.memory_space<hbm>> -> memref<40x128xi32, #tpu.memory_space<hbm>>
      tpu.wait_dma2 semaphore(%run_scoped3A_102 : memref<!tpu.dma_semaphore, #tpu.memory_space<semaphore_mem>>) src(%dma_wait3A_118 : memref<40x128xi32, #tpu.memory_space<hbm>>) dst(%arg7 : memref<40x128xi32, #tpu.memory_space<vmem>>)
      tpu.yield
    }) : () -> ()
    "tpu.region"() ({
      %run_scoped3A_102 = tpu.sem_alloc : memref<!tpu.dma_semaphore, #tpu.memory_space<semaphore_mem>>
      %dma_start3A_103 = arith.constant 0 : i32
      %dma_start3A_104 = arith.constant 0 : i32
      %dma_start3A_105 = tpu.memref_slice %arg4[%add3A, %dma_start3A_103, %dma_start3A_104] : memref<32x80x128xi32, #tpu.memory_space<hbm>> -> memref<1x40x128xi32, #tpu.memory_space<hbm>>
      %dma_start3A_106 = tpu.memref_squeeze %dma_start3A_105 : memref<1x40x128xi32, #tpu.memory_space<hbm>> -> memref<40x128xi32, #tpu.memory_space<hbm>>
      %dma_start3A_107 = arith.constant 0 : i32
      %dma_start3A_108 = arith.constant 0 : i32
      %dma_start3A_109 = tpu.memref_slice %arg4[%add3A, %dma_start3A_107, %dma_start3A_108] : memref<32x80x128xi32, #tpu.memory_space<hbm>> -> memref<1x40x128xi32, #tpu.memory_space<hbm>>
      %dma_start3A_110 = tpu.memref_squeeze %dma_start3A_109 : memref<1x40x128xi32, #tpu.memory_space<hbm>> -> memref<40x128xi32, #tpu.memory_space<hbm>>
      tpu.enqueue_dma source(%dma_start3A_110 : memref<40x128xi32, #tpu.memory_space<hbm>>) target(%arg8 : memref<40x128xi32, #tpu.memory_space<vmem>>) target_semaphore(%run_scoped3A_102 : memref<!tpu.dma_semaphore, #tpu.memory_space<semaphore_mem>>)
      %dma_wait3A_111 = arith.constant 0 : i32
      %dma_wait3A_112 = arith.constant 0 : i32
      %dma_wait3A_113 = tpu.memref_slice %arg4[%add3A, %dma_wait3A_111, %dma_wait3A_112] : memref<32x80x128xi32, #tpu.memory_space<hbm>> -> memref<1x40x128xi32, #tpu.memory_space<hbm>>
      %dma_wait3A_114 = tpu.memref_squeeze %dma_wait3A_113 : memref<1x40x128xi32, #tpu.memory_space<hbm>> -> memref<40x128xi32, #tpu.memory_space<hbm>>
      %dma_wait3A_115 = arith.constant 0 : i32
      %dma_wait3A_116 = arith.constant 0 : i32
      %dma_wait3A_117 = tpu.memref_slice %arg4[%add3A, %dma_wait3A_115, %dma_wait3A_116] : memref<32x80x128xi32, #tpu.memory_space<hbm>> -> memref<1x40x128xi32, #tpu.memory_space<hbm>>
      %dma_wait3A_118 = tpu.memref_squeeze %dma_wait3A_117 : memref<1x40x128xi32, #tpu.memory_space<hbm>> -> memref<40x128xi32, #tpu.memory_space<hbm>>
      tpu.wait_dma2 semaphore(%run_scoped3A_102 : memref<!tpu.dma_semaphore, #tpu.memory_space<semaphore_mem>>) src(%dma_wait3A_118 : memref<40x128xi32, #tpu.memory_space<hbm>>) dst(%arg8 : memref<40x128xi32, #tpu.memory_space<vmem>>)
      tpu.yield
    }) : () -> ()
    %dma_start3A = arith.constant 0 : i32
    %dma_start3A_3 = arith.constant 0 : i32
    %dma_start3A_4 = tpu.memref_slice %arg7[%dma_start3A, %dma_start3A_3] : memref<40x128xi32, #tpu.memory_space<vmem>> -> memref<1x128xi32, #tpu.memory_space<vmem>>
    %dma_start3A_5 = tpu.memref_squeeze %dma_start3A_4 : memref<1x128xi32, #tpu.memory_space<vmem>> -> memref<128xi32, #tpu.memory_space<vmem>>
    %dma_start3A_6 = arith.constant 0 : i32
    %dma_start3A_7 = arith.constant 0 : i32
    %dma_start3A_8 = tpu.memref_slice %arg2[%dma_start3A_6, %dma_start3A_7] : memref<10000x128xf32, #tpu.memory_space<hbm>> -> memref<10000x128xf32, #tpu.memory_space<hbm>>
    tpu.enqueue_indirect_dma source(%dma_start3A_8 : memref<10000x128xf32, #tpu.memory_space<hbm>>) target(%arg9 : memref<128x128xf32, #tpu.memory_space<vmem>>) offsets(%dma_start3A_5 : memref<128xi32, #tpu.memory_space<vmem>>) semaphore(%arg12 : memref<!tpu.dma_semaphore, #tpu.memory_space<semaphore_mem>>)
    %dma_wait3A = arith.constant 0 : i32
    %dma_wait3A_9 = arith.constant 0 : i32
    %dma_wait3A_10 = tpu.memref_slice %arg7[%dma_wait3A, %dma_wait3A_9] : memref<40x128xi32, #tpu.memory_space<vmem>> -> memref<1x128xi32, #tpu.memory_space<vmem>>
    %dma_wait3A_11 = tpu.memref_squeeze %dma_wait3A_10 : memref<1x128xi32, #tpu.memory_space<vmem>> -> memref<128xi32, #tpu.memory_space<vmem>>
    %dma_wait3A_12 = arith.constant 0 : i32
    %dma_wait3A_13 = arith.constant 0 : i32
    %dma_wait3A_14 = tpu.memref_slice %arg2[%dma_wait3A_12, %dma_wait3A_13] : memref<10000x128xf32, #tpu.memory_space<hbm>> -> memref<10000x128xf32, #tpu.memory_space<hbm>>
    tpu.wait_indirect_dma semaphore(%arg12 : memref<!tpu.dma_semaphore, #tpu.memory_space<semaphore_mem>>) src(%dma_wait3A_14 : memref<10000x128xf32, #tpu.memory_space<hbm>>) dst(%arg9 : memref<128x128xf32, #tpu.memory_space<vmem>>)
    %dma_start3A_15 = arith.constant 0 : i32
    %dma_start3A_16 = arith.constant 0 : i32
    %dma_start3A_17 = tpu.memref_slice %arg8[%dma_start3A_15, %dma_start3A_16] : memref<40x128xi32, #tpu.memory_space<vmem>> -> memref<1x128xi32, #tpu.memory_space<vmem>>
    %dma_start3A_18 = tpu.memref_squeeze %dma_start3A_17 : memref<1x128xi32, #tpu.memory_space<vmem>> -> memref<128xi32, #tpu.memory_space<vmem>>
    %dma_start3A_19 = arith.constant 0 : i32
    %dma_start3A_20 = arith.constant 0 : i32
    %dma_start3A_21 = tpu.memref_slice %arg11[%dma_start3A_19, %dma_start3A_20] : memref<10112x128xf32, #tpu.memory_space<vmem_shared>> -> memref<10112x128xf32, #tpu.memory_space<vmem_shared>>
    tpu.enqueue_indirect_dma source(%arg9 : memref<128x128xf32, #tpu.memory_space<vmem>>) target(%dma_start3A_21 : memref<10112x128xf32, #tpu.memory_space<vmem_shared>>) offsets(%dma_start3A_18 : memref<128xi32, #tpu.memory_space<vmem>>) semaphore(%arg13 : memref<!tpu.dma_semaphore, #tpu.memory_space<semaphore_mem>>) {add = true}
    %scan3A = arith.constant 0 : i32
    %scan3A_22 = arith.constant 0 : i32
    %scan3A_23 = arith.constant 19 : i32
    %scan3A_24 = arith.addi %scan3A_22, %scan3A_23 : i32
    %scan3A_25 = arith.constant 1 : i32
    scf.for %scan3A_102 = %scan3A_22 to %scan3A_24 step %scan3A_25  : i32 {
      %mul3A_103 = arith.constant 2 : i32
      %mul3A_104 = arith.muli %mul3A_103, %scan3A_102 : i32
      %add3A_105 = arith.constant 1 : i32
      %add3A_106 = arith.addi %mul3A_104, %add3A_105 : i32
      %add3A_107 = arith.constant 2 : i32
      %add3A_108 = arith.addi %mul3A_104, %add3A_107 : i32
      %dma_start3A_109 = arith.constant 0 : i32
      %dma_start3A_110 = tpu.memref_slice %arg7[%add3A_106, %dma_start3A_109] : memref<40x128xi32, #tpu.memory_space<vmem>> -> memref<1x128xi32, #tpu.memory_space<vmem>>
      %dma_start3A_111 = tpu.memref_squeeze %dma_start3A_110 : memref<1x128xi32, #tpu.memory_space<vmem>> -> memref<128xi32, #tpu.memory_space<vmem>>
      %dma_start3A_112 = arith.constant 0 : i32
      %dma_start3A_113 = arith.constant 0 : i32
      %dma_start3A_114 = tpu.memref_slice %arg2[%dma_start3A_112, %dma_start3A_113] : memref<10000x128xf32, #tpu.memory_space<hbm>> -> memref<10000x128xf32, #tpu.memory_space<hbm>>
      tpu.enqueue_indirect_dma source(%dma_start3A_114 : memref<10000x128xf32, #tpu.memory_space<hbm>>) target(%arg10 : memref<128x128xf32, #tpu.memory_space<vmem>>) offsets(%dma_start3A_111 : memref<128xi32, #tpu.memory_space<vmem>>) semaphore(%arg12 : memref<!tpu.dma_semaphore, #tpu.memory_space<semaphore_mem>>)
      %dma_wait3A_115 = arith.constant 0 : i32
      %dma_wait3A_116 = tpu.memref_slice %arg7[%add3A_106, %dma_wait3A_115] : memref<40x128xi32, #tpu.memory_space<vmem>> -> memref<1x128xi32, #tpu.memory_space<vmem>>
      %dma_wait3A_117 = tpu.memref_squeeze %dma_wait3A_116 : memref<1x128xi32, #tpu.memory_space<vmem>> -> memref<128xi32, #tpu.memory_space<vmem>>
      %dma_wait3A_118 = arith.constant 0 : i32
      %dma_wait3A_119 = arith.constant 0 : i32
      %dma_wait3A_120 = tpu.memref_slice %arg2[%dma_wait3A_118, %dma_wait3A_119] : memref<10000x128xf32, #tpu.memory_space<hbm>> -> memref<10000x128xf32, #tpu.memory_space<hbm>>
      tpu.wait_indirect_dma semaphore(%arg12 : memref<!tpu.dma_semaphore, #tpu.memory_space<semaphore_mem>>) src(%dma_wait3A_120 : memref<10000x128xf32, #tpu.memory_space<hbm>>) dst(%arg10 : memref<128x128xf32, #tpu.memory_space<vmem>>)
      %dma_wait3A_121 = arith.constant 0 : i32
      %dma_wait3A_122 = tpu.memref_slice %arg8[%mul3A_104, %dma_wait3A_121] : memref<40x128xi32, #tpu.memory_space<vmem>> -> memref<1x128xi32, #tpu.memory_space<vmem>>
      %dma_wait3A_123 = tpu.memref_squeeze %dma_wait3A_122 : memref<1x128xi32, #tpu.memory_space<vmem>> -> memref<128xi32, #tpu.memory_space<vmem>>
      %dma_wait3A_124 = arith.constant 0 : i32
      %dma_wait3A_125 = arith.constant 0 : i32
      %dma_wait3A_126 = tpu.memref_slice %arg11[%dma_wait3A_124, %dma_wait3A_125] : memref<10112x128xf32, #tpu.memory_space<vmem_shared>> -> memref<10112x128xf32, #tpu.memory_space<vmem_shared>>
      tpu.wait_indirect_dma semaphore(%arg13 : memref<!tpu.dma_semaphore, #tpu.memory_space<semaphore_mem>>) src(%arg9 : memref<128x128xf32, #tpu.memory_space<vmem>>) dst(%dma_wait3A_126 : memref<10112x128xf32, #tpu.memory_space<vmem_shared>>)
      %dma_start3A_127 = arith.constant 0 : i32
      %dma_start3A_128 = tpu.memref_slice %arg8[%add3A_106, %dma_start3A_127] : memref<40x128xi32, #tpu.memory_space<vmem>> -> memref<1x128xi32, #tpu.memory_space<vmem>>
      %dma_start3A_129 = tpu.memref_squeeze %dma_start3A_128 : memref<1x128xi32, #tpu.memory_space<vmem>> -> memref<128xi32, #tpu.memory_space<vmem>>
      %dma_start3A_130 = arith.constant 0 : i32
      %dma_start3A_131 = arith.constant 0 : i32
      %dma_start3A_132 = tpu.memref_slice %arg11[%dma_start3A_130, %dma_start3A_131] : memref<10112x128xf32, #tpu.memory_space<vmem_shared>> -> memref<10112x128xf32, #tpu.memory_space<vmem_shared>>
      tpu.enqueue_indirect_dma source(%arg10 : memref<128x128xf32, #tpu.memory_space<vmem>>) target(%dma_start3A_132 : memref<10112x128xf32, #tpu.memory_space<vmem_shared>>) offsets(%dma_start3A_129 : memref<128xi32, #tpu.memory_space<vmem>>) semaphore(%arg14 : memref<!tpu.dma_semaphore, #tpu.memory_space<semaphore_mem>>) {add = true}
      %dma_start3A_133 = arith.constant 0 : i32
      %dma_start3A_134 = tpu.memref_slice %arg7[%add3A_108, %dma_start3A_133] : memref<40x128xi32, #tpu.memory_space<vmem>> -> memref<1x128xi32, #tpu.memory_space<vmem>>
      %dma_start3A_135 = tpu.memref_squeeze %dma_start3A_134 : memref<1x128xi32, #tpu.memory_space<vmem>> -> memref<128xi32, #tpu.memory_space<vmem>>
      %dma_start3A_136 = arith.constant 0 : i32
      %dma_start3A_137 = arith.constant 0 : i32
      %dma_start3A_138 = tpu.memref_slice %arg2[%dma_start3A_136, %dma_start3A_137] : memref<10000x128xf32, #tpu.memory_space<hbm>> -> memref<10000x128xf32, #tpu.memory_space<hbm>>
      tpu.enqueue_indirect_dma source(%dma_start3A_138 : memref<10000x128xf32, #tpu.memory_space<hbm>>) target(%arg9 : memref<128x128xf32, #tpu.memory_space<vmem>>) offsets(%dma_start3A_135 : memref<128xi32, #tpu.memory_space<vmem>>) semaphore(%arg12 : memref<!tpu.dma_semaphore, #tpu.memory_space<semaphore_mem>>)
      %dma_wait3A_139 = arith.constant 0 : i32
      %dma_wait3A_140 = tpu.memref_slice %arg7[%add3A_108, %dma_wait3A_139] : memref<40x128xi32, #tpu.memory_space<vmem>> -> memref<1x128xi32, #tpu.memory_space<vmem>>
      %dma_wait3A_141 = tpu.memref_squeeze %dma_wait3A_140 : memref<1x128xi32, #tpu.memory_space<vmem>> -> memref<128xi32, #tpu.memory_space<vmem>>
      %dma_wait3A_142 = arith.constant 0 : i32
      %dma_wait3A_143 = arith.constant 0 : i32
      %dma_wait3A_144 = tpu.memref_slice %arg2[%dma_wait3A_142, %dma_wait3A_143] : memref<10000x128xf32, #tpu.memory_space<hbm>> -> memref<10000x128xf32, #tpu.memory_space<hbm>>
      tpu.wait_indirect_dma semaphore(%arg12 : memref<!tpu.dma_semaphore, #tpu.memory_space<semaphore_mem>>) src(%dma_wait3A_144 : memref<10000x128xf32, #tpu.memory_space<hbm>>) dst(%arg9 : memref<128x128xf32, #tpu.memory_space<vmem>>)
      %dma_wait3A_145 = arith.constant 0 : i32
      %dma_wait3A_146 = tpu.memref_slice %arg8[%add3A_106, %dma_wait3A_145] : memref<40x128xi32, #tpu.memory_space<vmem>> -> memref<1x128xi32, #tpu.memory_space<vmem>>
      %dma_wait3A_147 = tpu.memref_squeeze %dma_wait3A_146 : memref<1x128xi32, #tpu.memory_space<vmem>> -> memref<128xi32, #tpu.memory_space<vmem>>
      %dma_wait3A_148 = arith.constant 0 : i32
      %dma_wait3A_149 = arith.constant 0 : i32
      %dma_wait3A_150 = tpu.memref_slice %arg11[%dma_wait3A_148, %dma_wait3A_149] : memref<10112x128xf32, #tpu.memory_space<vmem_shared>> -> memref<10112x128xf32, #tpu.memory_space<vmem_shared>>
      tpu.wait_indirect_dma semaphore(%arg14 : memref<!tpu.dma_semaphore, #tpu.memory_space<semaphore_mem>>) src(%arg10 : memref<128x128xf32, #tpu.memory_space<vmem>>) dst(%dma_wait3A_150 : memref<10112x128xf32, #tpu.memory_space<vmem_shared>>)
      %dma_start3A_151 = arith.constant 0 : i32
      %dma_start3A_152 = tpu.memref_slice %arg8[%add3A_108, %dma_start3A_151] : memref<40x128xi32, #tpu.memory_space<vmem>> -> memref<1x128xi32, #tpu.memory_space<vmem>>
      %dma_start3A_153 = tpu.memref_squeeze %dma_start3A_152 : memref<1x128xi32, #tpu.memory_space<vmem>> -> memref<128xi32, #tpu.memory_space<vmem>>
      %dma_start3A_154 = arith.constant 0 : i32
      %dma_start3A_155 = arith.constant 0 : i32
      %dma_start3A_156 = tpu.memref_slice %arg11[%dma_start3A_154, %dma_start3A_155] : memref<10112x128xf32, #tpu.memory_space<vmem_shared>> -> memref<10112x128xf32, #tpu.memory_space<vmem_shared>>
      tpu.enqueue_indirect_dma source(%arg9 : memref<128x128xf32, #tpu.memory_space<vmem>>) target(%dma_start3A_156 : memref<10112x128xf32, #tpu.memory_space<vmem_shared>>) offsets(%dma_start3A_153 : memref<128xi32, #tpu.memory_space<vmem>>) semaphore(%arg13 : memref<!tpu.dma_semaphore, #tpu.memory_space<semaphore_mem>>) {add = true}
    }
    %scan3A_26 = arith.constant 19 : i32
    %dma_start3A_27 = arith.constant 39 : i32
    %dma_start3A_28 = arith.constant 0 : i32
    %dma_start3A_29 = tpu.memref_slice %arg7[%dma_start3A_27, %dma_start3A_28] : memref<40x128xi32, #tpu.memory_space<vmem>> -> memref<1x128xi32, #tpu.memory_space<vmem>>
    %dma_start3A_30 = tpu.memref_squeeze %dma_start3A_29 : memref<1x128xi32, #tpu.memory_space<vmem>> -> memref<128xi32, #tpu.memory_space<vmem>>
    %dma_start3A_31 = arith.constant 0 : i32
    %dma_start3A_32 = arith.constant 0 : i32
    %dma_start3A_33 = tpu.memref_slice %arg2[%dma_start3A_31, %dma_start3A_32] : memref<10000x128xf32, #tpu.memory_space<hbm>> -> memref<10000x128xf32, #tpu.memory_space<hbm>>
    tpu.enqueue_indirect_dma source(%dma_start3A_33 : memref<10000x128xf32, #tpu.memory_space<hbm>>) target(%arg10 : memref<128x128xf32, #tpu.memory_space<vmem>>) offsets(%dma_start3A_30 : memref<128xi32, #tpu.memory_space<vmem>>) semaphore(%arg12 : memref<!tpu.dma_semaphore, #tpu.memory_space<semaphore_mem>>)
    %dma_wait3A_34 = arith.constant 39 : i32
    %dma_wait3A_35 = arith.constant 0 : i32
    %dma_wait3A_36 = tpu.memref_slice %arg7[%dma_wait3A_34, %dma_wait3A_35] : memref<40x128xi32, #tpu.memory_space<vmem>> -> memref<1x128xi32, #tpu.memory_space<vmem>>
    %dma_wait3A_37 = tpu.memref_squeeze %dma_wait3A_36 : memref<1x128xi32, #tpu.memory_space<vmem>> -> memref<128xi32, #tpu.memory_space<vmem>>
    %dma_wait3A_38 = arith.constant 0 : i32
    %dma_wait3A_39 = arith.constant 0 : i32
    %dma_wait3A_40 = tpu.memref_slice %arg2[%dma_wait3A_38, %dma_wait3A_39] : memref<10000x128xf32, #tpu.memory_space<hbm>> -> memref<10000x128xf32, #tpu.memory_space<hbm>>
    tpu.wait_indirect_dma semaphore(%arg12 : memref<!tpu.dma_semaphore, #tpu.memory_space<semaphore_mem>>) src(%dma_wait3A_40 : memref<10000x128xf32, #tpu.memory_space<hbm>>) dst(%arg10 : memref<128x128xf32, #tpu.memory_space<vmem>>)
    %dma_wait3A_41 = arith.constant 38 : i32
    %dma_wait3A_42 = arith.constant 0 : i32
    %dma_wait3A_43 = tpu.memref_slice %arg8[%dma_wait3A_41, %dma_wait3A_42] : memref<40x128xi32, #tpu.memory_space<vmem>> -> memref<1x128xi32, #tpu.memory_space<vmem>>
    %dma_wait3A_44 = tpu.memref_squeeze %dma_wait3A_43 : memref<1x128xi32, #tpu.memory_space<vmem>> -> memref<128xi32, #tpu.memory_space<vmem>>
    %dma_wait3A_45 = arith.constant 0 : i32
    %dma_wait3A_46 = arith.constant 0 : i32
    %dma_wait3A_47 = tpu.memref_slice %arg11[%dma_wait3A_45, %dma_wait3A_46] : memref<10112x128xf32, #tpu.memory_space<vmem_shared>> -> memref<10112x128xf32, #tpu.memory_space<vmem_shared>>
    tpu.wait_indirect_dma semaphore(%arg13 : memref<!tpu.dma_semaphore, #tpu.memory_space<semaphore_mem>>) src(%arg9 : memref<128x128xf32, #tpu.memory_space<vmem>>) dst(%dma_wait3A_47 : memref<10112x128xf32, #tpu.memory_space<vmem_shared>>)
    %run_scoped3A = arith.constant 39 : i32
    "tpu.region"() ({
      %run_scoped3A_102 = tpu.sem_alloc : memref<!tpu.dma_semaphore, #tpu.memory_space<semaphore_mem>>
      %dma_start3A_103 = arith.constant 0 : i32
      %dma_start3A_104 = tpu.memref_slice %arg8[%run_scoped3A, %dma_start3A_103] : memref<40x128xi32, #tpu.memory_space<vmem>> -> memref<1x128xi32, #tpu.memory_space<vmem>>
      %dma_start3A_105 = tpu.memref_squeeze %dma_start3A_104 : memref<1x128xi32, #tpu.memory_space<vmem>> -> memref<128xi32, #tpu.memory_space<vmem>>
      %dma_start3A_106 = arith.constant 0 : i32
      %dma_start3A_107 = arith.constant 0 : i32
      %dma_start3A_108 = tpu.memref_slice %arg11[%dma_start3A_106, %dma_start3A_107] : memref<10112x128xf32, #tpu.memory_space<vmem_shared>> -> memref<10112x128xf32, #tpu.memory_space<vmem_shared>>
      tpu.enqueue_indirect_dma source(%arg10 : memref<128x128xf32, #tpu.memory_space<vmem>>) target(%dma_start3A_108 : memref<10112x128xf32, #tpu.memory_space<vmem_shared>>) offsets(%dma_start3A_105 : memref<128xi32, #tpu.memory_space<vmem>>) semaphore(%run_scoped3A_102 : memref<!tpu.dma_semaphore, #tpu.memory_space<semaphore_mem>>) {add = true}
      %dma_wait3A_109 = arith.constant 0 : i32
      %dma_wait3A_110 = tpu.memref_slice %arg8[%run_scoped3A, %dma_wait3A_109] : memref<40x128xi32, #tpu.memory_space<vmem>> -> memref<1x128xi32, #tpu.memory_space<vmem>>
      %dma_wait3A_111 = tpu.memref_squeeze %dma_wait3A_110 : memref<1x128xi32, #tpu.memory_space<vmem>> -> memref<128xi32, #tpu.memory_space<vmem>>
      %dma_wait3A_112 = arith.constant 0 : i32
      %dma_wait3A_113 = arith.constant 0 : i32
      %dma_wait3A_114 = tpu.memref_slice %arg11[%dma_wait3A_112, %dma_wait3A_113] : memref<10112x128xf32, #tpu.memory_space<vmem_shared>> -> memref<10112x128xf32, #tpu.memory_space<vmem_shared>>
      tpu.wait_indirect_dma semaphore(%run_scoped3A_102 : memref<!tpu.dma_semaphore, #tpu.memory_space<semaphore_mem>>) src(%arg10 : memref<128x128xf32, #tpu.memory_space<vmem>>) dst(%dma_wait3A_114 : memref<10112x128xf32, #tpu.memory_space<vmem_shared>>)
      tpu.yield
    }) : () -> ()
    "tpu.region"() ({
      %run_scoped3A_102 = tpu.sem_alloc : memref<!tpu.dma_semaphore, #tpu.memory_space<semaphore_mem>>
      %dma_start3A_103 = arith.constant 40 : i32
      %dma_start3A_104 = arith.constant 0 : i32
      %dma_start3A_105 = tpu.memref_slice %arg3[%add3A, %dma_start3A_103, %dma_start3A_104] : memref<32x80x128xi32, #tpu.memory_space<hbm>> -> memref<1x40x128xi32, #tpu.memory_space<hbm>>
      %dma_start3A_106 = tpu.memref_squeeze %dma_start3A_105 : memref<1x40x128xi32, #tpu.memory_space<hbm>> -> memref<40x128xi32, #tpu.memory_space<hbm>>
      %dma_start3A_107 = arith.constant 40 : i32
      %dma_start3A_108 = arith.constant 0 : i32
      %dma_start3A_109 = tpu.memref_slice %arg3[%add3A, %dma_start3A_107, %dma_start3A_108] : memref<32x80x128xi32, #tpu.memory_space<hbm>> -> memref<1x40x128xi32, #tpu.memory_space<hbm>>
      %dma_start3A_110 = tpu.memref_squeeze %dma_start3A_109 : memref<1x40x128xi32, #tpu.memory_space<hbm>> -> memref<40x128xi32, #tpu.memory_space<hbm>>
      tpu.enqueue_dma source(%dma_start3A_110 : memref<40x128xi32, #tpu.memory_space<hbm>>) target(%arg7 : memref<40x128xi32, #tpu.memory_space<vmem>>) target_semaphore(%run_scoped3A_102 : memref<!tpu.dma_semaphore, #tpu.memory_space<semaphore_mem>>)
      %dma_wait3A_111 = arith.constant 40 : i32
      %dma_wait3A_112 = arith.constant 0 : i32
      %dma_wait3A_113 = tpu.memref_slice %arg3[%add3A, %dma_wait3A_111, %dma_wait3A_112] : memref<32x80x128xi32, #tpu.memory_space<hbm>> -> memref<1x40x128xi32, #tpu.memory_space<hbm>>
      %dma_wait3A_114 = tpu.memref_squeeze %dma_wait3A_113 : memref<1x40x128xi32, #tpu.memory_space<hbm>> -> memref<40x128xi32, #tpu.memory_space<hbm>>
      %dma_wait3A_115 = arith.constant 40 : i32
      %dma_wait3A_116 = arith.constant 0 : i32
      %dma_wait3A_117 = tpu.memref_slice %arg3[%add3A, %dma_wait3A_115, %dma_wait3A_116] : memref<32x80x128xi32, #tpu.memory_space<hbm>> -> memref<1x40x128xi32, #tpu.memory_space<hbm>>
      %dma_wait3A_118 = tpu.memref_squeeze %dma_wait3A_117 : memref<1x40x128xi32, #tpu.memory_space<hbm>> -> memref<40x128xi32, #tpu.memory_space<hbm>>
      tpu.wait_dma2 semaphore(%run_scoped3A_102 : memref<!tpu.dma_semaphore, #tpu.memory_space<semaphore_mem>>) src(%dma_wait3A_118 : memref<40x128xi32, #tpu.memory_space<hbm>>) dst(%arg7 : memref<40x128xi32, #tpu.memory_space<vmem>>)
      tpu.yield
    }) : () -> ()
    "tpu.region"() ({
      %run_scoped3A_102 = tpu.sem_alloc : memref<!tpu.dma_semaphore, #tpu.memory_space<semaphore_mem>>
      %dma_start3A_103 = arith.constant 40 : i32
      %dma_start3A_104 = arith.constant 0 : i32
      %dma_start3A_105 = tpu.memref_slice %arg4[%add3A, %dma_start3A_103, %dma_start3A_104] : memref<32x80x128xi32, #tpu.memory_space<hbm>> -> memref<1x40x128xi32, #tpu.memory_space<hbm>>
      %dma_start3A_106 = tpu.memref_squeeze %dma_start3A_105 : memref<1x40x128xi32, #tpu.memory_space<hbm>> -> memref<40x128xi32, #tpu.memory_space<hbm>>
      %dma_start3A_107 = arith.constant 40 : i32
      %dma_start3A_108 = arith.constant 0 : i32
      %dma_start3A_109 = tpu.memref_slice %arg4[%add3A, %dma_start3A_107, %dma_start3A_108] : memref<32x80x128xi32, #tpu.memory_space<hbm>> -> memref<1x40x128xi32, #tpu.memory_space<hbm>>
      %dma_start3A_110 = tpu.memref_squeeze %dma_start3A_109 : memref<1x40x128xi32, #tpu.memory_space<hbm>> -> memref<40x128xi32, #tpu.memory_space<hbm>>
      tpu.enqueue_dma source(%dma_start3A_110 : memref<40x128xi32, #tpu.memory_space<hbm>>) target(%arg8 : memref<40x128xi32, #tpu.memory_space<vmem>>) target_semaphore(%run_scoped3A_102 : memref<!tpu.dma_semaphore, #tpu.memory_space<semaphore_mem>>)
      %dma_wait3A_111 = arith.constant 40 : i32
      %dma_wait3A_112 = arith.constant 0 : i32
      %dma_wait3A_113 = tpu.memref_slice %arg4[%add3A, %dma_wait3A_111, %dma_wait3A_112] : memref<32x80x128xi32, #tpu.memory_space<hbm>> -> memref<1x40x128xi32, #tpu.memory_space<hbm>>
      %dma_wait3A_114 = tpu.memref_squeeze %dma_wait3A_113 : memref<1x40x128xi32, #tpu.memory_space<hbm>> -> memref<40x128xi32, #tpu.memory_space<hbm>>
      %dma_wait3A_115 = arith.constant 40 : i32
      %dma_wait3A_116 = arith.constant 0 : i32
      %dma_wait3A_117 = tpu.memref_slice %arg4[%add3A, %dma_wait3A_115, %dma_wait3A_116] : memref<32x80x128xi32, #tpu.memory_space<hbm>> -> memref<1x40x128xi32, #tpu.memory_space<hbm>>
      %dma_wait3A_118 = tpu.memref_squeeze %dma_wait3A_117 : memref<1x40x128xi32, #tpu.memory_space<hbm>> -> memref<40x128xi32, #tpu.memory_space<hbm>>
      tpu.wait_dma2 semaphore(%run_scoped3A_102 : memref<!tpu.dma_semaphore, #tpu.memory_space<semaphore_mem>>) src(%dma_wait3A_118 : memref<40x128xi32, #tpu.memory_space<hbm>>) dst(%arg8 : memref<40x128xi32, #tpu.memory_space<vmem>>)
      tpu.yield
    }) : () -> ()
    %dma_start3A_48 = arith.constant 0 : i32
    %dma_start3A_49 = arith.constant 0 : i32
    %dma_start3A_50 = tpu.memref_slice %arg7[%dma_start3A_48, %dma_start3A_49] : memref<40x128xi32, #tpu.memory_space<vmem>> -> memref<1x128xi32, #tpu.memory_space<vmem>>
    %dma_start3A_51 = tpu.memref_squeeze %dma_start3A_50 : memref<1x128xi32, #tpu.memory_space<vmem>> -> memref<128xi32, #tpu.memory_space<vmem>>
    %dma_start3A_52 = arith.constant 0 : i32
    %dma_start3A_53 = arith.constant 0 : i32
    %dma_start3A_54 = tpu.memref_slice %arg2[%dma_start3A_52, %dma_start3A_53] : memref<10000x128xf32, #tpu.memory_space<hbm>> -> memref<10000x128xf32, #tpu.memory_space<hbm>>
    tpu.enqueue_indirect_dma source(%dma_start3A_54 : memref<10000x128xf32, #tpu.memory_space<hbm>>) target(%arg9 : memref<128x128xf32, #tpu.memory_space<vmem>>) offsets(%dma_start3A_51 : memref<128xi32, #tpu.memory_space<vmem>>) semaphore(%arg12 : memref<!tpu.dma_semaphore, #tpu.memory_space<semaphore_mem>>)
    %dma_wait3A_55 = arith.constant 0 : i32
    %dma_wait3A_56 = arith.constant 0 : i32
    %dma_wait3A_57 = tpu.memref_slice %arg7[%dma_wait3A_55, %dma_wait3A_56] : memref<40x128xi32, #tpu.memory_space<vmem>> -> memref<1x128xi32, #tpu.memory_space<vmem>>
    %dma_wait3A_58 = tpu.memref_squeeze %dma_wait3A_57 : memref<1x128xi32, #tpu.memory_space<vmem>> -> memref<128xi32, #tpu.memory_space<vmem>>
    %dma_wait3A_59 = arith.constant 0 : i32
    %dma_wait3A_60 = arith.constant 0 : i32
    %dma_wait3A_61 = tpu.memref_slice %arg2[%dma_wait3A_59, %dma_wait3A_60] : memref<10000x128xf32, #tpu.memory_space<hbm>> -> memref<10000x128xf32, #tpu.memory_space<hbm>>
    tpu.wait_indirect_dma semaphore(%arg12 : memref<!tpu.dma_semaphore, #tpu.memory_space<semaphore_mem>>) src(%dma_wait3A_61 : memref<10000x128xf32, #tpu.memory_space<hbm>>) dst(%arg9 : memref<128x128xf32, #tpu.memory_space<vmem>>)
    %dma_start3A_62 = arith.constant 0 : i32
    %dma_start3A_63 = arith.constant 0 : i32
    %dma_start3A_64 = tpu.memref_slice %arg8[%dma_start3A_62, %dma_start3A_63] : memref<40x128xi32, #tpu.memory_space<vmem>> -> memref<1x128xi32, #tpu.memory_space<vmem>>
    %dma_start3A_65 = tpu.memref_squeeze %dma_start3A_64 : memref<1x128xi32, #tpu.memory_space<vmem>> -> memref<128xi32, #tpu.memory_space<vmem>>
    %dma_start3A_66 = arith.constant 0 : i32
    %dma_start3A_67 = arith.constant 0 : i32
    %dma_start3A_68 = tpu.memref_slice %arg11[%dma_start3A_66, %dma_start3A_67] : memref<10112x128xf32, #tpu.memory_space<vmem_shared>> -> memref<10112x128xf32, #tpu.memory_space<vmem_shared>>
    tpu.enqueue_indirect_dma source(%arg9 : memref<128x128xf32, #tpu.memory_space<vmem>>) target(%dma_start3A_68 : memref<10112x128xf32, #tpu.memory_space<vmem_shared>>) offsets(%dma_start3A_65 : memref<128xi32, #tpu.memory_space<vmem>>) semaphore(%arg13 : memref<!tpu.dma_semaphore, #tpu.memory_space<semaphore_mem>>) {add = true}
    %scan3A_69 = arith.constant 0 : i32
    %scan3A_70 = arith.constant 0 : i32
    %scan3A_71 = arith.constant 19 : i32
    %scan3A_72 = arith.addi %scan3A_70, %scan3A_71 : i32
    %scan3A_73 = arith.constant 1 : i32
    scf.for %scan3A_102 = %scan3A_70 to %scan3A_72 step %scan3A_73  : i32 {
      %mul3A_103 = arith.constant 2 : i32
      %mul3A_104 = arith.muli %mul3A_103, %scan3A_102 : i32
      %add3A_105 = arith.constant 1 : i32
      %add3A_106 = arith.addi %mul3A_104, %add3A_105 : i32
      %add3A_107 = arith.constant 2 : i32
      %add3A_108 = arith.addi %mul3A_104, %add3A_107 : i32
      %dma_start3A_109 = arith.constant 0 : i32
      %dma_start3A_110 = tpu.memref_slice %arg7[%add3A_106, %dma_start3A_109] : memref<40x128xi32, #tpu.memory_space<vmem>> -> memref<1x128xi32, #tpu.memory_space<vmem>>
      %dma_start3A_111 = tpu.memref_squeeze %dma_start3A_110 : memref<1x128xi32, #tpu.memory_space<vmem>> -> memref<128xi32, #tpu.memory_space<vmem>>
      %dma_start3A_112 = arith.constant 0 : i32
      %dma_start3A_113 = arith.constant 0 : i32
      %dma_start3A_114 = tpu.memref_slice %arg2[%dma_start3A_112, %dma_start3A_113] : memref<10000x128xf32, #tpu.memory_space<hbm>> -> memref<10000x128xf32, #tpu.memory_space<hbm>>
      tpu.enqueue_indirect_dma source(%dma_start3A_114 : memref<10000x128xf32, #tpu.memory_space<hbm>>) target(%arg10 : memref<128x128xf32, #tpu.memory_space<vmem>>) offsets(%dma_start3A_111 : memref<128xi32, #tpu.memory_space<vmem>>) semaphore(%arg12 : memref<!tpu.dma_semaphore, #tpu.memory_space<semaphore_mem>>)
      %dma_wait3A_115 = arith.constant 0 : i32
      %dma_wait3A_116 = tpu.memref_slice %arg7[%add3A_106, %dma_wait3A_115] : memref<40x128xi32, #tpu.memory_space<vmem>> -> memref<1x128xi32, #tpu.memory_space<vmem>>
      %dma_wait3A_117 = tpu.memref_squeeze %dma_wait3A_116 : memref<1x128xi32, #tpu.memory_space<vmem>> -> memref<128xi32, #tpu.memory_space<vmem>>
      %dma_wait3A_118 = arith.constant 0 : i32
      %dma_wait3A_119 = arith.constant 0 : i32
      %dma_wait3A_120 = tpu.memref_slice %arg2[%dma_wait3A_118, %dma_wait3A_119] : memref<10000x128xf32, #tpu.memory_space<hbm>> -> memref<10000x128xf32, #tpu.memory_space<hbm>>
      tpu.wait_indirect_dma semaphore(%arg12 : memref<!tpu.dma_semaphore, #tpu.memory_space<semaphore_mem>>) src(%dma_wait3A_120 : memref<10000x128xf32, #tpu.memory_space<hbm>>) dst(%arg10 : memref<128x128xf32, #tpu.memory_space<vmem>>)
      %dma_wait3A_121 = arith.constant 0 : i32
      %dma_wait3A_122 = tpu.memref_slice %arg8[%mul3A_104, %dma_wait3A_121] : memref<40x128xi32, #tpu.memory_space<vmem>> -> memref<1x128xi32, #tpu.memory_space<vmem>>
      %dma_wait3A_123 = tpu.memref_squeeze %dma_wait3A_122 : memref<1x128xi32, #tpu.memory_space<vmem>> -> memref<128xi32, #tpu.memory_space<vmem>>
      %dma_wait3A_124 = arith.constant 0 : i32
      %dma_wait3A_125 = arith.constant 0 : i32
      %dma_wait3A_126 = tpu.memref_slice %arg11[%dma_wait3A_124, %dma_wait3A_125] : memref<10112x128xf32, #tpu.memory_space<vmem_shared>> -> memref<10112x128xf32, #tpu.memory_space<vmem_shared>>
      tpu.wait_indirect_dma semaphore(%arg13 : memref<!tpu.dma_semaphore, #tpu.memory_space<semaphore_mem>>) src(%arg9 : memref<128x128xf32, #tpu.memory_space<vmem>>) dst(%dma_wait3A_126 : memref<10112x128xf32, #tpu.memory_space<vmem_shared>>)
      %dma_start3A_127 = arith.constant 0 : i32
      %dma_start3A_128 = tpu.memref_slice %arg8[%add3A_106, %dma_start3A_127] : memref<40x128xi32, #tpu.memory_space<vmem>> -> memref<1x128xi32, #tpu.memory_space<vmem>>
      %dma_start3A_129 = tpu.memref_squeeze %dma_start3A_128 : memref<1x128xi32, #tpu.memory_space<vmem>> -> memref<128xi32, #tpu.memory_space<vmem>>
      %dma_start3A_130 = arith.constant 0 : i32
      %dma_start3A_131 = arith.constant 0 : i32
      %dma_start3A_132 = tpu.memref_slice %arg11[%dma_start3A_130, %dma_start3A_131] : memref<10112x128xf32, #tpu.memory_space<vmem_shared>> -> memref<10112x128xf32, #tpu.memory_space<vmem_shared>>
      tpu.enqueue_indirect_dma source(%arg10 : memref<128x128xf32, #tpu.memory_space<vmem>>) target(%dma_start3A_132 : memref<10112x128xf32, #tpu.memory_space<vmem_shared>>) offsets(%dma_start3A_129 : memref<128xi32, #tpu.memory_space<vmem>>) semaphore(%arg14 : memref<!tpu.dma_semaphore, #tpu.memory_space<semaphore_mem>>) {add = true}
      %dma_start3A_133 = arith.constant 0 : i32
      %dma_start3A_134 = tpu.memref_slice %arg7[%add3A_108, %dma_start3A_133] : memref<40x128xi32, #tpu.memory_space<vmem>> -> memref<1x128xi32, #tpu.memory_space<vmem>>
      %dma_start3A_135 = tpu.memref_squeeze %dma_start3A_134 : memref<1x128xi32, #tpu.memory_space<vmem>> -> memref<128xi32, #tpu.memory_space<vmem>>
      %dma_start3A_136 = arith.constant 0 : i32
      %dma_start3A_137 = arith.constant 0 : i32
      %dma_start3A_138 = tpu.memref_slice %arg2[%dma_start3A_136, %dma_start3A_137] : memref<10000x128xf32, #tpu.memory_space<hbm>> -> memref<10000x128xf32, #tpu.memory_space<hbm>>
      tpu.enqueue_indirect_dma source(%dma_start3A_138 : memref<10000x128xf32, #tpu.memory_space<hbm>>) target(%arg9 : memref<128x128xf32, #tpu.memory_space<vmem>>) offsets(%dma_start3A_135 : memref<128xi32, #tpu.memory_space<vmem>>) semaphore(%arg12 : memref<!tpu.dma_semaphore, #tpu.memory_space<semaphore_mem>>)
      %dma_wait3A_139 = arith.constant 0 : i32
      %dma_wait3A_140 = tpu.memref_slice %arg7[%add3A_108, %dma_wait3A_139] : memref<40x128xi32, #tpu.memory_space<vmem>> -> memref<1x128xi32, #tpu.memory_space<vmem>>
      %dma_wait3A_141 = tpu.memref_squeeze %dma_wait3A_140 : memref<1x128xi32, #tpu.memory_space<vmem>> -> memref<128xi32, #tpu.memory_space<vmem>>
      %dma_wait3A_142 = arith.constant 0 : i32
      %dma_wait3A_143 = arith.constant 0 : i32
      %dma_wait3A_144 = tpu.memref_slice %arg2[%dma_wait3A_142, %dma_wait3A_143] : memref<10000x128xf32, #tpu.memory_space<hbm>> -> memref<10000x128xf32, #tpu.memory_space<hbm>>
      tpu.wait_indirect_dma semaphore(%arg12 : memref<!tpu.dma_semaphore, #tpu.memory_space<semaphore_mem>>) src(%dma_wait3A_144 : memref<10000x128xf32, #tpu.memory_space<hbm>>) dst(%arg9 : memref<128x128xf32, #tpu.memory_space<vmem>>)
      %dma_wait3A_145 = arith.constant 0 : i32
      %dma_wait3A_146 = tpu.memref_slice %arg8[%add3A_106, %dma_wait3A_145] : memref<40x128xi32, #tpu.memory_space<vmem>> -> memref<1x128xi32, #tpu.memory_space<vmem>>
      %dma_wait3A_147 = tpu.memref_squeeze %dma_wait3A_146 : memref<1x128xi32, #tpu.memory_space<vmem>> -> memref<128xi32, #tpu.memory_space<vmem>>
      %dma_wait3A_148 = arith.constant 0 : i32
      %dma_wait3A_149 = arith.constant 0 : i32
      %dma_wait3A_150 = tpu.memref_slice %arg11[%dma_wait3A_148, %dma_wait3A_149] : memref<10112x128xf32, #tpu.memory_space<vmem_shared>> -> memref<10112x128xf32, #tpu.memory_space<vmem_shared>>
      tpu.wait_indirect_dma semaphore(%arg14 : memref<!tpu.dma_semaphore, #tpu.memory_space<semaphore_mem>>) src(%arg10 : memref<128x128xf32, #tpu.memory_space<vmem>>) dst(%dma_wait3A_150 : memref<10112x128xf32, #tpu.memory_space<vmem_shared>>)
      %dma_start3A_151 = arith.constant 0 : i32
      %dma_start3A_152 = tpu.memref_slice %arg8[%add3A_108, %dma_start3A_151] : memref<40x128xi32, #tpu.memory_space<vmem>> -> memref<1x128xi32, #tpu.memory_space<vmem>>
      %dma_start3A_153 = tpu.memref_squeeze %dma_start3A_152 : memref<1x128xi32, #tpu.memory_space<vmem>> -> memref<128xi32, #tpu.memory_space<vmem>>
      %dma_start3A_154 = arith.constant 0 : i32
      %dma_start3A_155 = arith.constant 0 : i32
      %dma_start3A_156 = tpu.memref_slice %arg11[%dma_start3A_154, %dma_start3A_155] : memref<10112x128xf32, #tpu.memory_space<vmem_shared>> -> memref<10112x128xf32, #tpu.memory_space<vmem_shared>>
      tpu.enqueue_indirect_dma source(%arg9 : memref<128x128xf32, #tpu.memory_space<vmem>>) target(%dma_start3A_156 : memref<10112x128xf32, #tpu.memory_space<vmem_shared>>) offsets(%dma_start3A_153 : memref<128xi32, #tpu.memory_space<vmem>>) semaphore(%arg13 : memref<!tpu.dma_semaphore, #tpu.memory_space<semaphore_mem>>) {add = true}
    }
    %scan3A_74 = arith.constant 19 : i32
    %dma_start3A_75 = arith.constant 39 : i32
    %dma_start3A_76 = arith.constant 0 : i32
    %dma_start3A_77 = tpu.memref_slice %arg7[%dma_start3A_75, %dma_start3A_76] : memref<40x128xi32, #tpu.memory_space<vmem>> -> memref<1x128xi32, #tpu.memory_space<vmem>>
    %dma_start3A_78 = tpu.memref_squeeze %dma_start3A_77 : memref<1x128xi32, #tpu.memory_space<vmem>> -> memref<128xi32, #tpu.memory_space<vmem>>
    %dma_start3A_79 = arith.constant 0 : i32
    %dma_start3A_80 = arith.constant 0 : i32
    %dma_start3A_81 = tpu.memref_slice %arg2[%dma_start3A_79, %dma_start3A_80] : memref<10000x128xf32, #tpu.memory_space<hbm>> -> memref<10000x128xf32, #tpu.memory_space<hbm>>
    tpu.enqueue_indirect_dma source(%dma_start3A_81 : memref<10000x128xf32, #tpu.memory_space<hbm>>) target(%arg10 : memref<128x128xf32, #tpu.memory_space<vmem>>) offsets(%dma_start3A_78 : memref<128xi32, #tpu.memory_space<vmem>>) semaphore(%arg12 : memref<!tpu.dma_semaphore, #tpu.memory_space<semaphore_mem>>)
    %dma_wait3A_82 = arith.constant 39 : i32
    %dma_wait3A_83 = arith.constant 0 : i32
    %dma_wait3A_84 = tpu.memref_slice %arg7[%dma_wait3A_82, %dma_wait3A_83] : memref<40x128xi32, #tpu.memory_space<vmem>> -> memref<1x128xi32, #tpu.memory_space<vmem>>
    %dma_wait3A_85 = tpu.memref_squeeze %dma_wait3A_84 : memref<1x128xi32, #tpu.memory_space<vmem>> -> memref<128xi32, #tpu.memory_space<vmem>>
    %dma_wait3A_86 = arith.constant 0 : i32
    %dma_wait3A_87 = arith.constant 0 : i32
    %dma_wait3A_88 = tpu.memref_slice %arg2[%dma_wait3A_86, %dma_wait3A_87] : memref<10000x128xf32, #tpu.memory_space<hbm>> -> memref<10000x128xf32, #tpu.memory_space<hbm>>
    tpu.wait_indirect_dma semaphore(%arg12 : memref<!tpu.dma_semaphore, #tpu.memory_space<semaphore_mem>>) src(%dma_wait3A_88 : memref<10000x128xf32, #tpu.memory_space<hbm>>) dst(%arg10 : memref<128x128xf32, #tpu.memory_space<vmem>>)
    %dma_wait3A_89 = arith.constant 38 : i32
    %dma_wait3A_90 = arith.constant 0 : i32
    %dma_wait3A_91 = tpu.memref_slice %arg8[%dma_wait3A_89, %dma_wait3A_90] : memref<40x128xi32, #tpu.memory_space<vmem>> -> memref<1x128xi32, #tpu.memory_space<vmem>>
    %dma_wait3A_92 = tpu.memref_squeeze %dma_wait3A_91 : memref<1x128xi32, #tpu.memory_space<vmem>> -> memref<128xi32, #tpu.memory_space<vmem>>
    %dma_wait3A_93 = arith.constant 0 : i32
    %dma_wait3A_94 = arith.constant 0 : i32
    %dma_wait3A_95 = tpu.memref_slice %arg11[%dma_wait3A_93, %dma_wait3A_94] : memref<10112x128xf32, #tpu.memory_space<vmem_shared>> -> memref<10112x128xf32, #tpu.memory_space<vmem_shared>>
    tpu.wait_indirect_dma semaphore(%arg13 : memref<!tpu.dma_semaphore, #tpu.memory_space<semaphore_mem>>) src(%arg9 : memref<128x128xf32, #tpu.memory_space<vmem>>) dst(%dma_wait3A_95 : memref<10112x128xf32, #tpu.memory_space<vmem_shared>>)
    %run_scoped3A_96 = arith.constant 39 : i32
    "tpu.region"() ({
      %run_scoped3A_102 = tpu.sem_alloc : memref<!tpu.dma_semaphore, #tpu.memory_space<semaphore_mem>>
      %dma_start3A_103 = arith.constant 0 : i32
      %dma_start3A_104 = tpu.memref_slice %arg8[%run_scoped3A_96, %dma_start3A_103] : memref<40x128xi32, #tpu.memory_space<vmem>> -> memref<1x128xi32, #tpu.memory_space<vmem>>
      %dma_start3A_105 = tpu.memref_squeeze %dma_start3A_104 : memref<1x128xi32, #tpu.memory_space<vmem>> -> memref<128xi32, #tpu.memory_space<vmem>>
      %dma_start3A_106 = arith.constant 0 : i32
      %dma_start3A_107 = arith.constant 0 : i32
      %dma_start3A_108 = tpu.memref_slice %arg11[%dma_start3A_106, %dma_start3A_107] : memref<10112x128xf32, #tpu.memory_space<vmem_shared>> -> memref<10112x128xf32, #tpu.memory_space<vmem_shared>>
      tpu.enqueue_indirect_dma source(%arg10 : memref<128x128xf32, #tpu.memory_space<vmem>>) target(%dma_start3A_108 : memref<10112x128xf32, #tpu.memory_space<vmem_shared>>) offsets(%dma_start3A_105 : memref<128xi32, #tpu.memory_space<vmem>>) semaphore(%run_scoped3A_102 : memref<!tpu.dma_semaphore, #tpu.memory_space<semaphore_mem>>) {add = true}
      %dma_wait3A_109 = arith.constant 0 : i32
      %dma_wait3A_110 = tpu.memref_slice %arg8[%run_scoped3A_96, %dma_wait3A_109] : memref<40x128xi32, #tpu.memory_space<vmem>> -> memref<1x128xi32, #tpu.memory_space<vmem>>
      %dma_wait3A_111 = tpu.memref_squeeze %dma_wait3A_110 : memref<1x128xi32, #tpu.memory_space<vmem>> -> memref<128xi32, #tpu.memory_space<vmem>>
      %dma_wait3A_112 = arith.constant 0 : i32
      %dma_wait3A_113 = arith.constant 0 : i32
      %dma_wait3A_114 = tpu.memref_slice %arg11[%dma_wait3A_112, %dma_wait3A_113] : memref<10112x128xf32, #tpu.memory_space<vmem_shared>> -> memref<10112x128xf32, #tpu.memory_space<vmem_shared>>
      tpu.wait_indirect_dma semaphore(%run_scoped3A_102 : memref<!tpu.dma_semaphore, #tpu.memory_space<semaphore_mem>>) src(%arg10 : memref<128x128xf32, #tpu.memory_space<vmem>>) dst(%dma_wait3A_114 : memref<10112x128xf32, #tpu.memory_space<vmem_shared>>)
      tpu.yield
    }) : () -> ()
    %barrier3A_97 = arith.constant 0 : index
    tpu.barrier barrier_id(%barrier3A_97)
    %mul3A_98 = arith.constant 632 : i32
    %mul3A_99 = arith.muli %arg1, %mul3A_98 : i32
    %mul3A_100 = arith.constant 632 : i32
    %mul3A_101 = arith.muli %arg1, %mul3A_100 : i32
    "tpu.region"() ({
      %run_scoped3A_102 = tpu.sem_alloc : memref<!tpu.dma_semaphore, #tpu.memory_space<semaphore_mem>>
      %dma_start3A_103 = arith.constant 0 : i32
      %dma_start3A_104 = tpu.memref_slice %arg6[%arg0, %mul3A_101, %dma_start3A_103] : memref<2x10112x128xf32, #tpu.memory_space<hbm>> -> memref<1x632x128xf32, #tpu.memory_space<hbm>>
      %dma_start3A_105 = tpu.memref_squeeze %dma_start3A_104 : memref<1x632x128xf32, #tpu.memory_space<hbm>> -> memref<632x128xf32, #tpu.memory_space<hbm>>
      %dma_start3A_106 = arith.constant 0 : i32
      %dma_start3A_107 = tpu.memref_slice %arg11[%mul3A_99, %dma_start3A_106] : memref<10112x128xf32, #tpu.memory_space<vmem_shared>> -> memref<632x128xf32, #tpu.memory_space<vmem_shared>>
      tpu.enqueue_dma source(%dma_start3A_107 : memref<632x128xf32, #tpu.memory_space<vmem_shared>>) target(%dma_start3A_105 : memref<632x128xf32, #tpu.memory_space<hbm>>) target_semaphore(%run_scoped3A_102 : memref<!tpu.dma_semaphore, #tpu.memory_space<semaphore_mem>>)
      %dma_wait3A_108 = arith.constant 0 : i32
      %dma_wait3A_109 = tpu.memref_slice %arg6[%arg0, %mul3A_101, %dma_wait3A_108] : memref<2x10112x128xf32, #tpu.memory_space<hbm>> -> memref<1x632x128xf32, #tpu.memory_space<hbm>>
      %dma_wait3A_110 = tpu.memref_squeeze %dma_wait3A_109 : memref<1x632x128xf32, #tpu.memory_space<hbm>> -> memref<632x128xf32, #tpu.memory_space<hbm>>
      %dma_wait3A_111 = arith.constant 0 : i32
      %dma_wait3A_112 = tpu.memref_slice %arg11[%mul3A_99, %dma_wait3A_111] : memref<10112x128xf32, #tpu.memory_space<vmem_shared>> -> memref<632x128xf32, #tpu.memory_space<vmem_shared>>
      tpu.wait_dma2 semaphore(%run_scoped3A_102 : memref<!tpu.dma_semaphore, #tpu.memory_space<semaphore_mem>>) src(%dma_wait3A_112 : memref<632x128xf32, #tpu.memory_space<vmem_shared>>) dst(%dma_wait3A_110 : memref<632x128xf32, #tpu.memory_space<hbm>>)
      tpu.yield
    }) : () -> ()
    return
  }
}

#map = affine_map<(d0, d1) -> (0, 0)>
#map1 = affine_map<(d0, d1) -> (0, 0, 0)>
module attributes {stable_mosaic.version = 14 : i64} {
  func.func @_agg_sc(%arg0: i32, %arg1: i32, %arg2: memref<10000x128xf32, #tpu.memory_space<hbm>>, %arg3: memref<32x80x128xi32, #tpu.memory_space<hbm>>, %arg4: memref<32x80x128xi32, #tpu.memory_space<hbm>>, %arg5: memref<632x128xf32, #tpu.memory_space<hbm>>, %arg6: memref<2x10112x128xf32, #tpu.memory_space<hbm>>, %arg7: memref<40x128xi32, #tpu.memory_space<vmem>>, %arg8: memref<40x128xi32, #tpu.memory_space<vmem>>, %arg9: memref<128x128xf32, #tpu.memory_space<vmem>>, %arg10: memref<128x128xf32, #tpu.memory_space<vmem>>, %arg11: memref<10112x128xf32, #tpu.memory_space<vmem_shared>>, %arg12: memref<!tpu.dma_semaphore, #tpu.memory_space<semaphore_mem>>, %arg13: memref<!tpu.dma_semaphore, #tpu.memory_space<semaphore_mem>>, %arg14: memref<!tpu.dma_semaphore, #tpu.memory_space<semaphore_mem>>) attributes {dimension_semantics = [#tpu.dimension_semantics<core_parallel>, #tpu.dimension_semantics<subcore_parallel>], iteration_bounds = array<i64: 2, 16>, scalar_prefetch = 0 : i64, scratch_operands = 8 : i64, tpu.core_type = #tpu.core_type<sc_vector_subcore>, window_params = [{transform_indices = #map}, {transform_indices = #map1}, {transform_indices = #map1}, {transform_indices = #map}, {transform_indices = #map1}]} {
    %mul3A = arith.constant 16 : i32
    %mul3A_0 = arith.muli %arg0, %mul3A : i32
    %add3A = arith.addi %mul3A_0, %arg1 : i32
    %mul3A_1 = arith.constant 632 : i32
    %mul3A_2 = arith.muli %arg1, %mul3A_1 : i32
    "tpu.region"() ({
      %run_scoped3A_102 = tpu.sem_alloc : memref<!tpu.dma_semaphore, #tpu.memory_space<semaphore_mem>>
      %dma_start3A_103 = arith.constant 0 : i32
      %dma_start3A_104 = tpu.memref_slice %arg11[%mul3A_2, %dma_start3A_103] : memref<10112x128xf32, #tpu.memory_space<vmem_shared>> -> memref<632x128xf32, #tpu.memory_space<vmem_shared>>
      tpu.enqueue_dma source(%arg5 : memref<632x128xf32, #tpu.memory_space<hbm>>) target(%dma_start3A_104 : memref<632x128xf32, #tpu.memory_space<vmem_shared>>) target_semaphore(%run_scoped3A_102 : memref<!tpu.dma_semaphore, #tpu.memory_space<semaphore_mem>>)
      %dma_wait3A_105 = arith.constant 0 : i32
      %dma_wait3A_106 = tpu.memref_slice %arg11[%mul3A_2, %dma_wait3A_105] : memref<10112x128xf32, #tpu.memory_space<vmem_shared>> -> memref<632x128xf32, #tpu.memory_space<vmem_shared>>
      tpu.wait_dma2 semaphore(%run_scoped3A_102 : memref<!tpu.dma_semaphore, #tpu.memory_space<semaphore_mem>>) src(%arg5 : memref<632x128xf32, #tpu.memory_space<hbm>>) dst(%dma_wait3A_106 : memref<632x128xf32, #tpu.memory_space<vmem_shared>>)
      tpu.yield
    }) : () -> ()
    %barrier3A = arith.constant 0 : index
    tpu.barrier barrier_id(%barrier3A)
    "tpu.region"() ({
      %run_scoped3A_102 = tpu.sem_alloc : memref<!tpu.dma_semaphore, #tpu.memory_space<semaphore_mem>>
      %dma_start3A_103 = arith.constant 0 : i32
      %dma_start3A_104 = arith.constant 0 : i32
      %dma_start3A_105 = tpu.memref_slice %arg3[%add3A, %dma_start3A_103, %dma_start3A_104] : memref<32x80x128xi32, #tpu.memory_space<hbm>> -> memref<1x40x128xi32, #tpu.memory_space<hbm>>
      %dma_start3A_106 = tpu.memref_squeeze %dma_start3A_105 : memref<1x40x128xi32, #tpu.memory_space<hbm>> -> memref<40x128xi32, #tpu.memory_space<hbm>>
      %dma_start3A_107 = arith.constant 0 : i32
      %dma_start3A_108 = arith.constant 0 : i32
      %dma_start3A_109 = tpu.memref_slice %arg3[%add3A, %dma_start3A_107, %dma_start3A_108] : memref<32x80x128xi32, #tpu.memory_space<hbm>> -> memref<1x40x128xi32, #tpu.memory_space<hbm>>
      %dma_start3A_110 = tpu.memref_squeeze %dma_start3A_109 : memref<1x40x128xi32, #tpu.memory_space<hbm>> -> memref<40x128xi32, #tpu.memory_space<hbm>>
      tpu.enqueue_dma source(%dma_start3A_110 : memref<40x128xi32, #tpu.memory_space<hbm>>) target(%arg7 : memref<40x128xi32, #tpu.memory_space<vmem>>) target_semaphore(%run_scoped3A_102 : memref<!tpu.dma_semaphore, #tpu.memory_space<semaphore_mem>>)
      %dma_wait3A_111 = arith.constant 0 : i32
      %dma_wait3A_112 = arith.constant 0 : i32
      %dma_wait3A_113 = tpu.memref_slice %arg3[%add3A, %dma_wait3A_111, %dma_wait3A_112] : memref<32x80x128xi32, #tpu.memory_space<hbm>> -> memref<1x40x128xi32, #tpu.memory_space<hbm>>
      %dma_wait3A_114 = tpu.memref_squeeze %dma_wait3A_113 : memref<1x40x128xi32, #tpu.memory_space<hbm>> -> memref<40x128xi32, #tpu.memory_space<hbm>>
      %dma_wait3A_115 = arith.constant 0 : i32
      %dma_wait3A_116 = arith.constant 0 : i32
      %dma_wait3A_117 = tpu.memref_slice %arg3[%add3A, %dma_wait3A_115, %dma_wait3A_116] : memref<32x80x128xi32, #tpu.memory_space<hbm>> -> memref<1x40x128xi32, #tpu.memory_space<hbm>>
      %dma_wait3A_118 = tpu.memref_squeeze %dma_wait3A_117 : memref<1x40x128xi32, #tpu.memory_space<hbm>> -> memref<40x128xi32, #tpu.memory_space<hbm>>
      tpu.wait_dma2 semaphore(%run_scoped3A_102 : memref<!tpu.dma_semaphore, #tpu.memory_space<semaphore_mem>>) src(%dma_wait3A_118 : memref<40x128xi32, #tpu.memory_space<hbm>>) dst(%arg7 : memref<40x128xi32, #tpu.memory_space<vmem>>)
      tpu.yield
    }) : () -> ()
    "tpu.region"() ({
      %run_scoped3A_102 = tpu.sem_alloc : memref<!tpu.dma_semaphore, #tpu.memory_space<semaphore_mem>>
      %dma_start3A_103 = arith.constant 0 : i32
      %dma_start3A_104 = arith.constant 0 : i32
      %dma_start3A_105 = tpu.memref_slice %arg4[%add3A, %dma_start3A_103, %dma_start3A_104] : memref<32x80x128xi32, #tpu.memory_space<hbm>> -> memref<1x40x128xi32, #tpu.memory_space<hbm>>
      %dma_start3A_106 = tpu.memref_squeeze %dma_start3A_105 : memref<1x40x128xi32, #tpu.memory_space<hbm>> -> memref<40x128xi32, #tpu.memory_space<hbm>>
      %dma_start3A_107 = arith.constant 0 : i32
      %dma_start3A_108 = arith.constant 0 : i32
      %dma_start3A_109 = tpu.memref_slice %arg4[%add3A, %dma_start3A_107, %dma_start3A_108] : memref<32x80x128xi32, #tpu.memory_space<hbm>> -> memref<1x40x128xi32, #tpu.memory_space<hbm>>
      %dma_start3A_110 = tpu.memref_squeeze %dma_start3A_109 : memref<1x40x128xi32, #tpu.memory_space<hbm>> -> memref<40x128xi32, #tpu.memory_space<hbm>>
      tpu.enqueue_dma source(%dma_start3A_110 : memref<40x128xi32, #tpu.memory_space<hbm>>) target(%arg8 : memref<40x128xi32, #tpu.memory_space<vmem>>) target_semaphore(%run_scoped3A_102 : memref<!tpu.dma_semaphore, #tpu.memory_space<semaphore_mem>>)
      %dma_wait3A_111 = arith.constant 0 : i32
      %dma_wait3A_112 = arith.constant 0 : i32
      %dma_wait3A_113 = tpu.memref_slice %arg4[%add3A, %dma_wait3A_111, %dma_wait3A_112] : memref<32x80x128xi32, #tpu.memory_space<hbm>> -> memref<1x40x128xi32, #tpu.memory_space<hbm>>
      %dma_wait3A_114 = tpu.memref_squeeze %dma_wait3A_113 : memref<1x40x128xi32, #tpu.memory_space<hbm>> -> memref<40x128xi32, #tpu.memory_space<hbm>>
      %dma_wait3A_115 = arith.constant 0 : i32
      %dma_wait3A_116 = arith.constant 0 : i32
      %dma_wait3A_117 = tpu.memref_slice %arg4[%add3A, %dma_wait3A_115, %dma_wait3A_116] : memref<32x80x128xi32, #tpu.memory_space<hbm>> -> memref<1x40x128xi32, #tpu.memory_space<hbm>>
      %dma_wait3A_118 = tpu.memref_squeeze %dma_wait3A_117 : memref<1x40x128xi32, #tpu.memory_space<hbm>> -> memref<40x128xi32, #tpu.memory_space<hbm>>
      tpu.wait_dma2 semaphore(%run_scoped3A_102 : memref<!tpu.dma_semaphore, #tpu.memory_space<semaphore_mem>>) src(%dma_wait3A_118 : memref<40x128xi32, #tpu.memory_space<hbm>>) dst(%arg8 : memref<40x128xi32, #tpu.memory_space<vmem>>)
      tpu.yield
    }) : () -> ()
    %dma_start3A = arith.constant 0 : i32
    %dma_start3A_3 = arith.constant 0 : i32
    %dma_start3A_4 = tpu.memref_slice %arg7[%dma_start3A, %dma_start3A_3] : memref<40x128xi32, #tpu.memory_space<vmem>> -> memref<1x128xi32, #tpu.memory_space<vmem>>
    %dma_start3A_5 = tpu.memref_squeeze %dma_start3A_4 : memref<1x128xi32, #tpu.memory_space<vmem>> -> memref<128xi32, #tpu.memory_space<vmem>>
    %dma_start3A_6 = arith.constant 0 : i32
    %dma_start3A_7 = arith.constant 0 : i32
    %dma_start3A_8 = tpu.memref_slice %arg2[%dma_start3A_6, %dma_start3A_7] : memref<10000x128xf32, #tpu.memory_space<hbm>> -> memref<10000x128xf32, #tpu.memory_space<hbm>>
    tpu.enqueue_indirect_dma source(%dma_start3A_8 : memref<10000x128xf32, #tpu.memory_space<hbm>>) target(%arg9 : memref<128x128xf32, #tpu.memory_space<vmem>>) offsets(%dma_start3A_5 : memref<128xi32, #tpu.memory_space<vmem>>) semaphore(%arg12 : memref<!tpu.dma_semaphore, #tpu.memory_space<semaphore_mem>>)
    %dma_wait3A = arith.constant 0 : i32
    %dma_wait3A_9 = arith.constant 0 : i32
    %dma_wait3A_10 = tpu.memref_slice %arg7[%dma_wait3A, %dma_wait3A_9] : memref<40x128xi32, #tpu.memory_space<vmem>> -> memref<1x128xi32, #tpu.memory_space<vmem>>
    %dma_wait3A_11 = tpu.memref_squeeze %dma_wait3A_10 : memref<1x128xi32, #tpu.memory_space<vmem>> -> memref<128xi32, #tpu.memory_space<vmem>>
    %dma_wait3A_12 = arith.constant 0 : i32
    %dma_wait3A_13 = arith.constant 0 : i32
    %dma_wait3A_14 = tpu.memref_slice %arg2[%dma_wait3A_12, %dma_wait3A_13] : memref<10000x128xf32, #tpu.memory_space<hbm>> -> memref<10000x128xf32, #tpu.memory_space<hbm>>
    tpu.wait_indirect_dma semaphore(%arg12 : memref<!tpu.dma_semaphore, #tpu.memory_space<semaphore_mem>>) src(%dma_wait3A_14 : memref<10000x128xf32, #tpu.memory_space<hbm>>) dst(%arg9 : memref<128x128xf32, #tpu.memory_space<vmem>>)
    %dma_start3A_15 = arith.constant 0 : i32
    %dma_start3A_16 = arith.constant 0 : i32
    %dma_start3A_17 = tpu.memref_slice %arg8[%dma_start3A_15, %dma_start3A_16] : memref<40x128xi32, #tpu.memory_space<vmem>> -> memref<1x128xi32, #tpu.memory_space<vmem>>
    %dma_start3A_18 = tpu.memref_squeeze %dma_start3A_17 : memref<1x128xi32, #tpu.memory_space<vmem>> -> memref<128xi32, #tpu.memory_space<vmem>>
    %dma_start3A_19 = arith.constant 0 : i32
    %dma_start3A_20 = arith.constant 0 : i32
    %dma_start3A_21 = tpu.memref_slice %arg11[%dma_start3A_19, %dma_start3A_20] : memref<10112x128xf32, #tpu.memory_space<vmem_shared>> -> memref<10112x128xf32, #tpu.memory_space<vmem_shared>>
    tpu.enqueue_indirect_dma source(%arg9 : memref<128x128xf32, #tpu.memory_space<vmem>>) target(%dma_start3A_21 : memref<10112x128xf32, #tpu.memory_space<vmem_shared>>) offsets(%dma_start3A_18 : memref<128xi32, #tpu.memory_space<vmem>>) semaphore(%arg13 : memref<!tpu.dma_semaphore, #tpu.memory_space<semaphore_mem>>) {add = true}
    %scan3A = arith.constant 0 : i32
    %scan3A_22 = arith.constant 0 : i32
    %scan3A_23 = arith.constant 19 : i32
    %scan3A_24 = arith.addi %scan3A_22, %scan3A_23 : i32
    %scan3A_25 = arith.constant 1 : i32
    scf.for %scan3A_102 = %scan3A_22 to %scan3A_24 step %scan3A_25  : i32 {
      %mul3A_103 = arith.constant 2 : i32
      %mul3A_104 = arith.muli %mul3A_103, %scan3A_102 : i32
      %add3A_105 = arith.constant 1 : i32
      %add3A_106 = arith.addi %mul3A_104, %add3A_105 : i32
      %add3A_107 = arith.constant 2 : i32
      %add3A_108 = arith.addi %mul3A_104, %add3A_107 : i32
      %dma_start3A_109 = arith.constant 0 : i32
      %dma_start3A_110 = tpu.memref_slice %arg7[%add3A_106, %dma_start3A_109] : memref<40x128xi32, #tpu.memory_space<vmem>> -> memref<1x128xi32, #tpu.memory_space<vmem>>
      %dma_start3A_111 = tpu.memref_squeeze %dma_start3A_110 : memref<1x128xi32, #tpu.memory_space<vmem>> -> memref<128xi32, #tpu.memory_space<vmem>>
      %dma_start3A_112 = arith.constant 0 : i32
      %dma_start3A_113 = arith.constant 0 : i32
      %dma_start3A_114 = tpu.memref_slice %arg2[%dma_start3A_112, %dma_start3A_113] : memref<10000x128xf32, #tpu.memory_space<hbm>> -> memref<10000x128xf32, #tpu.memory_space<hbm>>
      tpu.enqueue_indirect_dma source(%dma_start3A_114 : memref<10000x128xf32, #tpu.memory_space<hbm>>) target(%arg10 : memref<128x128xf32, #tpu.memory_space<vmem>>) offsets(%dma_start3A_111 : memref<128xi32, #tpu.memory_space<vmem>>) semaphore(%arg12 : memref<!tpu.dma_semaphore, #tpu.memory_space<semaphore_mem>>)
      %dma_wait3A_115 = arith.constant 0 : i32
      %dma_wait3A_116 = tpu.memref_slice %arg7[%add3A_106, %dma_wait3A_115] : memref<40x128xi32, #tpu.memory_space<vmem>> -> memref<1x128xi32, #tpu.memory_space<vmem>>
      %dma_wait3A_117 = tpu.memref_squeeze %dma_wait3A_116 : memref<1x128xi32, #tpu.memory_space<vmem>> -> memref<128xi32, #tpu.memory_space<vmem>>
      %dma_wait3A_118 = arith.constant 0 : i32
      %dma_wait3A_119 = arith.constant 0 : i32
      %dma_wait3A_120 = tpu.memref_slice %arg2[%dma_wait3A_118, %dma_wait3A_119] : memref<10000x128xf32, #tpu.memory_space<hbm>> -> memref<10000x128xf32, #tpu.memory_space<hbm>>
      tpu.wait_indirect_dma semaphore(%arg12 : memref<!tpu.dma_semaphore, #tpu.memory_space<semaphore_mem>>) src(%dma_wait3A_120 : memref<10000x128xf32, #tpu.memory_space<hbm>>) dst(%arg10 : memref<128x128xf32, #tpu.memory_space<vmem>>)
      %dma_wait3A_121 = arith.constant 0 : i32
      %dma_wait3A_122 = tpu.memref_slice %arg8[%mul3A_104, %dma_wait3A_121] : memref<40x128xi32, #tpu.memory_space<vmem>> -> memref<1x128xi32, #tpu.memory_space<vmem>>
      %dma_wait3A_123 = tpu.memref_squeeze %dma_wait3A_122 : memref<1x128xi32, #tpu.memory_space<vmem>> -> memref<128xi32, #tpu.memory_space<vmem>>
      %dma_wait3A_124 = arith.constant 0 : i32
      %dma_wait3A_125 = arith.constant 0 : i32
      %dma_wait3A_126 = tpu.memref_slice %arg11[%dma_wait3A_124, %dma_wait3A_125] : memref<10112x128xf32, #tpu.memory_space<vmem_shared>> -> memref<10112x128xf32, #tpu.memory_space<vmem_shared>>
      tpu.wait_indirect_dma semaphore(%arg13 : memref<!tpu.dma_semaphore, #tpu.memory_space<semaphore_mem>>) src(%arg9 : memref<128x128xf32, #tpu.memory_space<vmem>>) dst(%dma_wait3A_126 : memref<10112x128xf32, #tpu.memory_space<vmem_shared>>)
      %dma_start3A_127 = arith.constant 0 : i32
      %dma_start3A_128 = tpu.memref_slice %arg8[%add3A_106, %dma_start3A_127] : memref<40x128xi32, #tpu.memory_space<vmem>> -> memref<1x128xi32, #tpu.memory_space<vmem>>
      %dma_start3A_129 = tpu.memref_squeeze %dma_start3A_128 : memref<1x128xi32, #tpu.memory_space<vmem>> -> memref<128xi32, #tpu.memory_space<vmem>>
      %dma_start3A_130 = arith.constant 0 : i32
      %dma_start3A_131 = arith.constant 0 : i32
      %dma_start3A_132 = tpu.memref_slice %arg11[%dma_start3A_130, %dma_start3A_131] : memref<10112x128xf32, #tpu.memory_space<vmem_shared>> -> memref<10112x128xf32, #tpu.memory_space<vmem_shared>>
      tpu.enqueue_indirect_dma source(%arg10 : memref<128x128xf32, #tpu.memory_space<vmem>>) target(%dma_start3A_132 : memref<10112x128xf32, #tpu.memory_space<vmem_shared>>) offsets(%dma_start3A_129 : memref<128xi32, #tpu.memory_space<vmem>>) semaphore(%arg14 : memref<!tpu.dma_semaphore, #tpu.memory_space<semaphore_mem>>) {add = true}
      %dma_start3A_133 = arith.constant 0 : i32
      %dma_start3A_134 = tpu.memref_slice %arg7[%add3A_108, %dma_start3A_133] : memref<40x128xi32, #tpu.memory_space<vmem>> -> memref<1x128xi32, #tpu.memory_space<vmem>>
      %dma_start3A_135 = tpu.memref_squeeze %dma_start3A_134 : memref<1x128xi32, #tpu.memory_space<vmem>> -> memref<128xi32, #tpu.memory_space<vmem>>
      %dma_start3A_136 = arith.constant 0 : i32
      %dma_start3A_137 = arith.constant 0 : i32
      %dma_start3A_138 = tpu.memref_slice %arg2[%dma_start3A_136, %dma_start3A_137] : memref<10000x128xf32, #tpu.memory_space<hbm>> -> memref<10000x128xf32, #tpu.memory_space<hbm>>
      tpu.enqueue_indirect_dma source(%dma_start3A_138 : memref<10000x128xf32, #tpu.memory_space<hbm>>) target(%arg9 : memref<128x128xf32, #tpu.memory_space<vmem>>) offsets(%dma_start3A_135 : memref<128xi32, #tpu.memory_space<vmem>>) semaphore(%arg12 : memref<!tpu.dma_semaphore, #tpu.memory_space<semaphore_mem>>)
      %dma_wait3A_139 = arith.constant 0 : i32
      %dma_wait3A_140 = tpu.memref_slice %arg7[%add3A_108, %dma_wait3A_139] : memref<40x128xi32, #tpu.memory_space<vmem>> -> memref<1x128xi32, #tpu.memory_space<vmem>>
      %dma_wait3A_141 = tpu.memref_squeeze %dma_wait3A_140 : memref<1x128xi32, #tpu.memory_space<vmem>> -> memref<128xi32, #tpu.memory_space<vmem>>
      %dma_wait3A_142 = arith.constant 0 : i32
      %dma_wait3A_143 = arith.constant 0 : i32
      %dma_wait3A_144 = tpu.memref_slice %arg2[%dma_wait3A_142, %dma_wait3A_143] : memref<10000x128xf32, #tpu.memory_space<hbm>> -> memref<10000x128xf32, #tpu.memory_space<hbm>>
      tpu.wait_indirect_dma semaphore(%arg12 : memref<!tpu.dma_semaphore, #tpu.memory_space<semaphore_mem>>) src(%dma_wait3A_144 : memref<10000x128xf32, #tpu.memory_space<hbm>>) dst(%arg9 : memref<128x128xf32, #tpu.memory_space<vmem>>)
      %dma_wait3A_145 = arith.constant 0 : i32
      %dma_wait3A_146 = tpu.memref_slice %arg8[%add3A_106, %dma_wait3A_145] : memref<40x128xi32, #tpu.memory_space<vmem>> -> memref<1x128xi32, #tpu.memory_space<vmem>>
      %dma_wait3A_147 = tpu.memref_squeeze %dma_wait3A_146 : memref<1x128xi32, #tpu.memory_space<vmem>> -> memref<128xi32, #tpu.memory_space<vmem>>
      %dma_wait3A_148 = arith.constant 0 : i32
      %dma_wait3A_149 = arith.constant 0 : i32
      %dma_wait3A_150 = tpu.memref_slice %arg11[%dma_wait3A_148, %dma_wait3A_149] : memref<10112x128xf32, #tpu.memory_space<vmem_shared>> -> memref<10112x128xf32, #tpu.memory_space<vmem_shared>>
      tpu.wait_indirect_dma semaphore(%arg14 : memref<!tpu.dma_semaphore, #tpu.memory_space<semaphore_mem>>) src(%arg10 : memref<128x128xf32, #tpu.memory_space<vmem>>) dst(%dma_wait3A_150 : memref<10112x128xf32, #tpu.memory_space<vmem_shared>>)
      %dma_start3A_151 = arith.constant 0 : i32
      %dma_start3A_152 = tpu.memref_slice %arg8[%add3A_108, %dma_start3A_151] : memref<40x128xi32, #tpu.memory_space<vmem>> -> memref<1x128xi32, #tpu.memory_space<vmem>>
      %dma_start3A_153 = tpu.memref_squeeze %dma_start3A_152 : memref<1x128xi32, #tpu.memory_space<vmem>> -> memref<128xi32, #tpu.memory_space<vmem>>
      %dma_start3A_154 = arith.constant 0 : i32
      %dma_start3A_155 = arith.constant 0 : i32
      %dma_start3A_156 = tpu.memref_slice %arg11[%dma_start3A_154, %dma_start3A_155] : memref<10112x128xf32, #tpu.memory_space<vmem_shared>> -> memref<10112x128xf32, #tpu.memory_space<vmem_shared>>
      tpu.enqueue_indirect_dma source(%arg9 : memref<128x128xf32, #tpu.memory_space<vmem>>) target(%dma_start3A_156 : memref<10112x128xf32, #tpu.memory_space<vmem_shared>>) offsets(%dma_start3A_153 : memref<128xi32, #tpu.memory_space<vmem>>) semaphore(%arg13 : memref<!tpu.dma_semaphore, #tpu.memory_space<semaphore_mem>>) {add = true}
    }
    %scan3A_26 = arith.constant 19 : i32
    %dma_start3A_27 = arith.constant 39 : i32
    %dma_start3A_28 = arith.constant 0 : i32
    %dma_start3A_29 = tpu.memref_slice %arg7[%dma_start3A_27, %dma_start3A_28] : memref<40x128xi32, #tpu.memory_space<vmem>> -> memref<1x128xi32, #tpu.memory_space<vmem>>
    %dma_start3A_30 = tpu.memref_squeeze %dma_start3A_29 : memref<1x128xi32, #tpu.memory_space<vmem>> -> memref<128xi32, #tpu.memory_space<vmem>>
    %dma_start3A_31 = arith.constant 0 : i32
    %dma_start3A_32 = arith.constant 0 : i32
    %dma_start3A_33 = tpu.memref_slice %arg2[%dma_start3A_31, %dma_start3A_32] : memref<10000x128xf32, #tpu.memory_space<hbm>> -> memref<10000x128xf32, #tpu.memory_space<hbm>>
    tpu.enqueue_indirect_dma source(%dma_start3A_33 : memref<10000x128xf32, #tpu.memory_space<hbm>>) target(%arg10 : memref<128x128xf32, #tpu.memory_space<vmem>>) offsets(%dma_start3A_30 : memref<128xi32, #tpu.memory_space<vmem>>) semaphore(%arg12 : memref<!tpu.dma_semaphore, #tpu.memory_space<semaphore_mem>>)
    %dma_wait3A_34 = arith.constant 39 : i32
    %dma_wait3A_35 = arith.constant 0 : i32
    %dma_wait3A_36 = tpu.memref_slice %arg7[%dma_wait3A_34, %dma_wait3A_35] : memref<40x128xi32, #tpu.memory_space<vmem>> -> memref<1x128xi32, #tpu.memory_space<vmem>>
    %dma_wait3A_37 = tpu.memref_squeeze %dma_wait3A_36 : memref<1x128xi32, #tpu.memory_space<vmem>> -> memref<128xi32, #tpu.memory_space<vmem>>
    %dma_wait3A_38 = arith.constant 0 : i32
    %dma_wait3A_39 = arith.constant 0 : i32
    %dma_wait3A_40 = tpu.memref_slice %arg2[%dma_wait3A_38, %dma_wait3A_39] : memref<10000x128xf32, #tpu.memory_space<hbm>> -> memref<10000x128xf32, #tpu.memory_space<hbm>>
    tpu.wait_indirect_dma semaphore(%arg12 : memref<!tpu.dma_semaphore, #tpu.memory_space<semaphore_mem>>) src(%dma_wait3A_40 : memref<10000x128xf32, #tpu.memory_space<hbm>>) dst(%arg10 : memref<128x128xf32, #tpu.memory_space<vmem>>)
    %dma_wait3A_41 = arith.constant 38 : i32
    %dma_wait3A_42 = arith.constant 0 : i32
    %dma_wait3A_43 = tpu.memref_slice %arg8[%dma_wait3A_41, %dma_wait3A_42] : memref<40x128xi32, #tpu.memory_space<vmem>> -> memref<1x128xi32, #tpu.memory_space<vmem>>
    %dma_wait3A_44 = tpu.memref_squeeze %dma_wait3A_43 : memref<1x128xi32, #tpu.memory_space<vmem>> -> memref<128xi32, #tpu.memory_space<vmem>>
    %dma_wait3A_45 = arith.constant 0 : i32
    %dma_wait3A_46 = arith.constant 0 : i32
    %dma_wait3A_47 = tpu.memref_slice %arg11[%dma_wait3A_45, %dma_wait3A_46] : memref<10112x128xf32, #tpu.memory_space<vmem_shared>> -> memref<10112x128xf32, #tpu.memory_space<vmem_shared>>
    tpu.wait_indirect_dma semaphore(%arg13 : memref<!tpu.dma_semaphore, #tpu.memory_space<semaphore_mem>>) src(%arg9 : memref<128x128xf32, #tpu.memory_space<vmem>>) dst(%dma_wait3A_47 : memref<10112x128xf32, #tpu.memory_space<vmem_shared>>)
    %run_scoped3A = arith.constant 39 : i32
    "tpu.region"() ({
      %run_scoped3A_102 = tpu.sem_alloc : memref<!tpu.dma_semaphore, #tpu.memory_space<semaphore_mem>>
      %dma_start3A_103 = arith.constant 0 : i32
      %dma_start3A_104 = tpu.memref_slice %arg8[%run_scoped3A, %dma_start3A_103] : memref<40x128xi32, #tpu.memory_space<vmem>> -> memref<1x128xi32, #tpu.memory_space<vmem>>
      %dma_start3A_105 = tpu.memref_squeeze %dma_start3A_104 : memref<1x128xi32, #tpu.memory_space<vmem>> -> memref<128xi32, #tpu.memory_space<vmem>>
      %dma_start3A_106 = arith.constant 0 : i32
      %dma_start3A_107 = arith.constant 0 : i32
      %dma_start3A_108 = tpu.memref_slice %arg11[%dma_start3A_106, %dma_start3A_107] : memref<10112x128xf32, #tpu.memory_space<vmem_shared>> -> memref<10112x128xf32, #tpu.memory_space<vmem_shared>>
      tpu.enqueue_indirect_dma source(%arg10 : memref<128x128xf32, #tpu.memory_space<vmem>>) target(%dma_start3A_108 : memref<10112x128xf32, #tpu.memory_space<vmem_shared>>) offsets(%dma_start3A_105 : memref<128xi32, #tpu.memory_space<vmem>>) semaphore(%run_scoped3A_102 : memref<!tpu.dma_semaphore, #tpu.memory_space<semaphore_mem>>) {add = true}
      %dma_wait3A_109 = arith.constant 0 : i32
      %dma_wait3A_110 = tpu.memref_slice %arg8[%run_scoped3A, %dma_wait3A_109] : memref<40x128xi32, #tpu.memory_space<vmem>> -> memref<1x128xi32, #tpu.memory_space<vmem>>
      %dma_wait3A_111 = tpu.memref_squeeze %dma_wait3A_110 : memref<1x128xi32, #tpu.memory_space<vmem>> -> memref<128xi32, #tpu.memory_space<vmem>>
      %dma_wait3A_112 = arith.constant 0 : i32
      %dma_wait3A_113 = arith.constant 0 : i32
      %dma_wait3A_114 = tpu.memref_slice %arg11[%dma_wait3A_112, %dma_wait3A_113] : memref<10112x128xf32, #tpu.memory_space<vmem_shared>> -> memref<10112x128xf32, #tpu.memory_space<vmem_shared>>
      tpu.wait_indirect_dma semaphore(%run_scoped3A_102 : memref<!tpu.dma_semaphore, #tpu.memory_space<semaphore_mem>>) src(%arg10 : memref<128x128xf32, #tpu.memory_space<vmem>>) dst(%dma_wait3A_114 : memref<10112x128xf32, #tpu.memory_space<vmem_shared>>)
      tpu.yield
    }) : () -> ()
    "tpu.region"() ({
      %run_scoped3A_102 = tpu.sem_alloc : memref<!tpu.dma_semaphore, #tpu.memory_space<semaphore_mem>>
      %dma_start3A_103 = arith.constant 40 : i32
      %dma_start3A_104 = arith.constant 0 : i32
      %dma_start3A_105 = tpu.memref_slice %arg3[%add3A, %dma_start3A_103, %dma_start3A_104] : memref<32x80x128xi32, #tpu.memory_space<hbm>> -> memref<1x40x128xi32, #tpu.memory_space<hbm>>
      %dma_start3A_106 = tpu.memref_squeeze %dma_start3A_105 : memref<1x40x128xi32, #tpu.memory_space<hbm>> -> memref<40x128xi32, #tpu.memory_space<hbm>>
      %dma_start3A_107 = arith.constant 40 : i32
      %dma_start3A_108 = arith.constant 0 : i32
      %dma_start3A_109 = tpu.memref_slice %arg3[%add3A, %dma_start3A_107, %dma_start3A_108] : memref<32x80x128xi32, #tpu.memory_space<hbm>> -> memref<1x40x128xi32, #tpu.memory_space<hbm>>
      %dma_start3A_110 = tpu.memref_squeeze %dma_start3A_109 : memref<1x40x128xi32, #tpu.memory_space<hbm>> -> memref<40x128xi32, #tpu.memory_space<hbm>>
      tpu.enqueue_dma source(%dma_start3A_110 : memref<40x128xi32, #tpu.memory_space<hbm>>) target(%arg7 : memref<40x128xi32, #tpu.memory_space<vmem>>) target_semaphore(%run_scoped3A_102 : memref<!tpu.dma_semaphore, #tpu.memory_space<semaphore_mem>>)
      %dma_wait3A_111 = arith.constant 40 : i32
      %dma_wait3A_112 = arith.constant 0 : i32
      %dma_wait3A_113 = tpu.memref_slice %arg3[%add3A, %dma_wait3A_111, %dma_wait3A_112] : memref<32x80x128xi32, #tpu.memory_space<hbm>> -> memref<1x40x128xi32, #tpu.memory_space<hbm>>
      %dma_wait3A_114 = tpu.memref_squeeze %dma_wait3A_113 : memref<1x40x128xi32, #tpu.memory_space<hbm>> -> memref<40x128xi32, #tpu.memory_space<hbm>>
      %dma_wait3A_115 = arith.constant 40 : i32
      %dma_wait3A_116 = arith.constant 0 : i32
      %dma_wait3A_117 = tpu.memref_slice %arg3[%add3A, %dma_wait3A_115, %dma_wait3A_116] : memref<32x80x128xi32, #tpu.memory_space<hbm>> -> memref<1x40x128xi32, #tpu.memory_space<hbm>>
      %dma_wait3A_118 = tpu.memref_squeeze %dma_wait3A_117 : memref<1x40x128xi32, #tpu.memory_space<hbm>> -> memref<40x128xi32, #tpu.memory_space<hbm>>
      tpu.wait_dma2 semaphore(%run_scoped3A_102 : memref<!tpu.dma_semaphore, #tpu.memory_space<semaphore_mem>>) src(%dma_wait3A_118 : memref<40x128xi32, #tpu.memory_space<hbm>>) dst(%arg7 : memref<40x128xi32, #tpu.memory_space<vmem>>)
      tpu.yield
    }) : () -> ()
    "tpu.region"() ({
      %run_scoped3A_102 = tpu.sem_alloc : memref<!tpu.dma_semaphore, #tpu.memory_space<semaphore_mem>>
      %dma_start3A_103 = arith.constant 40 : i32
      %dma_start3A_104 = arith.constant 0 : i32
      %dma_start3A_105 = tpu.memref_slice %arg4[%add3A, %dma_start3A_103, %dma_start3A_104] : memref<32x80x128xi32, #tpu.memory_space<hbm>> -> memref<1x40x128xi32, #tpu.memory_space<hbm>>
      %dma_start3A_106 = tpu.memref_squeeze %dma_start3A_105 : memref<1x40x128xi32, #tpu.memory_space<hbm>> -> memref<40x128xi32, #tpu.memory_space<hbm>>
      %dma_start3A_107 = arith.constant 40 : i32
      %dma_start3A_108 = arith.constant 0 : i32
      %dma_start3A_109 = tpu.memref_slice %arg4[%add3A, %dma_start3A_107, %dma_start3A_108] : memref<32x80x128xi32, #tpu.memory_space<hbm>> -> memref<1x40x128xi32, #tpu.memory_space<hbm>>
      %dma_start3A_110 = tpu.memref_squeeze %dma_start3A_109 : memref<1x40x128xi32, #tpu.memory_space<hbm>> -> memref<40x128xi32, #tpu.memory_space<hbm>>
      tpu.enqueue_dma source(%dma_start3A_110 : memref<40x128xi32, #tpu.memory_space<hbm>>) target(%arg8 : memref<40x128xi32, #tpu.memory_space<vmem>>) target_semaphore(%run_scoped3A_102 : memref<!tpu.dma_semaphore, #tpu.memory_space<semaphore_mem>>)
      %dma_wait3A_111 = arith.constant 40 : i32
      %dma_wait3A_112 = arith.constant 0 : i32
      %dma_wait3A_113 = tpu.memref_slice %arg4[%add3A, %dma_wait3A_111, %dma_wait3A_112] : memref<32x80x128xi32, #tpu.memory_space<hbm>> -> memref<1x40x128xi32, #tpu.memory_space<hbm>>
      %dma_wait3A_114 = tpu.memref_squeeze %dma_wait3A_113 : memref<1x40x128xi32, #tpu.memory_space<hbm>> -> memref<40x128xi32, #tpu.memory_space<hbm>>
      %dma_wait3A_115 = arith.constant 40 : i32
      %dma_wait3A_116 = arith.constant 0 : i32
      %dma_wait3A_117 = tpu.memref_slice %arg4[%add3A, %dma_wait3A_115, %dma_wait3A_116] : memref<32x80x128xi32, #tpu.memory_space<hbm>> -> memref<1x40x128xi32, #tpu.memory_space<hbm>>
      %dma_wait3A_118 = tpu.memref_squeeze %dma_wait3A_117 : memref<1x40x128xi32, #tpu.memory_space<hbm>> -> memref<40x128xi32, #tpu.memory_space<hbm>>
      tpu.wait_dma2 semaphore(%run_scoped3A_102 : memref<!tpu.dma_semaphore, #tpu.memory_space<semaphore_mem>>) src(%dma_wait3A_118 : memref<40x128xi32, #tpu.memory_space<hbm>>) dst(%arg8 : memref<40x128xi32, #tpu.memory_space<vmem>>)
      tpu.yield
    }) : () -> ()
    %dma_start3A_48 = arith.constant 0 : i32
    %dma_start3A_49 = arith.constant 0 : i32
    %dma_start3A_50 = tpu.memref_slice %arg7[%dma_start3A_48, %dma_start3A_49] : memref<40x128xi32, #tpu.memory_space<vmem>> -> memref<1x128xi32, #tpu.memory_space<vmem>>
    %dma_start3A_51 = tpu.memref_squeeze %dma_start3A_50 : memref<1x128xi32, #tpu.memory_space<vmem>> -> memref<128xi32, #tpu.memory_space<vmem>>
    %dma_start3A_52 = arith.constant 0 : i32
    %dma_start3A_53 = arith.constant 0 : i32
    %dma_start3A_54 = tpu.memref_slice %arg2[%dma_start3A_52, %dma_start3A_53] : memref<10000x128xf32, #tpu.memory_space<hbm>> -> memref<10000x128xf32, #tpu.memory_space<hbm>>
    tpu.enqueue_indirect_dma source(%dma_start3A_54 : memref<10000x128xf32, #tpu.memory_space<hbm>>) target(%arg9 : memref<128x128xf32, #tpu.memory_space<vmem>>) offsets(%dma_start3A_51 : memref<128xi32, #tpu.memory_space<vmem>>) semaphore(%arg12 : memref<!tpu.dma_semaphore, #tpu.memory_space<semaphore_mem>>)
    %dma_wait3A_55 = arith.constant 0 : i32
    %dma_wait3A_56 = arith.constant 0 : i32
    %dma_wait3A_57 = tpu.memref_slice %arg7[%dma_wait3A_55, %dma_wait3A_56] : memref<40x128xi32, #tpu.memory_space<vmem>> -> memref<1x128xi32, #tpu.memory_space<vmem>>
    %dma_wait3A_58 = tpu.memref_squeeze %dma_wait3A_57 : memref<1x128xi32, #tpu.memory_space<vmem>> -> memref<128xi32, #tpu.memory_space<vmem>>
    %dma_wait3A_59 = arith.constant 0 : i32
    %dma_wait3A_60 = arith.constant 0 : i32
    %dma_wait3A_61 = tpu.memref_slice %arg2[%dma_wait3A_59, %dma_wait3A_60] : memref<10000x128xf32, #tpu.memory_space<hbm>> -> memref<10000x128xf32, #tpu.memory_space<hbm>>
    tpu.wait_indirect_dma semaphore(%arg12 : memref<!tpu.dma_semaphore, #tpu.memory_space<semaphore_mem>>) src(%dma_wait3A_61 : memref<10000x128xf32, #tpu.memory_space<hbm>>) dst(%arg9 : memref<128x128xf32, #tpu.memory_space<vmem>>)
    %dma_start3A_62 = arith.constant 0 : i32
    %dma_start3A_63 = arith.constant 0 : i32
    %dma_start3A_64 = tpu.memref_slice %arg8[%dma_start3A_62, %dma_start3A_63] : memref<40x128xi32, #tpu.memory_space<vmem>> -> memref<1x128xi32, #tpu.memory_space<vmem>>
    %dma_start3A_65 = tpu.memref_squeeze %dma_start3A_64 : memref<1x128xi32, #tpu.memory_space<vmem>> -> memref<128xi32, #tpu.memory_space<vmem>>
    %dma_start3A_66 = arith.constant 0 : i32
    %dma_start3A_67 = arith.constant 0 : i32
    %dma_start3A_68 = tpu.memref_slice %arg11[%dma_start3A_66, %dma_start3A_67] : memref<10112x128xf32, #tpu.memory_space<vmem_shared>> -> memref<10112x128xf32, #tpu.memory_space<vmem_shared>>
    tpu.enqueue_indirect_dma source(%arg9 : memref<128x128xf32, #tpu.memory_space<vmem>>) target(%dma_start3A_68 : memref<10112x128xf32, #tpu.memory_space<vmem_shared>>) offsets(%dma_start3A_65 : memref<128xi32, #tpu.memory_space<vmem>>) semaphore(%arg13 : memref<!tpu.dma_semaphore, #tpu.memory_space<semaphore_mem>>) {add = true}
    %scan3A_69 = arith.constant 0 : i32
    %scan3A_70 = arith.constant 0 : i32
    %scan3A_71 = arith.constant 19 : i32
    %scan3A_72 = arith.addi %scan3A_70, %scan3A_71 : i32
    %scan3A_73 = arith.constant 1 : i32
    scf.for %scan3A_102 = %scan3A_70 to %scan3A_72 step %scan3A_73  : i32 {
      %mul3A_103 = arith.constant 2 : i32
      %mul3A_104 = arith.muli %mul3A_103, %scan3A_102 : i32
      %add3A_105 = arith.constant 1 : i32
      %add3A_106 = arith.addi %mul3A_104, %add3A_105 : i32
      %add3A_107 = arith.constant 2 : i32
      %add3A_108 = arith.addi %mul3A_104, %add3A_107 : i32
      %dma_start3A_109 = arith.constant 0 : i32
      %dma_start3A_110 = tpu.memref_slice %arg7[%add3A_106, %dma_start3A_109] : memref<40x128xi32, #tpu.memory_space<vmem>> -> memref<1x128xi32, #tpu.memory_space<vmem>>
      %dma_start3A_111 = tpu.memref_squeeze %dma_start3A_110 : memref<1x128xi32, #tpu.memory_space<vmem>> -> memref<128xi32, #tpu.memory_space<vmem>>
      %dma_start3A_112 = arith.constant 0 : i32
      %dma_start3A_113 = arith.constant 0 : i32
      %dma_start3A_114 = tpu.memref_slice %arg2[%dma_start3A_112, %dma_start3A_113] : memref<10000x128xf32, #tpu.memory_space<hbm>> -> memref<10000x128xf32, #tpu.memory_space<hbm>>
      tpu.enqueue_indirect_dma source(%dma_start3A_114 : memref<10000x128xf32, #tpu.memory_space<hbm>>) target(%arg10 : memref<128x128xf32, #tpu.memory_space<vmem>>) offsets(%dma_start3A_111 : memref<128xi32, #tpu.memory_space<vmem>>) semaphore(%arg12 : memref<!tpu.dma_semaphore, #tpu.memory_space<semaphore_mem>>)
      %dma_wait3A_115 = arith.constant 0 : i32
      %dma_wait3A_116 = tpu.memref_slice %arg7[%add3A_106, %dma_wait3A_115] : memref<40x128xi32, #tpu.memory_space<vmem>> -> memref<1x128xi32, #tpu.memory_space<vmem>>
      %dma_wait3A_117 = tpu.memref_squeeze %dma_wait3A_116 : memref<1x128xi32, #tpu.memory_space<vmem>> -> memref<128xi32, #tpu.memory_space<vmem>>
      %dma_wait3A_118 = arith.constant 0 : i32
      %dma_wait3A_119 = arith.constant 0 : i32
      %dma_wait3A_120 = tpu.memref_slice %arg2[%dma_wait3A_118, %dma_wait3A_119] : memref<10000x128xf32, #tpu.memory_space<hbm>> -> memref<10000x128xf32, #tpu.memory_space<hbm>>
      tpu.wait_indirect_dma semaphore(%arg12 : memref<!tpu.dma_semaphore, #tpu.memory_space<semaphore_mem>>) src(%dma_wait3A_120 : memref<10000x128xf32, #tpu.memory_space<hbm>>) dst(%arg10 : memref<128x128xf32, #tpu.memory_space<vmem>>)
      %dma_wait3A_121 = arith.constant 0 : i32
      %dma_wait3A_122 = tpu.memref_slice %arg8[%mul3A_104, %dma_wait3A_121] : memref<40x128xi32, #tpu.memory_space<vmem>> -> memref<1x128xi32, #tpu.memory_space<vmem>>
      %dma_wait3A_123 = tpu.memref_squeeze %dma_wait3A_122 : memref<1x128xi32, #tpu.memory_space<vmem>> -> memref<128xi32, #tpu.memory_space<vmem>>
      %dma_wait3A_124 = arith.constant 0 : i32
      %dma_wait3A_125 = arith.constant 0 : i32
      %dma_wait3A_126 = tpu.memref_slice %arg11[%dma_wait3A_124, %dma_wait3A_125] : memref<10112x128xf32, #tpu.memory_space<vmem_shared>> -> memref<10112x128xf32, #tpu.memory_space<vmem_shared>>
      tpu.wait_indirect_dma semaphore(%arg13 : memref<!tpu.dma_semaphore, #tpu.memory_space<semaphore_mem>>) src(%arg9 : memref<128x128xf32, #tpu.memory_space<vmem>>) dst(%dma_wait3A_126 : memref<10112x128xf32, #tpu.memory_space<vmem_shared>>)
      %dma_start3A_127 = arith.constant 0 : i32
      %dma_start3A_128 = tpu.memref_slice %arg8[%add3A_106, %dma_start3A_127] : memref<40x128xi32, #tpu.memory_space<vmem>> -> memref<1x128xi32, #tpu.memory_space<vmem>>
      %dma_start3A_129 = tpu.memref_squeeze %dma_start3A_128 : memref<1x128xi32, #tpu.memory_space<vmem>> -> memref<128xi32, #tpu.memory_space<vmem>>
      %dma_start3A_130 = arith.constant 0 : i32
      %dma_start3A_131 = arith.constant 0 : i32
      %dma_start3A_132 = tpu.memref_slice %arg11[%dma_start3A_130, %dma_start3A_131] : memref<10112x128xf32, #tpu.memory_space<vmem_shared>> -> memref<10112x128xf32, #tpu.memory_space<vmem_shared>>
      tpu.enqueue_indirect_dma source(%arg10 : memref<128x128xf32, #tpu.memory_space<vmem>>) target(%dma_start3A_132 : memref<10112x128xf32, #tpu.memory_space<vmem_shared>>) offsets(%dma_start3A_129 : memref<128xi32, #tpu.memory_space<vmem>>) semaphore(%arg14 : memref<!tpu.dma_semaphore, #tpu.memory_space<semaphore_mem>>) {add = true}
      %dma_start3A_133 = arith.constant 0 : i32
      %dma_start3A_134 = tpu.memref_slice %arg7[%add3A_108, %dma_start3A_133] : memref<40x128xi32, #tpu.memory_space<vmem>> -> memref<1x128xi32, #tpu.memory_space<vmem>>
      %dma_start3A_135 = tpu.memref_squeeze %dma_start3A_134 : memref<1x128xi32, #tpu.memory_space<vmem>> -> memref<128xi32, #tpu.memory_space<vmem>>
      %dma_start3A_136 = arith.constant 0 : i32
      %dma_start3A_137 = arith.constant 0 : i32
      %dma_start3A_138 = tpu.memref_slice %arg2[%dma_start3A_136, %dma_start3A_137] : memref<10000x128xf32, #tpu.memory_space<hbm>> -> memref<10000x128xf32, #tpu.memory_space<hbm>>
      tpu.enqueue_indirect_dma source(%dma_start3A_138 : memref<10000x128xf32, #tpu.memory_space<hbm>>) target(%arg9 : memref<128x128xf32, #tpu.memory_space<vmem>>) offsets(%dma_start3A_135 : memref<128xi32, #tpu.memory_space<vmem>>) semaphore(%arg12 : memref<!tpu.dma_semaphore, #tpu.memory_space<semaphore_mem>>)
      %dma_wait3A_139 = arith.constant 0 : i32
      %dma_wait3A_140 = tpu.memref_slice %arg7[%add3A_108, %dma_wait3A_139] : memref<40x128xi32, #tpu.memory_space<vmem>> -> memref<1x128xi32, #tpu.memory_space<vmem>>
      %dma_wait3A_141 = tpu.memref_squeeze %dma_wait3A_140 : memref<1x128xi32, #tpu.memory_space<vmem>> -> memref<128xi32, #tpu.memory_space<vmem>>
      %dma_wait3A_142 = arith.constant 0 : i32
      %dma_wait3A_143 = arith.constant 0 : i32
      %dma_wait3A_144 = tpu.memref_slice %arg2[%dma_wait3A_142, %dma_wait3A_143] : memref<10000x128xf32, #tpu.memory_space<hbm>> -> memref<10000x128xf32, #tpu.memory_space<hbm>>
      tpu.wait_indirect_dma semaphore(%arg12 : memref<!tpu.dma_semaphore, #tpu.memory_space<semaphore_mem>>) src(%dma_wait3A_144 : memref<10000x128xf32, #tpu.memory_space<hbm>>) dst(%arg9 : memref<128x128xf32, #tpu.memory_space<vmem>>)
      %dma_wait3A_145 = arith.constant 0 : i32
      %dma_wait3A_146 = tpu.memref_slice %arg8[%add3A_106, %dma_wait3A_145] : memref<40x128xi32, #tpu.memory_space<vmem>> -> memref<1x128xi32, #tpu.memory_space<vmem>>
      %dma_wait3A_147 = tpu.memref_squeeze %dma_wait3A_146 : memref<1x128xi32, #tpu.memory_space<vmem>> -> memref<128xi32, #tpu.memory_space<vmem>>
      %dma_wait3A_148 = arith.constant 0 : i32
      %dma_wait3A_149 = arith.constant 0 : i32
      %dma_wait3A_150 = tpu.memref_slice %arg11[%dma_wait3A_148, %dma_wait3A_149] : memref<10112x128xf32, #tpu.memory_space<vmem_shared>> -> memref<10112x128xf32, #tpu.memory_space<vmem_shared>>
      tpu.wait_indirect_dma semaphore(%arg14 : memref<!tpu.dma_semaphore, #tpu.memory_space<semaphore_mem>>) src(%arg10 : memref<128x128xf32, #tpu.memory_space<vmem>>) dst(%dma_wait3A_150 : memref<10112x128xf32, #tpu.memory_space<vmem_shared>>)
      %dma_start3A_151 = arith.constant 0 : i32
      %dma_start3A_152 = tpu.memref_slice %arg8[%add3A_108, %dma_start3A_151] : memref<40x128xi32, #tpu.memory_space<vmem>> -> memref<1x128xi32, #tpu.memory_space<vmem>>
      %dma_start3A_153 = tpu.memref_squeeze %dma_start3A_152 : memref<1x128xi32, #tpu.memory_space<vmem>> -> memref<128xi32, #tpu.memory_space<vmem>>
      %dma_start3A_154 = arith.constant 0 : i32
      %dma_start3A_155 = arith.constant 0 : i32
      %dma_start3A_156 = tpu.memref_slice %arg11[%dma_start3A_154, %dma_start3A_155] : memref<10112x128xf32, #tpu.memory_space<vmem_shared>> -> memref<10112x128xf32, #tpu.memory_space<vmem_shared>>
      tpu.enqueue_indirect_dma source(%arg9 : memref<128x128xf32, #tpu.memory_space<vmem>>) target(%dma_start3A_156 : memref<10112x128xf32, #tpu.memory_space<vmem_shared>>) offsets(%dma_start3A_153 : memref<128xi32, #tpu.memory_space<vmem>>) semaphore(%arg13 : memref<!tpu.dma_semaphore, #tpu.memory_space<semaphore_mem>>) {add = true}
    }
    %scan3A_74 = arith.constant 19 : i32
    %dma_start3A_75 = arith.constant 39 : i32
    %dma_start3A_76 = arith.constant 0 : i32
    %dma_start3A_77 = tpu.memref_slice %arg7[%dma_start3A_75, %dma_start3A_76] : memref<40x128xi32, #tpu.memory_space<vmem>> -> memref<1x128xi32, #tpu.memory_space<vmem>>
    %dma_start3A_78 = tpu.memref_squeeze %dma_start3A_77 : memref<1x128xi32, #tpu.memory_space<vmem>> -> memref<128xi32, #tpu.memory_space<vmem>>
    %dma_start3A_79 = arith.constant 0 : i32
    %dma_start3A_80 = arith.constant 0 : i32
    %dma_start3A_81 = tpu.memref_slice %arg2[%dma_start3A_79, %dma_start3A_80] : memref<10000x128xf32, #tpu.memory_space<hbm>> -> memref<10000x128xf32, #tpu.memory_space<hbm>>
    tpu.enqueue_indirect_dma source(%dma_start3A_81 : memref<10000x128xf32, #tpu.memory_space<hbm>>) target(%arg10 : memref<128x128xf32, #tpu.memory_space<vmem>>) offsets(%dma_start3A_78 : memref<128xi32, #tpu.memory_space<vmem>>) semaphore(%arg12 : memref<!tpu.dma_semaphore, #tpu.memory_space<semaphore_mem>>)
    %dma_wait3A_82 = arith.constant 39 : i32
    %dma_wait3A_83 = arith.constant 0 : i32
    %dma_wait3A_84 = tpu.memref_slice %arg7[%dma_wait3A_82, %dma_wait3A_83] : memref<40x128xi32, #tpu.memory_space<vmem>> -> memref<1x128xi32, #tpu.memory_space<vmem>>
    %dma_wait3A_85 = tpu.memref_squeeze %dma_wait3A_84 : memref<1x128xi32, #tpu.memory_space<vmem>> -> memref<128xi32, #tpu.memory_space<vmem>>
    %dma_wait3A_86 = arith.constant 0 : i32
    %dma_wait3A_87 = arith.constant 0 : i32
    %dma_wait3A_88 = tpu.memref_slice %arg2[%dma_wait3A_86, %dma_wait3A_87] : memref<10000x128xf32, #tpu.memory_space<hbm>> -> memref<10000x128xf32, #tpu.memory_space<hbm>>
    tpu.wait_indirect_dma semaphore(%arg12 : memref<!tpu.dma_semaphore, #tpu.memory_space<semaphore_mem>>) src(%dma_wait3A_88 : memref<10000x128xf32, #tpu.memory_space<hbm>>) dst(%arg10 : memref<128x128xf32, #tpu.memory_space<vmem>>)
    %dma_wait3A_89 = arith.constant 38 : i32
    %dma_wait3A_90 = arith.constant 0 : i32
    %dma_wait3A_91 = tpu.memref_slice %arg8[%dma_wait3A_89, %dma_wait3A_90] : memref<40x128xi32, #tpu.memory_space<vmem>> -> memref<1x128xi32, #tpu.memory_space<vmem>>
    %dma_wait3A_92 = tpu.memref_squeeze %dma_wait3A_91 : memref<1x128xi32, #tpu.memory_space<vmem>> -> memref<128xi32, #tpu.memory_space<vmem>>
    %dma_wait3A_93 = arith.constant 0 : i32
    %dma_wait3A_94 = arith.constant 0 : i32
    %dma_wait3A_95 = tpu.memref_slice %arg11[%dma_wait3A_93, %dma_wait3A_94] : memref<10112x128xf32, #tpu.memory_space<vmem_shared>> -> memref<10112x128xf32, #tpu.memory_space<vmem_shared>>
    tpu.wait_indirect_dma semaphore(%arg13 : memref<!tpu.dma_semaphore, #tpu.memory_space<semaphore_mem>>) src(%arg9 : memref<128x128xf32, #tpu.memory_space<vmem>>) dst(%dma_wait3A_95 : memref<10112x128xf32, #tpu.memory_space<vmem_shared>>)
    %run_scoped3A_96 = arith.constant 39 : i32
    "tpu.region"() ({
      %run_scoped3A_102 = tpu.sem_alloc : memref<!tpu.dma_semaphore, #tpu.memory_space<semaphore_mem>>
      %dma_start3A_103 = arith.constant 0 : i32
      %dma_start3A_104 = tpu.memref_slice %arg8[%run_scoped3A_96, %dma_start3A_103] : memref<40x128xi32, #tpu.memory_space<vmem>> -> memref<1x128xi32, #tpu.memory_space<vmem>>
      %dma_start3A_105 = tpu.memref_squeeze %dma_start3A_104 : memref<1x128xi32, #tpu.memory_space<vmem>> -> memref<128xi32, #tpu.memory_space<vmem>>
      %dma_start3A_106 = arith.constant 0 : i32
      %dma_start3A_107 = arith.constant 0 : i32
      %dma_start3A_108 = tpu.memref_slice %arg11[%dma_start3A_106, %dma_start3A_107] : memref<10112x128xf32, #tpu.memory_space<vmem_shared>> -> memref<10112x128xf32, #tpu.memory_space<vmem_shared>>
      tpu.enqueue_indirect_dma source(%arg10 : memref<128x128xf32, #tpu.memory_space<vmem>>) target(%dma_start3A_108 : memref<10112x128xf32, #tpu.memory_space<vmem_shared>>) offsets(%dma_start3A_105 : memref<128xi32, #tpu.memory_space<vmem>>) semaphore(%run_scoped3A_102 : memref<!tpu.dma_semaphore, #tpu.memory_space<semaphore_mem>>) {add = true}
      %dma_wait3A_109 = arith.constant 0 : i32
      %dma_wait3A_110 = tpu.memref_slice %arg8[%run_scoped3A_96, %dma_wait3A_109] : memref<40x128xi32, #tpu.memory_space<vmem>> -> memref<1x128xi32, #tpu.memory_space<vmem>>
      %dma_wait3A_111 = tpu.memref_squeeze %dma_wait3A_110 : memref<1x128xi32, #tpu.memory_space<vmem>> -> memref<128xi32, #tpu.memory_space<vmem>>
      %dma_wait3A_112 = arith.constant 0 : i32
      %dma_wait3A_113 = arith.constant 0 : i32
      %dma_wait3A_114 = tpu.memref_slice %arg11[%dma_wait3A_112, %dma_wait3A_113] : memref<10112x128xf32, #tpu.memory_space<vmem_shared>> -> memref<10112x128xf32, #tpu.memory_space<vmem_shared>>
      tpu.wait_indirect_dma semaphore(%run_scoped3A_102 : memref<!tpu.dma_semaphore, #tpu.memory_space<semaphore_mem>>) src(%arg10 : memref<128x128xf32, #tpu.memory_space<vmem>>) dst(%dma_wait3A_114 : memref<10112x128xf32, #tpu.memory_space<vmem_shared>>)
      tpu.yield
    }) : () -> ()
    %barrier3A_97 = arith.constant 0 : index
    tpu.barrier barrier_id(%barrier3A_97)
    %mul3A_98 = arith.constant 632 : i32
    %mul3A_99 = arith.muli %arg1, %mul3A_98 : i32
    %mul3A_100 = arith.constant 632 : i32
    %mul3A_101 = arith.muli %arg1, %mul3A_100 : i32
    "tpu.region"() ({
      %run_scoped3A_102 = tpu.sem_alloc : memref<!tpu.dma_semaphore, #tpu.memory_space<semaphore_mem>>
      %dma_start3A_103 = arith.constant 0 : i32
      %dma_start3A_104 = tpu.memref_slice %arg6[%arg0, %mul3A_101, %dma_start3A_103] : memref<2x10112x128xf32, #tpu.memory_space<hbm>> -> memref<1x632x128xf32, #tpu.memory_space<hbm>>
      %dma_start3A_105 = tpu.memref_squeeze %dma_start3A_104 : memref<1x632x128xf32, #tpu.memory_space<hbm>> -> memref<632x128xf32, #tpu.memory_space<hbm>>
      %dma_start3A_106 = arith.constant 0 : i32
      %dma_start3A_107 = tpu.memref_slice %arg11[%mul3A_99, %dma_start3A_106] : memref<10112x128xf32, #tpu.memory_space<vmem_shared>> -> memref<632x128xf32, #tpu.memory_space<vmem_shared>>
      tpu.enqueue_dma source(%dma_start3A_107 : memref<632x128xf32, #tpu.memory_space<vmem_shared>>) target(%dma_start3A_105 : memref<632x128xf32, #tpu.memory_space<hbm>>) target_semaphore(%run_scoped3A_102 : memref<!tpu.dma_semaphore, #tpu.memory_space<semaphore_mem>>)
      %dma_wait3A_108 = arith.constant 0 : i32
      %dma_wait3A_109 = tpu.memref_slice %arg6[%arg0, %mul3A_101, %dma_wait3A_108] : memref<2x10112x128xf32, #tpu.memory_space<hbm>> -> memref<1x632x128xf32, #tpu.memory_space<hbm>>
      %dma_wait3A_110 = tpu.memref_squeeze %dma_wait3A_109 : memref<1x632x128xf32, #tpu.memory_space<hbm>> -> memref<632x128xf32, #tpu.memory_space<hbm>>
      %dma_wait3A_111 = arith.constant 0 : i32
      %dma_wait3A_112 = tpu.memref_slice %arg11[%mul3A_99, %dma_wait3A_111] : memref<10112x128xf32, #tpu.memory_space<vmem_shared>> -> memref<632x128xf32, #tpu.memory_space<vmem_shared>>
      tpu.wait_dma2 semaphore(%run_scoped3A_102 : memref<!tpu.dma_semaphore, #tpu.memory_space<semaphore_mem>>) src(%dma_wait3A_112 : memref<632x128xf32, #tpu.memory_space<vmem_shared>>) dst(%dma_wait3A_110 : memref<632x128xf32, #tpu.memory_space<hbm>>)
      tpu.yield
    }) : () -> ()
    return
  }
}

#map = affine_map<(d0, d1) -> (0, 0)>
#map1 = affine_map<(d0, d1) -> (0, 0, 0)>
module attributes {stable_mosaic.version = 14 : i64} {
  func.func @_agg_sc(%arg0: i32, %arg1: i32, %arg2: memref<10000x128xf32, #tpu.memory_space<hbm>>, %arg3: memref<32x80x128xi32, #tpu.memory_space<hbm>>, %arg4: memref<32x80x128xi32, #tpu.memory_space<hbm>>, %arg5: memref<632x128xf32, #tpu.memory_space<hbm>>, %arg6: memref<2x10112x128xf32, #tpu.memory_space<hbm>>, %arg7: memref<40x128xi32, #tpu.memory_space<vmem>>, %arg8: memref<40x128xi32, #tpu.memory_space<vmem>>, %arg9: memref<128x128xf32, #tpu.memory_space<vmem>>, %arg10: memref<128x128xf32, #tpu.memory_space<vmem>>, %arg11: memref<10112x128xf32, #tpu.memory_space<vmem_shared>>, %arg12: memref<!tpu.dma_semaphore, #tpu.memory_space<semaphore_mem>>, %arg13: memref<!tpu.dma_semaphore, #tpu.memory_space<semaphore_mem>>, %arg14: memref<!tpu.dma_semaphore, #tpu.memory_space<semaphore_mem>>) attributes {dimension_semantics = [#tpu.dimension_semantics<core_parallel>, #tpu.dimension_semantics<subcore_parallel>], iteration_bounds = array<i64: 2, 16>, scalar_prefetch = 0 : i64, scratch_operands = 8 : i64, tpu.core_type = #tpu.core_type<sc_vector_subcore>, window_params = [{transform_indices = #map}, {transform_indices = #map1}, {transform_indices = #map1}, {transform_indices = #map}, {transform_indices = #map1}]} {
    %mul3A = arith.constant 16 : i32
    %mul3A_0 = arith.muli %arg0, %mul3A : i32
    %add3A = arith.addi %mul3A_0, %arg1 : i32
    %mul3A_1 = arith.constant 632 : i32
    %mul3A_2 = arith.muli %arg1, %mul3A_1 : i32
    "tpu.region"() ({
      %run_scoped3A_102 = tpu.sem_alloc : memref<!tpu.dma_semaphore, #tpu.memory_space<semaphore_mem>>
      %dma_start3A_103 = arith.constant 0 : i32
      %dma_start3A_104 = tpu.memref_slice %arg11[%mul3A_2, %dma_start3A_103] : memref<10112x128xf32, #tpu.memory_space<vmem_shared>> -> memref<632x128xf32, #tpu.memory_space<vmem_shared>>
      tpu.enqueue_dma source(%arg5 : memref<632x128xf32, #tpu.memory_space<hbm>>) target(%dma_start3A_104 : memref<632x128xf32, #tpu.memory_space<vmem_shared>>) target_semaphore(%run_scoped3A_102 : memref<!tpu.dma_semaphore, #tpu.memory_space<semaphore_mem>>)
      %dma_wait3A_105 = arith.constant 0 : i32
      %dma_wait3A_106 = tpu.memref_slice %arg11[%mul3A_2, %dma_wait3A_105] : memref<10112x128xf32, #tpu.memory_space<vmem_shared>> -> memref<632x128xf32, #tpu.memory_space<vmem_shared>>
      tpu.wait_dma2 semaphore(%run_scoped3A_102 : memref<!tpu.dma_semaphore, #tpu.memory_space<semaphore_mem>>) src(%arg5 : memref<632x128xf32, #tpu.memory_space<hbm>>) dst(%dma_wait3A_106 : memref<632x128xf32, #tpu.memory_space<vmem_shared>>)
      tpu.yield
    }) : () -> ()
    %barrier3A = arith.constant 0 : index
    tpu.barrier barrier_id(%barrier3A)
    "tpu.region"() ({
      %run_scoped3A_102 = tpu.sem_alloc : memref<!tpu.dma_semaphore, #tpu.memory_space<semaphore_mem>>
      %dma_start3A_103 = arith.constant 0 : i32
      %dma_start3A_104 = arith.constant 0 : i32
      %dma_start3A_105 = tpu.memref_slice %arg3[%add3A, %dma_start3A_103, %dma_start3A_104] : memref<32x80x128xi32, #tpu.memory_space<hbm>> -> memref<1x40x128xi32, #tpu.memory_space<hbm>>
      %dma_start3A_106 = tpu.memref_squeeze %dma_start3A_105 : memref<1x40x128xi32, #tpu.memory_space<hbm>> -> memref<40x128xi32, #tpu.memory_space<hbm>>
      %dma_start3A_107 = arith.constant 0 : i32
      %dma_start3A_108 = arith.constant 0 : i32
      %dma_start3A_109 = tpu.memref_slice %arg3[%add3A, %dma_start3A_107, %dma_start3A_108] : memref<32x80x128xi32, #tpu.memory_space<hbm>> -> memref<1x40x128xi32, #tpu.memory_space<hbm>>
      %dma_start3A_110 = tpu.memref_squeeze %dma_start3A_109 : memref<1x40x128xi32, #tpu.memory_space<hbm>> -> memref<40x128xi32, #tpu.memory_space<hbm>>
      tpu.enqueue_dma source(%dma_start3A_110 : memref<40x128xi32, #tpu.memory_space<hbm>>) target(%arg7 : memref<40x128xi32, #tpu.memory_space<vmem>>) target_semaphore(%run_scoped3A_102 : memref<!tpu.dma_semaphore, #tpu.memory_space<semaphore_mem>>)
      %dma_wait3A_111 = arith.constant 0 : i32
      %dma_wait3A_112 = arith.constant 0 : i32
      %dma_wait3A_113 = tpu.memref_slice %arg3[%add3A, %dma_wait3A_111, %dma_wait3A_112] : memref<32x80x128xi32, #tpu.memory_space<hbm>> -> memref<1x40x128xi32, #tpu.memory_space<hbm>>
      %dma_wait3A_114 = tpu.memref_squeeze %dma_wait3A_113 : memref<1x40x128xi32, #tpu.memory_space<hbm>> -> memref<40x128xi32, #tpu.memory_space<hbm>>
      %dma_wait3A_115 = arith.constant 0 : i32
      %dma_wait3A_116 = arith.constant 0 : i32
      %dma_wait3A_117 = tpu.memref_slice %arg3[%add3A, %dma_wait3A_115, %dma_wait3A_116] : memref<32x80x128xi32, #tpu.memory_space<hbm>> -> memref<1x40x128xi32, #tpu.memory_space<hbm>>
      %dma_wait3A_118 = tpu.memref_squeeze %dma_wait3A_117 : memref<1x40x128xi32, #tpu.memory_space<hbm>> -> memref<40x128xi32, #tpu.memory_space<hbm>>
      tpu.wait_dma2 semaphore(%run_scoped3A_102 : memref<!tpu.dma_semaphore, #tpu.memory_space<semaphore_mem>>) src(%dma_wait3A_118 : memref<40x128xi32, #tpu.memory_space<hbm>>) dst(%arg7 : memref<40x128xi32, #tpu.memory_space<vmem>>)
      tpu.yield
    }) : () -> ()
    "tpu.region"() ({
      %run_scoped3A_102 = tpu.sem_alloc : memref<!tpu.dma_semaphore, #tpu.memory_space<semaphore_mem>>
      %dma_start3A_103 = arith.constant 0 : i32
      %dma_start3A_104 = arith.constant 0 : i32
      %dma_start3A_105 = tpu.memref_slice %arg4[%add3A, %dma_start3A_103, %dma_start3A_104] : memref<32x80x128xi32, #tpu.memory_space<hbm>> -> memref<1x40x128xi32, #tpu.memory_space<hbm>>
      %dma_start3A_106 = tpu.memref_squeeze %dma_start3A_105 : memref<1x40x128xi32, #tpu.memory_space<hbm>> -> memref<40x128xi32, #tpu.memory_space<hbm>>
      %dma_start3A_107 = arith.constant 0 : i32
      %dma_start3A_108 = arith.constant 0 : i32
      %dma_start3A_109 = tpu.memref_slice %arg4[%add3A, %dma_start3A_107, %dma_start3A_108] : memref<32x80x128xi32, #tpu.memory_space<hbm>> -> memref<1x40x128xi32, #tpu.memory_space<hbm>>
      %dma_start3A_110 = tpu.memref_squeeze %dma_start3A_109 : memref<1x40x128xi32, #tpu.memory_space<hbm>> -> memref<40x128xi32, #tpu.memory_space<hbm>>
      tpu.enqueue_dma source(%dma_start3A_110 : memref<40x128xi32, #tpu.memory_space<hbm>>) target(%arg8 : memref<40x128xi32, #tpu.memory_space<vmem>>) target_semaphore(%run_scoped3A_102 : memref<!tpu.dma_semaphore, #tpu.memory_space<semaphore_mem>>)
      %dma_wait3A_111 = arith.constant 0 : i32
      %dma_wait3A_112 = arith.constant 0 : i32
      %dma_wait3A_113 = tpu.memref_slice %arg4[%add3A, %dma_wait3A_111, %dma_wait3A_112] : memref<32x80x128xi32, #tpu.memory_space<hbm>> -> memref<1x40x128xi32, #tpu.memory_space<hbm>>
      %dma_wait3A_114 = tpu.memref_squeeze %dma_wait3A_113 : memref<1x40x128xi32, #tpu.memory_space<hbm>> -> memref<40x128xi32, #tpu.memory_space<hbm>>
      %dma_wait3A_115 = arith.constant 0 : i32
      %dma_wait3A_116 = arith.constant 0 : i32
      %dma_wait3A_117 = tpu.memref_slice %arg4[%add3A, %dma_wait3A_115, %dma_wait3A_116] : memref<32x80x128xi32, #tpu.memory_space<hbm>> -> memref<1x40x128xi32, #tpu.memory_space<hbm>>
      %dma_wait3A_118 = tpu.memref_squeeze %dma_wait3A_117 : memref<1x40x128xi32, #tpu.memory_space<hbm>> -> memref<40x128xi32, #tpu.memory_space<hbm>>
      tpu.wait_dma2 semaphore(%run_scoped3A_102 : memref<!tpu.dma_semaphore, #tpu.memory_space<semaphore_mem>>) src(%dma_wait3A_118 : memref<40x128xi32, #tpu.memory_space<hbm>>) dst(%arg8 : memref<40x128xi32, #tpu.memory_space<vmem>>)
      tpu.yield
    }) : () -> ()
    %dma_start3A = arith.constant 0 : i32
    %dma_start3A_3 = arith.constant 0 : i32
    %dma_start3A_4 = tpu.memref_slice %arg7[%dma_start3A, %dma_start3A_3] : memref<40x128xi32, #tpu.memory_space<vmem>> -> memref<1x128xi32, #tpu.memory_space<vmem>>
    %dma_start3A_5 = tpu.memref_squeeze %dma_start3A_4 : memref<1x128xi32, #tpu.memory_space<vmem>> -> memref<128xi32, #tpu.memory_space<vmem>>
    %dma_start3A_6 = arith.constant 0 : i32
    %dma_start3A_7 = arith.constant 0 : i32
    %dma_start3A_8 = tpu.memref_slice %arg2[%dma_start3A_6, %dma_start3A_7] : memref<10000x128xf32, #tpu.memory_space<hbm>> -> memref<10000x128xf32, #tpu.memory_space<hbm>>
    tpu.enqueue_indirect_dma source(%dma_start3A_8 : memref<10000x128xf32, #tpu.memory_space<hbm>>) target(%arg9 : memref<128x128xf32, #tpu.memory_space<vmem>>) offsets(%dma_start3A_5 : memref<128xi32, #tpu.memory_space<vmem>>) semaphore(%arg12 : memref<!tpu.dma_semaphore, #tpu.memory_space<semaphore_mem>>)
    %dma_wait3A = arith.constant 0 : i32
    %dma_wait3A_9 = arith.constant 0 : i32
    %dma_wait3A_10 = tpu.memref_slice %arg7[%dma_wait3A, %dma_wait3A_9] : memref<40x128xi32, #tpu.memory_space<vmem>> -> memref<1x128xi32, #tpu.memory_space<vmem>>
    %dma_wait3A_11 = tpu.memref_squeeze %dma_wait3A_10 : memref<1x128xi32, #tpu.memory_space<vmem>> -> memref<128xi32, #tpu.memory_space<vmem>>
    %dma_wait3A_12 = arith.constant 0 : i32
    %dma_wait3A_13 = arith.constant 0 : i32
    %dma_wait3A_14 = tpu.memref_slice %arg2[%dma_wait3A_12, %dma_wait3A_13] : memref<10000x128xf32, #tpu.memory_space<hbm>> -> memref<10000x128xf32, #tpu.memory_space<hbm>>
    tpu.wait_indirect_dma semaphore(%arg12 : memref<!tpu.dma_semaphore, #tpu.memory_space<semaphore_mem>>) src(%dma_wait3A_14 : memref<10000x128xf32, #tpu.memory_space<hbm>>) dst(%arg9 : memref<128x128xf32, #tpu.memory_space<vmem>>)
    %dma_start3A_15 = arith.constant 0 : i32
    %dma_start3A_16 = arith.constant 0 : i32
    %dma_start3A_17 = tpu.memref_slice %arg8[%dma_start3A_15, %dma_start3A_16] : memref<40x128xi32, #tpu.memory_space<vmem>> -> memref<1x128xi32, #tpu.memory_space<vmem>>
    %dma_start3A_18 = tpu.memref_squeeze %dma_start3A_17 : memref<1x128xi32, #tpu.memory_space<vmem>> -> memref<128xi32, #tpu.memory_space<vmem>>
    %dma_start3A_19 = arith.constant 0 : i32
    %dma_start3A_20 = arith.constant 0 : i32
    %dma_start3A_21 = tpu.memref_slice %arg11[%dma_start3A_19, %dma_start3A_20] : memref<10112x128xf32, #tpu.memory_space<vmem_shared>> -> memref<10112x128xf32, #tpu.memory_space<vmem_shared>>
    tpu.enqueue_indirect_dma source(%arg9 : memref<128x128xf32, #tpu.memory_space<vmem>>) target(%dma_start3A_21 : memref<10112x128xf32, #tpu.memory_space<vmem_shared>>) offsets(%dma_start3A_18 : memref<128xi32, #tpu.memory_space<vmem>>) semaphore(%arg13 : memref<!tpu.dma_semaphore, #tpu.memory_space<semaphore_mem>>) {add = true}
    %scan3A = arith.constant 0 : i32
    %scan3A_22 = arith.constant 0 : i32
    %scan3A_23 = arith.constant 19 : i32
    %scan3A_24 = arith.addi %scan3A_22, %scan3A_23 : i32
    %scan3A_25 = arith.constant 1 : i32
    scf.for %scan3A_102 = %scan3A_22 to %scan3A_24 step %scan3A_25  : i32 {
      %mul3A_103 = arith.constant 2 : i32
      %mul3A_104 = arith.muli %mul3A_103, %scan3A_102 : i32
      %add3A_105 = arith.constant 1 : i32
      %add3A_106 = arith.addi %mul3A_104, %add3A_105 : i32
      %add3A_107 = arith.constant 2 : i32
      %add3A_108 = arith.addi %mul3A_104, %add3A_107 : i32
      %dma_start3A_109 = arith.constant 0 : i32
      %dma_start3A_110 = tpu.memref_slice %arg7[%add3A_106, %dma_start3A_109] : memref<40x128xi32, #tpu.memory_space<vmem>> -> memref<1x128xi32, #tpu.memory_space<vmem>>
      %dma_start3A_111 = tpu.memref_squeeze %dma_start3A_110 : memref<1x128xi32, #tpu.memory_space<vmem>> -> memref<128xi32, #tpu.memory_space<vmem>>
      %dma_start3A_112 = arith.constant 0 : i32
      %dma_start3A_113 = arith.constant 0 : i32
      %dma_start3A_114 = tpu.memref_slice %arg2[%dma_start3A_112, %dma_start3A_113] : memref<10000x128xf32, #tpu.memory_space<hbm>> -> memref<10000x128xf32, #tpu.memory_space<hbm>>
      tpu.enqueue_indirect_dma source(%dma_start3A_114 : memref<10000x128xf32, #tpu.memory_space<hbm>>) target(%arg10 : memref<128x128xf32, #tpu.memory_space<vmem>>) offsets(%dma_start3A_111 : memref<128xi32, #tpu.memory_space<vmem>>) semaphore(%arg12 : memref<!tpu.dma_semaphore, #tpu.memory_space<semaphore_mem>>)
      %dma_wait3A_115 = arith.constant 0 : i32
      %dma_wait3A_116 = tpu.memref_slice %arg7[%add3A_106, %dma_wait3A_115] : memref<40x128xi32, #tpu.memory_space<vmem>> -> memref<1x128xi32, #tpu.memory_space<vmem>>
      %dma_wait3A_117 = tpu.memref_squeeze %dma_wait3A_116 : memref<1x128xi32, #tpu.memory_space<vmem>> -> memref<128xi32, #tpu.memory_space<vmem>>
      %dma_wait3A_118 = arith.constant 0 : i32
      %dma_wait3A_119 = arith.constant 0 : i32
      %dma_wait3A_120 = tpu.memref_slice %arg2[%dma_wait3A_118, %dma_wait3A_119] : memref<10000x128xf32, #tpu.memory_space<hbm>> -> memref<10000x128xf32, #tpu.memory_space<hbm>>
      tpu.wait_indirect_dma semaphore(%arg12 : memref<!tpu.dma_semaphore, #tpu.memory_space<semaphore_mem>>) src(%dma_wait3A_120 : memref<10000x128xf32, #tpu.memory_space<hbm>>) dst(%arg10 : memref<128x128xf32, #tpu.memory_space<vmem>>)
      %dma_wait3A_121 = arith.constant 0 : i32
      %dma_wait3A_122 = tpu.memref_slice %arg8[%mul3A_104, %dma_wait3A_121] : memref<40x128xi32, #tpu.memory_space<vmem>> -> memref<1x128xi32, #tpu.memory_space<vmem>>
      %dma_wait3A_123 = tpu.memref_squeeze %dma_wait3A_122 : memref<1x128xi32, #tpu.memory_space<vmem>> -> memref<128xi32, #tpu.memory_space<vmem>>
      %dma_wait3A_124 = arith.constant 0 : i32
      %dma_wait3A_125 = arith.constant 0 : i32
      %dma_wait3A_126 = tpu.memref_slice %arg11[%dma_wait3A_124, %dma_wait3A_125] : memref<10112x128xf32, #tpu.memory_space<vmem_shared>> -> memref<10112x128xf32, #tpu.memory_space<vmem_shared>>
      tpu.wait_indirect_dma semaphore(%arg13 : memref<!tpu.dma_semaphore, #tpu.memory_space<semaphore_mem>>) src(%arg9 : memref<128x128xf32, #tpu.memory_space<vmem>>) dst(%dma_wait3A_126 : memref<10112x128xf32, #tpu.memory_space<vmem_shared>>)
      %dma_start3A_127 = arith.constant 0 : i32
      %dma_start3A_128 = tpu.memref_slice %arg8[%add3A_106, %dma_start3A_127] : memref<40x128xi32, #tpu.memory_space<vmem>> -> memref<1x128xi32, #tpu.memory_space<vmem>>
      %dma_start3A_129 = tpu.memref_squeeze %dma_start3A_128 : memref<1x128xi32, #tpu.memory_space<vmem>> -> memref<128xi32, #tpu.memory_space<vmem>>
      %dma_start3A_130 = arith.constant 0 : i32
      %dma_start3A_131 = arith.constant 0 : i32
      %dma_start3A_132 = tpu.memref_slice %arg11[%dma_start3A_130, %dma_start3A_131] : memref<10112x128xf32, #tpu.memory_space<vmem_shared>> -> memref<10112x128xf32, #tpu.memory_space<vmem_shared>>
      tpu.enqueue_indirect_dma source(%arg10 : memref<128x128xf32, #tpu.memory_space<vmem>>) target(%dma_start3A_132 : memref<10112x128xf32, #tpu.memory_space<vmem_shared>>) offsets(%dma_start3A_129 : memref<128xi32, #tpu.memory_space<vmem>>) semaphore(%arg14 : memref<!tpu.dma_semaphore, #tpu.memory_space<semaphore_mem>>) {add = true}
      %dma_start3A_133 = arith.constant 0 : i32
      %dma_start3A_134 = tpu.memref_slice %arg7[%add3A_108, %dma_start3A_133] : memref<40x128xi32, #tpu.memory_space<vmem>> -> memref<1x128xi32, #tpu.memory_space<vmem>>
      %dma_start3A_135 = tpu.memref_squeeze %dma_start3A_134 : memref<1x128xi32, #tpu.memory_space<vmem>> -> memref<128xi32, #tpu.memory_space<vmem>>
      %dma_start3A_136 = arith.constant 0 : i32
      %dma_start3A_137 = arith.constant 0 : i32
      %dma_start3A_138 = tpu.memref_slice %arg2[%dma_start3A_136, %dma_start3A_137] : memref<10000x128xf32, #tpu.memory_space<hbm>> -> memref<10000x128xf32, #tpu.memory_space<hbm>>
      tpu.enqueue_indirect_dma source(%dma_start3A_138 : memref<10000x128xf32, #tpu.memory_space<hbm>>) target(%arg9 : memref<128x128xf32, #tpu.memory_space<vmem>>) offsets(%dma_start3A_135 : memref<128xi32, #tpu.memory_space<vmem>>) semaphore(%arg12 : memref<!tpu.dma_semaphore, #tpu.memory_space<semaphore_mem>>)
      %dma_wait3A_139 = arith.constant 0 : i32
      %dma_wait3A_140 = tpu.memref_slice %arg7[%add3A_108, %dma_wait3A_139] : memref<40x128xi32, #tpu.memory_space<vmem>> -> memref<1x128xi32, #tpu.memory_space<vmem>>
      %dma_wait3A_141 = tpu.memref_squeeze %dma_wait3A_140 : memref<1x128xi32, #tpu.memory_space<vmem>> -> memref<128xi32, #tpu.memory_space<vmem>>
      %dma_wait3A_142 = arith.constant 0 : i32
      %dma_wait3A_143 = arith.constant 0 : i32
      %dma_wait3A_144 = tpu.memref_slice %arg2[%dma_wait3A_142, %dma_wait3A_143] : memref<10000x128xf32, #tpu.memory_space<hbm>> -> memref<10000x128xf32, #tpu.memory_space<hbm>>
      tpu.wait_indirect_dma semaphore(%arg12 : memref<!tpu.dma_semaphore, #tpu.memory_space<semaphore_mem>>) src(%dma_wait3A_144 : memref<10000x128xf32, #tpu.memory_space<hbm>>) dst(%arg9 : memref<128x128xf32, #tpu.memory_space<vmem>>)
      %dma_wait3A_145 = arith.constant 0 : i32
      %dma_wait3A_146 = tpu.memref_slice %arg8[%add3A_106, %dma_wait3A_145] : memref<40x128xi32, #tpu.memory_space<vmem>> -> memref<1x128xi32, #tpu.memory_space<vmem>>
      %dma_wait3A_147 = tpu.memref_squeeze %dma_wait3A_146 : memref<1x128xi32, #tpu.memory_space<vmem>> -> memref<128xi32, #tpu.memory_space<vmem>>
      %dma_wait3A_148 = arith.constant 0 : i32
      %dma_wait3A_149 = arith.constant 0 : i32
      %dma_wait3A_150 = tpu.memref_slice %arg11[%dma_wait3A_148, %dma_wait3A_149] : memref<10112x128xf32, #tpu.memory_space<vmem_shared>> -> memref<10112x128xf32, #tpu.memory_space<vmem_shared>>
      tpu.wait_indirect_dma semaphore(%arg14 : memref<!tpu.dma_semaphore, #tpu.memory_space<semaphore_mem>>) src(%arg10 : memref<128x128xf32, #tpu.memory_space<vmem>>) dst(%dma_wait3A_150 : memref<10112x128xf32, #tpu.memory_space<vmem_shared>>)
      %dma_start3A_151 = arith.constant 0 : i32
      %dma_start3A_152 = tpu.memref_slice %arg8[%add3A_108, %dma_start3A_151] : memref<40x128xi32, #tpu.memory_space<vmem>> -> memref<1x128xi32, #tpu.memory_space<vmem>>
      %dma_start3A_153 = tpu.memref_squeeze %dma_start3A_152 : memref<1x128xi32, #tpu.memory_space<vmem>> -> memref<128xi32, #tpu.memory_space<vmem>>
      %dma_start3A_154 = arith.constant 0 : i32
      %dma_start3A_155 = arith.constant 0 : i32
      %dma_start3A_156 = tpu.memref_slice %arg11[%dma_start3A_154, %dma_start3A_155] : memref<10112x128xf32, #tpu.memory_space<vmem_shared>> -> memref<10112x128xf32, #tpu.memory_space<vmem_shared>>
      tpu.enqueue_indirect_dma source(%arg9 : memref<128x128xf32, #tpu.memory_space<vmem>>) target(%dma_start3A_156 : memref<10112x128xf32, #tpu.memory_space<vmem_shared>>) offsets(%dma_start3A_153 : memref<128xi32, #tpu.memory_space<vmem>>) semaphore(%arg13 : memref<!tpu.dma_semaphore, #tpu.memory_space<semaphore_mem>>) {add = true}
    }
    %scan3A_26 = arith.constant 19 : i32
    %dma_start3A_27 = arith.constant 39 : i32
    %dma_start3A_28 = arith.constant 0 : i32
    %dma_start3A_29 = tpu.memref_slice %arg7[%dma_start3A_27, %dma_start3A_28] : memref<40x128xi32, #tpu.memory_space<vmem>> -> memref<1x128xi32, #tpu.memory_space<vmem>>
    %dma_start3A_30 = tpu.memref_squeeze %dma_start3A_29 : memref<1x128xi32, #tpu.memory_space<vmem>> -> memref<128xi32, #tpu.memory_space<vmem>>
    %dma_start3A_31 = arith.constant 0 : i32
    %dma_start3A_32 = arith.constant 0 : i32
    %dma_start3A_33 = tpu.memref_slice %arg2[%dma_start3A_31, %dma_start3A_32] : memref<10000x128xf32, #tpu.memory_space<hbm>> -> memref<10000x128xf32, #tpu.memory_space<hbm>>
    tpu.enqueue_indirect_dma source(%dma_start3A_33 : memref<10000x128xf32, #tpu.memory_space<hbm>>) target(%arg10 : memref<128x128xf32, #tpu.memory_space<vmem>>) offsets(%dma_start3A_30 : memref<128xi32, #tpu.memory_space<vmem>>) semaphore(%arg12 : memref<!tpu.dma_semaphore, #tpu.memory_space<semaphore_mem>>)
    %dma_wait3A_34 = arith.constant 39 : i32
    %dma_wait3A_35 = arith.constant 0 : i32
    %dma_wait3A_36 = tpu.memref_slice %arg7[%dma_wait3A_34, %dma_wait3A_35] : memref<40x128xi32, #tpu.memory_space<vmem>> -> memref<1x128xi32, #tpu.memory_space<vmem>>
    %dma_wait3A_37 = tpu.memref_squeeze %dma_wait3A_36 : memref<1x128xi32, #tpu.memory_space<vmem>> -> memref<128xi32, #tpu.memory_space<vmem>>
    %dma_wait3A_38 = arith.constant 0 : i32
    %dma_wait3A_39 = arith.constant 0 : i32
    %dma_wait3A_40 = tpu.memref_slice %arg2[%dma_wait3A_38, %dma_wait3A_39] : memref<10000x128xf32, #tpu.memory_space<hbm>> -> memref<10000x128xf32, #tpu.memory_space<hbm>>
    tpu.wait_indirect_dma semaphore(%arg12 : memref<!tpu.dma_semaphore, #tpu.memory_space<semaphore_mem>>) src(%dma_wait3A_40 : memref<10000x128xf32, #tpu.memory_space<hbm>>) dst(%arg10 : memref<128x128xf32, #tpu.memory_space<vmem>>)
    %dma_wait3A_41 = arith.constant 38 : i32
    %dma_wait3A_42 = arith.constant 0 : i32
    %dma_wait3A_43 = tpu.memref_slice %arg8[%dma_wait3A_41, %dma_wait3A_42] : memref<40x128xi32, #tpu.memory_space<vmem>> -> memref<1x128xi32, #tpu.memory_space<vmem>>
    %dma_wait3A_44 = tpu.memref_squeeze %dma_wait3A_43 : memref<1x128xi32, #tpu.memory_space<vmem>> -> memref<128xi32, #tpu.memory_space<vmem>>
    %dma_wait3A_45 = arith.constant 0 : i32
    %dma_wait3A_46 = arith.constant 0 : i32
    %dma_wait3A_47 = tpu.memref_slice %arg11[%dma_wait3A_45, %dma_wait3A_46] : memref<10112x128xf32, #tpu.memory_space<vmem_shared>> -> memref<10112x128xf32, #tpu.memory_space<vmem_shared>>
    tpu.wait_indirect_dma semaphore(%arg13 : memref<!tpu.dma_semaphore, #tpu.memory_space<semaphore_mem>>) src(%arg9 : memref<128x128xf32, #tpu.memory_space<vmem>>) dst(%dma_wait3A_47 : memref<10112x128xf32, #tpu.memory_space<vmem_shared>>)
    %run_scoped3A = arith.constant 39 : i32
    "tpu.region"() ({
      %run_scoped3A_102 = tpu.sem_alloc : memref<!tpu.dma_semaphore, #tpu.memory_space<semaphore_mem>>
      %dma_start3A_103 = arith.constant 0 : i32
      %dma_start3A_104 = tpu.memref_slice %arg8[%run_scoped3A, %dma_start3A_103] : memref<40x128xi32, #tpu.memory_space<vmem>> -> memref<1x128xi32, #tpu.memory_space<vmem>>
      %dma_start3A_105 = tpu.memref_squeeze %dma_start3A_104 : memref<1x128xi32, #tpu.memory_space<vmem>> -> memref<128xi32, #tpu.memory_space<vmem>>
      %dma_start3A_106 = arith.constant 0 : i32
      %dma_start3A_107 = arith.constant 0 : i32
      %dma_start3A_108 = tpu.memref_slice %arg11[%dma_start3A_106, %dma_start3A_107] : memref<10112x128xf32, #tpu.memory_space<vmem_shared>> -> memref<10112x128xf32, #tpu.memory_space<vmem_shared>>
      tpu.enqueue_indirect_dma source(%arg10 : memref<128x128xf32, #tpu.memory_space<vmem>>) target(%dma_start3A_108 : memref<10112x128xf32, #tpu.memory_space<vmem_shared>>) offsets(%dma_start3A_105 : memref<128xi32, #tpu.memory_space<vmem>>) semaphore(%run_scoped3A_102 : memref<!tpu.dma_semaphore, #tpu.memory_space<semaphore_mem>>) {add = true}
      %dma_wait3A_109 = arith.constant 0 : i32
      %dma_wait3A_110 = tpu.memref_slice %arg8[%run_scoped3A, %dma_wait3A_109] : memref<40x128xi32, #tpu.memory_space<vmem>> -> memref<1x128xi32, #tpu.memory_space<vmem>>
      %dma_wait3A_111 = tpu.memref_squeeze %dma_wait3A_110 : memref<1x128xi32, #tpu.memory_space<vmem>> -> memref<128xi32, #tpu.memory_space<vmem>>
      %dma_wait3A_112 = arith.constant 0 : i32
      %dma_wait3A_113 = arith.constant 0 : i32
      %dma_wait3A_114 = tpu.memref_slice %arg11[%dma_wait3A_112, %dma_wait3A_113] : memref<10112x128xf32, #tpu.memory_space<vmem_shared>> -> memref<10112x128xf32, #tpu.memory_space<vmem_shared>>
      tpu.wait_indirect_dma semaphore(%run_scoped3A_102 : memref<!tpu.dma_semaphore, #tpu.memory_space<semaphore_mem>>) src(%arg10 : memref<128x128xf32, #tpu.memory_space<vmem>>) dst(%dma_wait3A_114 : memref<10112x128xf32, #tpu.memory_space<vmem_shared>>)
      tpu.yield
    }) : () -> ()
    "tpu.region"() ({
      %run_scoped3A_102 = tpu.sem_alloc : memref<!tpu.dma_semaphore, #tpu.memory_space<semaphore_mem>>
      %dma_start3A_103 = arith.constant 40 : i32
      %dma_start3A_104 = arith.constant 0 : i32
      %dma_start3A_105 = tpu.memref_slice %arg3[%add3A, %dma_start3A_103, %dma_start3A_104] : memref<32x80x128xi32, #tpu.memory_space<hbm>> -> memref<1x40x128xi32, #tpu.memory_space<hbm>>
      %dma_start3A_106 = tpu.memref_squeeze %dma_start3A_105 : memref<1x40x128xi32, #tpu.memory_space<hbm>> -> memref<40x128xi32, #tpu.memory_space<hbm>>
      %dma_start3A_107 = arith.constant 40 : i32
      %dma_start3A_108 = arith.constant 0 : i32
      %dma_start3A_109 = tpu.memref_slice %arg3[%add3A, %dma_start3A_107, %dma_start3A_108] : memref<32x80x128xi32, #tpu.memory_space<hbm>> -> memref<1x40x128xi32, #tpu.memory_space<hbm>>
      %dma_start3A_110 = tpu.memref_squeeze %dma_start3A_109 : memref<1x40x128xi32, #tpu.memory_space<hbm>> -> memref<40x128xi32, #tpu.memory_space<hbm>>
      tpu.enqueue_dma source(%dma_start3A_110 : memref<40x128xi32, #tpu.memory_space<hbm>>) target(%arg7 : memref<40x128xi32, #tpu.memory_space<vmem>>) target_semaphore(%run_scoped3A_102 : memref<!tpu.dma_semaphore, #tpu.memory_space<semaphore_mem>>)
      %dma_wait3A_111 = arith.constant 40 : i32
      %dma_wait3A_112 = arith.constant 0 : i32
      %dma_wait3A_113 = tpu.memref_slice %arg3[%add3A, %dma_wait3A_111, %dma_wait3A_112] : memref<32x80x128xi32, #tpu.memory_space<hbm>> -> memref<1x40x128xi32, #tpu.memory_space<hbm>>
      %dma_wait3A_114 = tpu.memref_squeeze %dma_wait3A_113 : memref<1x40x128xi32, #tpu.memory_space<hbm>> -> memref<40x128xi32, #tpu.memory_space<hbm>>
      %dma_wait3A_115 = arith.constant 40 : i32
      %dma_wait3A_116 = arith.constant 0 : i32
      %dma_wait3A_117 = tpu.memref_slice %arg3[%add3A, %dma_wait3A_115, %dma_wait3A_116] : memref<32x80x128xi32, #tpu.memory_space<hbm>> -> memref<1x40x128xi32, #tpu.memory_space<hbm>>
      %dma_wait3A_118 = tpu.memref_squeeze %dma_wait3A_117 : memref<1x40x128xi32, #tpu.memory_space<hbm>> -> memref<40x128xi32, #tpu.memory_space<hbm>>
      tpu.wait_dma2 semaphore(%run_scoped3A_102 : memref<!tpu.dma_semaphore, #tpu.memory_space<semaphore_mem>>) src(%dma_wait3A_118 : memref<40x128xi32, #tpu.memory_space<hbm>>) dst(%arg7 : memref<40x128xi32, #tpu.memory_space<vmem>>)
      tpu.yield
    }) : () -> ()
    "tpu.region"() ({
      %run_scoped3A_102 = tpu.sem_alloc : memref<!tpu.dma_semaphore, #tpu.memory_space<semaphore_mem>>
      %dma_start3A_103 = arith.constant 40 : i32
      %dma_start3A_104 = arith.constant 0 : i32
      %dma_start3A_105 = tpu.memref_slice %arg4[%add3A, %dma_start3A_103, %dma_start3A_104] : memref<32x80x128xi32, #tpu.memory_space<hbm>> -> memref<1x40x128xi32, #tpu.memory_space<hbm>>
      %dma_start3A_106 = tpu.memref_squeeze %dma_start3A_105 : memref<1x40x128xi32, #tpu.memory_space<hbm>> -> memref<40x128xi32, #tpu.memory_space<hbm>>
      %dma_start3A_107 = arith.constant 40 : i32
      %dma_start3A_108 = arith.constant 0 : i32
      %dma_start3A_109 = tpu.memref_slice %arg4[%add3A, %dma_start3A_107, %dma_start3A_108] : memref<32x80x128xi32, #tpu.memory_space<hbm>> -> memref<1x40x128xi32, #tpu.memory_space<hbm>>
      %dma_start3A_110 = tpu.memref_squeeze %dma_start3A_109 : memref<1x40x128xi32, #tpu.memory_space<hbm>> -> memref<40x128xi32, #tpu.memory_space<hbm>>
      tpu.enqueue_dma source(%dma_start3A_110 : memref<40x128xi32, #tpu.memory_space<hbm>>) target(%arg8 : memref<40x128xi32, #tpu.memory_space<vmem>>) target_semaphore(%run_scoped3A_102 : memref<!tpu.dma_semaphore, #tpu.memory_space<semaphore_mem>>)
      %dma_wait3A_111 = arith.constant 40 : i32
      %dma_wait3A_112 = arith.constant 0 : i32
      %dma_wait3A_113 = tpu.memref_slice %arg4[%add3A, %dma_wait3A_111, %dma_wait3A_112] : memref<32x80x128xi32, #tpu.memory_space<hbm>> -> memref<1x40x128xi32, #tpu.memory_space<hbm>>
      %dma_wait3A_114 = tpu.memref_squeeze %dma_wait3A_113 : memref<1x40x128xi32, #tpu.memory_space<hbm>> -> memref<40x128xi32, #tpu.memory_space<hbm>>
      %dma_wait3A_115 = arith.constant 40 : i32
      %dma_wait3A_116 = arith.constant 0 : i32
      %dma_wait3A_117 = tpu.memref_slice %arg4[%add3A, %dma_wait3A_115, %dma_wait3A_116] : memref<32x80x128xi32, #tpu.memory_space<hbm>> -> memref<1x40x128xi32, #tpu.memory_space<hbm>>
      %dma_wait3A_118 = tpu.memref_squeeze %dma_wait3A_117 : memref<1x40x128xi32, #tpu.memory_space<hbm>> -> memref<40x128xi32, #tpu.memory_space<hbm>>
      tpu.wait_dma2 semaphore(%run_scoped3A_102 : memref<!tpu.dma_semaphore, #tpu.memory_space<semaphore_mem>>) src(%dma_wait3A_118 : memref<40x128xi32, #tpu.memory_space<hbm>>) dst(%arg8 : memref<40x128xi32, #tpu.memory_space<vmem>>)
      tpu.yield
    }) : () -> ()
    %dma_start3A_48 = arith.constant 0 : i32
    %dma_start3A_49 = arith.constant 0 : i32
    %dma_start3A_50 = tpu.memref_slice %arg7[%dma_start3A_48, %dma_start3A_49] : memref<40x128xi32, #tpu.memory_space<vmem>> -> memref<1x128xi32, #tpu.memory_space<vmem>>
    %dma_start3A_51 = tpu.memref_squeeze %dma_start3A_50 : memref<1x128xi32, #tpu.memory_space<vmem>> -> memref<128xi32, #tpu.memory_space<vmem>>
    %dma_start3A_52 = arith.constant 0 : i32
    %dma_start3A_53 = arith.constant 0 : i32
    %dma_start3A_54 = tpu.memref_slice %arg2[%dma_start3A_52, %dma_start3A_53] : memref<10000x128xf32, #tpu.memory_space<hbm>> -> memref<10000x128xf32, #tpu.memory_space<hbm>>
    tpu.enqueue_indirect_dma source(%dma_start3A_54 : memref<10000x128xf32, #tpu.memory_space<hbm>>) target(%arg9 : memref<128x128xf32, #tpu.memory_space<vmem>>) offsets(%dma_start3A_51 : memref<128xi32, #tpu.memory_space<vmem>>) semaphore(%arg12 : memref<!tpu.dma_semaphore, #tpu.memory_space<semaphore_mem>>)
    %dma_wait3A_55 = arith.constant 0 : i32
    %dma_wait3A_56 = arith.constant 0 : i32
    %dma_wait3A_57 = tpu.memref_slice %arg7[%dma_wait3A_55, %dma_wait3A_56] : memref<40x128xi32, #tpu.memory_space<vmem>> -> memref<1x128xi32, #tpu.memory_space<vmem>>
    %dma_wait3A_58 = tpu.memref_squeeze %dma_wait3A_57 : memref<1x128xi32, #tpu.memory_space<vmem>> -> memref<128xi32, #tpu.memory_space<vmem>>
    %dma_wait3A_59 = arith.constant 0 : i32
    %dma_wait3A_60 = arith.constant 0 : i32
    %dma_wait3A_61 = tpu.memref_slice %arg2[%dma_wait3A_59, %dma_wait3A_60] : memref<10000x128xf32, #tpu.memory_space<hbm>> -> memref<10000x128xf32, #tpu.memory_space<hbm>>
    tpu.wait_indirect_dma semaphore(%arg12 : memref<!tpu.dma_semaphore, #tpu.memory_space<semaphore_mem>>) src(%dma_wait3A_61 : memref<10000x128xf32, #tpu.memory_space<hbm>>) dst(%arg9 : memref<128x128xf32, #tpu.memory_space<vmem>>)
    %dma_start3A_62 = arith.constant 0 : i32
    %dma_start3A_63 = arith.constant 0 : i32
    %dma_start3A_64 = tpu.memref_slice %arg8[%dma_start3A_62, %dma_start3A_63] : memref<40x128xi32, #tpu.memory_space<vmem>> -> memref<1x128xi32, #tpu.memory_space<vmem>>
    %dma_start3A_65 = tpu.memref_squeeze %dma_start3A_64 : memref<1x128xi32, #tpu.memory_space<vmem>> -> memref<128xi32, #tpu.memory_space<vmem>>
    %dma_start3A_66 = arith.constant 0 : i32
    %dma_start3A_67 = arith.constant 0 : i32
    %dma_start3A_68 = tpu.memref_slice %arg11[%dma_start3A_66, %dma_start3A_67] : memref<10112x128xf32, #tpu.memory_space<vmem_shared>> -> memref<10112x128xf32, #tpu.memory_space<vmem_shared>>
    tpu.enqueue_indirect_dma source(%arg9 : memref<128x128xf32, #tpu.memory_space<vmem>>) target(%dma_start3A_68 : memref<10112x128xf32, #tpu.memory_space<vmem_shared>>) offsets(%dma_start3A_65 : memref<128xi32, #tpu.memory_space<vmem>>) semaphore(%arg13 : memref<!tpu.dma_semaphore, #tpu.memory_space<semaphore_mem>>) {add = true}
    %scan3A_69 = arith.constant 0 : i32
    %scan3A_70 = arith.constant 0 : i32
    %scan3A_71 = arith.constant 19 : i32
    %scan3A_72 = arith.addi %scan3A_70, %scan3A_71 : i32
    %scan3A_73 = arith.constant 1 : i32
    scf.for %scan3A_102 = %scan3A_70 to %scan3A_72 step %scan3A_73  : i32 {
      %mul3A_103 = arith.constant 2 : i32
      %mul3A_104 = arith.muli %mul3A_103, %scan3A_102 : i32
      %add3A_105 = arith.constant 1 : i32
      %add3A_106 = arith.addi %mul3A_104, %add3A_105 : i32
      %add3A_107 = arith.constant 2 : i32
      %add3A_108 = arith.addi %mul3A_104, %add3A_107 : i32
      %dma_start3A_109 = arith.constant 0 : i32
      %dma_start3A_110 = tpu.memref_slice %arg7[%add3A_106, %dma_start3A_109] : memref<40x128xi32, #tpu.memory_space<vmem>> -> memref<1x128xi32, #tpu.memory_space<vmem>>
      %dma_start3A_111 = tpu.memref_squeeze %dma_start3A_110 : memref<1x128xi32, #tpu.memory_space<vmem>> -> memref<128xi32, #tpu.memory_space<vmem>>
      %dma_start3A_112 = arith.constant 0 : i32
      %dma_start3A_113 = arith.constant 0 : i32
      %dma_start3A_114 = tpu.memref_slice %arg2[%dma_start3A_112, %dma_start3A_113] : memref<10000x128xf32, #tpu.memory_space<hbm>> -> memref<10000x128xf32, #tpu.memory_space<hbm>>
      tpu.enqueue_indirect_dma source(%dma_start3A_114 : memref<10000x128xf32, #tpu.memory_space<hbm>>) target(%arg10 : memref<128x128xf32, #tpu.memory_space<vmem>>) offsets(%dma_start3A_111 : memref<128xi32, #tpu.memory_space<vmem>>) semaphore(%arg12 : memref<!tpu.dma_semaphore, #tpu.memory_space<semaphore_mem>>)
      %dma_wait3A_115 = arith.constant 0 : i32
      %dma_wait3A_116 = tpu.memref_slice %arg7[%add3A_106, %dma_wait3A_115] : memref<40x128xi32, #tpu.memory_space<vmem>> -> memref<1x128xi32, #tpu.memory_space<vmem>>
      %dma_wait3A_117 = tpu.memref_squeeze %dma_wait3A_116 : memref<1x128xi32, #tpu.memory_space<vmem>> -> memref<128xi32, #tpu.memory_space<vmem>>
      %dma_wait3A_118 = arith.constant 0 : i32
      %dma_wait3A_119 = arith.constant 0 : i32
      %dma_wait3A_120 = tpu.memref_slice %arg2[%dma_wait3A_118, %dma_wait3A_119] : memref<10000x128xf32, #tpu.memory_space<hbm>> -> memref<10000x128xf32, #tpu.memory_space<hbm>>
      tpu.wait_indirect_dma semaphore(%arg12 : memref<!tpu.dma_semaphore, #tpu.memory_space<semaphore_mem>>) src(%dma_wait3A_120 : memref<10000x128xf32, #tpu.memory_space<hbm>>) dst(%arg10 : memref<128x128xf32, #tpu.memory_space<vmem>>)
      %dma_wait3A_121 = arith.constant 0 : i32
      %dma_wait3A_122 = tpu.memref_slice %arg8[%mul3A_104, %dma_wait3A_121] : memref<40x128xi32, #tpu.memory_space<vmem>> -> memref<1x128xi32, #tpu.memory_space<vmem>>
      %dma_wait3A_123 = tpu.memref_squeeze %dma_wait3A_122 : memref<1x128xi32, #tpu.memory_space<vmem>> -> memref<128xi32, #tpu.memory_space<vmem>>
      %dma_wait3A_124 = arith.constant 0 : i32
      %dma_wait3A_125 = arith.constant 0 : i32
      %dma_wait3A_126 = tpu.memref_slice %arg11[%dma_wait3A_124, %dma_wait3A_125] : memref<10112x128xf32, #tpu.memory_space<vmem_shared>> -> memref<10112x128xf32, #tpu.memory_space<vmem_shared>>
      tpu.wait_indirect_dma semaphore(%arg13 : memref<!tpu.dma_semaphore, #tpu.memory_space<semaphore_mem>>) src(%arg9 : memref<128x128xf32, #tpu.memory_space<vmem>>) dst(%dma_wait3A_126 : memref<10112x128xf32, #tpu.memory_space<vmem_shared>>)
      %dma_start3A_127 = arith.constant 0 : i32
      %dma_start3A_128 = tpu.memref_slice %arg8[%add3A_106, %dma_start3A_127] : memref<40x128xi32, #tpu.memory_space<vmem>> -> memref<1x128xi32, #tpu.memory_space<vmem>>
      %dma_start3A_129 = tpu.memref_squeeze %dma_start3A_128 : memref<1x128xi32, #tpu.memory_space<vmem>> -> memref<128xi32, #tpu.memory_space<vmem>>
      %dma_start3A_130 = arith.constant 0 : i32
      %dma_start3A_131 = arith.constant 0 : i32
      %dma_start3A_132 = tpu.memref_slice %arg11[%dma_start3A_130, %dma_start3A_131] : memref<10112x128xf32, #tpu.memory_space<vmem_shared>> -> memref<10112x128xf32, #tpu.memory_space<vmem_shared>>
      tpu.enqueue_indirect_dma source(%arg10 : memref<128x128xf32, #tpu.memory_space<vmem>>) target(%dma_start3A_132 : memref<10112x128xf32, #tpu.memory_space<vmem_shared>>) offsets(%dma_start3A_129 : memref<128xi32, #tpu.memory_space<vmem>>) semaphore(%arg14 : memref<!tpu.dma_semaphore, #tpu.memory_space<semaphore_mem>>) {add = true}
      %dma_start3A_133 = arith.constant 0 : i32
      %dma_start3A_134 = tpu.memref_slice %arg7[%add3A_108, %dma_start3A_133] : memref<40x128xi32, #tpu.memory_space<vmem>> -> memref<1x128xi32, #tpu.memory_space<vmem>>
      %dma_start3A_135 = tpu.memref_squeeze %dma_start3A_134 : memref<1x128xi32, #tpu.memory_space<vmem>> -> memref<128xi32, #tpu.memory_space<vmem>>
      %dma_start3A_136 = arith.constant 0 : i32
      %dma_start3A_137 = arith.constant 0 : i32
      %dma_start3A_138 = tpu.memref_slice %arg2[%dma_start3A_136, %dma_start3A_137] : memref<10000x128xf32, #tpu.memory_space<hbm>> -> memref<10000x128xf32, #tpu.memory_space<hbm>>
      tpu.enqueue_indirect_dma source(%dma_start3A_138 : memref<10000x128xf32, #tpu.memory_space<hbm>>) target(%arg9 : memref<128x128xf32, #tpu.memory_space<vmem>>) offsets(%dma_start3A_135 : memref<128xi32, #tpu.memory_space<vmem>>) semaphore(%arg12 : memref<!tpu.dma_semaphore, #tpu.memory_space<semaphore_mem>>)
      %dma_wait3A_139 = arith.constant 0 : i32
      %dma_wait3A_140 = tpu.memref_slice %arg7[%add3A_108, %dma_wait3A_139] : memref<40x128xi32, #tpu.memory_space<vmem>> -> memref<1x128xi32, #tpu.memory_space<vmem>>
      %dma_wait3A_141 = tpu.memref_squeeze %dma_wait3A_140 : memref<1x128xi32, #tpu.memory_space<vmem>> -> memref<128xi32, #tpu.memory_space<vmem>>
      %dma_wait3A_142 = arith.constant 0 : i32
      %dma_wait3A_143 = arith.constant 0 : i32
      %dma_wait3A_144 = tpu.memref_slice %arg2[%dma_wait3A_142, %dma_wait3A_143] : memref<10000x128xf32, #tpu.memory_space<hbm>> -> memref<10000x128xf32, #tpu.memory_space<hbm>>
      tpu.wait_indirect_dma semaphore(%arg12 : memref<!tpu.dma_semaphore, #tpu.memory_space<semaphore_mem>>) src(%dma_wait3A_144 : memref<10000x128xf32, #tpu.memory_space<hbm>>) dst(%arg9 : memref<128x128xf32, #tpu.memory_space<vmem>>)
      %dma_wait3A_145 = arith.constant 0 : i32
      %dma_wait3A_146 = tpu.memref_slice %arg8[%add3A_106, %dma_wait3A_145] : memref<40x128xi32, #tpu.memory_space<vmem>> -> memref<1x128xi32, #tpu.memory_space<vmem>>
      %dma_wait3A_147 = tpu.memref_squeeze %dma_wait3A_146 : memref<1x128xi32, #tpu.memory_space<vmem>> -> memref<128xi32, #tpu.memory_space<vmem>>
      %dma_wait3A_148 = arith.constant 0 : i32
      %dma_wait3A_149 = arith.constant 0 : i32
      %dma_wait3A_150 = tpu.memref_slice %arg11[%dma_wait3A_148, %dma_wait3A_149] : memref<10112x128xf32, #tpu.memory_space<vmem_shared>> -> memref<10112x128xf32, #tpu.memory_space<vmem_shared>>
      tpu.wait_indirect_dma semaphore(%arg14 : memref<!tpu.dma_semaphore, #tpu.memory_space<semaphore_mem>>) src(%arg10 : memref<128x128xf32, #tpu.memory_space<vmem>>) dst(%dma_wait3A_150 : memref<10112x128xf32, #tpu.memory_space<vmem_shared>>)
      %dma_start3A_151 = arith.constant 0 : i32
      %dma_start3A_152 = tpu.memref_slice %arg8[%add3A_108, %dma_start3A_151] : memref<40x128xi32, #tpu.memory_space<vmem>> -> memref<1x128xi32, #tpu.memory_space<vmem>>
      %dma_start3A_153 = tpu.memref_squeeze %dma_start3A_152 : memref<1x128xi32, #tpu.memory_space<vmem>> -> memref<128xi32, #tpu.memory_space<vmem>>
      %dma_start3A_154 = arith.constant 0 : i32
      %dma_start3A_155 = arith.constant 0 : i32
      %dma_start3A_156 = tpu.memref_slice %arg11[%dma_start3A_154, %dma_start3A_155] : memref<10112x128xf32, #tpu.memory_space<vmem_shared>> -> memref<10112x128xf32, #tpu.memory_space<vmem_shared>>
      tpu.enqueue_indirect_dma source(%arg9 : memref<128x128xf32, #tpu.memory_space<vmem>>) target(%dma_start3A_156 : memref<10112x128xf32, #tpu.memory_space<vmem_shared>>) offsets(%dma_start3A_153 : memref<128xi32, #tpu.memory_space<vmem>>) semaphore(%arg13 : memref<!tpu.dma_semaphore, #tpu.memory_space<semaphore_mem>>) {add = true}
    }
    %scan3A_74 = arith.constant 19 : i32
    %dma_start3A_75 = arith.constant 39 : i32
    %dma_start3A_76 = arith.constant 0 : i32
    %dma_start3A_77 = tpu.memref_slice %arg7[%dma_start3A_75, %dma_start3A_76] : memref<40x128xi32, #tpu.memory_space<vmem>> -> memref<1x128xi32, #tpu.memory_space<vmem>>
    %dma_start3A_78 = tpu.memref_squeeze %dma_start3A_77 : memref<1x128xi32, #tpu.memory_space<vmem>> -> memref<128xi32, #tpu.memory_space<vmem>>
    %dma_start3A_79 = arith.constant 0 : i32
    %dma_start3A_80 = arith.constant 0 : i32
    %dma_start3A_81 = tpu.memref_slice %arg2[%dma_start3A_79, %dma_start3A_80] : memref<10000x128xf32, #tpu.memory_space<hbm>> -> memref<10000x128xf32, #tpu.memory_space<hbm>>
    tpu.enqueue_indirect_dma source(%dma_start3A_81 : memref<10000x128xf32, #tpu.memory_space<hbm>>) target(%arg10 : memref<128x128xf32, #tpu.memory_space<vmem>>) offsets(%dma_start3A_78 : memref<128xi32, #tpu.memory_space<vmem>>) semaphore(%arg12 : memref<!tpu.dma_semaphore, #tpu.memory_space<semaphore_mem>>)
    %dma_wait3A_82 = arith.constant 39 : i32
    %dma_wait3A_83 = arith.constant 0 : i32
    %dma_wait3A_84 = tpu.memref_slice %arg7[%dma_wait3A_82, %dma_wait3A_83] : memref<40x128xi32, #tpu.memory_space<vmem>> -> memref<1x128xi32, #tpu.memory_space<vmem>>
    %dma_wait3A_85 = tpu.memref_squeeze %dma_wait3A_84 : memref<1x128xi32, #tpu.memory_space<vmem>> -> memref<128xi32, #tpu.memory_space<vmem>>
    %dma_wait3A_86 = arith.constant 0 : i32
    %dma_wait3A_87 = arith.constant 0 : i32
    %dma_wait3A_88 = tpu.memref_slice %arg2[%dma_wait3A_86, %dma_wait3A_87] : memref<10000x128xf32, #tpu.memory_space<hbm>> -> memref<10000x128xf32, #tpu.memory_space<hbm>>
    tpu.wait_indirect_dma semaphore(%arg12 : memref<!tpu.dma_semaphore, #tpu.memory_space<semaphore_mem>>) src(%dma_wait3A_88 : memref<10000x128xf32, #tpu.memory_space<hbm>>) dst(%arg10 : memref<128x128xf32, #tpu.memory_space<vmem>>)
    %dma_wait3A_89 = arith.constant 38 : i32
    %dma_wait3A_90 = arith.constant 0 : i32
    %dma_wait3A_91 = tpu.memref_slice %arg8[%dma_wait3A_89, %dma_wait3A_90] : memref<40x128xi32, #tpu.memory_space<vmem>> -> memref<1x128xi32, #tpu.memory_space<vmem>>
    %dma_wait3A_92 = tpu.memref_squeeze %dma_wait3A_91 : memref<1x128xi32, #tpu.memory_space<vmem>> -> memref<128xi32, #tpu.memory_space<vmem>>
    %dma_wait3A_93 = arith.constant 0 : i32
    %dma_wait3A_94 = arith.constant 0 : i32
    %dma_wait3A_95 = tpu.memref_slice %arg11[%dma_wait3A_93, %dma_wait3A_94] : memref<10112x128xf32, #tpu.memory_space<vmem_shared>> -> memref<10112x128xf32, #tpu.memory_space<vmem_shared>>
    tpu.wait_indirect_dma semaphore(%arg13 : memref<!tpu.dma_semaphore, #tpu.memory_space<semaphore_mem>>) src(%arg9 : memref<128x128xf32, #tpu.memory_space<vmem>>) dst(%dma_wait3A_95 : memref<10112x128xf32, #tpu.memory_space<vmem_shared>>)
    %run_scoped3A_96 = arith.constant 39 : i32
    "tpu.region"() ({
      %run_scoped3A_102 = tpu.sem_alloc : memref<!tpu.dma_semaphore, #tpu.memory_space<semaphore_mem>>
      %dma_start3A_103 = arith.constant 0 : i32
      %dma_start3A_104 = tpu.memref_slice %arg8[%run_scoped3A_96, %dma_start3A_103] : memref<40x128xi32, #tpu.memory_space<vmem>> -> memref<1x128xi32, #tpu.memory_space<vmem>>
      %dma_start3A_105 = tpu.memref_squeeze %dma_start3A_104 : memref<1x128xi32, #tpu.memory_space<vmem>> -> memref<128xi32, #tpu.memory_space<vmem>>
      %dma_start3A_106 = arith.constant 0 : i32
      %dma_start3A_107 = arith.constant 0 : i32
      %dma_start3A_108 = tpu.memref_slice %arg11[%dma_start3A_106, %dma_start3A_107] : memref<10112x128xf32, #tpu.memory_space<vmem_shared>> -> memref<10112x128xf32, #tpu.memory_space<vmem_shared>>
      tpu.enqueue_indirect_dma source(%arg10 : memref<128x128xf32, #tpu.memory_space<vmem>>) target(%dma_start3A_108 : memref<10112x128xf32, #tpu.memory_space<vmem_shared>>) offsets(%dma_start3A_105 : memref<128xi32, #tpu.memory_space<vmem>>) semaphore(%run_scoped3A_102 : memref<!tpu.dma_semaphore, #tpu.memory_space<semaphore_mem>>) {add = true}
      %dma_wait3A_109 = arith.constant 0 : i32
      %dma_wait3A_110 = tpu.memref_slice %arg8[%run_scoped3A_96, %dma_wait3A_109] : memref<40x128xi32, #tpu.memory_space<vmem>> -> memref<1x128xi32, #tpu.memory_space<vmem>>
      %dma_wait3A_111 = tpu.memref_squeeze %dma_wait3A_110 : memref<1x128xi32, #tpu.memory_space<vmem>> -> memref<128xi32, #tpu.memory_space<vmem>>
      %dma_wait3A_112 = arith.constant 0 : i32
      %dma_wait3A_113 = arith.constant 0 : i32
      %dma_wait3A_114 = tpu.memref_slice %arg11[%dma_wait3A_112, %dma_wait3A_113] : memref<10112x128xf32, #tpu.memory_space<vmem_shared>> -> memref<10112x128xf32, #tpu.memory_space<vmem_shared>>
      tpu.wait_indirect_dma semaphore(%run_scoped3A_102 : memref<!tpu.dma_semaphore, #tpu.memory_space<semaphore_mem>>) src(%arg10 : memref<128x128xf32, #tpu.memory_space<vmem>>) dst(%dma_wait3A_114 : memref<10112x128xf32, #tpu.memory_space<vmem_shared>>)
      tpu.yield
    }) : () -> ()
    %barrier3A_97 = arith.constant 0 : index
    tpu.barrier barrier_id(%barrier3A_97)
    %mul3A_98 = arith.constant 632 : i32
    %mul3A_99 = arith.muli %arg1, %mul3A_98 : i32
    %mul3A_100 = arith.constant 632 : i32
    %mul3A_101 = arith.muli %arg1, %mul3A_100 : i32
    "tpu.region"() ({
      %run_scoped3A_102 = tpu.sem_alloc : memref<!tpu.dma_semaphore, #tpu.memory_space<semaphore_mem>>
      %dma_start3A_103 = arith.constant 0 : i32
      %dma_start3A_104 = tpu.memref_slice %arg6[%arg0, %mul3A_101, %dma_start3A_103] : memref<2x10112x128xf32, #tpu.memory_space<hbm>> -> memref<1x632x128xf32, #tpu.memory_space<hbm>>
      %dma_start3A_105 = tpu.memref_squeeze %dma_start3A_104 : memref<1x632x128xf32, #tpu.memory_space<hbm>> -> memref<632x128xf32, #tpu.memory_space<hbm>>
      %dma_start3A_106 = arith.constant 0 : i32
      %dma_start3A_107 = tpu.memref_slice %arg11[%mul3A_99, %dma_start3A_106] : memref<10112x128xf32, #tpu.memory_space<vmem_shared>> -> memref<632x128xf32, #tpu.memory_space<vmem_shared>>
      tpu.enqueue_dma source(%dma_start3A_107 : memref<632x128xf32, #tpu.memory_space<vmem_shared>>) target(%dma_start3A_105 : memref<632x128xf32, #tpu.memory_space<hbm>>) target_semaphore(%run_scoped3A_102 : memref<!tpu.dma_semaphore, #tpu.memory_space<semaphore_mem>>)
      %dma_wait3A_108 = arith.constant 0 : i32
      %dma_wait3A_109 = tpu.memref_slice %arg6[%arg0, %mul3A_101, %dma_wait3A_108] : memref<2x10112x128xf32, #tpu.memory_space<hbm>> -> memref<1x632x128xf32, #tpu.memory_space<hbm>>
      %dma_wait3A_110 = tpu.memref_squeeze %dma_wait3A_109 : memref<1x632x128xf32, #tpu.memory_space<hbm>> -> memref<632x128xf32, #tpu.memory_space<hbm>>
      %dma_wait3A_111 = arith.constant 0 : i32
      %dma_wait3A_112 = tpu.memref_slice %arg11[%mul3A_99, %dma_wait3A_111] : memref<10112x128xf32, #tpu.memory_space<vmem_shared>> -> memref<632x128xf32, #tpu.memory_space<vmem_shared>>
      tpu.wait_dma2 semaphore(%run_scoped3A_102 : memref<!tpu.dma_semaphore, #tpu.memory_space<semaphore_mem>>) src(%dma_wait3A_112 : memref<632x128xf32, #tpu.memory_space<vmem_shared>>) dst(%dma_wait3A_110 : memref<632x128xf32, #tpu.memory_space<hbm>>)
      tpu.yield
    }) : () -> ()
    return
  }
}

#map = affine_map<(d0, d1) -> (0, 0)>
#map1 = affine_map<(d0, d1) -> (0, 0, 0)>
module attributes {stable_mosaic.version = 14 : i64} {
  func.func @_agg_sc(%arg0: i32, %arg1: i32, %arg2: memref<10000x128xf32, #tpu.memory_space<hbm>>, %arg3: memref<32x80x128xi32, #tpu.memory_space<hbm>>, %arg4: memref<32x80x128xi32, #tpu.memory_space<hbm>>, %arg5: memref<632x128xf32, #tpu.memory_space<hbm>>, %arg6: memref<2x10112x128xf32, #tpu.memory_space<hbm>>, %arg7: memref<40x128xi32, #tpu.memory_space<vmem>>, %arg8: memref<40x128xi32, #tpu.memory_space<vmem>>, %arg9: memref<128x128xf32, #tpu.memory_space<vmem>>, %arg10: memref<128x128xf32, #tpu.memory_space<vmem>>, %arg11: memref<10112x128xf32, #tpu.memory_space<vmem_shared>>, %arg12: memref<!tpu.dma_semaphore, #tpu.memory_space<semaphore_mem>>, %arg13: memref<!tpu.dma_semaphore, #tpu.memory_space<semaphore_mem>>, %arg14: memref<!tpu.dma_semaphore, #tpu.memory_space<semaphore_mem>>) attributes {dimension_semantics = [#tpu.dimension_semantics<core_parallel>, #tpu.dimension_semantics<subcore_parallel>], iteration_bounds = array<i64: 2, 16>, scalar_prefetch = 0 : i64, scratch_operands = 8 : i64, tpu.core_type = #tpu.core_type<sc_vector_subcore>, window_params = [{transform_indices = #map}, {transform_indices = #map1}, {transform_indices = #map1}, {transform_indices = #map}, {transform_indices = #map1}]} {
    %mul3A = arith.constant 16 : i32
    %mul3A_0 = arith.muli %arg0, %mul3A : i32
    %add3A = arith.addi %mul3A_0, %arg1 : i32
    %mul3A_1 = arith.constant 632 : i32
    %mul3A_2 = arith.muli %arg1, %mul3A_1 : i32
    "tpu.region"() ({
      %run_scoped3A_102 = tpu.sem_alloc : memref<!tpu.dma_semaphore, #tpu.memory_space<semaphore_mem>>
      %dma_start3A_103 = arith.constant 0 : i32
      %dma_start3A_104 = tpu.memref_slice %arg11[%mul3A_2, %dma_start3A_103] : memref<10112x128xf32, #tpu.memory_space<vmem_shared>> -> memref<632x128xf32, #tpu.memory_space<vmem_shared>>
      tpu.enqueue_dma source(%arg5 : memref<632x128xf32, #tpu.memory_space<hbm>>) target(%dma_start3A_104 : memref<632x128xf32, #tpu.memory_space<vmem_shared>>) target_semaphore(%run_scoped3A_102 : memref<!tpu.dma_semaphore, #tpu.memory_space<semaphore_mem>>)
      %dma_wait3A_105 = arith.constant 0 : i32
      %dma_wait3A_106 = tpu.memref_slice %arg11[%mul3A_2, %dma_wait3A_105] : memref<10112x128xf32, #tpu.memory_space<vmem_shared>> -> memref<632x128xf32, #tpu.memory_space<vmem_shared>>
      tpu.wait_dma2 semaphore(%run_scoped3A_102 : memref<!tpu.dma_semaphore, #tpu.memory_space<semaphore_mem>>) src(%arg5 : memref<632x128xf32, #tpu.memory_space<hbm>>) dst(%dma_wait3A_106 : memref<632x128xf32, #tpu.memory_space<vmem_shared>>)
      tpu.yield
    }) : () -> ()
    %barrier3A = arith.constant 0 : index
    tpu.barrier barrier_id(%barrier3A)
    "tpu.region"() ({
      %run_scoped3A_102 = tpu.sem_alloc : memref<!tpu.dma_semaphore, #tpu.memory_space<semaphore_mem>>
      %dma_start3A_103 = arith.constant 0 : i32
      %dma_start3A_104 = arith.constant 0 : i32
      %dma_start3A_105 = tpu.memref_slice %arg3[%add3A, %dma_start3A_103, %dma_start3A_104] : memref<32x80x128xi32, #tpu.memory_space<hbm>> -> memref<1x40x128xi32, #tpu.memory_space<hbm>>
      %dma_start3A_106 = tpu.memref_squeeze %dma_start3A_105 : memref<1x40x128xi32, #tpu.memory_space<hbm>> -> memref<40x128xi32, #tpu.memory_space<hbm>>
      %dma_start3A_107 = arith.constant 0 : i32
      %dma_start3A_108 = arith.constant 0 : i32
      %dma_start3A_109 = tpu.memref_slice %arg3[%add3A, %dma_start3A_107, %dma_start3A_108] : memref<32x80x128xi32, #tpu.memory_space<hbm>> -> memref<1x40x128xi32, #tpu.memory_space<hbm>>
      %dma_start3A_110 = tpu.memref_squeeze %dma_start3A_109 : memref<1x40x128xi32, #tpu.memory_space<hbm>> -> memref<40x128xi32, #tpu.memory_space<hbm>>
      tpu.enqueue_dma source(%dma_start3A_110 : memref<40x128xi32, #tpu.memory_space<hbm>>) target(%arg7 : memref<40x128xi32, #tpu.memory_space<vmem>>) target_semaphore(%run_scoped3A_102 : memref<!tpu.dma_semaphore, #tpu.memory_space<semaphore_mem>>)
      %dma_wait3A_111 = arith.constant 0 : i32
      %dma_wait3A_112 = arith.constant 0 : i32
      %dma_wait3A_113 = tpu.memref_slice %arg3[%add3A, %dma_wait3A_111, %dma_wait3A_112] : memref<32x80x128xi32, #tpu.memory_space<hbm>> -> memref<1x40x128xi32, #tpu.memory_space<hbm>>
      %dma_wait3A_114 = tpu.memref_squeeze %dma_wait3A_113 : memref<1x40x128xi32, #tpu.memory_space<hbm>> -> memref<40x128xi32, #tpu.memory_space<hbm>>
      %dma_wait3A_115 = arith.constant 0 : i32
      %dma_wait3A_116 = arith.constant 0 : i32
      %dma_wait3A_117 = tpu.memref_slice %arg3[%add3A, %dma_wait3A_115, %dma_wait3A_116] : memref<32x80x128xi32, #tpu.memory_space<hbm>> -> memref<1x40x128xi32, #tpu.memory_space<hbm>>
      %dma_wait3A_118 = tpu.memref_squeeze %dma_wait3A_117 : memref<1x40x128xi32, #tpu.memory_space<hbm>> -> memref<40x128xi32, #tpu.memory_space<hbm>>
      tpu.wait_dma2 semaphore(%run_scoped3A_102 : memref<!tpu.dma_semaphore, #tpu.memory_space<semaphore_mem>>) src(%dma_wait3A_118 : memref<40x128xi32, #tpu.memory_space<hbm>>) dst(%arg7 : memref<40x128xi32, #tpu.memory_space<vmem>>)
      tpu.yield
    }) : () -> ()
    "tpu.region"() ({
      %run_scoped3A_102 = tpu.sem_alloc : memref<!tpu.dma_semaphore, #tpu.memory_space<semaphore_mem>>
      %dma_start3A_103 = arith.constant 0 : i32
      %dma_start3A_104 = arith.constant 0 : i32
      %dma_start3A_105 = tpu.memref_slice %arg4[%add3A, %dma_start3A_103, %dma_start3A_104] : memref<32x80x128xi32, #tpu.memory_space<hbm>> -> memref<1x40x128xi32, #tpu.memory_space<hbm>>
      %dma_start3A_106 = tpu.memref_squeeze %dma_start3A_105 : memref<1x40x128xi32, #tpu.memory_space<hbm>> -> memref<40x128xi32, #tpu.memory_space<hbm>>
      %dma_start3A_107 = arith.constant 0 : i32
      %dma_start3A_108 = arith.constant 0 : i32
      %dma_start3A_109 = tpu.memref_slice %arg4[%add3A, %dma_start3A_107, %dma_start3A_108] : memref<32x80x128xi32, #tpu.memory_space<hbm>> -> memref<1x40x128xi32, #tpu.memory_space<hbm>>
      %dma_start3A_110 = tpu.memref_squeeze %dma_start3A_109 : memref<1x40x128xi32, #tpu.memory_space<hbm>> -> memref<40x128xi32, #tpu.memory_space<hbm>>
      tpu.enqueue_dma source(%dma_start3A_110 : memref<40x128xi32, #tpu.memory_space<hbm>>) target(%arg8 : memref<40x128xi32, #tpu.memory_space<vmem>>) target_semaphore(%run_scoped3A_102 : memref<!tpu.dma_semaphore, #tpu.memory_space<semaphore_mem>>)
      %dma_wait3A_111 = arith.constant 0 : i32
      %dma_wait3A_112 = arith.constant 0 : i32
      %dma_wait3A_113 = tpu.memref_slice %arg4[%add3A, %dma_wait3A_111, %dma_wait3A_112] : memref<32x80x128xi32, #tpu.memory_space<hbm>> -> memref<1x40x128xi32, #tpu.memory_space<hbm>>
      %dma_wait3A_114 = tpu.memref_squeeze %dma_wait3A_113 : memref<1x40x128xi32, #tpu.memory_space<hbm>> -> memref<40x128xi32, #tpu.memory_space<hbm>>
      %dma_wait3A_115 = arith.constant 0 : i32
      %dma_wait3A_116 = arith.constant 0 : i32
      %dma_wait3A_117 = tpu.memref_slice %arg4[%add3A, %dma_wait3A_115, %dma_wait3A_116] : memref<32x80x128xi32, #tpu.memory_space<hbm>> -> memref<1x40x128xi32, #tpu.memory_space<hbm>>
      %dma_wait3A_118 = tpu.memref_squeeze %dma_wait3A_117 : memref<1x40x128xi32, #tpu.memory_space<hbm>> -> memref<40x128xi32, #tpu.memory_space<hbm>>
      tpu.wait_dma2 semaphore(%run_scoped3A_102 : memref<!tpu.dma_semaphore, #tpu.memory_space<semaphore_mem>>) src(%dma_wait3A_118 : memref<40x128xi32, #tpu.memory_space<hbm>>) dst(%arg8 : memref<40x128xi32, #tpu.memory_space<vmem>>)
      tpu.yield
    }) : () -> ()
    %dma_start3A = arith.constant 0 : i32
    %dma_start3A_3 = arith.constant 0 : i32
    %dma_start3A_4 = tpu.memref_slice %arg7[%dma_start3A, %dma_start3A_3] : memref<40x128xi32, #tpu.memory_space<vmem>> -> memref<1x128xi32, #tpu.memory_space<vmem>>
    %dma_start3A_5 = tpu.memref_squeeze %dma_start3A_4 : memref<1x128xi32, #tpu.memory_space<vmem>> -> memref<128xi32, #tpu.memory_space<vmem>>
    %dma_start3A_6 = arith.constant 0 : i32
    %dma_start3A_7 = arith.constant 0 : i32
    %dma_start3A_8 = tpu.memref_slice %arg2[%dma_start3A_6, %dma_start3A_7] : memref<10000x128xf32, #tpu.memory_space<hbm>> -> memref<10000x128xf32, #tpu.memory_space<hbm>>
    tpu.enqueue_indirect_dma source(%dma_start3A_8 : memref<10000x128xf32, #tpu.memory_space<hbm>>) target(%arg9 : memref<128x128xf32, #tpu.memory_space<vmem>>) offsets(%dma_start3A_5 : memref<128xi32, #tpu.memory_space<vmem>>) semaphore(%arg12 : memref<!tpu.dma_semaphore, #tpu.memory_space<semaphore_mem>>)
    %dma_wait3A = arith.constant 0 : i32
    %dma_wait3A_9 = arith.constant 0 : i32
    %dma_wait3A_10 = tpu.memref_slice %arg7[%dma_wait3A, %dma_wait3A_9] : memref<40x128xi32, #tpu.memory_space<vmem>> -> memref<1x128xi32, #tpu.memory_space<vmem>>
    %dma_wait3A_11 = tpu.memref_squeeze %dma_wait3A_10 : memref<1x128xi32, #tpu.memory_space<vmem>> -> memref<128xi32, #tpu.memory_space<vmem>>
    %dma_wait3A_12 = arith.constant 0 : i32
    %dma_wait3A_13 = arith.constant 0 : i32
    %dma_wait3A_14 = tpu.memref_slice %arg2[%dma_wait3A_12, %dma_wait3A_13] : memref<10000x128xf32, #tpu.memory_space<hbm>> -> memref<10000x128xf32, #tpu.memory_space<hbm>>
    tpu.wait_indirect_dma semaphore(%arg12 : memref<!tpu.dma_semaphore, #tpu.memory_space<semaphore_mem>>) src(%dma_wait3A_14 : memref<10000x128xf32, #tpu.memory_space<hbm>>) dst(%arg9 : memref<128x128xf32, #tpu.memory_space<vmem>>)
    %dma_start3A_15 = arith.constant 0 : i32
    %dma_start3A_16 = arith.constant 0 : i32
    %dma_start3A_17 = tpu.memref_slice %arg8[%dma_start3A_15, %dma_start3A_16] : memref<40x128xi32, #tpu.memory_space<vmem>> -> memref<1x128xi32, #tpu.memory_space<vmem>>
    %dma_start3A_18 = tpu.memref_squeeze %dma_start3A_17 : memref<1x128xi32, #tpu.memory_space<vmem>> -> memref<128xi32, #tpu.memory_space<vmem>>
    %dma_start3A_19 = arith.constant 0 : i32
    %dma_start3A_20 = arith.constant 0 : i32
    %dma_start3A_21 = tpu.memref_slice %arg11[%dma_start3A_19, %dma_start3A_20] : memref<10112x128xf32, #tpu.memory_space<vmem_shared>> -> memref<10112x128xf32, #tpu.memory_space<vmem_shared>>
    tpu.enqueue_indirect_dma source(%arg9 : memref<128x128xf32, #tpu.memory_space<vmem>>) target(%dma_start3A_21 : memref<10112x128xf32, #tpu.memory_space<vmem_shared>>) offsets(%dma_start3A_18 : memref<128xi32, #tpu.memory_space<vmem>>) semaphore(%arg13 : memref<!tpu.dma_semaphore, #tpu.memory_space<semaphore_mem>>) {add = true}
    %scan3A = arith.constant 0 : i32
    %scan3A_22 = arith.constant 0 : i32
    %scan3A_23 = arith.constant 19 : i32
    %scan3A_24 = arith.addi %scan3A_22, %scan3A_23 : i32
    %scan3A_25 = arith.constant 1 : i32
    scf.for %scan3A_102 = %scan3A_22 to %scan3A_24 step %scan3A_25  : i32 {
      %mul3A_103 = arith.constant 2 : i32
      %mul3A_104 = arith.muli %mul3A_103, %scan3A_102 : i32
      %add3A_105 = arith.constant 1 : i32
      %add3A_106 = arith.addi %mul3A_104, %add3A_105 : i32
      %add3A_107 = arith.constant 2 : i32
      %add3A_108 = arith.addi %mul3A_104, %add3A_107 : i32
      %dma_start3A_109 = arith.constant 0 : i32
      %dma_start3A_110 = tpu.memref_slice %arg7[%add3A_106, %dma_start3A_109] : memref<40x128xi32, #tpu.memory_space<vmem>> -> memref<1x128xi32, #tpu.memory_space<vmem>>
      %dma_start3A_111 = tpu.memref_squeeze %dma_start3A_110 : memref<1x128xi32, #tpu.memory_space<vmem>> -> memref<128xi32, #tpu.memory_space<vmem>>
      %dma_start3A_112 = arith.constant 0 : i32
      %dma_start3A_113 = arith.constant 0 : i32
      %dma_start3A_114 = tpu.memref_slice %arg2[%dma_start3A_112, %dma_start3A_113] : memref<10000x128xf32, #tpu.memory_space<hbm>> -> memref<10000x128xf32, #tpu.memory_space<hbm>>
      tpu.enqueue_indirect_dma source(%dma_start3A_114 : memref<10000x128xf32, #tpu.memory_space<hbm>>) target(%arg10 : memref<128x128xf32, #tpu.memory_space<vmem>>) offsets(%dma_start3A_111 : memref<128xi32, #tpu.memory_space<vmem>>) semaphore(%arg12 : memref<!tpu.dma_semaphore, #tpu.memory_space<semaphore_mem>>)
      %dma_wait3A_115 = arith.constant 0 : i32
      %dma_wait3A_116 = tpu.memref_slice %arg7[%add3A_106, %dma_wait3A_115] : memref<40x128xi32, #tpu.memory_space<vmem>> -> memref<1x128xi32, #tpu.memory_space<vmem>>
      %dma_wait3A_117 = tpu.memref_squeeze %dma_wait3A_116 : memref<1x128xi32, #tpu.memory_space<vmem>> -> memref<128xi32, #tpu.memory_space<vmem>>
      %dma_wait3A_118 = arith.constant 0 : i32
      %dma_wait3A_119 = arith.constant 0 : i32
      %dma_wait3A_120 = tpu.memref_slice %arg2[%dma_wait3A_118, %dma_wait3A_119] : memref<10000x128xf32, #tpu.memory_space<hbm>> -> memref<10000x128xf32, #tpu.memory_space<hbm>>
      tpu.wait_indirect_dma semaphore(%arg12 : memref<!tpu.dma_semaphore, #tpu.memory_space<semaphore_mem>>) src(%dma_wait3A_120 : memref<10000x128xf32, #tpu.memory_space<hbm>>) dst(%arg10 : memref<128x128xf32, #tpu.memory_space<vmem>>)
      %dma_wait3A_121 = arith.constant 0 : i32
      %dma_wait3A_122 = tpu.memref_slice %arg8[%mul3A_104, %dma_wait3A_121] : memref<40x128xi32, #tpu.memory_space<vmem>> -> memref<1x128xi32, #tpu.memory_space<vmem>>
      %dma_wait3A_123 = tpu.memref_squeeze %dma_wait3A_122 : memref<1x128xi32, #tpu.memory_space<vmem>> -> memref<128xi32, #tpu.memory_space<vmem>>
      %dma_wait3A_124 = arith.constant 0 : i32
      %dma_wait3A_125 = arith.constant 0 : i32
      %dma_wait3A_126 = tpu.memref_slice %arg11[%dma_wait3A_124, %dma_wait3A_125] : memref<10112x128xf32, #tpu.memory_space<vmem_shared>> -> memref<10112x128xf32, #tpu.memory_space<vmem_shared>>
      tpu.wait_indirect_dma semaphore(%arg13 : memref<!tpu.dma_semaphore, #tpu.memory_space<semaphore_mem>>) src(%arg9 : memref<128x128xf32, #tpu.memory_space<vmem>>) dst(%dma_wait3A_126 : memref<10112x128xf32, #tpu.memory_space<vmem_shared>>)
      %dma_start3A_127 = arith.constant 0 : i32
      %dma_start3A_128 = tpu.memref_slice %arg8[%add3A_106, %dma_start3A_127] : memref<40x128xi32, #tpu.memory_space<vmem>> -> memref<1x128xi32, #tpu.memory_space<vmem>>
      %dma_start3A_129 = tpu.memref_squeeze %dma_start3A_128 : memref<1x128xi32, #tpu.memory_space<vmem>> -> memref<128xi32, #tpu.memory_space<vmem>>
      %dma_start3A_130 = arith.constant 0 : i32
      %dma_start3A_131 = arith.constant 0 : i32
      %dma_start3A_132 = tpu.memref_slice %arg11[%dma_start3A_130, %dma_start3A_131] : memref<10112x128xf32, #tpu.memory_space<vmem_shared>> -> memref<10112x128xf32, #tpu.memory_space<vmem_shared>>
      tpu.enqueue_indirect_dma source(%arg10 : memref<128x128xf32, #tpu.memory_space<vmem>>) target(%dma_start3A_132 : memref<10112x128xf32, #tpu.memory_space<vmem_shared>>) offsets(%dma_start3A_129 : memref<128xi32, #tpu.memory_space<vmem>>) semaphore(%arg14 : memref<!tpu.dma_semaphore, #tpu.memory_space<semaphore_mem>>) {add = true}
      %dma_start3A_133 = arith.constant 0 : i32
      %dma_start3A_134 = tpu.memref_slice %arg7[%add3A_108, %dma_start3A_133] : memref<40x128xi32, #tpu.memory_space<vmem>> -> memref<1x128xi32, #tpu.memory_space<vmem>>
      %dma_start3A_135 = tpu.memref_squeeze %dma_start3A_134 : memref<1x128xi32, #tpu.memory_space<vmem>> -> memref<128xi32, #tpu.memory_space<vmem>>
      %dma_start3A_136 = arith.constant 0 : i32
      %dma_start3A_137 = arith.constant 0 : i32
      %dma_start3A_138 = tpu.memref_slice %arg2[%dma_start3A_136, %dma_start3A_137] : memref<10000x128xf32, #tpu.memory_space<hbm>> -> memref<10000x128xf32, #tpu.memory_space<hbm>>
      tpu.enqueue_indirect_dma source(%dma_start3A_138 : memref<10000x128xf32, #tpu.memory_space<hbm>>) target(%arg9 : memref<128x128xf32, #tpu.memory_space<vmem>>) offsets(%dma_start3A_135 : memref<128xi32, #tpu.memory_space<vmem>>) semaphore(%arg12 : memref<!tpu.dma_semaphore, #tpu.memory_space<semaphore_mem>>)
      %dma_wait3A_139 = arith.constant 0 : i32
      %dma_wait3A_140 = tpu.memref_slice %arg7[%add3A_108, %dma_wait3A_139] : memref<40x128xi32, #tpu.memory_space<vmem>> -> memref<1x128xi32, #tpu.memory_space<vmem>>
      %dma_wait3A_141 = tpu.memref_squeeze %dma_wait3A_140 : memref<1x128xi32, #tpu.memory_space<vmem>> -> memref<128xi32, #tpu.memory_space<vmem>>
      %dma_wait3A_142 = arith.constant 0 : i32
      %dma_wait3A_143 = arith.constant 0 : i32
      %dma_wait3A_144 = tpu.memref_slice %arg2[%dma_wait3A_142, %dma_wait3A_143] : memref<10000x128xf32, #tpu.memory_space<hbm>> -> memref<10000x128xf32, #tpu.memory_space<hbm>>
      tpu.wait_indirect_dma semaphore(%arg12 : memref<!tpu.dma_semaphore, #tpu.memory_space<semaphore_mem>>) src(%dma_wait3A_144 : memref<10000x128xf32, #tpu.memory_space<hbm>>) dst(%arg9 : memref<128x128xf32, #tpu.memory_space<vmem>>)
      %dma_wait3A_145 = arith.constant 0 : i32
      %dma_wait3A_146 = tpu.memref_slice %arg8[%add3A_106, %dma_wait3A_145] : memref<40x128xi32, #tpu.memory_space<vmem>> -> memref<1x128xi32, #tpu.memory_space<vmem>>
      %dma_wait3A_147 = tpu.memref_squeeze %dma_wait3A_146 : memref<1x128xi32, #tpu.memory_space<vmem>> -> memref<128xi32, #tpu.memory_space<vmem>>
      %dma_wait3A_148 = arith.constant 0 : i32
      %dma_wait3A_149 = arith.constant 0 : i32
      %dma_wait3A_150 = tpu.memref_slice %arg11[%dma_wait3A_148, %dma_wait3A_149] : memref<10112x128xf32, #tpu.memory_space<vmem_shared>> -> memref<10112x128xf32, #tpu.memory_space<vmem_shared>>
      tpu.wait_indirect_dma semaphore(%arg14 : memref<!tpu.dma_semaphore, #tpu.memory_space<semaphore_mem>>) src(%arg10 : memref<128x128xf32, #tpu.memory_space<vmem>>) dst(%dma_wait3A_150 : memref<10112x128xf32, #tpu.memory_space<vmem_shared>>)
      %dma_start3A_151 = arith.constant 0 : i32
      %dma_start3A_152 = tpu.memref_slice %arg8[%add3A_108, %dma_start3A_151] : memref<40x128xi32, #tpu.memory_space<vmem>> -> memref<1x128xi32, #tpu.memory_space<vmem>>
      %dma_start3A_153 = tpu.memref_squeeze %dma_start3A_152 : memref<1x128xi32, #tpu.memory_space<vmem>> -> memref<128xi32, #tpu.memory_space<vmem>>
      %dma_start3A_154 = arith.constant 0 : i32
      %dma_start3A_155 = arith.constant 0 : i32
      %dma_start3A_156 = tpu.memref_slice %arg11[%dma_start3A_154, %dma_start3A_155] : memref<10112x128xf32, #tpu.memory_space<vmem_shared>> -> memref<10112x128xf32, #tpu.memory_space<vmem_shared>>
      tpu.enqueue_indirect_dma source(%arg9 : memref<128x128xf32, #tpu.memory_space<vmem>>) target(%dma_start3A_156 : memref<10112x128xf32, #tpu.memory_space<vmem_shared>>) offsets(%dma_start3A_153 : memref<128xi32, #tpu.memory_space<vmem>>) semaphore(%arg13 : memref<!tpu.dma_semaphore, #tpu.memory_space<semaphore_mem>>) {add = true}
    }
    %scan3A_26 = arith.constant 19 : i32
    %dma_start3A_27 = arith.constant 39 : i32
    %dma_start3A_28 = arith.constant 0 : i32
    %dma_start3A_29 = tpu.memref_slice %arg7[%dma_start3A_27, %dma_start3A_28] : memref<40x128xi32, #tpu.memory_space<vmem>> -> memref<1x128xi32, #tpu.memory_space<vmem>>
    %dma_start3A_30 = tpu.memref_squeeze %dma_start3A_29 : memref<1x128xi32, #tpu.memory_space<vmem>> -> memref<128xi32, #tpu.memory_space<vmem>>
    %dma_start3A_31 = arith.constant 0 : i32
    %dma_start3A_32 = arith.constant 0 : i32
    %dma_start3A_33 = tpu.memref_slice %arg2[%dma_start3A_31, %dma_start3A_32] : memref<10000x128xf32, #tpu.memory_space<hbm>> -> memref<10000x128xf32, #tpu.memory_space<hbm>>
    tpu.enqueue_indirect_dma source(%dma_start3A_33 : memref<10000x128xf32, #tpu.memory_space<hbm>>) target(%arg10 : memref<128x128xf32, #tpu.memory_space<vmem>>) offsets(%dma_start3A_30 : memref<128xi32, #tpu.memory_space<vmem>>) semaphore(%arg12 : memref<!tpu.dma_semaphore, #tpu.memory_space<semaphore_mem>>)
    %dma_wait3A_34 = arith.constant 39 : i32
    %dma_wait3A_35 = arith.constant 0 : i32
    %dma_wait3A_36 = tpu.memref_slice %arg7[%dma_wait3A_34, %dma_wait3A_35] : memref<40x128xi32, #tpu.memory_space<vmem>> -> memref<1x128xi32, #tpu.memory_space<vmem>>
    %dma_wait3A_37 = tpu.memref_squeeze %dma_wait3A_36 : memref<1x128xi32, #tpu.memory_space<vmem>> -> memref<128xi32, #tpu.memory_space<vmem>>
    %dma_wait3A_38 = arith.constant 0 : i32
    %dma_wait3A_39 = arith.constant 0 : i32
    %dma_wait3A_40 = tpu.memref_slice %arg2[%dma_wait3A_38, %dma_wait3A_39] : memref<10000x128xf32, #tpu.memory_space<hbm>> -> memref<10000x128xf32, #tpu.memory_space<hbm>>
    tpu.wait_indirect_dma semaphore(%arg12 : memref<!tpu.dma_semaphore, #tpu.memory_space<semaphore_mem>>) src(%dma_wait3A_40 : memref<10000x128xf32, #tpu.memory_space<hbm>>) dst(%arg10 : memref<128x128xf32, #tpu.memory_space<vmem>>)
    %dma_wait3A_41 = arith.constant 38 : i32
    %dma_wait3A_42 = arith.constant 0 : i32
    %dma_wait3A_43 = tpu.memref_slice %arg8[%dma_wait3A_41, %dma_wait3A_42] : memref<40x128xi32, #tpu.memory_space<vmem>> -> memref<1x128xi32, #tpu.memory_space<vmem>>
    %dma_wait3A_44 = tpu.memref_squeeze %dma_wait3A_43 : memref<1x128xi32, #tpu.memory_space<vmem>> -> memref<128xi32, #tpu.memory_space<vmem>>
    %dma_wait3A_45 = arith.constant 0 : i32
    %dma_wait3A_46 = arith.constant 0 : i32
    %dma_wait3A_47 = tpu.memref_slice %arg11[%dma_wait3A_45, %dma_wait3A_46] : memref<10112x128xf32, #tpu.memory_space<vmem_shared>> -> memref<10112x128xf32, #tpu.memory_space<vmem_shared>>
    tpu.wait_indirect_dma semaphore(%arg13 : memref<!tpu.dma_semaphore, #tpu.memory_space<semaphore_mem>>) src(%arg9 : memref<128x128xf32, #tpu.memory_space<vmem>>) dst(%dma_wait3A_47 : memref<10112x128xf32, #tpu.memory_space<vmem_shared>>)
    %run_scoped3A = arith.constant 39 : i32
    "tpu.region"() ({
      %run_scoped3A_102 = tpu.sem_alloc : memref<!tpu.dma_semaphore, #tpu.memory_space<semaphore_mem>>
      %dma_start3A_103 = arith.constant 0 : i32
      %dma_start3A_104 = tpu.memref_slice %arg8[%run_scoped3A, %dma_start3A_103] : memref<40x128xi32, #tpu.memory_space<vmem>> -> memref<1x128xi32, #tpu.memory_space<vmem>>
      %dma_start3A_105 = tpu.memref_squeeze %dma_start3A_104 : memref<1x128xi32, #tpu.memory_space<vmem>> -> memref<128xi32, #tpu.memory_space<vmem>>
      %dma_start3A_106 = arith.constant 0 : i32
      %dma_start3A_107 = arith.constant 0 : i32
      %dma_start3A_108 = tpu.memref_slice %arg11[%dma_start3A_106, %dma_start3A_107] : memref<10112x128xf32, #tpu.memory_space<vmem_shared>> -> memref<10112x128xf32, #tpu.memory_space<vmem_shared>>
      tpu.enqueue_indirect_dma source(%arg10 : memref<128x128xf32, #tpu.memory_space<vmem>>) target(%dma_start3A_108 : memref<10112x128xf32, #tpu.memory_space<vmem_shared>>) offsets(%dma_start3A_105 : memref<128xi32, #tpu.memory_space<vmem>>) semaphore(%run_scoped3A_102 : memref<!tpu.dma_semaphore, #tpu.memory_space<semaphore_mem>>) {add = true}
      %dma_wait3A_109 = arith.constant 0 : i32
      %dma_wait3A_110 = tpu.memref_slice %arg8[%run_scoped3A, %dma_wait3A_109] : memref<40x128xi32, #tpu.memory_space<vmem>> -> memref<1x128xi32, #tpu.memory_space<vmem>>
      %dma_wait3A_111 = tpu.memref_squeeze %dma_wait3A_110 : memref<1x128xi32, #tpu.memory_space<vmem>> -> memref<128xi32, #tpu.memory_space<vmem>>
      %dma_wait3A_112 = arith.constant 0 : i32
      %dma_wait3A_113 = arith.constant 0 : i32
      %dma_wait3A_114 = tpu.memref_slice %arg11[%dma_wait3A_112, %dma_wait3A_113] : memref<10112x128xf32, #tpu.memory_space<vmem_shared>> -> memref<10112x128xf32, #tpu.memory_space<vmem_shared>>
      tpu.wait_indirect_dma semaphore(%run_scoped3A_102 : memref<!tpu.dma_semaphore, #tpu.memory_space<semaphore_mem>>) src(%arg10 : memref<128x128xf32, #tpu.memory_space<vmem>>) dst(%dma_wait3A_114 : memref<10112x128xf32, #tpu.memory_space<vmem_shared>>)
      tpu.yield
    }) : () -> ()
    "tpu.region"() ({
      %run_scoped3A_102 = tpu.sem_alloc : memref<!tpu.dma_semaphore, #tpu.memory_space<semaphore_mem>>
      %dma_start3A_103 = arith.constant 40 : i32
      %dma_start3A_104 = arith.constant 0 : i32
      %dma_start3A_105 = tpu.memref_slice %arg3[%add3A, %dma_start3A_103, %dma_start3A_104] : memref<32x80x128xi32, #tpu.memory_space<hbm>> -> memref<1x40x128xi32, #tpu.memory_space<hbm>>
      %dma_start3A_106 = tpu.memref_squeeze %dma_start3A_105 : memref<1x40x128xi32, #tpu.memory_space<hbm>> -> memref<40x128xi32, #tpu.memory_space<hbm>>
      %dma_start3A_107 = arith.constant 40 : i32
      %dma_start3A_108 = arith.constant 0 : i32
      %dma_start3A_109 = tpu.memref_slice %arg3[%add3A, %dma_start3A_107, %dma_start3A_108] : memref<32x80x128xi32, #tpu.memory_space<hbm>> -> memref<1x40x128xi32, #tpu.memory_space<hbm>>
      %dma_start3A_110 = tpu.memref_squeeze %dma_start3A_109 : memref<1x40x128xi32, #tpu.memory_space<hbm>> -> memref<40x128xi32, #tpu.memory_space<hbm>>
      tpu.enqueue_dma source(%dma_start3A_110 : memref<40x128xi32, #tpu.memory_space<hbm>>) target(%arg7 : memref<40x128xi32, #tpu.memory_space<vmem>>) target_semaphore(%run_scoped3A_102 : memref<!tpu.dma_semaphore, #tpu.memory_space<semaphore_mem>>)
      %dma_wait3A_111 = arith.constant 40 : i32
      %dma_wait3A_112 = arith.constant 0 : i32
      %dma_wait3A_113 = tpu.memref_slice %arg3[%add3A, %dma_wait3A_111, %dma_wait3A_112] : memref<32x80x128xi32, #tpu.memory_space<hbm>> -> memref<1x40x128xi32, #tpu.memory_space<hbm>>
      %dma_wait3A_114 = tpu.memref_squeeze %dma_wait3A_113 : memref<1x40x128xi32, #tpu.memory_space<hbm>> -> memref<40x128xi32, #tpu.memory_space<hbm>>
      %dma_wait3A_115 = arith.constant 40 : i32
      %dma_wait3A_116 = arith.constant 0 : i32
      %dma_wait3A_117 = tpu.memref_slice %arg3[%add3A, %dma_wait3A_115, %dma_wait3A_116] : memref<32x80x128xi32, #tpu.memory_space<hbm>> -> memref<1x40x128xi32, #tpu.memory_space<hbm>>
      %dma_wait3A_118 = tpu.memref_squeeze %dma_wait3A_117 : memref<1x40x128xi32, #tpu.memory_space<hbm>> -> memref<40x128xi32, #tpu.memory_space<hbm>>
      tpu.wait_dma2 semaphore(%run_scoped3A_102 : memref<!tpu.dma_semaphore, #tpu.memory_space<semaphore_mem>>) src(%dma_wait3A_118 : memref<40x128xi32, #tpu.memory_space<hbm>>) dst(%arg7 : memref<40x128xi32, #tpu.memory_space<vmem>>)
      tpu.yield
    }) : () -> ()
    "tpu.region"() ({
      %run_scoped3A_102 = tpu.sem_alloc : memref<!tpu.dma_semaphore, #tpu.memory_space<semaphore_mem>>
      %dma_start3A_103 = arith.constant 40 : i32
      %dma_start3A_104 = arith.constant 0 : i32
      %dma_start3A_105 = tpu.memref_slice %arg4[%add3A, %dma_start3A_103, %dma_start3A_104] : memref<32x80x128xi32, #tpu.memory_space<hbm>> -> memref<1x40x128xi32, #tpu.memory_space<hbm>>
      %dma_start3A_106 = tpu.memref_squeeze %dma_start3A_105 : memref<1x40x128xi32, #tpu.memory_space<hbm>> -> memref<40x128xi32, #tpu.memory_space<hbm>>
      %dma_start3A_107 = arith.constant 40 : i32
      %dma_start3A_108 = arith.constant 0 : i32
      %dma_start3A_109 = tpu.memref_slice %arg4[%add3A, %dma_start3A_107, %dma_start3A_108] : memref<32x80x128xi32, #tpu.memory_space<hbm>> -> memref<1x40x128xi32, #tpu.memory_space<hbm>>
      %dma_start3A_110 = tpu.memref_squeeze %dma_start3A_109 : memref<1x40x128xi32, #tpu.memory_space<hbm>> -> memref<40x128xi32, #tpu.memory_space<hbm>>
      tpu.enqueue_dma source(%dma_start3A_110 : memref<40x128xi32, #tpu.memory_space<hbm>>) target(%arg8 : memref<40x128xi32, #tpu.memory_space<vmem>>) target_semaphore(%run_scoped3A_102 : memref<!tpu.dma_semaphore, #tpu.memory_space<semaphore_mem>>)
      %dma_wait3A_111 = arith.constant 40 : i32
      %dma_wait3A_112 = arith.constant 0 : i32
      %dma_wait3A_113 = tpu.memref_slice %arg4[%add3A, %dma_wait3A_111, %dma_wait3A_112] : memref<32x80x128xi32, #tpu.memory_space<hbm>> -> memref<1x40x128xi32, #tpu.memory_space<hbm>>
      %dma_wait3A_114 = tpu.memref_squeeze %dma_wait3A_113 : memref<1x40x128xi32, #tpu.memory_space<hbm>> -> memref<40x128xi32, #tpu.memory_space<hbm>>
      %dma_wait3A_115 = arith.constant 40 : i32
      %dma_wait3A_116 = arith.constant 0 : i32
      %dma_wait3A_117 = tpu.memref_slice %arg4[%add3A, %dma_wait3A_115, %dma_wait3A_116] : memref<32x80x128xi32, #tpu.memory_space<hbm>> -> memref<1x40x128xi32, #tpu.memory_space<hbm>>
      %dma_wait3A_118 = tpu.memref_squeeze %dma_wait3A_117 : memref<1x40x128xi32, #tpu.memory_space<hbm>> -> memref<40x128xi32, #tpu.memory_space<hbm>>
      tpu.wait_dma2 semaphore(%run_scoped3A_102 : memref<!tpu.dma_semaphore, #tpu.memory_space<semaphore_mem>>) src(%dma_wait3A_118 : memref<40x128xi32, #tpu.memory_space<hbm>>) dst(%arg8 : memref<40x128xi32, #tpu.memory_space<vmem>>)
      tpu.yield
    }) : () -> ()
    %dma_start3A_48 = arith.constant 0 : i32
    %dma_start3A_49 = arith.constant 0 : i32
    %dma_start3A_50 = tpu.memref_slice %arg7[%dma_start3A_48, %dma_start3A_49] : memref<40x128xi32, #tpu.memory_space<vmem>> -> memref<1x128xi32, #tpu.memory_space<vmem>>
    %dma_start3A_51 = tpu.memref_squeeze %dma_start3A_50 : memref<1x128xi32, #tpu.memory_space<vmem>> -> memref<128xi32, #tpu.memory_space<vmem>>
    %dma_start3A_52 = arith.constant 0 : i32
    %dma_start3A_53 = arith.constant 0 : i32
    %dma_start3A_54 = tpu.memref_slice %arg2[%dma_start3A_52, %dma_start3A_53] : memref<10000x128xf32, #tpu.memory_space<hbm>> -> memref<10000x128xf32, #tpu.memory_space<hbm>>
    tpu.enqueue_indirect_dma source(%dma_start3A_54 : memref<10000x128xf32, #tpu.memory_space<hbm>>) target(%arg9 : memref<128x128xf32, #tpu.memory_space<vmem>>) offsets(%dma_start3A_51 : memref<128xi32, #tpu.memory_space<vmem>>) semaphore(%arg12 : memref<!tpu.dma_semaphore, #tpu.memory_space<semaphore_mem>>)
    %dma_wait3A_55 = arith.constant 0 : i32
    %dma_wait3A_56 = arith.constant 0 : i32
    %dma_wait3A_57 = tpu.memref_slice %arg7[%dma_wait3A_55, %dma_wait3A_56] : memref<40x128xi32, #tpu.memory_space<vmem>> -> memref<1x128xi32, #tpu.memory_space<vmem>>
    %dma_wait3A_58 = tpu.memref_squeeze %dma_wait3A_57 : memref<1x128xi32, #tpu.memory_space<vmem>> -> memref<128xi32, #tpu.memory_space<vmem>>
    %dma_wait3A_59 = arith.constant 0 : i32
    %dma_wait3A_60 = arith.constant 0 : i32
    %dma_wait3A_61 = tpu.memref_slice %arg2[%dma_wait3A_59, %dma_wait3A_60] : memref<10000x128xf32, #tpu.memory_space<hbm>> -> memref<10000x128xf32, #tpu.memory_space<hbm>>
    tpu.wait_indirect_dma semaphore(%arg12 : memref<!tpu.dma_semaphore, #tpu.memory_space<semaphore_mem>>) src(%dma_wait3A_61 : memref<10000x128xf32, #tpu.memory_space<hbm>>) dst(%arg9 : memref<128x128xf32, #tpu.memory_space<vmem>>)
    %dma_start3A_62 = arith.constant 0 : i32
    %dma_start3A_63 = arith.constant 0 : i32
    %dma_start3A_64 = tpu.memref_slice %arg8[%dma_start3A_62, %dma_start3A_63] : memref<40x128xi32, #tpu.memory_space<vmem>> -> memref<1x128xi32, #tpu.memory_space<vmem>>
    %dma_start3A_65 = tpu.memref_squeeze %dma_start3A_64 : memref<1x128xi32, #tpu.memory_space<vmem>> -> memref<128xi32, #tpu.memory_space<vmem>>
    %dma_start3A_66 = arith.constant 0 : i32
    %dma_start3A_67 = arith.constant 0 : i32
    %dma_start3A_68 = tpu.memref_slice %arg11[%dma_start3A_66, %dma_start3A_67] : memref<10112x128xf32, #tpu.memory_space<vmem_shared>> -> memref<10112x128xf32, #tpu.memory_space<vmem_shared>>
    tpu.enqueue_indirect_dma source(%arg9 : memref<128x128xf32, #tpu.memory_space<vmem>>) target(%dma_start3A_68 : memref<10112x128xf32, #tpu.memory_space<vmem_shared>>) offsets(%dma_start3A_65 : memref<128xi32, #tpu.memory_space<vmem>>) semaphore(%arg13 : memref<!tpu.dma_semaphore, #tpu.memory_space<semaphore_mem>>) {add = true}
    %scan3A_69 = arith.constant 0 : i32
    %scan3A_70 = arith.constant 0 : i32
    %scan3A_71 = arith.constant 19 : i32
    %scan3A_72 = arith.addi %scan3A_70, %scan3A_71 : i32
    %scan3A_73 = arith.constant 1 : i32
    scf.for %scan3A_102 = %scan3A_70 to %scan3A_72 step %scan3A_73  : i32 {
      %mul3A_103 = arith.constant 2 : i32
      %mul3A_104 = arith.muli %mul3A_103, %scan3A_102 : i32
      %add3A_105 = arith.constant 1 : i32
      %add3A_106 = arith.addi %mul3A_104, %add3A_105 : i32
      %add3A_107 = arith.constant 2 : i32
      %add3A_108 = arith.addi %mul3A_104, %add3A_107 : i32
      %dma_start3A_109 = arith.constant 0 : i32
      %dma_start3A_110 = tpu.memref_slice %arg7[%add3A_106, %dma_start3A_109] : memref<40x128xi32, #tpu.memory_space<vmem>> -> memref<1x128xi32, #tpu.memory_space<vmem>>
      %dma_start3A_111 = tpu.memref_squeeze %dma_start3A_110 : memref<1x128xi32, #tpu.memory_space<vmem>> -> memref<128xi32, #tpu.memory_space<vmem>>
      %dma_start3A_112 = arith.constant 0 : i32
      %dma_start3A_113 = arith.constant 0 : i32
      %dma_start3A_114 = tpu.memref_slice %arg2[%dma_start3A_112, %dma_start3A_113] : memref<10000x128xf32, #tpu.memory_space<hbm>> -> memref<10000x128xf32, #tpu.memory_space<hbm>>
      tpu.enqueue_indirect_dma source(%dma_start3A_114 : memref<10000x128xf32, #tpu.memory_space<hbm>>) target(%arg10 : memref<128x128xf32, #tpu.memory_space<vmem>>) offsets(%dma_start3A_111 : memref<128xi32, #tpu.memory_space<vmem>>) semaphore(%arg12 : memref<!tpu.dma_semaphore, #tpu.memory_space<semaphore_mem>>)
      %dma_wait3A_115 = arith.constant 0 : i32
      %dma_wait3A_116 = tpu.memref_slice %arg7[%add3A_106, %dma_wait3A_115] : memref<40x128xi32, #tpu.memory_space<vmem>> -> memref<1x128xi32, #tpu.memory_space<vmem>>
      %dma_wait3A_117 = tpu.memref_squeeze %dma_wait3A_116 : memref<1x128xi32, #tpu.memory_space<vmem>> -> memref<128xi32, #tpu.memory_space<vmem>>
      %dma_wait3A_118 = arith.constant 0 : i32
      %dma_wait3A_119 = arith.constant 0 : i32
      %dma_wait3A_120 = tpu.memref_slice %arg2[%dma_wait3A_118, %dma_wait3A_119] : memref<10000x128xf32, #tpu.memory_space<hbm>> -> memref<10000x128xf32, #tpu.memory_space<hbm>>
      tpu.wait_indirect_dma semaphore(%arg12 : memref<!tpu.dma_semaphore, #tpu.memory_space<semaphore_mem>>) src(%dma_wait3A_120 : memref<10000x128xf32, #tpu.memory_space<hbm>>) dst(%arg10 : memref<128x128xf32, #tpu.memory_space<vmem>>)
      %dma_wait3A_121 = arith.constant 0 : i32
      %dma_wait3A_122 = tpu.memref_slice %arg8[%mul3A_104, %dma_wait3A_121] : memref<40x128xi32, #tpu.memory_space<vmem>> -> memref<1x128xi32, #tpu.memory_space<vmem>>
      %dma_wait3A_123 = tpu.memref_squeeze %dma_wait3A_122 : memref<1x128xi32, #tpu.memory_space<vmem>> -> memref<128xi32, #tpu.memory_space<vmem>>
      %dma_wait3A_124 = arith.constant 0 : i32
      %dma_wait3A_125 = arith.constant 0 : i32
      %dma_wait3A_126 = tpu.memref_slice %arg11[%dma_wait3A_124, %dma_wait3A_125] : memref<10112x128xf32, #tpu.memory_space<vmem_shared>> -> memref<10112x128xf32, #tpu.memory_space<vmem_shared>>
      tpu.wait_indirect_dma semaphore(%arg13 : memref<!tpu.dma_semaphore, #tpu.memory_space<semaphore_mem>>) src(%arg9 : memref<128x128xf32, #tpu.memory_space<vmem>>) dst(%dma_wait3A_126 : memref<10112x128xf32, #tpu.memory_space<vmem_shared>>)
      %dma_start3A_127 = arith.constant 0 : i32
      %dma_start3A_128 = tpu.memref_slice %arg8[%add3A_106, %dma_start3A_127] : memref<40x128xi32, #tpu.memory_space<vmem>> -> memref<1x128xi32, #tpu.memory_space<vmem>>
      %dma_start3A_129 = tpu.memref_squeeze %dma_start3A_128 : memref<1x128xi32, #tpu.memory_space<vmem>> -> memref<128xi32, #tpu.memory_space<vmem>>
      %dma_start3A_130 = arith.constant 0 : i32
      %dma_start3A_131 = arith.constant 0 : i32
      %dma_start3A_132 = tpu.memref_slice %arg11[%dma_start3A_130, %dma_start3A_131] : memref<10112x128xf32, #tpu.memory_space<vmem_shared>> -> memref<10112x128xf32, #tpu.memory_space<vmem_shared>>
      tpu.enqueue_indirect_dma source(%arg10 : memref<128x128xf32, #tpu.memory_space<vmem>>) target(%dma_start3A_132 : memref<10112x128xf32, #tpu.memory_space<vmem_shared>>) offsets(%dma_start3A_129 : memref<128xi32, #tpu.memory_space<vmem>>) semaphore(%arg14 : memref<!tpu.dma_semaphore, #tpu.memory_space<semaphore_mem>>) {add = true}
      %dma_start3A_133 = arith.constant 0 : i32
      %dma_start3A_134 = tpu.memref_slice %arg7[%add3A_108, %dma_start3A_133] : memref<40x128xi32, #tpu.memory_space<vmem>> -> memref<1x128xi32, #tpu.memory_space<vmem>>
      %dma_start3A_135 = tpu.memref_squeeze %dma_start3A_134 : memref<1x128xi32, #tpu.memory_space<vmem>> -> memref<128xi32, #tpu.memory_space<vmem>>
      %dma_start3A_136 = arith.constant 0 : i32
      %dma_start3A_137 = arith.constant 0 : i32
      %dma_start3A_138 = tpu.memref_slice %arg2[%dma_start3A_136, %dma_start3A_137] : memref<10000x128xf32, #tpu.memory_space<hbm>> -> memref<10000x128xf32, #tpu.memory_space<hbm>>
      tpu.enqueue_indirect_dma source(%dma_start3A_138 : memref<10000x128xf32, #tpu.memory_space<hbm>>) target(%arg9 : memref<128x128xf32, #tpu.memory_space<vmem>>) offsets(%dma_start3A_135 : memref<128xi32, #tpu.memory_space<vmem>>) semaphore(%arg12 : memref<!tpu.dma_semaphore, #tpu.memory_space<semaphore_mem>>)
      %dma_wait3A_139 = arith.constant 0 : i32
      %dma_wait3A_140 = tpu.memref_slice %arg7[%add3A_108, %dma_wait3A_139] : memref<40x128xi32, #tpu.memory_space<vmem>> -> memref<1x128xi32, #tpu.memory_space<vmem>>
      %dma_wait3A_141 = tpu.memref_squeeze %dma_wait3A_140 : memref<1x128xi32, #tpu.memory_space<vmem>> -> memref<128xi32, #tpu.memory_space<vmem>>
      %dma_wait3A_142 = arith.constant 0 : i32
      %dma_wait3A_143 = arith.constant 0 : i32
      %dma_wait3A_144 = tpu.memref_slice %arg2[%dma_wait3A_142, %dma_wait3A_143] : memref<10000x128xf32, #tpu.memory_space<hbm>> -> memref<10000x128xf32, #tpu.memory_space<hbm>>
      tpu.wait_indirect_dma semaphore(%arg12 : memref<!tpu.dma_semaphore, #tpu.memory_space<semaphore_mem>>) src(%dma_wait3A_144 : memref<10000x128xf32, #tpu.memory_space<hbm>>) dst(%arg9 : memref<128x128xf32, #tpu.memory_space<vmem>>)
      %dma_wait3A_145 = arith.constant 0 : i32
      %dma_wait3A_146 = tpu.memref_slice %arg8[%add3A_106, %dma_wait3A_145] : memref<40x128xi32, #tpu.memory_space<vmem>> -> memref<1x128xi32, #tpu.memory_space<vmem>>
      %dma_wait3A_147 = tpu.memref_squeeze %dma_wait3A_146 : memref<1x128xi32, #tpu.memory_space<vmem>> -> memref<128xi32, #tpu.memory_space<vmem>>
      %dma_wait3A_148 = arith.constant 0 : i32
      %dma_wait3A_149 = arith.constant 0 : i32
      %dma_wait3A_150 = tpu.memref_slice %arg11[%dma_wait3A_148, %dma_wait3A_149] : memref<10112x128xf32, #tpu.memory_space<vmem_shared>> -> memref<10112x128xf32, #tpu.memory_space<vmem_shared>>
      tpu.wait_indirect_dma semaphore(%arg14 : memref<!tpu.dma_semaphore, #tpu.memory_space<semaphore_mem>>) src(%arg10 : memref<128x128xf32, #tpu.memory_space<vmem>>) dst(%dma_wait3A_150 : memref<10112x128xf32, #tpu.memory_space<vmem_shared>>)
      %dma_start3A_151 = arith.constant 0 : i32
      %dma_start3A_152 = tpu.memref_slice %arg8[%add3A_108, %dma_start3A_151] : memref<40x128xi32, #tpu.memory_space<vmem>> -> memref<1x128xi32, #tpu.memory_space<vmem>>
      %dma_start3A_153 = tpu.memref_squeeze %dma_start3A_152 : memref<1x128xi32, #tpu.memory_space<vmem>> -> memref<128xi32, #tpu.memory_space<vmem>>
      %dma_start3A_154 = arith.constant 0 : i32
      %dma_start3A_155 = arith.constant 0 : i32
      %dma_start3A_156 = tpu.memref_slice %arg11[%dma_start3A_154, %dma_start3A_155] : memref<10112x128xf32, #tpu.memory_space<vmem_shared>> -> memref<10112x128xf32, #tpu.memory_space<vmem_shared>>
      tpu.enqueue_indirect_dma source(%arg9 : memref<128x128xf32, #tpu.memory_space<vmem>>) target(%dma_start3A_156 : memref<10112x128xf32, #tpu.memory_space<vmem_shared>>) offsets(%dma_start3A_153 : memref<128xi32, #tpu.memory_space<vmem>>) semaphore(%arg13 : memref<!tpu.dma_semaphore, #tpu.memory_space<semaphore_mem>>) {add = true}
    }
    %scan3A_74 = arith.constant 19 : i32
    %dma_start3A_75 = arith.constant 39 : i32
    %dma_start3A_76 = arith.constant 0 : i32
    %dma_start3A_77 = tpu.memref_slice %arg7[%dma_start3A_75, %dma_start3A_76] : memref<40x128xi32, #tpu.memory_space<vmem>> -> memref<1x128xi32, #tpu.memory_space<vmem>>
    %dma_start3A_78 = tpu.memref_squeeze %dma_start3A_77 : memref<1x128xi32, #tpu.memory_space<vmem>> -> memref<128xi32, #tpu.memory_space<vmem>>
    %dma_start3A_79 = arith.constant 0 : i32
    %dma_start3A_80 = arith.constant 0 : i32
    %dma_start3A_81 = tpu.memref_slice %arg2[%dma_start3A_79, %dma_start3A_80] : memref<10000x128xf32, #tpu.memory_space<hbm>> -> memref<10000x128xf32, #tpu.memory_space<hbm>>
    tpu.enqueue_indirect_dma source(%dma_start3A_81 : memref<10000x128xf32, #tpu.memory_space<hbm>>) target(%arg10 : memref<128x128xf32, #tpu.memory_space<vmem>>) offsets(%dma_start3A_78 : memref<128xi32, #tpu.memory_space<vmem>>) semaphore(%arg12 : memref<!tpu.dma_semaphore, #tpu.memory_space<semaphore_mem>>)
    %dma_wait3A_82 = arith.constant 39 : i32
    %dma_wait3A_83 = arith.constant 0 : i32
    %dma_wait3A_84 = tpu.memref_slice %arg7[%dma_wait3A_82, %dma_wait3A_83] : memref<40x128xi32, #tpu.memory_space<vmem>> -> memref<1x128xi32, #tpu.memory_space<vmem>>
    %dma_wait3A_85 = tpu.memref_squeeze %dma_wait3A_84 : memref<1x128xi32, #tpu.memory_space<vmem>> -> memref<128xi32, #tpu.memory_space<vmem>>
    %dma_wait3A_86 = arith.constant 0 : i32
    %dma_wait3A_87 = arith.constant 0 : i32
    %dma_wait3A_88 = tpu.memref_slice %arg2[%dma_wait3A_86, %dma_wait3A_87] : memref<10000x128xf32, #tpu.memory_space<hbm>> -> memref<10000x128xf32, #tpu.memory_space<hbm>>
    tpu.wait_indirect_dma semaphore(%arg12 : memref<!tpu.dma_semaphore, #tpu.memory_space<semaphore_mem>>) src(%dma_wait3A_88 : memref<10000x128xf32, #tpu.memory_space<hbm>>) dst(%arg10 : memref<128x128xf32, #tpu.memory_space<vmem>>)
    %dma_wait3A_89 = arith.constant 38 : i32
    %dma_wait3A_90 = arith.constant 0 : i32
    %dma_wait3A_91 = tpu.memref_slice %arg8[%dma_wait3A_89, %dma_wait3A_90] : memref<40x128xi32, #tpu.memory_space<vmem>> -> memref<1x128xi32, #tpu.memory_space<vmem>>
    %dma_wait3A_92 = tpu.memref_squeeze %dma_wait3A_91 : memref<1x128xi32, #tpu.memory_space<vmem>> -> memref<128xi32, #tpu.memory_space<vmem>>
    %dma_wait3A_93 = arith.constant 0 : i32
    %dma_wait3A_94 = arith.constant 0 : i32
    %dma_wait3A_95 = tpu.memref_slice %arg11[%dma_wait3A_93, %dma_wait3A_94] : memref<10112x128xf32, #tpu.memory_space<vmem_shared>> -> memref<10112x128xf32, #tpu.memory_space<vmem_shared>>
    tpu.wait_indirect_dma semaphore(%arg13 : memref<!tpu.dma_semaphore, #tpu.memory_space<semaphore_mem>>) src(%arg9 : memref<128x128xf32, #tpu.memory_space<vmem>>) dst(%dma_wait3A_95 : memref<10112x128xf32, #tpu.memory_space<vmem_shared>>)
    %run_scoped3A_96 = arith.constant 39 : i32
    "tpu.region"() ({
      %run_scoped3A_102 = tpu.sem_alloc : memref<!tpu.dma_semaphore, #tpu.memory_space<semaphore_mem>>
      %dma_start3A_103 = arith.constant 0 : i32
      %dma_start3A_104 = tpu.memref_slice %arg8[%run_scoped3A_96, %dma_start3A_103] : memref<40x128xi32, #tpu.memory_space<vmem>> -> memref<1x128xi32, #tpu.memory_space<vmem>>
      %dma_start3A_105 = tpu.memref_squeeze %dma_start3A_104 : memref<1x128xi32, #tpu.memory_space<vmem>> -> memref<128xi32, #tpu.memory_space<vmem>>
      %dma_start3A_106 = arith.constant 0 : i32
      %dma_start3A_107 = arith.constant 0 : i32
      %dma_start3A_108 = tpu.memref_slice %arg11[%dma_start3A_106, %dma_start3A_107] : memref<10112x128xf32, #tpu.memory_space<vmem_shared>> -> memref<10112x128xf32, #tpu.memory_space<vmem_shared>>
      tpu.enqueue_indirect_dma source(%arg10 : memref<128x128xf32, #tpu.memory_space<vmem>>) target(%dma_start3A_108 : memref<10112x128xf32, #tpu.memory_space<vmem_shared>>) offsets(%dma_start3A_105 : memref<128xi32, #tpu.memory_space<vmem>>) semaphore(%run_scoped3A_102 : memref<!tpu.dma_semaphore, #tpu.memory_space<semaphore_mem>>) {add = true}
      %dma_wait3A_109 = arith.constant 0 : i32
      %dma_wait3A_110 = tpu.memref_slice %arg8[%run_scoped3A_96, %dma_wait3A_109] : memref<40x128xi32, #tpu.memory_space<vmem>> -> memref<1x128xi32, #tpu.memory_space<vmem>>
      %dma_wait3A_111 = tpu.memref_squeeze %dma_wait3A_110 : memref<1x128xi32, #tpu.memory_space<vmem>> -> memref<128xi32, #tpu.memory_space<vmem>>
      %dma_wait3A_112 = arith.constant 0 : i32
      %dma_wait3A_113 = arith.constant 0 : i32
      %dma_wait3A_114 = tpu.memref_slice %arg11[%dma_wait3A_112, %dma_wait3A_113] : memref<10112x128xf32, #tpu.memory_space<vmem_shared>> -> memref<10112x128xf32, #tpu.memory_space<vmem_shared>>
      tpu.wait_indirect_dma semaphore(%run_scoped3A_102 : memref<!tpu.dma_semaphore, #tpu.memory_space<semaphore_mem>>) src(%arg10 : memref<128x128xf32, #tpu.memory_space<vmem>>) dst(%dma_wait3A_114 : memref<10112x128xf32, #tpu.memory_space<vmem_shared>>)
      tpu.yield
    }) : () -> ()
    %barrier3A_97 = arith.constant 0 : index
    tpu.barrier barrier_id(%barrier3A_97)
    %mul3A_98 = arith.constant 632 : i32
    %mul3A_99 = arith.muli %arg1, %mul3A_98 : i32
    %mul3A_100 = arith.constant 632 : i32
    %mul3A_101 = arith.muli %arg1, %mul3A_100 : i32
    "tpu.region"() ({
      %run_scoped3A_102 = tpu.sem_alloc : memref<!tpu.dma_semaphore, #tpu.memory_space<semaphore_mem>>
      %dma_start3A_103 = arith.constant 0 : i32
      %dma_start3A_104 = tpu.memref_slice %arg6[%arg0, %mul3A_101, %dma_start3A_103] : memref<2x10112x128xf32, #tpu.memory_space<hbm>> -> memref<1x632x128xf32, #tpu.memory_space<hbm>>
      %dma_start3A_105 = tpu.memref_squeeze %dma_start3A_104 : memref<1x632x128xf32, #tpu.memory_space<hbm>> -> memref<632x128xf32, #tpu.memory_space<hbm>>
      %dma_start3A_106 = arith.constant 0 : i32
      %dma_start3A_107 = tpu.memref_slice %arg11[%mul3A_99, %dma_start3A_106] : memref<10112x128xf32, #tpu.memory_space<vmem_shared>> -> memref<632x128xf32, #tpu.memory_space<vmem_shared>>
      tpu.enqueue_dma source(%dma_start3A_107 : memref<632x128xf32, #tpu.memory_space<vmem_shared>>) target(%dma_start3A_105 : memref<632x128xf32, #tpu.memory_space<hbm>>) target_semaphore(%run_scoped3A_102 : memref<!tpu.dma_semaphore, #tpu.memory_space<semaphore_mem>>)
      %dma_wait3A_108 = arith.constant 0 : i32
      %dma_wait3A_109 = tpu.memref_slice %arg6[%arg0, %mul3A_101, %dma_wait3A_108] : memref<2x10112x128xf32, #tpu.memory_space<hbm>> -> memref<1x632x128xf32, #tpu.memory_space<hbm>>
      %dma_wait3A_110 = tpu.memref_squeeze %dma_wait3A_109 : memref<1x632x128xf32, #tpu.memory_space<hbm>> -> memref<632x128xf32, #tpu.memory_space<hbm>>
      %dma_wait3A_111 = arith.constant 0 : i32
      %dma_wait3A_112 = tpu.memref_slice %arg11[%mul3A_99, %dma_wait3A_111] : memref<10112x128xf32, #tpu.memory_space<vmem_shared>> -> memref<632x128xf32, #tpu.memory_space<vmem_shared>>
      tpu.wait_dma2 semaphore(%run_scoped3A_102 : memref<!tpu.dma_semaphore, #tpu.memory_space<semaphore_mem>>) src(%dma_wait3A_112 : memref<632x128xf32, #tpu.memory_space<vmem_shared>>) dst(%dma_wait3A_110 : memref<632x128xf32, #tpu.memory_space<hbm>>)
      tpu.yield
    }) : () -> ()
    return
  }
}

module attributes {stable_mosaic.version = 14 : i64} {
  func.func @_prep_body(%arg0: memref<2x10112x128xf32, #tpu.memory_space<vmem>>, %arg1: memref<10000x128xf32, #tpu.memory_space<vmem>>, %arg2: memref<10000x1xf32, #tpu.memory_space<vmem>>, %arg3: memref<10000x128xf32, #tpu.memory_space<vmem>>) attributes {dimension_semantics = [], scalar_prefetch = 0 : i64, scratch_operands = 0 : i64, tpu.core_type = #tpu.core_type<tc>} {
    %get3A = arith.constant 0 : index
    %get3A_0 = arith.constant 0 : index
    %get3A_1 = arith.constant 0 : index
    %get3A_2 = vector.load %arg0[%get3A, %get3A_0, %get3A_1] : memref<2x10112x128xf32, #tpu.memory_space<vmem>>, vector<1x10000x1xf32>
    %get3A_3 = vector.shape_cast %get3A_2 : vector<1x10000x1xf32> to vector<10000x1xf32>
    %get3A_4 = arith.constant 1 : index
    %get3A_5 = arith.constant 0 : index
    %get3A_6 = arith.constant 0 : index
    %get3A_7 = vector.load %arg0[%get3A_4, %get3A_5, %get3A_6] : memref<2x10112x128xf32, #tpu.memory_space<vmem>>, vector<1x10000x1xf32>
    %get3A_8 = vector.shape_cast %get3A_7 : vector<1x10000x1xf32> to vector<10000x1xf32>
    %add3A = arith.addf %get3A_3, %get3A_8 : vector<10000x1xf32>
    %max3A = arith.constant 1.000000e+00 : f32
    %max3A_9 = vector.broadcast %max3A : f32 to vector<10000x1xf32>
    %max3A_10 = arith.maximumf %add3A, %max3A_9 : vector<10000x1xf32>
    %sqrt3A = math.sqrt %max3A_10 : vector<10000x1xf32>
    %div3A = arith.constant 1.000000e+00 : f32
    %div3A_11 = vector.broadcast %div3A : f32 to vector<10000x1xf32>
    %div3A_12 = arith.divf %div3A_11, %sqrt3A : vector<10000x1xf32>
    %swap3A = arith.constant 0 : index
    %swap3A_13 = arith.constant 0 : index
    %swap3A_14 = vector.load %arg2[%swap3A, %swap3A_13] : memref<10000x1xf32, #tpu.memory_space<vmem>>, vector<10000x1xf32>
    tpu.vector_store %arg2[%swap3A, %swap3A_13], %div3A_12 {strides = array<i32>} : memref<10000x1xf32, #tpu.memory_space<vmem>>, vector<10000x1xf32>,
    %get3A_15 = arith.constant 0 : index
    %get3A_16 = arith.constant 0 : index
    %get3A_17 = vector.load %arg1[%get3A_15, %get3A_16] : memref<10000x128xf32, #tpu.memory_space<vmem>>, vector<10000x128xf32>
    %mul3A = vector.broadcast %div3A_12 : vector<10000x1xf32> to vector<10000x128xf32>
    %mul3A_18 = arith.mulf %get3A_17, %mul3A : vector<10000x128xf32>
    %swap3A_19 = arith.constant 0 : index
    %swap3A_20 = arith.constant 0 : index
    %swap3A_21 = vector.load %arg3[%swap3A_19, %swap3A_20] : memref<10000x128xf32, #tpu.memory_space<vmem>>, vector<10000x128xf32>
    tpu.vector_store %arg3[%swap3A_19, %swap3A_20], %mul3A_18 {strides = array<i32>} : memref<10000x128xf32, #tpu.memory_space<vmem>>, vector<10000x128xf32>,
    return
  }
}

module attributes {stable_mosaic.version = 14 : i64} {
  func.func @_layer_body(%arg0: memref<2x10112x128xf32, #tpu.memory_space<vmem>>, %arg1: memref<10000x1xf32, #tpu.memory_space<vmem>>, %arg2: memref<10000x128xf32, #tpu.memory_space<vmem>>, %arg3: memref<128x128xf32, #tpu.memory_space<vmem>>, %arg4: memref<1x128xf32, #tpu.memory_space<vmem>>, %arg5: memref<1x128xf32, #tpu.memory_space<vmem>>, %arg6: memref<1x128xf32, #tpu.memory_space<vmem>>, %arg7: memref<10000x128xf32, #tpu.memory_space<vmem>>, %arg8: memref<10000x128xf32, #tpu.memory_space<vmem>>) attributes {dimension_semantics = [], scalar_prefetch = 0 : i64, scratch_operands = 0 : i64, tpu.core_type = #tpu.core_type<tc>} {
    %get3A = arith.constant 0 : index
    %get3A_0 = arith.constant 0 : index
    %get3A_1 = vector.load %arg1[%get3A, %get3A_0] : memref<10000x1xf32, #tpu.memory_space<vmem>>, vector<10000x1xf32>
    %get3A_2 = arith.constant 0 : index
    %get3A_3 = arith.constant 0 : index
    %get3A_4 = arith.constant 0 : index
    %get3A_5 = vector.load %arg0[%get3A_2, %get3A_3, %get3A_4] : memref<2x10112x128xf32, #tpu.memory_space<vmem>>, vector<1x10000x128xf32>
    %get3A_6 = vector.shape_cast %get3A_5 : vector<1x10000x128xf32> to vector<10000x128xf32>
    %get3A_7 = arith.constant 1 : index
    %get3A_8 = arith.constant 0 : index
    %get3A_9 = arith.constant 0 : index
    %get3A_10 = vector.load %arg0[%get3A_7, %get3A_8, %get3A_9] : memref<2x10112x128xf32, #tpu.memory_space<vmem>>, vector<1x10000x128xf32>
    %get3A_11 = vector.shape_cast %get3A_10 : vector<1x10000x128xf32> to vector<10000x128xf32>
    %add3A = arith.addf %get3A_6, %get3A_11 : vector<10000x128xf32>
    %mul3A = vector.broadcast %get3A_1 : vector<10000x1xf32> to vector<10000x128xf32>
    %mul3A_12 = arith.mulf %add3A, %mul3A : vector<10000x128xf32>
    %get3A_13 = arith.constant 0 : index
    %get3A_14 = arith.constant 0 : index
    %get3A_15 = vector.load %arg3[%get3A_13, %get3A_14] : memref<128x128xf32, #tpu.memory_space<vmem>>, vector<128x128xf32>
    %dot_general3A = arith.constant dense<0.000000e+00> : vector<10000x128xf32>
    %dot_general3A_16 = tpu.matmul %mul3A_12, %get3A_15, %dot_general3A {dimension_numbers = #tpu.dot_dimension_numbers<[1], [0], [0], [1], [0, 0, 1, 1], [], []>, transpose_lhs_hint = false} : vector<10000x128xf32>, vector<128x128xf32>, vector<10000x128xf32> -> vector<10000x128xf32>
    %get3A_17 = arith.constant 0 : index
    %get3A_18 = arith.constant 0 : index
    %get3A_19 = vector.load %arg4[%get3A_17, %get3A_18] : memref<1x128xf32, #tpu.memory_space<vmem>>, vector<1x128xf32>
    %add3A_20 = vector.broadcast %get3A_19 : vector<1x128xf32> to vector<10000x128xf32>
    %add3A_21 = arith.addf %dot_general3A_16, %add3A_20 : vector<10000x128xf32>
    %reduce_sum3A = arith.constant dense<0.000000e+00> : vector<128xf32>
    %reduce_sum3A_22 = vector.multi_reduction <add>, %add3A_21, %reduce_sum3A [0] : vector<10000x128xf32> to vector<128xf32>
    %broadcast_in_dim3A = vector.shape_cast %reduce_sum3A_22 : vector<128xf32> to vector<1x128xf32>
    %div3A = arith.constant 1.000000e+04 : f32
    %div3A_23 = vector.broadcast %div3A : f32 to vector<1x128xf32>
    %div3A_24 = arith.divf %broadcast_in_dim3A, %div3A_23 : vector<1x128xf32>
    %sub3A = vector.broadcast %div3A_24 : vector<1x128xf32> to vector<10000x128xf32>
    %sub3A_25 = arith.subf %add3A_21, %sub3A : vector<10000x128xf32>
    %integer_pow3A = arith.mulf %sub3A_25, %sub3A_25 : vector<10000x128xf32>
    %reduce_sum3A_26 = arith.constant dense<0.000000e+00> : vector<128xf32>
    %reduce_sum3A_27 = vector.multi_reduction <add>, %integer_pow3A, %reduce_sum3A_26 [0] : vector<10000x128xf32> to vector<128xf32>
    %broadcast_in_dim3A_28 = vector.shape_cast %reduce_sum3A_27 : vector<128xf32> to vector<1x128xf32>
    %div3A_29 = arith.constant 1.000000e+04 : f32
    %div3A_30 = vector.broadcast %div3A_29 : f32 to vector<1x128xf32>
    %div3A_31 = arith.divf %broadcast_in_dim3A_28, %div3A_30 : vector<1x128xf32>
    %sub3A_32 = vector.broadcast %div3A_24 : vector<1x128xf32> to vector<10000x128xf32>
    %sub3A_33 = arith.subf %add3A_21, %sub3A_32 : vector<10000x128xf32>
    %add3A_34 = arith.constant 9.99999974E-6 : f32
    %add3A_35 = vector.broadcast %add3A_34 : f32 to vector<1x128xf32>
    %add3A_36 = arith.addf %div3A_31, %add3A_35 : vector<1x128xf32>
    %sqrt3A = math.sqrt %add3A_36 : vector<1x128xf32>
    %div3A_37 = vector.broadcast %sqrt3A : vector<1x128xf32> to vector<10000x128xf32>
    %div3A_38 = arith.divf %sub3A_33, %div3A_37 : vector<10000x128xf32>
    %get3A_39 = arith.constant 0 : index
    %get3A_40 = arith.constant 0 : index
    %get3A_41 = vector.load %arg5[%get3A_39, %get3A_40] : memref<1x128xf32, #tpu.memory_space<vmem>>, vector<1x128xf32>
    %mul3A_42 = vector.broadcast %get3A_41 : vector<1x128xf32> to vector<10000x128xf32>
    %mul3A_43 = arith.mulf %div3A_38, %mul3A_42 : vector<10000x128xf32>
    %get3A_44 = arith.constant 0 : index
    %get3A_45 = arith.constant 0 : index
    %get3A_46 = vector.load %arg6[%get3A_44, %get3A_45] : memref<1x128xf32, #tpu.memory_space<vmem>>, vector<1x128xf32>
    %add3A_47 = vector.broadcast %get3A_46 : vector<1x128xf32> to vector<10000x128xf32>
    %add3A_48 = arith.addf %mul3A_43, %add3A_47 : vector<10000x128xf32>
    %max3A = arith.constant 0.000000e+00 : f32
    %max3A_49 = vector.broadcast %max3A : f32 to vector<10000x128xf32>
    %max3A_50 = arith.maximumf %add3A_48, %max3A_49 : vector<10000x128xf32>
    %swap3A = arith.constant 0 : index
    %swap3A_51 = arith.constant 0 : index
    %swap3A_52 = vector.load %arg7[%swap3A, %swap3A_51] : memref<10000x128xf32, #tpu.memory_space<vmem>>, vector<10000x128xf32>
    tpu.vector_store %arg7[%swap3A, %swap3A_51], %max3A_50 {strides = array<i32>} : memref<10000x128xf32, #tpu.memory_space<vmem>>, vector<10000x128xf32>,
    %mul3A_53 = vector.broadcast %get3A_1 : vector<10000x1xf32> to vector<10000x128xf32>
    %mul3A_54 = arith.mulf %max3A_50, %mul3A_53 : vector<10000x128xf32>
    %swap3A_55 = arith.constant 0 : index
    %swap3A_56 = arith.constant 0 : index
    %swap3A_57 = vector.load %arg8[%swap3A_55, %swap3A_56] : memref<10000x128xf32, #tpu.memory_space<vmem>>, vector<10000x128xf32>
    tpu.vector_store %arg8[%swap3A_55, %swap3A_56], %mul3A_54 {strides = array<i32>} : memref<10000x128xf32, #tpu.memory_space<vmem>>, vector<10000x128xf32>,
    return
  }
}

module attributes {stable_mosaic.version = 14 : i64} {
  func.func @_layer_body(%arg0: memref<2x10112x128xf32, #tpu.memory_space<vmem>>, %arg1: memref<10000x1xf32, #tpu.memory_space<vmem>>, %arg2: memref<10000x128xf32, #tpu.memory_space<vmem>>, %arg3: memref<128x128xf32, #tpu.memory_space<vmem>>, %arg4: memref<1x128xf32, #tpu.memory_space<vmem>>, %arg5: memref<1x128xf32, #tpu.memory_space<vmem>>, %arg6: memref<1x128xf32, #tpu.memory_space<vmem>>, %arg7: memref<10000x128xf32, #tpu.memory_space<vmem>>, %arg8: memref<10000x128xf32, #tpu.memory_space<vmem>>) attributes {dimension_semantics = [], scalar_prefetch = 0 : i64, scratch_operands = 0 : i64, tpu.core_type = #tpu.core_type<tc>} {
    %get3A = arith.constant 0 : index
    %get3A_0 = arith.constant 0 : index
    %get3A_1 = vector.load %arg1[%get3A, %get3A_0] : memref<10000x1xf32, #tpu.memory_space<vmem>>, vector<10000x1xf32>
    %get3A_2 = arith.constant 0 : index
    %get3A_3 = arith.constant 0 : index
    %get3A_4 = arith.constant 0 : index
    %get3A_5 = vector.load %arg0[%get3A_2, %get3A_3, %get3A_4] : memref<2x10112x128xf32, #tpu.memory_space<vmem>>, vector<1x10000x128xf32>
    %get3A_6 = vector.shape_cast %get3A_5 : vector<1x10000x128xf32> to vector<10000x128xf32>
    %get3A_7 = arith.constant 1 : index
    %get3A_8 = arith.constant 0 : index
    %get3A_9 = arith.constant 0 : index
    %get3A_10 = vector.load %arg0[%get3A_7, %get3A_8, %get3A_9] : memref<2x10112x128xf32, #tpu.memory_space<vmem>>, vector<1x10000x128xf32>
    %get3A_11 = vector.shape_cast %get3A_10 : vector<1x10000x128xf32> to vector<10000x128xf32>
    %add3A = arith.addf %get3A_6, %get3A_11 : vector<10000x128xf32>
    %mul3A = vector.broadcast %get3A_1 : vector<10000x1xf32> to vector<10000x128xf32>
    %mul3A_12 = arith.mulf %add3A, %mul3A : vector<10000x128xf32>
    %get3A_13 = arith.constant 0 : index
    %get3A_14 = arith.constant 0 : index
    %get3A_15 = vector.load %arg3[%get3A_13, %get3A_14] : memref<128x128xf32, #tpu.memory_space<vmem>>, vector<128x128xf32>
    %dot_general3A = arith.constant dense<0.000000e+00> : vector<10000x128xf32>
    %dot_general3A_16 = tpu.matmul %mul3A_12, %get3A_15, %dot_general3A {dimension_numbers = #tpu.dot_dimension_numbers<[1], [0], [0], [1], [0, 0, 1, 1], [], []>, transpose_lhs_hint = false} : vector<10000x128xf32>, vector<128x128xf32>, vector<10000x128xf32> -> vector<10000x128xf32>
    %get3A_17 = arith.constant 0 : index
    %get3A_18 = arith.constant 0 : index
    %get3A_19 = vector.load %arg4[%get3A_17, %get3A_18] : memref<1x128xf32, #tpu.memory_space<vmem>>, vector<1x128xf32>
    %add3A_20 = vector.broadcast %get3A_19 : vector<1x128xf32> to vector<10000x128xf32>
    %add3A_21 = arith.addf %dot_general3A_16, %add3A_20 : vector<10000x128xf32>
    %reduce_sum3A = arith.constant dense<0.000000e+00> : vector<128xf32>
    %reduce_sum3A_22 = vector.multi_reduction <add>, %add3A_21, %reduce_sum3A [0] : vector<10000x128xf32> to vector<128xf32>
    %broadcast_in_dim3A = vector.shape_cast %reduce_sum3A_22 : vector<128xf32> to vector<1x128xf32>
    %div3A = arith.constant 1.000000e+04 : f32
    %div3A_23 = vector.broadcast %div3A : f32 to vector<1x128xf32>
    %div3A_24 = arith.divf %broadcast_in_dim3A, %div3A_23 : vector<1x128xf32>
    %sub3A = vector.broadcast %div3A_24 : vector<1x128xf32> to vector<10000x128xf32>
    %sub3A_25 = arith.subf %add3A_21, %sub3A : vector<10000x128xf32>
    %integer_pow3A = arith.mulf %sub3A_25, %sub3A_25 : vector<10000x128xf32>
    %reduce_sum3A_26 = arith.constant dense<0.000000e+00> : vector<128xf32>
    %reduce_sum3A_27 = vector.multi_reduction <add>, %integer_pow3A, %reduce_sum3A_26 [0] : vector<10000x128xf32> to vector<128xf32>
    %broadcast_in_dim3A_28 = vector.shape_cast %reduce_sum3A_27 : vector<128xf32> to vector<1x128xf32>
    %div3A_29 = arith.constant 1.000000e+04 : f32
    %div3A_30 = vector.broadcast %div3A_29 : f32 to vector<1x128xf32>
    %div3A_31 = arith.divf %broadcast_in_dim3A_28, %div3A_30 : vector<1x128xf32>
    %sub3A_32 = vector.broadcast %div3A_24 : vector<1x128xf32> to vector<10000x128xf32>
    %sub3A_33 = arith.subf %add3A_21, %sub3A_32 : vector<10000x128xf32>
    %add3A_34 = arith.constant 9.99999974E-6 : f32
    %add3A_35 = vector.broadcast %add3A_34 : f32 to vector<1x128xf32>
    %add3A_36 = arith.addf %div3A_31, %add3A_35 : vector<1x128xf32>
    %sqrt3A = math.sqrt %add3A_36 : vector<1x128xf32>
    %div3A_37 = vector.broadcast %sqrt3A : vector<1x128xf32> to vector<10000x128xf32>
    %div3A_38 = arith.divf %sub3A_33, %div3A_37 : vector<10000x128xf32>
    %get3A_39 = arith.constant 0 : index
    %get3A_40 = arith.constant 0 : index
    %get3A_41 = vector.load %arg5[%get3A_39, %get3A_40] : memref<1x128xf32, #tpu.memory_space<vmem>>, vector<1x128xf32>
    %mul3A_42 = vector.broadcast %get3A_41 : vector<1x128xf32> to vector<10000x128xf32>
    %mul3A_43 = arith.mulf %div3A_38, %mul3A_42 : vector<10000x128xf32>
    %get3A_44 = arith.constant 0 : index
    %get3A_45 = arith.constant 0 : index
    %get3A_46 = vector.load %arg6[%get3A_44, %get3A_45] : memref<1x128xf32, #tpu.memory_space<vmem>>, vector<1x128xf32>
    %add3A_47 = vector.broadcast %get3A_46 : vector<1x128xf32> to vector<10000x128xf32>
    %add3A_48 = arith.addf %mul3A_43, %add3A_47 : vector<10000x128xf32>
    %max3A = arith.constant 0.000000e+00 : f32
    %max3A_49 = vector.broadcast %max3A : f32 to vector<10000x128xf32>
    %max3A_50 = arith.maximumf %add3A_48, %max3A_49 : vector<10000x128xf32>
    %get3A_51 = arith.constant 0 : index
    %get3A_52 = arith.constant 0 : index
    %get3A_53 = vector.load %arg2[%get3A_51, %get3A_52] : memref<10000x128xf32, #tpu.memory_space<vmem>>, vector<10000x128xf32>
    %add3A_54 = arith.addf %get3A_53, %max3A_50 : vector<10000x128xf32>
    %swap3A = arith.constant 0 : index
    %swap3A_55 = arith.constant 0 : index
    %swap3A_56 = vector.load %arg7[%swap3A, %swap3A_55] : memref<10000x128xf32, #tpu.memory_space<vmem>>, vector<10000x128xf32>
    tpu.vector_store %arg7[%swap3A, %swap3A_55], %add3A_54 {strides = array<i32>} : memref<10000x128xf32, #tpu.memory_space<vmem>>, vector<10000x128xf32>,
    %mul3A_57 = vector.broadcast %get3A_1 : vector<10000x1xf32> to vector<10000x128xf32>
    %mul3A_58 = arith.mulf %add3A_54, %mul3A_57 : vector<10000x128xf32>
    %swap3A_59 = arith.constant 0 : index
    %swap3A_60 = arith.constant 0 : index
    %swap3A_61 = vector.load %arg8[%swap3A_59, %swap3A_60] : memref<10000x128xf32, #tpu.memory_space<vmem>>, vector<10000x128xf32>
    tpu.vector_store %arg8[%swap3A_59, %swap3A_60], %mul3A_58 {strides = array<i32>} : memref<10000x128xf32, #tpu.memory_space<vmem>>, vector<10000x128xf32>,
    return
  }
}

module attributes {stable_mosaic.version = 14 : i64} {
  func.func @_final_body(%arg0: memref<2x10112x128xf32, #tpu.memory_space<vmem>>, %arg1: memref<10000x1xf32, #tpu.memory_space<vmem>>, %arg2: memref<10000x128xf32, #tpu.memory_space<vmem>>, %arg3: memref<128x128xf32, #tpu.memory_space<vmem>>, %arg4: memref<1x128xf32, #tpu.memory_space<vmem>>, %arg5: memref<1x128xf32, #tpu.memory_space<vmem>>, %arg6: memref<1x128xf32, #tpu.memory_space<vmem>>, %arg7: memref<128x64xf32, #tpu.memory_space<vmem>>, %arg8: memref<1x64xf32, #tpu.memory_space<vmem>>, %arg9: memref<64x32xf32, #tpu.memory_space<vmem>>, %arg10: memref<1x32xf32, #tpu.memory_space<vmem>>, %arg11: memref<32x10xf32, #tpu.memory_space<vmem>>, %arg12: memref<1x10xf32, #tpu.memory_space<vmem>>, %arg13: memref<1x10xf32, #tpu.memory_space<vmem>>) attributes {dimension_semantics = [], scalar_prefetch = 0 : i64, scratch_operands = 0 : i64, tpu.core_type = #tpu.core_type<tc>} {
    %get3A = arith.constant 0 : index
    %get3A_0 = arith.constant 0 : index
    %get3A_1 = vector.load %arg1[%get3A, %get3A_0] : memref<10000x1xf32, #tpu.memory_space<vmem>>, vector<10000x1xf32>
    %get3A_2 = arith.constant 0 : index
    %get3A_3 = arith.constant 0 : index
    %get3A_4 = arith.constant 0 : index
    %get3A_5 = vector.load %arg0[%get3A_2, %get3A_3, %get3A_4] : memref<2x10112x128xf32, #tpu.memory_space<vmem>>, vector<1x10000x128xf32>
    %get3A_6 = vector.shape_cast %get3A_5 : vector<1x10000x128xf32> to vector<10000x128xf32>
    %get3A_7 = arith.constant 1 : index
    %get3A_8 = arith.constant 0 : index
    %get3A_9 = arith.constant 0 : index
    %get3A_10 = vector.load %arg0[%get3A_7, %get3A_8, %get3A_9] : memref<2x10112x128xf32, #tpu.memory_space<vmem>>, vector<1x10000x128xf32>
    %get3A_11 = vector.shape_cast %get3A_10 : vector<1x10000x128xf32> to vector<10000x128xf32>
    %add3A = arith.addf %get3A_6, %get3A_11 : vector<10000x128xf32>
    %mul3A = vector.broadcast %get3A_1 : vector<10000x1xf32> to vector<10000x128xf32>
    %mul3A_12 = arith.mulf %add3A, %mul3A : vector<10000x128xf32>
    %get3A_13 = arith.constant 0 : index
    %get3A_14 = arith.constant 0 : index
    %get3A_15 = vector.load %arg3[%get3A_13, %get3A_14] : memref<128x128xf32, #tpu.memory_space<vmem>>, vector<128x128xf32>
    %dot_general3A = arith.constant dense<0.000000e+00> : vector<10000x128xf32>
    %dot_general3A_16 = tpu.matmul %mul3A_12, %get3A_15, %dot_general3A {dimension_numbers = #tpu.dot_dimension_numbers<[1], [0], [0], [1], [0, 0, 1, 1], [], []>, transpose_lhs_hint = false} : vector<10000x128xf32>, vector<128x128xf32>, vector<10000x128xf32> -> vector<10000x128xf32>
    %get3A_17 = arith.constant 0 : index
    %get3A_18 = arith.constant 0 : index
    %get3A_19 = vector.load %arg4[%get3A_17, %get3A_18] : memref<1x128xf32, #tpu.memory_space<vmem>>, vector<1x128xf32>
    %add3A_20 = vector.broadcast %get3A_19 : vector<1x128xf32> to vector<10000x128xf32>
    %add3A_21 = arith.addf %dot_general3A_16, %add3A_20 : vector<10000x128xf32>
    %reduce_sum3A = arith.constant dense<0.000000e+00> : vector<128xf32>
    %reduce_sum3A_22 = vector.multi_reduction <add>, %add3A_21, %reduce_sum3A [0] : vector<10000x128xf32> to vector<128xf32>
    %broadcast_in_dim3A = vector.shape_cast %reduce_sum3A_22 : vector<128xf32> to vector<1x128xf32>
    %div3A = arith.constant 1.000000e+04 : f32
    %div3A_23 = vector.broadcast %div3A : f32 to vector<1x128xf32>
    %div3A_24 = arith.divf %broadcast_in_dim3A, %div3A_23 : vector<1x128xf32>
    %sub3A = vector.broadcast %div3A_24 : vector<1x128xf32> to vector<10000x128xf32>
    %sub3A_25 = arith.subf %add3A_21, %sub3A : vector<10000x128xf32>
    %integer_pow3A = arith.mulf %sub3A_25, %sub3A_25 : vector<10000x128xf32>
    %reduce_sum3A_26 = arith.constant dense<0.000000e+00> : vector<128xf32>
    %reduce_sum3A_27 = vector.multi_reduction <add>, %integer_pow3A, %reduce_sum3A_26 [0] : vector<10000x128xf32> to vector<128xf32>
    %broadcast_in_dim3A_28 = vector.shape_cast %reduce_sum3A_27 : vector<128xf32> to vector<1x128xf32>
    %div3A_29 = arith.constant 1.000000e+04 : f32
    %div3A_30 = vector.broadcast %div3A_29 : f32 to vector<1x128xf32>
    %div3A_31 = arith.divf %broadcast_in_dim3A_28, %div3A_30 : vector<1x128xf32>
    %sub3A_32 = vector.broadcast %div3A_24 : vector<1x128xf32> to vector<10000x128xf32>
    %sub3A_33 = arith.subf %add3A_21, %sub3A_32 : vector<10000x128xf32>
    %add3A_34 = arith.constant 9.99999974E-6 : f32
    %add3A_35 = vector.broadcast %add3A_34 : f32 to vector<1x128xf32>
    %add3A_36 = arith.addf %div3A_31, %add3A_35 : vector<1x128xf32>
    %sqrt3A = math.sqrt %add3A_36 : vector<1x128xf32>
    %div3A_37 = vector.broadcast %sqrt3A : vector<1x128xf32> to vector<10000x128xf32>
    %div3A_38 = arith.divf %sub3A_33, %div3A_37 : vector<10000x128xf32>
    %get3A_39 = arith.constant 0 : index
    %get3A_40 = arith.constant 0 : index
    %get3A_41 = vector.load %arg5[%get3A_39, %get3A_40] : memref<1x128xf32, #tpu.memory_space<vmem>>, vector<1x128xf32>
    %mul3A_42 = vector.broadcast %get3A_41 : vector<1x128xf32> to vector<10000x128xf32>
    %mul3A_43 = arith.mulf %div3A_38, %mul3A_42 : vector<10000x128xf32>
    %get3A_44 = arith.constant 0 : index
    %get3A_45 = arith.constant 0 : index
    %get3A_46 = vector.load %arg6[%get3A_44, %get3A_45] : memref<1x128xf32, #tpu.memory_space<vmem>>, vector<1x128xf32>
    %add3A_47 = vector.broadcast %get3A_46 : vector<1x128xf32> to vector<10000x128xf32>
    %add3A_48 = arith.addf %mul3A_43, %add3A_47 : vector<10000x128xf32>
    %max3A = arith.constant 0.000000e+00 : f32
    %max3A_49 = vector.broadcast %max3A : f32 to vector<10000x128xf32>
    %max3A_50 = arith.maximumf %add3A_48, %max3A_49 : vector<10000x128xf32>
    %get3A_51 = arith.constant 0 : index
    %get3A_52 = arith.constant 0 : index
    %get3A_53 = vector.load %arg2[%get3A_51, %get3A_52] : memref<10000x128xf32, #tpu.memory_space<vmem>>, vector<10000x128xf32>
    %add3A_54 = arith.addf %get3A_53, %max3A_50 : vector<10000x128xf32>
    %reduce_sum3A_55 = arith.constant dense<0.000000e+00> : vector<128xf32>
    %reduce_sum3A_56 = vector.multi_reduction <add>, %add3A_54, %reduce_sum3A_55 [0] : vector<10000x128xf32> to vector<128xf32>
    %broadcast_in_dim3A_57 = vector.shape_cast %reduce_sum3A_56 : vector<128xf32> to vector<1x128xf32>
    %div3A_58 = arith.constant 1.000000e+04 : f32
    %div3A_59 = vector.broadcast %div3A_58 : f32 to vector<1x128xf32>
    %div3A_60 = arith.divf %broadcast_in_dim3A_57, %div3A_59 : vector<1x128xf32>
    %get3A_61 = arith.constant 0 : index
    %get3A_62 = arith.constant 0 : index
    %get3A_63 = vector.load %arg7[%get3A_61, %get3A_62] : memref<128x64xf32, #tpu.memory_space<vmem>>, vector<128x64xf32>
    %dot_general3A_64 = arith.constant dense<0.000000e+00> : vector<1x64xf32>
    %dot_general3A_65 = tpu.matmul %div3A_60, %get3A_63, %dot_general3A_64 {dimension_numbers = #tpu.dot_dimension_numbers<[1], [0], [0], [1], [0, 0, 1, 1], [], []>, transpose_lhs_hint = false} : vector<1x128xf32>, vector<128x64xf32>, vector<1x64xf32> -> vector<1x64xf32>
    %get3A_66 = arith.constant 0 : index
    %get3A_67 = arith.constant 0 : index
    %get3A_68 = vector.load %arg8[%get3A_66, %get3A_67] : memref<1x64xf32, #tpu.memory_space<vmem>>, vector<1x64xf32>
    %add3A_69 = arith.addf %dot_general3A_65, %get3A_68 : vector<1x64xf32>
    %max3A_70 = arith.constant 0.000000e+00 : f32
    %max3A_71 = vector.broadcast %max3A_70 : f32 to vector<1x64xf32>
    %max3A_72 = arith.maximumf %add3A_69, %max3A_71 : vector<1x64xf32>
    %get3A_73 = arith.constant 0 : index
    %get3A_74 = arith.constant 0 : index
    %get3A_75 = vector.load %arg9[%get3A_73, %get3A_74] : memref<64x32xf32, #tpu.memory_space<vmem>>, vector<64x32xf32>
    %dot_general3A_76 = arith.constant dense<0.000000e+00> : vector<1x32xf32>
    %dot_general3A_77 = tpu.matmul %max3A_72, %get3A_75, %dot_general3A_76 {dimension_numbers = #tpu.dot_dimension_numbers<[1], [0], [0], [1], [0, 0, 1, 1], [], []>, transpose_lhs_hint = false} : vector<1x64xf32>, vector<64x32xf32>, vector<1x32xf32> -> vector<1x32xf32>
    %get3A_78 = arith.constant 0 : index
    %get3A_79 = arith.constant 0 : index
    %get3A_80 = vector.load %arg10[%get3A_78, %get3A_79] : memref<1x32xf32, #tpu.memory_space<vmem>>, vector<1x32xf32>
    %add3A_81 = arith.addf %dot_general3A_77, %get3A_80 : vector<1x32xf32>
    %max3A_82 = arith.constant 0.000000e+00 : f32
    %max3A_83 = vector.broadcast %max3A_82 : f32 to vector<1x32xf32>
    %max3A_84 = arith.maximumf %add3A_81, %max3A_83 : vector<1x32xf32>
    %get3A_85 = arith.constant 0 : index
    %get3A_86 = arith.constant 0 : index
    %get3A_87 = vector.load %arg11[%get3A_85, %get3A_86] : memref<32x10xf32, #tpu.memory_space<vmem>>, vector<32x10xf32>
    %dot_general3A_88 = arith.constant dense<0.000000e+00> : vector<1x10xf32>
    %dot_general3A_89 = tpu.matmul %max3A_84, %get3A_87, %dot_general3A_88 {dimension_numbers = #tpu.dot_dimension_numbers<[1], [0], [0], [1], [0, 0, 1, 1], [], []>, transpose_lhs_hint = false} : vector<1x32xf32>, vector<32x10xf32>, vector<1x10xf32> -> vector<1x10xf32>
    %get3A_90 = arith.constant 0 : index
    %get3A_91 = arith.constant 0 : index
    %get3A_92 = vector.load %arg12[%get3A_90, %get3A_91] : memref<1x10xf32, #tpu.memory_space<vmem>>, vector<1x10xf32>
    %add3A_93 = arith.addf %dot_general3A_89, %get3A_92 : vector<1x10xf32>
    %swap3A = arith.constant 0 : index
    %swap3A_94 = arith.constant 0 : index
    %swap3A_95 = vector.load %arg13[%swap3A, %swap3A_94] : memref<1x10xf32, #tpu.memory_space<vmem>>, vector<1x10xf32>
    tpu.vector_store %arg13[%swap3A, %swap3A_94], %add3A_93 {strides = array<i32>} : memref<1x10xf32, #tpu.memory_space<vmem>>, vector<1x10xf32>,
    return
  }
}

</mosaic_0001>

<sc_bundles>
// kernel: kernel.14.cloned.1.call-start
scs
__scs_entry_jumppad:
0x0: {  	(pc) =	sbr.rel $0x88, $3  }
0x1: {  	(tag) =	ssettag $0x0;
	lr =	simm.s32 $0x1  }
0x2: {  	[smem:$0x3F95] =	sst lr;
	_ =	strace $0xD0000000  }
0x3: {  	_ = 	snop  }
0x4: {  	_ = 	snop  }
0x5: {  	_ = 	snop  }
0x6: {  	_ = 	snop  }
0x7: {  	_ = 	snop  }
__scs_overlays_trampoline_lowered:
0x8: {  	[smem:$0x3FA4] =	sst s0  }
0x9: {  	[smem:$0x3FA5] =	sst s1  }
0xa: {  	[smem:$0x3FA6] =	sst s2  }
0xb: {  	[smem:$0x3FA7] =	sst s3  }
0xc: {  	[smem:$0x3FA8] =	sst s4  }
0xd: {  	[smem:$0x3FA9] =	sst s5  }
0xe: {  	[smem:$0x3FAA] =	sst s6  }
0xf: {  	[smem:$0x3FAB] =	sst s7  }
0x10: {  	[smem:$0x3FAC] =	sst s8  }
0x11: {  	[smem:$0x3FAD] =	sst s9;
	s0 =	simm.s32 @!p0 $0x0  }
0x12: {  	s1 =	sld [smem:$0x3F93];
	s0 =	simm.s32 @p0 $0x1  }
0x13: {  	[smem:$0x3FAE] =	sst s0;
	s0 =	simm.s32 @!p1 $0x0  }
0x14: {  	s2 =	sld [smem:$0x3F92];
	s0 =	simm.s32 @p1 $0x1  }
0x15: {  	[smem:$0x3FAF] =	sst s0;
	s0 =	simm.s32 @!p2 $0x0  }
0x16: {  	s3 =	sld [smem:$0x3FDB];
	s0 =	simm.s32 @p2 $0x1  }
0x17: {  	s4 =	simm.s32 $0x1BF5;
	[smem:$0x3FB1] =	sst s0  }
0x18: {  	s0 =	sld [smem:$0x3F94];
	_ =	swait.ge [sflag:s4], $0x0  }
0x19: {  	s7 =	sld [smem:$0x3F95]  }
0x1a: {  	s8 =	sadd.s32 $0xFFFFE003, lr  }
0x1b: {  	s9 =	sadd.s32 $0xFFFFFEF7, lr;
	s5 =	simm.s32 $0xFFFFFFFF;
	p2 =	slt.u32 s8, $0xFFFFF086  }
0x1c: {  	p1 =	slt.u32 s9, $0xF7A;
	s5 =	simm.s32 @!p2 $0x0  }
0x1d: {  	s5 =	simm.s32 @p1 $0x1;
	p0 =	seq.s32 s7, s2  }
0x1e: {  	s7 =	smul.u32 @!p0 $0xF7A, s2;
	p2 =	seq.s32 @!p0 s5, $0x0  }
0x1f: {  	s9 =	smul.u32 $0xF7A, s1;
	s8 =	simm.s32 @!p0 $0x1BF5;
	p2 =	por !p2, p0  }
0x20: {  	[sflag:s8] =	ssyncset.s32 @!p0 $0xFFFFF086;
	s6 =	sadd.s32 @!p0 s3, s7;
	s7 =	simm.s32 @!p0 $0x108  }
0x21: {  	s3 =	sadd.s32 s3, s9;
	s6 =	sadd.s32 @!p0 $0x88, s6;
	s7 =	simm.s32 @p2 $0x1082  }
0x22: {  	[simem:s7], [sflag:s8] =	dma.local @!p0 [hbm:s6], $0xF7A  }
0x23: {  	s9 =	sor.u32 $0xD0000000, s2;
	s6 =	simm.s32 $0x108;
	_ =	swait.ge @!p0 [sflag:s8], $0x0  }
0x24: {  	s3 =	sadd.s32 $0x88, s3;
	s6 =	simm.s32 @!p1 $0x1082;
	[sflag:s4] =	ssyncset.s32 $0xFFFFF086  }
0x25: {  	[simem:s6], [sflag:s4] =	dma.local [hbm:s3], $0xF7A  }
0x26: {  	[smem:$0x3F95] =	sst s1;
	(tag) =	ssettag s2;
	_ =	strace s9  }
0x27: {  	s1 =	sld [smem:$0x3FA5]  }
0x28: {  	s2 =	sld [smem:$0x3FA6]  }
0x29: {  	s4 =	sld [smem:$0x3FA8]  }
0x2a: {  	p0 =	seq.s32 s5, $0x0;
	s5 =	sld [smem:$0x3FA9]  }
0x2b: {  	s6 =	sld [smem:$0x3FAA]  }
0x2c: {  	s7 =	sld [smem:$0x3FAB]  }
0x2d: {  	s3 =	simm.s32 $0x108;
	s8 =	sld [smem:$0x3FAC]  }
0x2e: {  	s3 =	simm.s32 @!p0 $0x1082;
	s9 =	sld [smem:$0x3FAD]  }
0x2f: {  	lr =	sadd.s32 s0, s3;
	s0 =	sld [smem:$0x3FA4]  }
0x30: {  	s3 =	sld [smem:$0x3FA7]  }
0x31: {  	[smem:$0x3FB0] =	sst s10  }
0x32: {  	s10 =	sld [smem:$0x3FAE];
	_ =	sdelay $0x3  }
0x33: {  	p0 =	seq.s32 s10, $0x1;
	s10 =	sld [smem:$0x3FB0];
	_ =	sdelay $0x3  }
0x34: {  	[smem:$0x3FB0] =	sst s10  }
0x35: {  	s10 =	sld [smem:$0x3FAF];
	_ =	sdelay $0x3  }
0x36: {  	p1 =	seq.s32 s10, $0x1;
	s10 =	sld [smem:$0x3FB0];
	_ =	sdelay $0x3  }
0x37: {  	[smem:$0x3FB0] =	sst s10  }
0x38: {  	s10 =	sld [smem:$0x3FB1]  }
0x39: {  	_ = 	snop;
	(pc) =	sbr.ind lr, $3  }
0x3a: {  	_ = 	snop  }
0x3b: {  	_ = 	snop  }
0x3c: {  	p2 =	seq.s32 s10, $0x1;
	s10 =	sld [smem:$0x3FB0]  }
0x3d: {  	_ =	shalt  }
0x3e: {  	_ =	shalt  }
0x3f: {  	_ =	shalt  }
0x40: {  	_ =	shalt  }
0x41: {  	_ =	shalt  }
0x42: {  	_ =	shalt  }
0x43: {  	_ =	shalt  }
0x44: {  	_ =	shalt  }
0x45: {  	_ =	shalt  }
0x46: {  	_ =	shalt  }
0x47: {  	_ =	shalt  }
0x48: {  	_ =	shalt  }
0x49: {  	_ =	shalt  }
0x4a: {  	_ =	shalt  }
0x4b: {  	_ =	shalt  }
0x4c: {  	_ =	shalt  }
0x4d: {  	_ =	shalt  }
0x4e: {  	_ =	shalt  }
0x4f: {  	_ =	shalt  }
0x50: {  	_ =	shalt  }
0x51: {  	_ =	shalt  }
0x52: {  	_ =	shalt  }
0x53: {  	_ =	shalt  }
0x54: {  	_ =	shalt  }
0x55: {  	_ =	shalt  }
0x56: {  	_ =	shalt  }
0x57: {  	_ =	shalt  }
0x58: {  	_ =	shalt  }
0x59: {  	_ =	shalt  }
0x5a: {  	_ =	shalt  }
0x5b: {  	_ =	shalt  }
0x5c: {  	_ =	shalt  }
0x5d: {  	_ =	shalt  }
0x5e: {  	_ =	shalt  }
0x5f: {  	_ =	shalt  }
0x60: {  	_ =	shalt  }
0x61: {  	_ =	shalt  }
0x62: {  	_ =	shalt  }
0x63: {  	_ =	shalt  }
0x64: {  	_ =	shalt  }
0x65: {  	_ =	shalt  }
0x66: {  	_ =	shalt  }
0x67: {  	_ =	shalt  }
0x68: {  	_ =	shalt  }
0x69: {  	_ =	shalt  }
0x6a: {  	_ =	shalt  }
0x6b: {  	_ =	shalt  }
0x6c: {  	_ =	shalt  }
0x6d: {  	_ =	shalt  }
0x6e: {  	_ =	shalt  }
0x6f: {  	_ =	shalt  }
0x70: {  	_ =	shalt  }
0x71: {  	_ =	shalt  }
0x72: {  	_ =	shalt  }
0x73: {  	_ =	shalt  }
0x74: {  	_ =	shalt  }
0x75: {  	_ =	shalt  }
0x76: {  	_ =	shalt  }
0x77: {  	_ =	shalt  }
0x78: {  	_ =	shalt  }
0x79: {  	_ =	shalt  }
0x7a: {  	_ =	shalt  }
0x7b: {  	_ =	shalt  }
0x7c: {  	_ =	shalt  }
0x7d: {  	_ =	shalt  }
0x7e: {  	_ =	shalt  }
0x7f: {  	_ =	shalt  }
0x80: {  	_ =	shalt  }
0x81: {  	_ =	shalt  }
0x82: {  	_ =	shalt  }
0x83: {  	_ =	shalt  }
0x84: {  	_ =	shalt  }
0x85: {  	_ =	shalt  }
0x86: {  	_ =	shalt  }
0x87: {  	_ =	shalt  }
.Lfunc_end0:
.L_simem_size_0:
called_computation_lowered:
.L_overlay_start_0:
0x88: {  	s2 =	sld [smem:$0x3FD9]  }
0x89: {  	s3 =	sld [smem:$0x3FFE];
	_ =	sdelay $0x1  }
0x8a: {  	s1 =	srdreg.scid  }
0x8b: {  	s0 =	sand.u32 $0x1, s1  }
0x8c: {  	s16 =	sshll.u32 s0, $0xA;
	s2 =	sadd.s32 s3, s2  }
0x8d: {  	s2 =	sadd.s32 s2, s16  }
0x8e: {  	[smem:$0x3FBC] =	sst s2  }
0x8f: {  	_ = 	snop  }
0x90: {  	(tm) =	ssettm $0x1  }
0x91: {  	s17 =	sld [smem:$0x3FFB];
	_ =	sdelay $0x3  }
0x92: {  	_ =	strace s17  }
0x93: {  	s2 =	sld [smem:$0x3FFC];
	_ =	sdelay $0x3  }
0x94: {  	_ =	strace s2  }
0x95: {  	s2 =	sld [smem:$0x3FFD];
	_ =	sdelay $0x3  }
0x96: {  	_ =	strace s2  }
0x97: {  	_ =	strace $0x8FFFFFFF  }
0x98: {  	s18 =	sld [smem:$0x3FDB];
	_ =	sdelay $0x1  }
0x99: {  	s19 =	simm.s32 $_scs_section_size  }
0x9a: {  	s4 =	simm.s32 $_size__tile_overlayer_lowered;
	s5 =	simm.s32 $_tile_overlayer_lowered  }
0x9b: {  	s22 =	simm.s32 $0x1BFF;
	s21 =	sshll.u32 s5, $0x1;
	s2 =	sadd.s32 s19, s18  }
0x9c: {  	s6 =	simm.s32 $0x0;
	s20 =	sshll.u32 s4, $0x1;
	s4 =	sadd.s32 s21, s2  }
0x9d: {  	[timem:s6], [sflag:s22] =	dma.local [hbm:s4], s20  }
0x9e: {  	_ =	swait.ge [sflag:s22], s20  }
0x9f: {  	s3 =	ssub.s32 $0x0, s20;
	[sflag:s22] =	ssyncset.done $0x0  }
0xa0: {  	[sflag:s22] =	ssyncadd.s32 s3;
	_ =	sdelay $0x1  }
0xa1: {  	s23 =	simm.s32 $0x1B8B  }
0xa2: {  	_ =	swait.ge [sflag:s23], $0x1  }
0xa3: {  	[sflag:s23] =	ssyncset.done $0x0  }
0xa4: {  	s25 =	simm.s32 $0x1B8E;
	s24 =	sld [smem:$0x3FFE];
	[sflag:s23] =	ssyncadd.s32 $0xFFFFFFFF  }
0xa5: {  	s26 =	simm.s32 $execute0_lowered;
	[smem:$0x3FD2] =	sst s25  }
0xa6: {  	s4 =	sshll.u32 s26, $0x1;
	_ =	strace $0x80000046;
	[dreg:$0x1] =	wrdreg $0xFFFFFFFF  }
0xa7: {  	s28 =	simm.s32 $_size_execute0_lowered;
	s2 =	sadd.s32 s2, s4;
	[dreg:$0x0] =	wrdreg $0x0  }
0xa8: {  	s4 =	sshll.u32 s28, $0x1;
	[dreg:$0x2] =	wrdreg s2  }
0xa9: {  	[dreg:$0x3] =	wrdreg s4  }
0xaa: {  	[dreg:$0x4] =	wrdreg $0xC0  }
0xab: {  	_ =	task [dreg:s6], $0x5FFFF  }
0xac: {  	[dreg:$0x1] =	wrdreg $0xFFFFFFFF  }
0xad: {  	[dreg:$0x0] =	wrdreg $0x60  }
0xae: {  	[dreg:$0x2] =	wrdreg s24  }
0xaf: {  	[dreg:$0x3] =	wrdreg $0x68000  }
0xb0: {  	[dreg:$0x4] =	wrdreg $0x9  }
0xb1: {  	_ =	task.clear_ibuf [dreg:s6], $0x5FFFF;
	_ =	strace $0x90000046  }
0xb2: {  	s29 =	simm.s32 $0x9;
	_ =	strace $0x80000048  }
0xb3: {  	_ =	swait.ge [sflag:s29], $0x1  }
0xb4: {  	[sflag:s29] =	ssyncadd.s32 $0xFFFFFFFF  }
0xb5: {  	_ =	strace $0x90000048  }
0xb6: {  	_ =	sfence  }
0xb7: {  	s30 =	sld [smem:$0x0];
	_ =	sdelay $0x2  }
0xb8: {  	s31 =	sshll.u32 s1, $0xD;
	s1 =	sshrl.u32 s1, $0x2  }
0xb9: {  	s3 =	sand.u32 $0x4000, s31;
	s1 =	sadd.s32 s1, s30  }
0xba: {  	s0 =	sor.u32 s3, s0;
	s1 =	sshll.u32 s1, $0x11  }
0xbb: {  	s0 =	sor.u32 s1, s0  }
0xbc: {  	s0 =	sadd.s32 $0x8F2B, s0  }
0xbd: {  	[sflag:s0] =	ssyncadd.remote.s32 $0x1  }
0xbe: {  	_ =	sfence.sel $0xFFFF  }
0xbf: {  	[dreg:$0x0] =	wrdreg $0xFFFFFFFF;
	(pc) =	sbr.abs _section_cstart, $3  }
0xc0: {  	[dreg:$0x1] =	wrdreg $0xFFFFFFFF  }
0xc1: {  	_ =	task.clear_ibuf [dreg:s6], $0x2FFFF;
	_ =	strace $0x9FFFFFFF  }
0xc2: {  	(tm) =	ssettm $0x7FFFFFFF  }
0xc3: {  	_ =	shalt  }
tec
execute0_lowered:
.L_overlay_start_1:
0x0: {  	(tag) =	ssettag $0x1  }
0x1: {  	s7 =	rddreg [dreg:$0x0]  }
0x2: {  	s0 =	srdreg.scid;
	s2 =	rddreg [dreg:$0x1]  }
0x3: {  	s3 =	simm.s32 $0x0;
	s13 =	simm.s32 $0x80;
	s6 =	sand.u32 $0x1, s0  }
0x4: {  	s14 =	simm.s32 $0x0;
	s0 =	stileid.u32;
	s5 =	smul.u32 $0x13C000, s6  }
0x5: {  	[smem:$0x7FF] =	sst s3;
	s1 =	sshll.u32 s6, $0x4;
	s8 =	smul.u32 $0x13C00, s0  }
0x6: {  	s10 =	smul.u32 $0x4F000, s0;
	s6 =	ssub.s32 $0x2, s6;
	s11 =	sshll.u32 s0, $0x6  }
0x7: {  	s1 =	sor.u32 s0, s1;
	s31 =	sshrl.u32 s6, $0x1;
	s11 =	sor.u32 $0x1C01, s11  }
0x8: {  	s4 =	smul.u32 $0x500, s1;
	s1 =	rddreg [dreg:$0x2];
	_ =	strace $0x80000047  }
0x9: {  	s8 =	sadd.s32 s8, s5;
	s5 =	sadd.s32 $0x18A00, s7;
	s10 =	sshrl.u32 s10, $0x2  }
0xa: {  	s8 =	sshrl.u32 s8, $0x3;
	s12 =	sadd.s32 s10, s2;
	s10 =	simm.s32 $0x2800  }
0xb: {  	s9 =	sadd.s32 s4, s7;
	s4 =	sadd.s32 $0x1B200, s7;
	s7 =	sadd.s32 s8, s7  }
0xc: {  	s8 =	ssub.s32 s6, s31;
	s12 =	sshrl.u32 s12, $0x3;
	s6 =	sadd.s32 $0x4A00, s9  }
0xd: {  	s7 =	sadd.s32 $0x1BA00, s7;
	s8 =	smax.u32 s8, $0x1;
	s9 =	simm.s32 $0x1  }
.LBB2_1:
0xe: {  	[tilespmem:s3], [sflag:$0x1] =	stream.linear.gather [hbm4b:s6+s3], $0x2800, $0x38;
	[tilespmem:$0x1A400] =	vst v63  }
0xf: {  	_ =	swait.ge [sflag:s9], $0x2800  }
0x10: {  	[sflag:s9] =	ssyncset.done $0x0  }
0x11: {  	[sflag:s9] =	ssyncadd.s32 $0xFFFFD800  }
0x12: {  	[tilespmem:s10], [sflag:$0x1] =	stream.linear.gather [hbm4b:s4+s3], $0x4000, $0x38;
	[tilespmem:$0x1A400] =	vst v63  }
0x13: {  	_ =	swait.ge [sflag:s9], $0x4000  }
0x14: {  	[sflag:s9] =	ssyncset.done $0x0  }
0x15: {  	[sflag:s9] =	ssyncadd.s32 $0xFFFFC000  }
0x16: {  	[spmem:s12], [sflag:s11] =	dma.local [hbm:s5], $0x2780  }
0x17: {  	_ =	swait.ge [sflag:s9], $0x2780  }
0x18: {  	[sflag:s9] =	ssyncset.done $0x0  }
0x19: {  	[sflag:s9] =	ssyncadd.s32 $0xFFFFD880  }
0x1a: {  	s15 =	simm.s32 $0x0;
	[bflag:$0x0] =	sbarrier.arrive $0xFFFF  }
0x1b: {  	[spmem:s2] =	stream.indirect.scatter.add.f32 [tilespmem:s10], [sflag:$0x1], $0x80, s15, s13, $0xb8;
	[tilespmem:$0x1A400] =	vst v63  }
0x1c: {  	_ =	swait.ge [sflag:s9], $0x4000  }
0x1d: {  	s15 =	simm.s32 $0x200;
	[sflag:s9] =	ssyncset.done $0x0  }
.LBB2_2:
0x1e: {  	s16 =	sshra.s32 s15, $0x2;
	[sflag:s9] =	ssyncadd.s32 $0xFFFFC000;
	p0 =	sne.s32 s15, $0x9E00  }
0x1f: {  	[spmem:s2] =	stream.indirect.scatter.add.f32 [tilespmem:s10], [sflag:$0x1], $0x80, s16, s13, $0xb8;
	[tilespmem:$0x1A400] =	vst v63  }
.Ltmp0:
0x20: {  	_ = 	snop;
	(pc) =	sbr.rel @p0 .LBB2_2-.Ltmp0, $4  }
0x21: {  	_ = 	snop  }
0x22: {  	s15 =	sadd.s32 $0x200, s15  }
0x23: {  	_ =	swait.ge [sflag:s9], $0x4000  }
0x24: {  	[sflag:s9] =	ssyncset.done $0x0  }
0x25: {  	s14 =	sadd.s32 $0x1, s14  }
0x26: {  	[sflag:s9] =	ssyncadd.s32 $0xFFFFC000;
	p0 =	sne.s32 s14, s8  }
.Ltmp1:
0x27: {  	[bflag:$0x0] =	sbarrier.arrive $0xFFFF;
	(pc) =	sbr.rel @p0 .LBB2_1-.Ltmp1, $4  }
0x28: {  	[hbm:s7], [sflag:s11] =	dma.local [spmem:s12], $0x2780  }
0x29: {  	_ =	swait.ge [sflag:s9], $0x2780  }
0x2a: {  	[sflag:s9] =	ssyncset.done $0x0  }
0x2b: {  	[sflag:s9] =	ssyncadd.s32 $0xFFFFD880  }
0x2c: {  	_ =	sfence.sel $0x180000  }
0x2d: {  	[bflag:$0x0] =	sbarrier.arrive $0xFFFF  }
0x2e: {  	p0 =	sne.s32 s0, $0x0;
	_ =	strace $0x90000047  }
0x2f: {  	s0 =	sadd.s32 @!p0 $0x100000, s1;
	[bflag:$0x2] =	sbarrier.arrive $0xFFFF  }
0x30: {  	[sflag:s0] =	ssyncadd.tile.s32 @!p0 $0x1;
	_ =	shalt  }
.Lfunc_end2:
_tile_overlayer_lowered:
.L_overlay_start_2:
0x31: {  	(tag) =	ssettag $0x2  }
0x32: {  	s0 =	rddreg [dreg:$0x0];
	s2 =	stileid.u32  }
0x33: {  	s1 =	rddreg [dreg:$0x1];
	p0 =	sne.s32 s2, $0x0  }
0x34: {  	s3 =	rddreg [dreg:$0x2];
	[bflag:$0x3] =	sbarrier.arrive $0xFFFF;
	s2 =	simm.s32 @!p0 $0x1C01  }
0x35: {  	[timem:s3], [sflag:s2] =	dma.local @!p0 [hbm:s0], s1  }
0x36: {  	s0 =	simm.s32 @!p0 $0x1  }
0x37: {  	_ =	swait.ge @!p0 [sflag:s0], s1  }
0x38: {  	s1 =	ssub.s32 @!p0 $0x0, s1;
	[sflag:s0] =	ssyncset.done @!p0 $0x0  }
0x39: {  	[sflag:s0] =	ssyncadd.s32 @!p0 s1  }
0x3a: {  	[bflag:$0x3] =	sbarrier.arrive $0xFFFF  }
0x3b: {  	_ =	shalt  }

// kernel: kernel.17.cloned.1.call-start
scs
__scs_entry_jumppad:
0x0: {  	(pc) =	sbr.rel $0x88, $3  }
0x1: {  	(tag) =	ssettag $0x0;
	lr =	simm.s32 $0x1  }
0x2: {  	[smem:$0x3F95] =	sst lr;
	_ =	strace $0xD0000000  }
0x3: {  	_ = 	snop  }
0x4: {  	_ = 	snop  }
0x5: {  	_ = 	snop  }
0x6: {  	_ = 	snop  }
0x7: {  	_ = 	snop  }
__scs_overlays_trampoline_lowered:
0x8: {  	[smem:$0x3FA4] =	sst s0  }
0x9: {  	[smem:$0x3FA5] =	sst s1  }
0xa: {  	[smem:$0x3FA6] =	sst s2  }
0xb: {  	[smem:$0x3FA7] =	sst s3  }
0xc: {  	[smem:$0x3FA8] =	sst s4  }
0xd: {  	[smem:$0x3FA9] =	sst s5  }
0xe: {  	[smem:$0x3FAA] =	sst s6  }
0xf: {  	[smem:$0x3FAB] =	sst s7  }
0x10: {  	[smem:$0x3FAC] =	sst s8  }
0x11: {  	[smem:$0x3FAD] =	sst s9;
	s0 =	simm.s32 @!p0 $0x0  }
0x12: {  	s1 =	sld [smem:$0x3F93];
	s0 =	simm.s32 @p0 $0x1  }
0x13: {  	[smem:$0x3FAE] =	sst s0;
	s0 =	simm.s32 @!p1 $0x0  }
0x14: {  	s2 =	sld [smem:$0x3F92];
	s0 =	simm.s32 @p1 $0x1  }
0x15: {  	[smem:$0x3FAF] =	sst s0;
	s0 =	simm.s32 @!p2 $0x0  }
0x16: {  	s3 =	sld [smem:$0x3FDB];
	s0 =	simm.s32 @p2 $0x1  }
0x17: {  	s4 =	simm.s32 $0x1BF5;
	[smem:$0x3FB1] =	sst s0  }
0x18: {  	s0 =	sld [smem:$0x3F94];
	_ =	swait.ge [sflag:s4], $0x0  }
0x19: {  	s7 =	sld [smem:$0x3F95]  }
0x1a: {  	s8 =	sadd.s32 $0xFFFFE003, lr  }
0x1b: {  	s9 =	sadd.s32 $0xFFFFFEF7, lr;
	s5 =	simm.s32 $0xFFFFFFFF;
	p2 =	slt.u32 s8, $0xFFFFF086  }
0x1c: {  	p1 =	slt.u32 s9, $0xF7A;
	s5 =	simm.s32 @!p2 $0x0  }
0x1d: {  	s5 =	simm.s32 @p1 $0x1;
	p0 =	seq.s32 s7, s2  }
0x1e: {  	s7 =	smul.u32 @!p0 $0xF7A, s2;
	p2 =	seq.s32 @!p0 s5, $0x0  }
0x1f: {  	s9 =	smul.u32 $0xF7A, s1;
	s8 =	simm.s32 @!p0 $0x1BF5;
	p2 =	por !p2, p0  }
0x20: {  	[sflag:s8] =	ssyncset.s32 @!p0 $0xFFFFF086;
	s6 =	sadd.s32 @!p0 s3, s7;
	s7 =	simm.s32 @!p0 $0x108  }
0x21: {  	s3 =	sadd.s32 s3, s9;
	s6 =	sadd.s32 @!p0 $0x88, s6;
	s7 =	simm.s32 @p2 $0x1082  }
0x22: {  	[simem:s7], [sflag:s8] =	dma.local @!p0 [hbm:s6], $0xF7A  }
0x23: {  	s9 =	sor.u32 $0xD0000000, s2;
	s6 =	simm.s32 $0x108;
	_ =	swait.ge @!p0 [sflag:s8], $0x0  }
0x24: {  	s3 =	sadd.s32 $0x88, s3;
	s6 =	simm.s32 @!p1 $0x1082;
	[sflag:s4] =	ssyncset.s32 $0xFFFFF086  }
0x25: {  	[simem:s6], [sflag:s4] =	dma.local [hbm:s3], $0xF7A  }
0x26: {  	[smem:$0x3F95] =	sst s1;
	(tag) =	ssettag s2;
	_ =	strace s9  }
0x27: {  	s1 =	sld [smem:$0x3FA5]  }
0x28: {  	s2 =	sld [smem:$0x3FA6]  }
0x29: {  	s4 =	sld [smem:$0x3FA8]  }
0x2a: {  	p0 =	seq.s32 s5, $0x0;
	s5 =	sld [smem:$0x3FA9]  }
0x2b: {  	s6 =	sld [smem:$0x3FAA]  }
0x2c: {  	s7 =	sld [smem:$0x3FAB]  }
0x2d: {  	s3 =	simm.s32 $0x108;
	s8 =	sld [smem:$0x3FAC]  }
0x2e: {  	s3 =	simm.s32 @!p0 $0x1082;
	s9 =	sld [smem:$0x3FAD]  }
0x2f: {  	lr =	sadd.s32 s0, s3;
	s0 =	sld [smem:$0x3FA4]  }
0x30: {  	s3 =	sld [smem:$0x3FA7]  }
0x31: {  	[smem:$0x3FB0] =	sst s10  }
0x32: {  	s10 =	sld [smem:$0x3FAE];
	_ =	sdelay $0x3  }
0x33: {  	p0 =	seq.s32 s10, $0x1;
	s10 =	sld [smem:$0x3FB0];
	_ =	sdelay $0x3  }
0x34: {  	[smem:$0x3FB0] =	sst s10  }
0x35: {  	s10 =	sld [smem:$0x3FAF];
	_ =	sdelay $0x3  }
0x36: {  	p1 =	seq.s32 s10, $0x1;
	s10 =	sld [smem:$0x3FB0];
	_ =	sdelay $0x3  }
0x37: {  	[smem:$0x3FB0] =	sst s10  }
0x38: {  	s10 =	sld [smem:$0x3FB1]  }
0x39: {  	_ = 	snop;
	(pc) =	sbr.ind lr, $3  }
0x3a: {  	_ = 	snop  }
0x3b: {  	_ = 	snop  }
0x3c: {  	p2 =	seq.s32 s10, $0x1;
	s10 =	sld [smem:$0x3FB0]  }
0x3d: {  	_ =	shalt  }
0x3e: {  	_ =	shalt  }
0x3f: {  	_ =	shalt  }
0x40: {  	_ =	shalt  }
0x41: {  	_ =	shalt  }
0x42: {  	_ =	shalt  }
0x43: {  	_ =	shalt  }
0x44: {  	_ =	shalt  }
0x45: {  	_ =	shalt  }
0x46: {  	_ =	shalt  }
0x47: {  	_ =	shalt  }
0x48: {  	_ =	shalt  }
0x49: {  	_ =	shalt  }
0x4a: {  	_ =	shalt  }
0x4b: {  	_ =	shalt  }
0x4c: {  	_ =	shalt  }
0x4d: {  	_ =	shalt  }
0x4e: {  	_ =	shalt  }
0x4f: {  	_ =	shalt  }
0x50: {  	_ =	shalt  }
0x51: {  	_ =	shalt  }
0x52: {  	_ =	shalt  }
0x53: {  	_ =	shalt  }
0x54: {  	_ =	shalt  }
0x55: {  	_ =	shalt  }
0x56: {  	_ =	shalt  }
0x57: {  	_ =	shalt  }
0x58: {  	_ =	shalt  }
0x59: {  	_ =	shalt  }
0x5a: {  	_ =	shalt  }
0x5b: {  	_ =	shalt  }
0x5c: {  	_ =	shalt  }
0x5d: {  	_ =	shalt  }
0x5e: {  	_ =	shalt  }
0x5f: {  	_ =	shalt  }
0x60: {  	_ =	shalt  }
0x61: {  	_ =	shalt  }
0x62: {  	_ =	shalt  }
0x63: {  	_ =	shalt  }
0x64: {  	_ =	shalt  }
0x65: {  	_ =	shalt  }
0x66: {  	_ =	shalt  }
0x67: {  	_ =	shalt  }
0x68: {  	_ =	shalt  }
0x69: {  	_ =	shalt  }
0x6a: {  	_ =	shalt  }
0x6b: {  	_ =	shalt  }
0x6c: {  	_ =	shalt  }
0x6d: {  	_ =	shalt  }
0x6e: {  	_ =	shalt  }
0x6f: {  	_ =	shalt  }
0x70: {  	_ =	shalt  }
0x71: {  	_ =	shalt  }
0x72: {  	_ =	shalt  }
0x73: {  	_ =	shalt  }
0x74: {  	_ =	shalt  }
0x75: {  	_ =	shalt  }
0x76: {  	_ =	shalt  }
0x77: {  	_ =	shalt  }
0x78: {  	_ =	shalt  }
0x79: {  	_ =	shalt  }
0x7a: {  	_ =	shalt  }
0x7b: {  	_ =	shalt  }
0x7c: {  	_ =	shalt  }
0x7d: {  	_ =	shalt  }
0x7e: {  	_ =	shalt  }
0x7f: {  	_ =	shalt  }
0x80: {  	_ =	shalt  }
0x81: {  	_ =	shalt  }
0x82: {  	_ =	shalt  }
0x83: {  	_ =	shalt  }
0x84: {  	_ =	shalt  }
0x85: {  	_ =	shalt  }
0x86: {  	_ =	shalt  }
0x87: {  	_ =	shalt  }
.Lfunc_end0:
.L_simem_size_0:
called_computation.1_lowered:
.L_overlay_start_0:
0x88: {  	s2 =	sld [smem:$0x3FD9]  }
0x89: {  	s3 =	sld [smem:$0x3FFE];
	_ =	sdelay $0x1  }
0x8a: {  	s1 =	srdreg.scid  }
0x8b: {  	s0 =	sand.u32 $0x1, s1  }
0x8c: {  	s16 =	sshll.u32 s0, $0xA;
	s2 =	sadd.s32 s3, s2  }
0x8d: {  	s2 =	sadd.s32 s2, s16  }
0x8e: {  	[smem:$0x3FBC] =	sst s2  }
0x8f: {  	_ = 	snop  }
0x90: {  	(tm) =	ssettm $0x1  }
0x91: {  	s17 =	sld [smem:$0x3FFB];
	_ =	sdelay $0x3  }
0x92: {  	_ =	strace s17  }
0x93: {  	s2 =	sld [smem:$0x3FFC];
	_ =	sdelay $0x3  }
0x94: {  	_ =	strace s2  }
0x95: {  	s2 =	sld [smem:$0x3FFD];
	_ =	sdelay $0x3  }
0x96: {  	_ =	strace s2  }
0x97: {  	_ =	strace $0x8FFFFFFF  }
0x98: {  	s18 =	sld [smem:$0x3FDB];
	_ =	sdelay $0x1  }
0x99: {  	s19 =	simm.s32 $_scs_section_size  }
0x9a: {  	s4 =	simm.s32 $_size__tile_overlayer_lowered;
	s5 =	simm.s32 $_tile_overlayer_lowered  }
0x9b: {  	s22 =	simm.s32 $0x1BFF;
	s21 =	sshll.u32 s5, $0x1;
	s2 =	sadd.s32 s19, s18  }
0x9c: {  	s6 =	simm.s32 $0x0;
	s20 =	sshll.u32 s4, $0x1;
	s4 =	sadd.s32 s21, s2  }
0x9d: {  	[timem:s6], [sflag:s22] =	dma.local [hbm:s4], s20  }
0x9e: {  	_ =	swait.ge [sflag:s22], s20  }
0x9f: {  	s3 =	ssub.s32 $0x0, s20;
	[sflag:s22] =	ssyncset.done $0x0  }
0xa0: {  	[sflag:s22] =	ssyncadd.s32 s3;
	_ =	sdelay $0x1  }
0xa1: {  	s23 =	simm.s32 $0x1B8B  }
0xa2: {  	_ =	swait.ge [sflag:s23], $0x1  }
0xa3: {  	[sflag:s23] =	ssyncset.done $0x0  }
0xa4: {  	s25 =	simm.s32 $0x1B8E;
	s24 =	sld [smem:$0x3FFE];
	[sflag:s23] =	ssyncadd.s32 $0xFFFFFFFF  }
0xa5: {  	s26 =	simm.s32 $execute0_lowered;
	[smem:$0x3FD2] =	sst s25  }
0xa6: {  	s4 =	sshll.u32 s26, $0x1;
	_ =	strace $0x80000049;
	[dreg:$0x1] =	wrdreg $0xFFFFFFFF  }
0xa7: {  	s28 =	simm.s32 $_size_execute0_lowered;
	s2 =	sadd.s32 s2, s4;
	[dreg:$0x0] =	wrdreg $0x0  }
0xa8: {  	s4 =	sshll.u32 s28, $0x1;
	[dreg:$0x2] =	wrdreg s2  }
0xa9: {  	[dreg:$0x3] =	wrdreg s4  }
0xaa: {  	[dreg:$0x4] =	wrdreg $0xC0  }
0xab: {  	_ =	task [dreg:s6], $0x5FFFF  }
0xac: {  	[dreg:$0x1] =	wrdreg $0xFFFFFFFF  }
0xad: {  	[dreg:$0x0] =	wrdreg $0x60  }
0xae: {  	[dreg:$0x2] =	wrdreg s24  }
0xaf: {  	[dreg:$0x3] =	wrdreg $0xA8000  }
0xb0: {  	[dreg:$0x4] =	wrdreg $0x9  }
0xb1: {  	_ =	task.clear_ibuf [dreg:s6], $0x5FFFF;
	_ =	strace $0x90000049  }
0xb2: {  	s29 =	simm.s32 $0x9;
	_ =	strace $0x8000004B  }
0xb3: {  	_ =	swait.ge [sflag:s29], $0x1  }
0xb4: {  	[sflag:s29] =	ssyncadd.s32 $0xFFFFFFFF  }
0xb5: {  	_ =	strace $0x9000004B  }
0xb6: {  	_ =	sfence  }
0xb7: {  	s30 =	sld [smem:$0x0];
	_ =	sdelay $0x2  }
0xb8: {  	s31 =	sshll.u32 s1, $0xD;
	s1 =	sshrl.u32 s1, $0x2  }
0xb9: {  	s3 =	sand.u32 $0x4000, s31;
	s1 =	sadd.s32 s1, s30  }
0xba: {  	s0 =	sor.u32 s3, s0;
	s1 =	sshll.u32 s1, $0x11  }
0xbb: {  	s0 =	sor.u32 s1, s0  }
0xbc: {  	s0 =	sadd.s32 $0x8F2B, s0  }
0xbd: {  	[sflag:s0] =	ssyncadd.remote.s32 $0x1  }
0xbe: {  	_ =	sfence.sel $0xFFFF  }
0xbf: {  	[dreg:$0x0] =	wrdreg $0xFFFFFFFF;
	(pc) =	sbr.abs _section_cstart, $3  }
0xc0: {  	[dreg:$0x1] =	wrdreg $0xFFFFFFFF  }
0xc1: {  	_ =	task.clear_ibuf [dreg:s6], $0x2FFFF;
	_ =	strace $0x9FFFFFFF  }
0xc2: {  	(tm) =	ssettm $0x7FFFFFFF  }
0xc3: {  	_ =	shalt  }
tec
execute0_lowered:
.L_overlay_start_1:
0x0: {  	(tag) =	ssettag $0x1  }
0x1: {  	s6 =	rddreg [dreg:$0x0]  }
0x2: {  	s1 =	rddreg [dreg:$0x1]  }
0x3: {  	s2 =	srdreg.scid;
	s0 =	rddreg [dreg:$0x2]  }
0x4: {  	s3 =	simm.s32 $0x0;
	s15 =	simm.s32 $0x1400;
	s16 =	simm.s32 $0x80  }
0x5: {  	s17 =	simm.s32 $0x2800;
	s18 =	simm.s32 $0x1;
	s19 =	simm.s32 $0x6800  }
0x6: {  	s20 =	simm.s32 $0x2;
	s21 =	simm.s32 $0x3;
	s22 =	simm.s32 $0x1380  }
0x7: {  	s5 =	sand.u32 $0x1, s2;
	s2 =	stileid.u32;
	[smem:$0x7FF] =	sst s3  }
0x8: {  	s4 =	sadd.s32 $0x1B200, s6;
	s9 =	sadd.s32 $0xEA00, s6;
	s7 =	smul.u32 $0x13C000, s5  }
0x9: {  	s10 =	sadd.s32 $0x4A00, s6;
	s8 =	smul.u32 $0x13C00, s2;
	_ =	strace $0x8000004A  }
0xa: {  	s23 =	sshll.u32 s5, $0x4;
	s11 =	ssub.s32 $0x2, s5;
	s25 =	smul.u32 $0x4F000, s2  }
0xb: {  	s5 =	sadd.s32 $0x18A00, s6;
	s28 =	sshll.u32 s2, $0x6;
	s24 =	sor.u32 s2, s23  }
0xc: {  	s12 =	sshrl.u32 s11, $0x1;
	s23 =	simm.s32 $0x2780;
	s7 =	sadd.s32 s8, s7  }
0xd: {  	s13 =	smul.u32 $0x2800, s24;
	s12 =	ssub.s32 s11, s12;
	s26 =	sshrl.u32 s25, $0x2  }
0xe: {  	s24 =	simm.s32 $0x0;
	s7 =	sshrl.u32 s7, $0x3;
	s30 =	sadd.s32 s26, s1  }
0xf: {  	s12 =	smax.u32 s12, $0x1;
	s14 =	sadd.s32 s7, s6;
	s29 =	sshrl.u32 s13, $0x3  }
0x10: {  	s6 =	sor.u32 $0x1C04, s28;
	s13 =	sshrl.u32 s30, $0x3;
	s31 =	sadd.s32 $0x280, s29  }
0x11: {  	s7 =	sadd.s32 s9, s29;
	s8 =	sadd.s32 s10, s29;
	s11 =	sadd.s32 $0x42400, s14  }
0x12: {  	s14 =	simm.s32 $0x4;
	s9 =	sadd.s32 s9, s31;
	s10 =	sadd.s32 s10, s31  }
.LBB2_1:
0x13: {  	[spmem:s13], [sflag:s6] =	dma.local [hbm:s5], $0x2780  }
0x14: {  	_ =	swait.ge [sflag:s14], $0x2780  }
0x15: {  	[sflag:s14] =	ssyncset.done $0x0  }
0x16: {  	[sflag:s14] =	ssyncadd.s32 $0xFFFFD880  }
0x17: {  	[bflag:$0x0] =	sbarrier.arrive $0xFFFF  }
0x18: {  	[tilespmem:s3], [sflag:$0x4] =	stream.linear.gather [hbm4b:s7+s3], $0x1400, $0x38;
	[tilespmem:$0x1E400] =	vst v63  }
0x19: {  	_ =	swait.ge [sflag:s14], $0x1400  }
0x1a: {  	[sflag:s14] =	ssyncset.done $0x0  }
0x1b: {  	[sflag:s14] =	ssyncadd.s32 $0xFFFFEC00  }
0x1c: {  	[tilespmem:s15], [sflag:$0x4] =	stream.linear.gather [hbm4b:s8+s3], $0x1400, $0x38;
	[tilespmem:$0x1E400] =	vst v63  }
0x1d: {  	_ =	swait.ge [sflag:s14], $0x1400  }
0x1e: {  	[sflag:s14] =	ssyncset.done $0x0  }
0x1f: {  	[sflag:s14] =	ssyncadd.s32 $0xFFFFEC00  }
0x20: {  	[tilespmem:s17], [sflag:$0x1] =	stream.indirect.gather [hbm4b:s4+s16], $0x80, s3, s16, $0xb8;
	[tilespmem:$0x1E400] =	vst v63  }
0x21: {  	_ =	swait.ge [sflag:s18], $0x4000  }
0x22: {  	[sflag:s18] =	ssyncset.done $0x0  }
0x23: {  	[sflag:s18] =	ssyncadd.s32 $0xFFFFC000  }
0x24: {  	[spmem:s1] =	stream.indirect.scatter.add.f32 [tilespmem:s17], [sflag:$0x2], $0x80, s15, s16, $0xb8;
	[tilespmem:$0x1E400] =	vst v63  }
0x25: {  	s25 =	simm.s32 $0x80  }
0x26: {  	[tilespmem:s19], [sflag:$0x1] =	stream.indirect.gather [hbm4b:s4+s16], $0x80, s25, s16, $0xb8;
	[tilespmem:$0x1E400] =	vst v63  }
0x27: {  	_ =	swait.ge [sflag:s18], $0x4000  }
0x28: {  	[sflag:s18] =	ssyncset.done $0x0  }
0x29: {  	[sflag:s18] =	ssyncadd.s32 $0xFFFFC000  }
0x2a: {  	_ =	swait.ge [sflag:s20], $0x4000  }
0x2b: {  	[sflag:s20] =	ssyncset.done $0x0  }
0x2c: {  	s30 =	simm.s32 $0x1480;
	[sflag:s20] =	ssyncadd.s32 $0xFFFFC000  }
0x2d: {  	[spmem:s1] =	stream.indirect.scatter.add.f32 [tilespmem:s19], [sflag:$0x3], $0x80, s30, s16, $0xb8;
	[tilespmem:$0x1E400] =	vst v63  }
0x2e: {  	s31 =	simm.s32 $0x100  }
0x2f: {  	[tilespmem:s17], [sflag:$0x1] =	stream.indirect.gather [hbm4b:s4+s16], $0x80, s31, s16, $0xb8;
	[tilespmem:$0x1E400] =	vst v63  }
0x30: {  	_ =	swait.ge [sflag:s18], $0x4000  }
0x31: {  	[sflag:s18] =	ssyncset.done $0x0  }
0x32: {  	[sflag:s18] =	ssyncadd.s32 $0xFFFFC000  }
0x33: {  	_ =	swait.ge [sflag:s21], $0x4000  }
0x34: {  	s26 =	simm.s32 $0xFFFFBC00;
	[sflag:s21] =	ssyncset.done $0x0  }
0x35: {  	s28 =	simm.s32 $0x1500;
	s25 =	simm.s32 $0xFFFFEE00;
	[sflag:s21] =	ssyncadd.s32 $0xFFFFC000  }
.LBB2_2:
0x36: {  	[spmem:s1] =	stream.indirect.scatter.add.f32 [tilespmem:s17], [sflag:$0x2], $0x80, s28, s16, $0xb8;
	[tilespmem:$0x1E400] =	vst v63  }
0x37: {  	s28 =	smov.u32 s26  }
0x38: {  	s30 =	sadd.s32 $0x400, s26;
	s29 =	sshra.s32 s28, $0x2;
	s28 =	sadd.s32 $0x1380, s25  }
0x39: {  	[tilespmem:s19], [sflag:$0x1] =	stream.indirect.gather [hbm4b:s4+s16], $0x80, s28, s16, $0xb8;
	[tilespmem:$0x1E400] =	vst v63  }
0x3a: {  	p0 =	sne.s32 s26, $0xFFFFFC00;
	_ =	swait.ge [sflag:s18], $0x4000  }
0x3b: {  	[sflag:s18] =	ssyncset.done $0x0  }
0x3c: {  	[sflag:s18] =	ssyncadd.s32 $0xFFFFC000  }
0x3d: {  	_ =	swait.ge [sflag:s20], $0x4000  }
0x3e: {  	[sflag:s20] =	ssyncset.done $0x0  }
0x3f: {  	s26 =	sadd.s32 $0x2780, s25;
	[sflag:s20] =	ssyncadd.s32 $0xFFFFC000  }
0x40: {  	[spmem:s1] =	stream.indirect.scatter.add.f32 [tilespmem:s19], [sflag:$0x3], $0x80, s26, s16, $0xb8;
	[tilespmem:$0x1E400] =	vst v63  }
0x41: {  	s26 =	sadd.s32 $0x1400, s25  }
0x42: {  	[tilespmem:s17], [sflag:$0x1] =	stream.indirect.gather [hbm4b:s4+s16], $0x80, s26, s16, $0xb8;
	[tilespmem:$0x1E400] =	vst v63  }
0x43: {  	_ =	swait.ge [sflag:s18], $0x4000  }
.Ltmp0:
0x44: {  	[sflag:s18] =	ssyncset.done $0x0;
	(pc) =	sbr.rel @p0 .LBB2_2-.Ltmp0, $4  }
0x45: {  	[sflag:s18] =	ssyncadd.s32 $0xFFFFC000  }
0x46: {  	_ =	swait.ge [sflag:s21], $0x4000  }
0x47: {  	s28 =	sadd.s32 $0x2800, s25;
	[sflag:s21] =	ssyncset.done $0x0  }
0x48: {  	s25 =	smov.u32 s29;
	s26 =	smov.u32 s30;
	[sflag:s21] =	ssyncadd.s32 $0xFFFFC000  }
0x49: {  	[spmem:s1] =	stream.indirect.scatter.add.f32 [tilespmem:s17], [sflag:$0x2], $0x80, s28, s16, $0xb8;
	[tilespmem:$0x1E400] =	vst v63  }
0x4a: {  	s26 =	sadd.s32 $0x1380, s25  }
0x4b: {  	[tilespmem:s19], [sflag:$0x1] =	stream.indirect.gather [hbm4b:s4+s16], $0x80, s26, s16, $0xb8;
	[tilespmem:$0x1E400] =	vst v63  }
0x4c: {  	_ =	swait.ge [sflag:s18], $0x4000  }
0x4d: {  	[sflag:s18] =	ssyncset.done $0x0  }
0x4e: {  	[sflag:s18] =	ssyncadd.s32 $0xFFFFC000  }
0x4f: {  	_ =	swait.ge [sflag:s20], $0x4000  }
0x50: {  	[sflag:s20] =	ssyncset.done $0x0  }
0x51: {  	s30 =	sadd.s32 $0x2780, s25;
	[sflag:s20] =	ssyncadd.s32 $0xFFFFC000  }
0x52: {  	[spmem:s1] =	stream.indirect.scatter.add.f32 [tilespmem:s19], [sflag:$0x3], $0x80, s30, s16, $0xb8;
	[tilespmem:$0x1E400] =	vst v63  }
0x53: {  	s31 =	sadd.s32 $0x1400, s25  }
0x54: {  	[tilespmem:s17], [sflag:$0x1] =	stream.indirect.gather [hbm4b:s4+s16], $0x80, s31, s16, $0xb8;
	[tilespmem:$0x1E400] =	vst v63  }
0x55: {  	_ =	swait.ge [sflag:s18], $0x4000  }
0x56: {  	[sflag:s18] =	ssyncset.done $0x0  }
0x57: {  	[sflag:s18] =	ssyncadd.s32 $0xFFFFC000  }
0x58: {  	_ =	swait.ge [sflag:s21], $0x4000  }
0x59: {  	[sflag:s21] =	ssyncset.done $0x0  }
0x5a: {  	s26 =	sadd.s32 $0x2800, s25;
	[sflag:s21] =	ssyncadd.s32 $0xFFFFC000  }
0x5b: {  	[spmem:s1] =	stream.indirect.scatter.add.f32 [tilespmem:s17], [sflag:$0x2], $0x80, s26, s16, $0xb8;
	[tilespmem:$0x1E400] =	vst v63  }
0x5c: {  	_ = 	snop  }
0x5d: {  	[tilespmem:s19], [sflag:$0x1] =	stream.indirect.gather [hbm4b:s4+s16], $0x80, s22, s16, $0xb8;
	[tilespmem:$0x1E400] =	vst v63  }
0x5e: {  	_ =	swait.ge [sflag:s18], $0x4000  }
0x5f: {  	[sflag:s18] =	ssyncset.done $0x0  }
0x60: {  	[sflag:s18] =	ssyncadd.s32 $0xFFFFC000  }
0x61: {  	_ =	swait.ge [sflag:s20], $0x4000  }
0x62: {  	[sflag:s20] =	ssyncset.done $0x0  }
0x63: {  	[sflag:s20] =	ssyncadd.s32 $0xFFFFC000  }
0x64: {  	[spmem:s1] =	stream.indirect.scatter.add.f32 [tilespmem:s19], [sflag:$0x4], $0x80, s23, s16, $0xb8;
	[tilespmem:$0x1E400] =	vst v63  }
0x65: {  	_ =	swait.ge [sflag:s14], $0x4000  }
0x66: {  	[sflag:s14] =	ssyncset.done $0x0  }
0x67: {  	[sflag:s14] =	ssyncadd.s32 $0xFFFFC000  }
0x68: {  	[tilespmem:s3], [sflag:$0x4] =	stream.linear.gather [hbm4b:s9+s3], $0x1400, $0x38;
	[tilespmem:$0x1E400] =	vst v63  }
0x69: {  	_ =	swait.ge [sflag:s14], $0x1400  }
0x6a: {  	[sflag:s14] =	ssyncset.done $0x0  }
0x6b: {  	[sflag:s14] =	ssyncadd.s32 $0xFFFFEC00  }
0x6c: {  	[tilespmem:s15], [sflag:$0x4] =	stream.linear.gather [hbm4b:s10+s3], $0x1400, $0x38;
	[tilespmem:$0x1E400] =	vst v63  }
0x6d: {  	_ =	swait.ge [sflag:s14], $0x1400  }
0x6e: {  	[sflag:s14] =	ssyncset.done $0x0  }
0x6f: {  	[sflag:s14] =	ssyncadd.s32 $0xFFFFEC00  }
0x70: {  	[tilespmem:s17], [sflag:$0x1] =	stream.indirect.gather [hbm4b:s4+s16], $0x80, s3, s16, $0xb8;
	[tilespmem:$0x1E400] =	vst v63  }
0x71: {  	_ =	swait.ge [sflag:s18], $0x4000  }
0x72: {  	[sflag:s18] =	ssyncset.done $0x0  }
0x73: {  	[sflag:s18] =	ssyncadd.s32 $0xFFFFC000  }
0x74: {  	[spmem:s1] =	stream.indirect.scatter.add.f32 [tilespmem:s17], [sflag:$0x2], $0x80, s15, s16, $0xb8;
	[tilespmem:$0x1E400] =	vst v63  }
0x75: {  	s29 =	simm.s32 $0x80  }
0x76: {  	[tilespmem:s19], [sflag:$0x1] =	stream.indirect.gather [hbm4b:s4+s16], $0x80, s29, s16, $0xb8;
	[tilespmem:$0x1E400] =	vst v63  }
0x77: {  	_ =	swait.ge [sflag:s18], $0x4000  }
0x78: {  	[sflag:s18] =	ssyncset.done $0x0  }
0x79: {  	[sflag:s18] =	ssyncadd.s32 $0xFFFFC000  }
0x7a: {  	_ =	swait.ge [sflag:s20], $0x4000  }
0x7b: {  	[sflag:s20] =	ssyncset.done $0x0  }
0x7c: {  	s30 =	simm.s32 $0x1480;
	[sflag:s20] =	ssyncadd.s32 $0xFFFFC000  }
0x7d: {  	[spmem:s1] =	stream.indirect.scatter.add.f32 [tilespmem:s19], [sflag:$0x3], $0x80, s30, s16, $0xb8;
	[tilespmem:$0x1E400] =	vst v63  }
0x7e: {  	s31 =	simm.s32 $0x100  }
0x7f: {  	[tilespmem:s17], [sflag:$0x1] =	stream.indirect.gather [hbm4b:s4+s16], $0x80, s31, s16, $0xb8;
	[tilespmem:$0x1E400] =	vst v63  }
0x80: {  	_ =	swait.ge [sflag:s18], $0x4000  }
0x81: {  	[sflag:s18] =	ssyncset.done $0x0  }
0x82: {  	[sflag:s18] =	ssyncadd.s32 $0xFFFFC000  }
0x83: {  	_ =	swait.ge [sflag:s21], $0x4000  }
0x84: {  	s28 =	simm.s32 $0x1500;
	[sflag:s21] =	ssyncset.done $0x0  }
0x85: {  	s25 =	simm.s32 $0xFFFFEE00;
	s26 =	simm.s32 $0xFFFFBC00;
	[sflag:s21] =	ssyncadd.s32 $0xFFFFC000  }
.LBB2_4:
0x86: {  	[spmem:s1] =	stream.indirect.scatter.add.f32 [tilespmem:s17], [sflag:$0x2], $0x80, s28, s16, $0xb8;
	[tilespmem:$0x1E400] =	vst v63  }
0x87: {  	s28 =	smov.u32 s26  }
0x88: {  	s30 =	sadd.s32 $0x400, s26;
	s29 =	sshra.s32 s28, $0x2;
	s28 =	sadd.s32 $0x1380, s25  }
0x89: {  	[tilespmem:s19], [sflag:$0x1] =	stream.indirect.gather [hbm4b:s4+s16], $0x80, s28, s16, $0xb8;
	[tilespmem:$0x1E400] =	vst v63  }
0x8a: {  	p0 =	sne.s32 s26, $0xFFFFFC00;
	_ =	swait.ge [sflag:s18], $0x4000  }
0x8b: {  	[sflag:s18] =	ssyncset.done $0x0  }
0x8c: {  	[sflag:s18] =	ssyncadd.s32 $0xFFFFC000  }
0x8d: {  	_ =	swait.ge [sflag:s20], $0x4000  }
0x8e: {  	[sflag:s20] =	ssyncset.done $0x0  }
0x8f: {  	s26 =	sadd.s32 $0x2780, s25;
	[sflag:s20] =	ssyncadd.s32 $0xFFFFC000  }
0x90: {  	[spmem:s1] =	stream.indirect.scatter.add.f32 [tilespmem:s19], [sflag:$0x3], $0x80, s26, s16, $0xb8;
	[tilespmem:$0x1E400] =	vst v63  }
0x91: {  	s26 =	sadd.s32 $0x1400, s25  }
0x92: {  	[tilespmem:s17], [sflag:$0x1] =	stream.indirect.gather [hbm4b:s4+s16], $0x80, s26, s16, $0xb8;
	[tilespmem:$0x1E400] =	vst v63  }
0x93: {  	_ =	swait.ge [sflag:s18], $0x4000  }
.Ltmp1:
0x94: {  	[sflag:s18] =	ssyncset.done $0x0;
	(pc) =	sbr.rel @p0 .LBB2_4-.Ltmp1, $4  }
0x95: {  	[sflag:s18] =	ssyncadd.s32 $0xFFFFC000  }
0x96: {  	_ =	swait.ge [sflag:s21], $0x4000  }
0x97: {  	s28 =	sadd.s32 $0x2800, s25;
	[sflag:s21] =	ssyncset.done $0x0  }
0x98: {  	s25 =	smov.u32 s29;
	s26 =	smov.u32 s30;
	[sflag:s21] =	ssyncadd.s32 $0xFFFFC000  }
0x99: {  	[spmem:s1] =	stream.indirect.scatter.add.f32 [tilespmem:s17], [sflag:$0x2], $0x80, s28, s16, $0xb8;
	[tilespmem:$0x1E400] =	vst v63  }
0x9a: {  	s26 =	sadd.s32 $0x1380, s25  }
0x9b: {  	[tilespmem:s19], [sflag:$0x1] =	stream.indirect.gather [hbm4b:s4+s16], $0x80, s26, s16, $0xb8;
	[tilespmem:$0x1E400] =	vst v63  }
0x9c: {  	_ =	swait.ge [sflag:s18], $0x4000  }
0x9d: {  	[sflag:s18] =	ssyncset.done $0x0  }
0x9e: {  	[sflag:s18] =	ssyncadd.s32 $0xFFFFC000  }
0x9f: {  	_ =	swait.ge [sflag:s20], $0x4000  }
0xa0: {  	[sflag:s20] =	ssyncset.done $0x0  }
0xa1: {  	s29 =	sadd.s32 $0x2780, s25;
	[sflag:s20] =	ssyncadd.s32 $0xFFFFC000  }
0xa2: {  	[spmem:s1] =	stream.indirect.scatter.add.f32 [tilespmem:s19], [sflag:$0x3], $0x80, s29, s16, $0xb8;
	[tilespmem:$0x1E400] =	vst v63  }
0xa3: {  	s30 =	sadd.s32 $0x1400, s25  }
0xa4: {  	[tilespmem:s17], [sflag:$0x1] =	stream.indirect.gather [hbm4b:s4+s16], $0x80, s30, s16, $0xb8;
	[tilespmem:$0x1E400] =	vst v63  }
0xa5: {  	_ =	swait.ge [sflag:s18], $0x4000  }
0xa6: {  	[sflag:s18] =	ssyncset.done $0x0  }
0xa7: {  	[sflag:s18] =	ssyncadd.s32 $0xFFFFC000  }
0xa8: {  	_ =	swait.ge [sflag:s21], $0x4000  }
0xa9: {  	[sflag:s21] =	ssyncset.done $0x0  }
0xaa: {  	s31 =	sadd.s32 $0x2800, s25;
	[sflag:s21] =	ssyncadd.s32 $0xFFFFC000  }
0xab: {  	[spmem:s1] =	stream.indirect.scatter.add.f32 [tilespmem:s17], [sflag:$0x2], $0x80, s31, s16, $0xb8;
	[tilespmem:$0x1E400] =	vst v63  }
0xac: {  	_ = 	snop  }
0xad: {  	[tilespmem:s19], [sflag:$0x1] =	stream.indirect.gather [hbm4b:s4+s16], $0x80, s22, s16, $0xb8;
	[tilespmem:$0x1E400] =	vst v63  }
0xae: {  	_ =	swait.ge [sflag:s18], $0x4000  }
0xaf: {  	[sflag:s18] =	ssyncset.done $0x0  }
0xb0: {  	[sflag:s18] =	ssyncadd.s32 $0xFFFFC000  }
0xb1: {  	_ =	swait.ge [sflag:s20], $0x4000  }
0xb2: {  	[sflag:s20] =	ssyncset.done $0x0  }
0xb3: {  	[sflag:s20] =	ssyncadd.s32 $0xFFFFC000  }
0xb4: {  	[spmem:s1] =	stream.indirect.scatter.add.f32 [tilespmem:s19], [sflag:$0x4], $0x80, s23, s16, $0xb8;
	[tilespmem:$0x1E400] =	vst v63  }
0xb5: {  	_ =	swait.ge [sflag:s14], $0x4000  }
0xb6: {  	s24 =	sadd.s32 $0x1, s24;
	[sflag:s14] =	ssyncset.done $0x0  }
0xb7: {  	p0 =	sne.s32 s24, s12;
	[sflag:s14] =	ssyncadd.s32 $0xFFFFC000  }
.Ltmp2:
0xb8: {  	[bflag:$0x0] =	sbarrier.arrive $0xFFFF;
	(pc) =	sbr.rel @p0 .LBB2_1-.Ltmp2, $4  }
0xb9: {  	[hbm:s11], [sflag:s6] =	dma.local [spmem:s13], $0x2780  }
0xba: {  	_ =	swait.ge [sflag:s14], $0x2780  }
0xbb: {  	[sflag:s14] =	ssyncset.done $0x0  }
0xbc: {  	[sflag:s14] =	ssyncadd.s32 $0xFFFFD880  }
0xbd: {  	_ =	sfence.sel $0x180000  }
0xbe: {  	[bflag:$0x0] =	sbarrier.arrive $0xFFFF  }
0xbf: {  	p0 =	sne.s32 s2, $0x0;
	_ =	strace $0x9000004A  }
0xc0: {  	s0 =	sadd.s32 @!p0 $0x100000, s0;
	[bflag:$0x2] =	sbarrier.arrive $0xFFFF  }
0xc1: {  	[sflag:s0] =	ssyncadd.tile.s32 @!p0 $0x1;
	_ =	shalt  }
.Lfunc_end2:
_tile_overlayer_lowered:
.L_overlay_start_2:
0xc2: {  	(tag) =	ssettag $0x2  }
0xc3: {  	s0 =	rddreg [dreg:$0x0];
	s2 =	stileid.u32  }
0xc4: {  	s1 =	rddreg [dreg:$0x1];
	p0 =	sne.s32 s2, $0x0  }
0xc5: {  	s3 =	rddreg [dreg:$0x2];
	[bflag:$0x3] =	sbarrier.arrive $0xFFFF;
	s2 =	simm.s32 @!p0 $0x1C04  }
0xc6: {  	[timem:s3], [sflag:s2] =	dma.local @!p0 [hbm:s0], s1  }
0xc7: {  	s0 =	simm.s32 @!p0 $0x4  }
0xc8: {  	_ =	swait.ge @!p0 [sflag:s0], s1  }
0xc9: {  	s1 =	ssub.s32 @!p0 $0x0, s1;
	[sflag:s0] =	ssyncset.done @!p0 $0x0  }
0xca: {  	[sflag:s0] =	ssyncadd.s32 @!p0 s1  }
0xcb: {  	[bflag:$0x3] =	sbarrier.arrive $0xFFFF  }
0xcc: {  	_ =	shalt  }

// kernel: kernel.20.cloned.1.call-start
scs
__scs_entry_jumppad:
0x0: {  	(pc) =	sbr.rel $0x88, $3  }
0x1: {  	(tag) =	ssettag $0x0;
	lr =	simm.s32 $0x1  }
0x2: {  	[smem:$0x3F95] =	sst lr;
	_ =	strace $0xD0000000  }
0x3: {  	_ = 	snop  }
0x4: {  	_ = 	snop  }
0x5: {  	_ = 	snop  }
0x6: {  	_ = 	snop  }
0x7: {  	_ = 	snop  }
__scs_overlays_trampoline_lowered:
0x8: {  	[smem:$0x3FA4] =	sst s0  }
0x9: {  	[smem:$0x3FA5] =	sst s1  }
0xa: {  	[smem:$0x3FA6] =	sst s2  }
0xb: {  	[smem:$0x3FA7] =	sst s3  }
0xc: {  	[smem:$0x3FA8] =	sst s4  }
0xd: {  	[smem:$0x3FA9] =	sst s5  }
0xe: {  	[smem:$0x3FAA] =	sst s6  }
0xf: {  	[smem:$0x3FAB] =	sst s7  }
0x10: {  	[smem:$0x3FAC] =	sst s8  }
0x11: {  	[smem:$0x3FAD] =	sst s9;
	s0 =	simm.s32 @!p0 $0x0  }
0x12: {  	s1 =	sld [smem:$0x3F93];
	s0 =	simm.s32 @p0 $0x1  }
0x13: {  	[smem:$0x3FAE] =	sst s0;
	s0 =	simm.s32 @!p1 $0x0  }
0x14: {  	s2 =	sld [smem:$0x3F92];
	s0 =	simm.s32 @p1 $0x1  }
0x15: {  	[smem:$0x3FAF] =	sst s0;
	s0 =	simm.s32 @!p2 $0x0  }
0x16: {  	s3 =	sld [smem:$0x3FDB];
	s0 =	simm.s32 @p2 $0x1  }
0x17: {  	s4 =	simm.s32 $0x1BF5;
	[smem:$0x3FB1] =	sst s0  }
0x18: {  	s0 =	sld [smem:$0x3F94];
	_ =	swait.ge [sflag:s4], $0x0  }
0x19: {  	s7 =	sld [smem:$0x3F95]  }
0x1a: {  	s8 =	sadd.s32 $0xFFFFE003, lr  }
0x1b: {  	s9 =	sadd.s32 $0xFFFFFEF7, lr;
	s5 =	simm.s32 $0xFFFFFFFF;
	p2 =	slt.u32 s8, $0xFFFFF086  }
0x1c: {  	p1 =	slt.u32 s9, $0xF7A;
	s5 =	simm.s32 @!p2 $0x0  }
0x1d: {  	s5 =	simm.s32 @p1 $0x1;
	p0 =	seq.s32 s7, s2  }
0x1e: {  	s7 =	smul.u32 @!p0 $0xF7A, s2;
	p2 =	seq.s32 @!p0 s5, $0x0  }
0x1f: {  	s9 =	smul.u32 $0xF7A, s1;
	s8 =	simm.s32 @!p0 $0x1BF5;
	p2 =	por !p2, p0  }
0x20: {  	[sflag:s8] =	ssyncset.s32 @!p0 $0xFFFFF086;
	s6 =	sadd.s32 @!p0 s3, s7;
	s7 =	simm.s32 @!p0 $0x108  }
0x21: {  	s3 =	sadd.s32 s3, s9;
	s6 =	sadd.s32 @!p0 $0x88, s6;
	s7 =	simm.s32 @p2 $0x1082  }
0x22: {  	[simem:s7], [sflag:s8] =	dma.local @!p0 [hbm:s6], $0xF7A  }
0x23: {  	s9 =	sor.u32 $0xD0000000, s2;
	s6 =	simm.s32 $0x108;
	_ =	swait.ge @!p0 [sflag:s8], $0x0  }
0x24: {  	s3 =	sadd.s32 $0x88, s3;
	s6 =	simm.s32 @!p1 $0x1082;
	[sflag:s4] =	ssyncset.s32 $0xFFFFF086  }
0x25: {  	[simem:s6], [sflag:s4] =	dma.local [hbm:s3], $0xF7A  }
0x26: {  	[smem:$0x3F95] =	sst s1;
	(tag) =	ssettag s2;
	_ =	strace s9  }
0x27: {  	s1 =	sld [smem:$0x3FA5]  }
0x28: {  	s2 =	sld [smem:$0x3FA6]  }
0x29: {  	s4 =	sld [smem:$0x3FA8]  }
0x2a: {  	p0 =	seq.s32 s5, $0x0;
	s5 =	sld [smem:$0x3FA9]  }
0x2b: {  	s6 =	sld [smem:$0x3FAA]  }
0x2c: {  	s7 =	sld [smem:$0x3FAB]  }
0x2d: {  	s3 =	simm.s32 $0x108;
	s8 =	sld [smem:$0x3FAC]  }
0x2e: {  	s3 =	simm.s32 @!p0 $0x1082;
	s9 =	sld [smem:$0x3FAD]  }
0x2f: {  	lr =	sadd.s32 s0, s3;
	s0 =	sld [smem:$0x3FA4]  }
0x30: {  	s3 =	sld [smem:$0x3FA7]  }
0x31: {  	[smem:$0x3FB0] =	sst s10  }
0x32: {  	s10 =	sld [smem:$0x3FAE];
	_ =	sdelay $0x3  }
0x33: {  	p0 =	seq.s32 s10, $0x1;
	s10 =	sld [smem:$0x3FB0];
	_ =	sdelay $0x3  }
0x34: {  	[smem:$0x3FB0] =	sst s10  }
0x35: {  	s10 =	sld [smem:$0x3FAF];
	_ =	sdelay $0x3  }
0x36: {  	p1 =	seq.s32 s10, $0x1;
	s10 =	sld [smem:$0x3FB0];
	_ =	sdelay $0x3  }
0x37: {  	[smem:$0x3FB0] =	sst s10  }
0x38: {  	s10 =	sld [smem:$0x3FB1]  }
0x39: {  	_ = 	snop;
	(pc) =	sbr.ind lr, $3  }
0x3a: {  	_ = 	snop  }
0x3b: {  	_ = 	snop  }
0x3c: {  	p2 =	seq.s32 s10, $0x1;
	s10 =	sld [smem:$0x3FB0]  }
0x3d: {  	_ =	shalt  }
0x3e: {  	_ =	shalt  }
0x3f: {  	_ =	shalt  }
0x40: {  	_ =	shalt  }
0x41: {  	_ =	shalt  }
0x42: {  	_ =	shalt  }
0x43: {  	_ =	shalt  }
0x44: {  	_ =	shalt  }
0x45: {  	_ =	shalt  }
0x46: {  	_ =	shalt  }
0x47: {  	_ =	shalt  }
0x48: {  	_ =	shalt  }
0x49: {  	_ =	shalt  }
0x4a: {  	_ =	shalt  }
0x4b: {  	_ =	shalt  }
0x4c: {  	_ =	shalt  }
0x4d: {  	_ =	shalt  }
0x4e: {  	_ =	shalt  }
0x4f: {  	_ =	shalt  }
0x50: {  	_ =	shalt  }
0x51: {  	_ =	shalt  }
0x52: {  	_ =	shalt  }
0x53: {  	_ =	shalt  }
0x54: {  	_ =	shalt  }
0x55: {  	_ =	shalt  }
0x56: {  	_ =	shalt  }
0x57: {  	_ =	shalt  }
0x58: {  	_ =	shalt  }
0x59: {  	_ =	shalt  }
0x5a: {  	_ =	shalt  }
0x5b: {  	_ =	shalt  }
0x5c: {  	_ =	shalt  }
0x5d: {  	_ =	shalt  }
0x5e: {  	_ =	shalt  }
0x5f: {  	_ =	shalt  }
0x60: {  	_ =	shalt  }
0x61: {  	_ =	shalt  }
0x62: {  	_ =	shalt  }
0x63: {  	_ =	shalt  }
0x64: {  	_ =	shalt  }
0x65: {  	_ =	shalt  }
0x66: {  	_ =	shalt  }
0x67: {  	_ =	shalt  }
0x68: {  	_ =	shalt  }
0x69: {  	_ =	shalt  }
0x6a: {  	_ =	shalt  }
0x6b: {  	_ =	shalt  }
0x6c: {  	_ =	shalt  }
0x6d: {  	_ =	shalt  }
0x6e: {  	_ =	shalt  }
0x6f: {  	_ =	shalt  }
0x70: {  	_ =	shalt  }
0x71: {  	_ =	shalt  }
0x72: {  	_ =	shalt  }
0x73: {  	_ =	shalt  }
0x74: {  	_ =	shalt  }
0x75: {  	_ =	shalt  }
0x76: {  	_ =	shalt  }
0x77: {  	_ =	shalt  }
0x78: {  	_ =	shalt  }
0x79: {  	_ =	shalt  }
0x7a: {  	_ =	shalt  }
0x7b: {  	_ =	shalt  }
0x7c: {  	_ =	shalt  }
0x7d: {  	_ =	shalt  }
0x7e: {  	_ =	shalt  }
0x7f: {  	_ =	shalt  }
0x80: {  	_ =	shalt  }
0x81: {  	_ =	shalt  }
0x82: {  	_ =	shalt  }
0x83: {  	_ =	shalt  }
0x84: {  	_ =	shalt  }
0x85: {  	_ =	shalt  }
0x86: {  	_ =	shalt  }
0x87: {  	_ =	shalt  }
.Lfunc_end0:
.L_simem_size_0:
called_computation.2_lowered:
.L_overlay_start_0:
0x88: {  	s2 =	sld [smem:$0x3FD9]  }
0x89: {  	s3 =	sld [smem:$0x3FFE];
	_ =	sdelay $0x1  }
0x8a: {  	s1 =	srdreg.scid  }
0x8b: {  	s0 =	sand.u32 $0x1, s1  }
0x8c: {  	s16 =	sshll.u32 s0, $0xA;
	s2 =	sadd.s32 s3, s2  }
0x8d: {  	s2 =	sadd.s32 s2, s16  }
0x8e: {  	[smem:$0x3FBC] =	sst s2  }
0x8f: {  	_ = 	snop  }
0x90: {  	(tm) =	ssettm $0x1  }
0x91: {  	s17 =	sld [smem:$0x3FFB];
	_ =	sdelay $0x3  }
0x92: {  	_ =	strace s17  }
0x93: {  	s2 =	sld [smem:$0x3FFC];
	_ =	sdelay $0x3  }
0x94: {  	_ =	strace s2  }
0x95: {  	s2 =	sld [smem:$0x3FFD];
	_ =	sdelay $0x3  }
0x96: {  	_ =	strace s2  }
0x97: {  	_ =	strace $0x8FFFFFFF  }
0x98: {  	s18 =	sld [smem:$0x3FDB];
	_ =	sdelay $0x1  }
0x99: {  	s19 =	simm.s32 $_scs_section_size  }
0x9a: {  	s4 =	simm.s32 $_size__tile_overlayer_lowered;
	s5 =	simm.s32 $_tile_overlayer_lowered  }
0x9b: {  	s22 =	simm.s32 $0x1BFF;
	s21 =	sshll.u32 s5, $0x1;
	s2 =	sadd.s32 s19, s18  }
0x9c: {  	s6 =	simm.s32 $0x0;
	s20 =	sshll.u32 s4, $0x1;
	s4 =	sadd.s32 s21, s2  }
0x9d: {  	[timem:s6], [sflag:s22] =	dma.local [hbm:s4], s20  }
0x9e: {  	_ =	swait.ge [sflag:s22], s20  }
0x9f: {  	s3 =	ssub.s32 $0x0, s20;
	[sflag:s22] =	ssyncset.done $0x0  }
0xa0: {  	[sflag:s22] =	ssyncadd.s32 s3;
	_ =	sdelay $0x1  }
0xa1: {  	s23 =	simm.s32 $0x1B8B  }
0xa2: {  	_ =	swait.ge [sflag:s23], $0x1  }
0xa3: {  	[sflag:s23] =	ssyncset.done $0x0  }
0xa4: {  	s25 =	simm.s32 $0x1B8E;
	s24 =	sld [smem:$0x3FFE];
	[sflag:s23] =	ssyncadd.s32 $0xFFFFFFFF  }
0xa5: {  	s26 =	simm.s32 $execute0_lowered;
	[smem:$0x3FD2] =	sst s25  }
0xa6: {  	s4 =	sshll.u32 s26, $0x1;
	_ =	strace $0x8000004C;
	[dreg:$0x1] =	wrdreg $0xFFFFFFFF  }
0xa7: {  	s28 =	simm.s32 $_size_execute0_lowered;
	s2 =	sadd.s32 s2, s4;
	[dreg:$0x0] =	wrdreg $0x0  }
0xa8: {  	s4 =	sshll.u32 s28, $0x1;
	[dreg:$0x2] =	wrdreg s2  }
0xa9: {  	[dreg:$0x3] =	wrdreg s4  }
0xaa: {  	[dreg:$0x4] =	wrdreg $0xC0  }
0xab: {  	_ =	task [dreg:s6], $0x5FFFF  }
0xac: {  	[dreg:$0x1] =	wrdreg $0xFFFFFFFF  }
0xad: {  	[dreg:$0x0] =	wrdreg $0x60  }
0xae: {  	[dreg:$0x2] =	wrdreg s24  }
0xaf: {  	[dreg:$0x3] =	wrdreg $0xA8000  }
0xb0: {  	[dreg:$0x4] =	wrdreg $0x9  }
0xb1: {  	_ =	task.clear_ibuf [dreg:s6], $0x5FFFF;
	_ =	strace $0x9000004C  }
0xb2: {  	s29 =	simm.s32 $0x9;
	_ =	strace $0x8000004E  }
0xb3: {  	_ =	swait.ge [sflag:s29], $0x1  }
0xb4: {  	[sflag:s29] =	ssyncadd.s32 $0xFFFFFFFF  }
0xb5: {  	_ =	strace $0x9000004E  }
0xb6: {  	_ =	sfence  }
0xb7: {  	s30 =	sld [smem:$0x0];
	_ =	sdelay $0x2  }
0xb8: {  	s31 =	sshll.u32 s1, $0xD;
	s1 =	sshrl.u32 s1, $0x2  }
0xb9: {  	s3 =	sand.u32 $0x4000, s31;
	s1 =	sadd.s32 s1, s30  }
0xba: {  	s0 =	sor.u32 s3, s0;
	s1 =	sshll.u32 s1, $0x11  }
0xbb: {  	s0 =	sor.u32 s1, s0  }
0xbc: {  	s0 =	sadd.s32 $0x8F2B, s0  }
0xbd: {  	[sflag:s0] =	ssyncadd.remote.s32 $0x1  }
0xbe: {  	_ =	sfence.sel $0xFFFF  }
0xbf: {  	[dreg:$0x0] =	wrdreg $0xFFFFFFFF;
	(pc) =	sbr.abs _section_cstart, $3  }
0xc0: {  	[dreg:$0x1] =	wrdreg $0xFFFFFFFF  }
0xc1: {  	_ =	task.clear_ibuf [dreg:s6], $0x2FFFF;
	_ =	strace $0x9FFFFFFF  }
0xc2: {  	(tm) =	ssettm $0x7FFFFFFF  }
0xc3: {  	_ =	shalt  }
tec
execute0_lowered:
.L_overlay_start_1:
0x0: {  	(tag) =	ssettag $0x1  }
0x1: {  	s6 =	rddreg [dreg:$0x0]  }
0x2: {  	s1 =	rddreg [dreg:$0x1]  }
0x3: {  	s2 =	srdreg.scid;
	s0 =	rddreg [dreg:$0x2]  }
0x4: {  	s3 =	simm.s32 $0x0;
	s15 =	simm.s32 $0x1400;
	s16 =	simm.s32 $0x80  }
0x5: {  	s17 =	simm.s32 $0x2800;
	s18 =	simm.s32 $0x1;
	s19 =	simm.s32 $0x6800  }
0x6: {  	s20 =	simm.s32 $0x2;
	s21 =	simm.s32 $0x3;
	s22 =	simm.s32 $0x1380  }
0x7: {  	s5 =	sand.u32 $0x1, s2;
	s2 =	stileid.u32;
	[smem:$0x7FF] =	sst s3  }
0x8: {  	s4 =	sadd.s32 $0x1B200, s6;
	s9 =	sadd.s32 $0xEA00, s6;
	s7 =	smul.u32 $0x13C000, s5  }
0x9: {  	s10 =	sadd.s32 $0x4A00, s6;
	s8 =	smul.u32 $0x13C00, s2;
	_ =	strace $0x8000004D  }
0xa: {  	s23 =	sshll.u32 s5, $0x4;
	s11 =	ssub.s32 $0x2, s5;
	s25 =	smul.u32 $0x4F000, s2  }
0xb: {  	s5 =	sadd.s32 $0x18A00, s6;
	s28 =	sshll.u32 s2, $0x6;
	s24 =	sor.u32 s2, s23  }
0xc: {  	s12 =	sshrl.u32 s11, $0x1;
	s23 =	simm.s32 $0x2780;
	s7 =	sadd.s32 s8, s7  }
0xd: {  	s13 =	smul.u32 $0x2800, s24;
	s12 =	ssub.s32 s11, s12;
	s26 =	sshrl.u32 s25, $0x2  }
0xe: {  	s24 =	simm.s32 $0x0;
	s7 =	sshrl.u32 s7, $0x3;
	s30 =	sadd.s32 s26, s1  }
0xf: {  	s12 =	smax.u32 s12, $0x1;
	s14 =	sadd.s32 s7, s6;
	s29 =	sshrl.u32 s13, $0x3  }
0x10: {  	s6 =	sor.u32 $0x1C04, s28;
	s13 =	sshrl.u32 s30, $0x3;
	s31 =	sadd.s32 $0x280, s29  }
0x11: {  	s7 =	sadd.s32 s9, s29;
	s8 =	sadd.s32 s10, s29;
	s11 =	sadd.s32 $0x42400, s14  }
0x12: {  	s14 =	simm.s32 $0x4;
	s9 =	sadd.s32 s9, s31;
	s10 =	sadd.s32 s10, s31  }
.LBB2_1:
0x13: {  	[spmem:s13], [sflag:s6] =	dma.local [hbm:s5], $0x2780  }
0x14: {  	_ =	swait.ge [sflag:s14], $0x2780  }
0x15: {  	[sflag:s14] =	ssyncset.done $0x0  }
0x16: {  	[sflag:s14] =	ssyncadd.s32 $0xFFFFD880  }
0x17: {  	[bflag:$0x0] =	sbarrier.arrive $0xFFFF  }
0x18: {  	[tilespmem:s3], [sflag:$0x4] =	stream.linear.gather [hbm4b:s7+s3], $0x1400, $0x38;
	[tilespmem:$0x1E400] =	vst v63  }
0x19: {  	_ =	swait.ge [sflag:s14], $0x1400  }
0x1a: {  	[sflag:s14] =	ssyncset.done $0x0  }
0x1b: {  	[sflag:s14] =	ssyncadd.s32 $0xFFFFEC00  }
0x1c: {  	[tilespmem:s15], [sflag:$0x4] =	stream.linear.gather [hbm4b:s8+s3], $0x1400, $0x38;
	[tilespmem:$0x1E400] =	vst v63  }
0x1d: {  	_ =	swait.ge [sflag:s14], $0x1400  }
0x1e: {  	[sflag:s14] =	ssyncset.done $0x0  }
0x1f: {  	[sflag:s14] =	ssyncadd.s32 $0xFFFFEC00  }
0x20: {  	[tilespmem:s17], [sflag:$0x1] =	stream.indirect.gather [hbm4b:s4+s16], $0x80, s3, s16, $0xb8;
	[tilespmem:$0x1E400] =	vst v63  }
0x21: {  	_ =	swait.ge [sflag:s18], $0x4000  }
0x22: {  	[sflag:s18] =	ssyncset.done $0x0  }
0x23: {  	[sflag:s18] =	ssyncadd.s32 $0xFFFFC000  }
0x24: {  	[spmem:s1] =	stream.indirect.scatter.add.f32 [tilespmem:s17], [sflag:$0x2], $0x80, s15, s16, $0xb8;
	[tilespmem:$0x1E400] =	vst v63  }
0x25: {  	s25 =	simm.s32 $0x80  }
0x26: {  	[tilespmem:s19], [sflag:$0x1] =	stream.indirect.gather [hbm4b:s4+s16], $0x80, s25, s16, $0xb8;
	[tilespmem:$0x1E400] =	vst v63  }
0x27: {  	_ =	swait.ge [sflag:s18], $0x4000  }
0x28: {  	[sflag:s18] =	ssyncset.done $0x0  }
0x29: {  	[sflag:s18] =	ssyncadd.s32 $0xFFFFC000  }
0x2a: {  	_ =	swait.ge [sflag:s20], $0x4000  }
0x2b: {  	[sflag:s20] =	ssyncset.done $0x0  }
0x2c: {  	s30 =	simm.s32 $0x1480;
	[sflag:s20] =	ssyncadd.s32 $0xFFFFC000  }
0x2d: {  	[spmem:s1] =	stream.indirect.scatter.add.f32 [tilespmem:s19], [sflag:$0x3], $0x80, s30, s16, $0xb8;
	[tilespmem:$0x1E400] =	vst v63  }
0x2e: {  	s31 =	simm.s32 $0x100  }
0x2f: {  	[tilespmem:s17], [sflag:$0x1] =	stream.indirect.gather [hbm4b:s4+s16], $0x80, s31, s16, $0xb8;
	[tilespmem:$0x1E400] =	vst v63  }
0x30: {  	_ =	swait.ge [sflag:s18], $0x4000  }
0x31: {  	[sflag:s18] =	ssyncset.done $0x0  }
0x32: {  	[sflag:s18] =	ssyncadd.s32 $0xFFFFC000  }
0x33: {  	_ =	swait.ge [sflag:s21], $0x4000  }
0x34: {  	s26 =	simm.s32 $0xFFFFBC00;
	[sflag:s21] =	ssyncset.done $0x0  }
0x35: {  	s28 =	simm.s32 $0x1500;
	s25 =	simm.s32 $0xFFFFEE00;
	[sflag:s21] =	ssyncadd.s32 $0xFFFFC000  }
.LBB2_2:
0x36: {  	[spmem:s1] =	stream.indirect.scatter.add.f32 [tilespmem:s17], [sflag:$0x2], $0x80, s28, s16, $0xb8;
	[tilespmem:$0x1E400] =	vst v63  }
0x37: {  	s28 =	smov.u32 s26  }
0x38: {  	s30 =	sadd.s32 $0x400, s26;
	s29 =	sshra.s32 s28, $0x2;
	s28 =	sadd.s32 $0x1380, s25  }
0x39: {  	[tilespmem:s19], [sflag:$0x1] =	stream.indirect.gather [hbm4b:s4+s16], $0x80, s28, s16, $0xb8;
	[tilespmem:$0x1E400] =	vst v63  }
0x3a: {  	p0 =	sne.s32 s26, $0xFFFFFC00;
	_ =	swait.ge [sflag:s18], $0x4000  }
0x3b: {  	[sflag:s18] =	ssyncset.done $0x0  }
0x3c: {  	[sflag:s18] =	ssyncadd.s32 $0xFFFFC000  }
0x3d: {  	_ =	swait.ge [sflag:s20], $0x4000  }
0x3e: {  	[sflag:s20] =	ssyncset.done $0x0  }
0x3f: {  	s26 =	sadd.s32 $0x2780, s25;
	[sflag:s20] =	ssyncadd.s32 $0xFFFFC000  }
0x40: {  	[spmem:s1] =	stream.indirect.scatter.add.f32 [tilespmem:s19], [sflag:$0x3], $0x80, s26, s16, $0xb8;
	[tilespmem:$0x1E400] =	vst v63  }
0x41: {  	s26 =	sadd.s32 $0x1400, s25  }
0x42: {  	[tilespmem:s17], [sflag:$0x1] =	stream.indirect.gather [hbm4b:s4+s16], $0x80, s26, s16, $0xb8;
	[tilespmem:$0x1E400] =	vst v63  }
0x43: {  	_ =	swait.ge [sflag:s18], $0x4000  }
.Ltmp0:
0x44: {  	[sflag:s18] =	ssyncset.done $0x0;
	(pc) =	sbr.rel @p0 .LBB2_2-.Ltmp0, $4  }
0x45: {  	[sflag:s18] =	ssyncadd.s32 $0xFFFFC000  }
0x46: {  	_ =	swait.ge [sflag:s21], $0x4000  }
0x47: {  	s28 =	sadd.s32 $0x2800, s25;
	[sflag:s21] =	ssyncset.done $0x0  }
0x48: {  	s25 =	smov.u32 s29;
	s26 =	smov.u32 s30;
	[sflag:s21] =	ssyncadd.s32 $0xFFFFC000  }
0x49: {  	[spmem:s1] =	stream.indirect.scatter.add.f32 [tilespmem:s17], [sflag:$0x2], $0x80, s28, s16, $0xb8;
	[tilespmem:$0x1E400] =	vst v63  }
0x4a: {  	s26 =	sadd.s32 $0x1380, s25  }
0x4b: {  	[tilespmem:s19], [sflag:$0x1] =	stream.indirect.gather [hbm4b:s4+s16], $0x80, s26, s16, $0xb8;
	[tilespmem:$0x1E400] =	vst v63  }
0x4c: {  	_ =	swait.ge [sflag:s18], $0x4000  }
0x4d: {  	[sflag:s18] =	ssyncset.done $0x0  }
0x4e: {  	[sflag:s18] =	ssyncadd.s32 $0xFFFFC000  }
0x4f: {  	_ =	swait.ge [sflag:s20], $0x4000  }
0x50: {  	[sflag:s20] =	ssyncset.done $0x0  }
0x51: {  	s30 =	sadd.s32 $0x2780, s25;
	[sflag:s20] =	ssyncadd.s32 $0xFFFFC000  }
0x52: {  	[spmem:s1] =	stream.indirect.scatter.add.f32 [tilespmem:s19], [sflag:$0x3], $0x80, s30, s16, $0xb8;
	[tilespmem:$0x1E400] =	vst v63  }
0x53: {  	s31 =	sadd.s32 $0x1400, s25  }
0x54: {  	[tilespmem:s17], [sflag:$0x1] =	stream.indirect.gather [hbm4b:s4+s16], $0x80, s31, s16, $0xb8;
	[tilespmem:$0x1E400] =	vst v63  }
0x55: {  	_ =	swait.ge [sflag:s18], $0x4000  }
0x56: {  	[sflag:s18] =	ssyncset.done $0x0  }
0x57: {  	[sflag:s18] =	ssyncadd.s32 $0xFFFFC000  }
0x58: {  	_ =	swait.ge [sflag:s21], $0x4000  }
0x59: {  	[sflag:s21] =	ssyncset.done $0x0  }
0x5a: {  	s26 =	sadd.s32 $0x2800, s25;
	[sflag:s21] =	ssyncadd.s32 $0xFFFFC000  }
0x5b: {  	[spmem:s1] =	stream.indirect.scatter.add.f32 [tilespmem:s17], [sflag:$0x2], $0x80, s26, s16, $0xb8;
	[tilespmem:$0x1E400] =	vst v63  }
0x5c: {  	_ = 	snop  }
0x5d: {  	[tilespmem:s19], [sflag:$0x1] =	stream.indirect.gather [hbm4b:s4+s16], $0x80, s22, s16, $0xb8;
	[tilespmem:$0x1E400] =	vst v63  }
0x5e: {  	_ =	swait.ge [sflag:s18], $0x4000  }
0x5f: {  	[sflag:s18] =	ssyncset.done $0x0  }
0x60: {  	[sflag:s18] =	ssyncadd.s32 $0xFFFFC000  }
0x61: {  	_ =	swait.ge [sflag:s20], $0x4000  }
0x62: {  	[sflag:s20] =	ssyncset.done $0x0  }
0x63: {  	[sflag:s20] =	ssyncadd.s32 $0xFFFFC000  }
0x64: {  	[spmem:s1] =	stream.indirect.scatter.add.f32 [tilespmem:s19], [sflag:$0x4], $0x80, s23, s16, $0xb8;
	[tilespmem:$0x1E400] =	vst v63  }
0x65: {  	_ =	swait.ge [sflag:s14], $0x4000  }
0x66: {  	[sflag:s14] =	ssyncset.done $0x0  }
0x67: {  	[sflag:s14] =	ssyncadd.s32 $0xFFFFC000  }
0x68: {  	[tilespmem:s3], [sflag:$0x4] =	stream.linear.gather [hbm4b:s9+s3], $0x1400, $0x38;
	[tilespmem:$0x1E400] =	vst v63  }
0x69: {  	_ =	swait.ge [sflag:s14], $0x1400  }
0x6a: {  	[sflag:s14] =	ssyncset.done $0x0  }
0x6b: {  	[sflag:s14] =	ssyncadd.s32 $0xFFFFEC00  }
0x6c: {  	[tilespmem:s15], [sflag:$0x4] =	stream.linear.gather [hbm4b:s10+s3], $0x1400, $0x38;
	[tilespmem:$0x1E400] =	vst v63  }
0x6d: {  	_ =	swait.ge [sflag:s14], $0x1400  }
0x6e: {  	[sflag:s14] =	ssyncset.done $0x0  }
0x6f: {  	[sflag:s14] =	ssyncadd.s32 $0xFFFFEC00  }
0x70: {  	[tilespmem:s17], [sflag:$0x1] =	stream.indirect.gather [hbm4b:s4+s16], $0x80, s3, s16, $0xb8;
	[tilespmem:$0x1E400] =	vst v63  }
0x71: {  	_ =	swait.ge [sflag:s18], $0x4000  }
0x72: {  	[sflag:s18] =	ssyncset.done $0x0  }
0x73: {  	[sflag:s18] =	ssyncadd.s32 $0xFFFFC000  }
0x74: {  	[spmem:s1] =	stream.indirect.scatter.add.f32 [tilespmem:s17], [sflag:$0x2], $0x80, s15, s16, $0xb8;
	[tilespmem:$0x1E400] =	vst v63  }
0x75: {  	s29 =	simm.s32 $0x80  }
0x76: {  	[tilespmem:s19], [sflag:$0x1] =	stream.indirect.gather [hbm4b:s4+s16], $0x80, s29, s16, $0xb8;
	[tilespmem:$0x1E400] =	vst v63  }
0x77: {  	_ =	swait.ge [sflag:s18], $0x4000  }
0x78: {  	[sflag:s18] =	ssyncset.done $0x0  }
0x79: {  	[sflag:s18] =	ssyncadd.s32 $0xFFFFC000  }
0x7a: {  	_ =	swait.ge [sflag:s20], $0x4000  }
0x7b: {  	[sflag:s20] =	ssyncset.done $0x0  }
0x7c: {  	s30 =	simm.s32 $0x1480;
	[sflag:s20] =	ssyncadd.s32 $0xFFFFC000  }
0x7d: {  	[spmem:s1] =	stream.indirect.scatter.add.f32 [tilespmem:s19], [sflag:$0x3], $0x80, s30, s16, $0xb8;
	[tilespmem:$0x1E400] =	vst v63  }
0x7e: {  	s31 =	simm.s32 $0x100  }
0x7f: {  	[tilespmem:s17], [sflag:$0x1] =	stream.indirect.gather [hbm4b:s4+s16], $0x80, s31, s16, $0xb8;
	[tilespmem:$0x1E400] =	vst v63  }
0x80: {  	_ =	swait.ge [sflag:s18], $0x4000  }
0x81: {  	[sflag:s18] =	ssyncset.done $0x0  }
0x82: {  	[sflag:s18] =	ssyncadd.s32 $0xFFFFC000  }
0x83: {  	_ =	swait.ge [sflag:s21], $0x4000  }
0x84: {  	s28 =	simm.s32 $0x1500;
	[sflag:s21] =	ssyncset.done $0x0  }
0x85: {  	s25 =	simm.s32 $0xFFFFEE00;
	s26 =	simm.s32 $0xFFFFBC00;
	[sflag:s21] =	ssyncadd.s32 $0xFFFFC000  }
.LBB2_4:
0x86: {  	[spmem:s1] =	stream.indirect.scatter.add.f32 [tilespmem:s17], [sflag:$0x2], $0x80, s28, s16, $0xb8;
	[tilespmem:$0x1E400] =	vst v63  }
0x87: {  	s28 =	smov.u32 s26  }
0x88: {  	s30 =	sadd.s32 $0x400, s26;
	s29 =	sshra.s32 s28, $0x2;
	s28 =	sadd.s32 $0x1380, s25  }
0x89: {  	[tilespmem:s19], [sflag:$0x1] =	stream.indirect.gather [hbm4b:s4+s16], $0x80, s28, s16, $0xb8;
	[tilespmem:$0x1E400] =	vst v63  }
0x8a: {  	p0 =	sne.s32 s26, $0xFFFFFC00;
	_ =	swait.ge [sflag:s18], $0x4000  }
0x8b: {  	[sflag:s18] =	ssyncset.done $0x0  }
0x8c: {  	[sflag:s18] =	ssyncadd.s32 $0xFFFFC000  }
0x8d: {  	_ =	swait.ge [sflag:s20], $0x4000  }
0x8e: {  	[sflag:s20] =	ssyncset.done $0x0  }
0x8f: {  	s26 =	sadd.s32 $0x2780, s25;
	[sflag:s20] =	ssyncadd.s32 $0xFFFFC000  }
0x90: {  	[spmem:s1] =	stream.indirect.scatter.add.f32 [tilespmem:s19], [sflag:$0x3], $0x80, s26, s16, $0xb8;
	[tilespmem:$0x1E400] =	vst v63  }
0x91: {  	s26 =	sadd.s32 $0x1400, s25  }
0x92: {  	[tilespmem:s17], [sflag:$0x1] =	stream.indirect.gather [hbm4b:s4+s16], $0x80, s26, s16, $0xb8;
	[tilespmem:$0x1E400] =	vst v63  }
0x93: {  	_ =	swait.ge [sflag:s18], $0x4000  }
.Ltmp1:
0x94: {  	[sflag:s18] =	ssyncset.done $0x0;
	(pc) =	sbr.rel @p0 .LBB2_4-.Ltmp1, $4  }
0x95: {  	[sflag:s18] =	ssyncadd.s32 $0xFFFFC000  }
0x96: {  	_ =	swait.ge [sflag:s21], $0x4000  }
0x97: {  	s28 =	sadd.s32 $0x2800, s25;
	[sflag:s21] =	ssyncset.done $0x0  }
0x98: {  	s25 =	smov.u32 s29;
	s26 =	smov.u32 s30;
	[sflag:s21] =	ssyncadd.s32 $0xFFFFC000  }
0x99: {  	[spmem:s1] =	stream.indirect.scatter.add.f32 [tilespmem:s17], [sflag:$0x2], $0x80, s28, s16, $0xb8;
	[tilespmem:$0x1E400] =	vst v63  }
0x9a: {  	s26 =	sadd.s32 $0x1380, s25  }
0x9b: {  	[tilespmem:s19], [sflag:$0x1] =	stream.indirect.gather [hbm4b:s4+s16], $0x80, s26, s16, $0xb8;
	[tilespmem:$0x1E400] =	vst v63  }
0x9c: {  	_ =	swait.ge [sflag:s18], $0x4000  }
0x9d: {  	[sflag:s18] =	ssyncset.done $0x0  }
0x9e: {  	[sflag:s18] =	ssyncadd.s32 $0xFFFFC000  }
0x9f: {  	_ =	swait.ge [sflag:s20], $0x4000  }
0xa0: {  	[sflag:s20] =	ssyncset.done $0x0  }
0xa1: {  	s29 =	sadd.s32 $0x2780, s25;
	[sflag:s20] =	ssyncadd.s32 $0xFFFFC000  }
0xa2: {  	[spmem:s1] =	stream.indirect.scatter.add.f32 [tilespmem:s19], [sflag:$0x3], $0x80, s29, s16, $0xb8;
	[tilespmem:$0x1E400] =	vst v63  }
0xa3: {  	s30 =	sadd.s32 $0x1400, s25  }
0xa4: {  	[tilespmem:s17], [sflag:$0x1] =	stream.indirect.gather [hbm4b:s4+s16], $0x80, s30, s16, $0xb8;
	[tilespmem:$0x1E400] =	vst v63  }
0xa5: {  	_ =	swait.ge [sflag:s18], $0x4000  }
0xa6: {  	[sflag:s18] =	ssyncset.done $0x0  }
0xa7: {  	[sflag:s18] =	ssyncadd.s32 $0xFFFFC000  }
0xa8: {  	_ =	swait.ge [sflag:s21], $0x4000  }
0xa9: {  	[sflag:s21] =	ssyncset.done $0x0  }
0xaa: {  	s31 =	sadd.s32 $0x2800, s25;
	[sflag:s21] =	ssyncadd.s32 $0xFFFFC000  }
0xab: {  	[spmem:s1] =	stream.indirect.scatter.add.f32 [tilespmem:s17], [sflag:$0x2], $0x80, s31, s16, $0xb8;
	[tilespmem:$0x1E400] =	vst v63  }
0xac: {  	_ = 	snop  }
0xad: {  	[tilespmem:s19], [sflag:$0x1] =	stream.indirect.gather [hbm4b:s4+s16], $0x80, s22, s16, $0xb8;
	[tilespmem:$0x1E400] =	vst v63  }
0xae: {  	_ =	swait.ge [sflag:s18], $0x4000  }
0xaf: {  	[sflag:s18] =	ssyncset.done $0x0  }
0xb0: {  	[sflag:s18] =	ssyncadd.s32 $0xFFFFC000  }
0xb1: {  	_ =	swait.ge [sflag:s20], $0x4000  }
0xb2: {  	[sflag:s20] =	ssyncset.done $0x0  }
0xb3: {  	[sflag:s20] =	ssyncadd.s32 $0xFFFFC000  }
0xb4: {  	[spmem:s1] =	stream.indirect.scatter.add.f32 [tilespmem:s19], [sflag:$0x4], $0x80, s23, s16, $0xb8;
	[tilespmem:$0x1E400] =	vst v63  }
0xb5: {  	_ =	swait.ge [sflag:s14], $0x4000  }
0xb6: {  	s24 =	sadd.s32 $0x1, s24;
	[sflag:s14] =	ssyncset.done $0x0  }
0xb7: {  	p0 =	sne.s32 s24, s12;
	[sflag:s14] =	ssyncadd.s32 $0xFFFFC000  }
.Ltmp2:
0xb8: {  	[bflag:$0x0] =	sbarrier.arrive $0xFFFF;
	(pc) =	sbr.rel @p0 .LBB2_1-.Ltmp2, $4  }
0xb9: {  	[hbm:s11], [sflag:s6] =	dma.local [spmem:s13], $0x2780  }
0xba: {  	_ =	swait.ge [sflag:s14], $0x2780  }
0xbb: {  	[sflag:s14] =	ssyncset.done $0x0  }
0xbc: {  	[sflag:s14] =	ssyncadd.s32 $0xFFFFD880  }
0xbd: {  	_ =	sfence.sel $0x180000  }
0xbe: {  	[bflag:$0x0] =	sbarrier.arrive $0xFFFF  }
0xbf: {  	p0 =	sne.s32 s2, $0x0;
	_ =	strace $0x9000004D  }
0xc0: {  	s0 =	sadd.s32 @!p0 $0x100000, s0;
	[bflag:$0x2] =	sbarrier.arrive $0xFFFF  }
0xc1: {  	[sflag:s0] =	ssyncadd.tile.s32 @!p0 $0x1;
	_ =	shalt  }
.Lfunc_end2:
_tile_overlayer_lowered:
.L_overlay_start_2:
0xc2: {  	(tag) =	ssettag $0x2  }
0xc3: {  	s0 =	rddreg [dreg:$0x0];
	s2 =	stileid.u32  }
0xc4: {  	s1 =	rddreg [dreg:$0x1];
	p0 =	sne.s32 s2, $0x0  }
0xc5: {  	s3 =	rddreg [dreg:$0x2];
	[bflag:$0x3] =	sbarrier.arrive $0xFFFF;
	s2 =	simm.s32 @!p0 $0x1C04  }
0xc6: {  	[timem:s3], [sflag:s2] =	dma.local @!p0 [hbm:s0], s1  }
0xc7: {  	s0 =	simm.s32 @!p0 $0x4  }
0xc8: {  	_ =	swait.ge @!p0 [sflag:s0], s1  }
0xc9: {  	s1 =	ssub.s32 @!p0 $0x0, s1;
	[sflag:s0] =	ssyncset.done @!p0 $0x0  }
0xca: {  	[sflag:s0] =	ssyncadd.s32 @!p0 s1  }
0xcb: {  	[bflag:$0x3] =	sbarrier.arrive $0xFFFF  }
0xcc: {  	_ =	shalt  }

// kernel: kernel.23.cloned.1.call-start
scs
__scs_entry_jumppad:
0x0: {  	(pc) =	sbr.rel $0x88, $3  }
0x1: {  	(tag) =	ssettag $0x0;
	lr =	simm.s32 $0x1  }
0x2: {  	[smem:$0x3F95] =	sst lr;
	_ =	strace $0xD0000000  }
0x3: {  	_ = 	snop  }
0x4: {  	_ = 	snop  }
0x5: {  	_ = 	snop  }
0x6: {  	_ = 	snop  }
0x7: {  	_ = 	snop  }
__scs_overlays_trampoline_lowered:
0x8: {  	[smem:$0x3FA4] =	sst s0  }
0x9: {  	[smem:$0x3FA5] =	sst s1  }
0xa: {  	[smem:$0x3FA6] =	sst s2  }
0xb: {  	[smem:$0x3FA7] =	sst s3  }
0xc: {  	[smem:$0x3FA8] =	sst s4  }
0xd: {  	[smem:$0x3FA9] =	sst s5  }
0xe: {  	[smem:$0x3FAA] =	sst s6  }
0xf: {  	[smem:$0x3FAB] =	sst s7  }
0x10: {  	[smem:$0x3FAC] =	sst s8  }
0x11: {  	[smem:$0x3FAD] =	sst s9;
	s0 =	simm.s32 @!p0 $0x0  }
0x12: {  	s1 =	sld [smem:$0x3F93];
	s0 =	simm.s32 @p0 $0x1  }
0x13: {  	[smem:$0x3FAE] =	sst s0;
	s0 =	simm.s32 @!p1 $0x0  }
0x14: {  	s2 =	sld [smem:$0x3F92];
	s0 =	simm.s32 @p1 $0x1  }
0x15: {  	[smem:$0x3FAF] =	sst s0;
	s0 =	simm.s32 @!p2 $0x0  }
0x16: {  	s3 =	sld [smem:$0x3FDB];
	s0 =	simm.s32 @p2 $0x1  }
0x17: {  	s4 =	simm.s32 $0x1BF5;
	[smem:$0x3FB1] =	sst s0  }
0x18: {  	s0 =	sld [smem:$0x3F94];
	_ =	swait.ge [sflag:s4], $0x0  }
0x19: {  	s7 =	sld [smem:$0x3F95]  }
0x1a: {  	s8 =	sadd.s32 $0xFFFFE003, lr  }
0x1b: {  	s9 =	sadd.s32 $0xFFFFFEF7, lr;
	s5 =	simm.s32 $0xFFFFFFFF;
	p2 =	slt.u32 s8, $0xFFFFF086  }
0x1c: {  	p1 =	slt.u32 s9, $0xF7A;
	s5 =	simm.s32 @!p2 $0x0  }
0x1d: {  	s5 =	simm.s32 @p1 $0x1;
	p0 =	seq.s32 s7, s2  }
0x1e: {  	s7 =	smul.u32 @!p0 $0xF7A, s2;
	p2 =	seq.s32 @!p0 s5, $0x0  }
0x1f: {  	s9 =	smul.u32 $0xF7A, s1;
	s8 =	simm.s32 @!p0 $0x1BF5;
	p2 =	por !p2, p0  }
0x20: {  	[sflag:s8] =	ssyncset.s32 @!p0 $0xFFFFF086;
	s6 =	sadd.s32 @!p0 s3, s7;
	s7 =	simm.s32 @!p0 $0x108  }
0x21: {  	s3 =	sadd.s32 s3, s9;
	s6 =	sadd.s32 @!p0 $0x88, s6;
	s7 =	simm.s32 @p2 $0x1082  }
0x22: {  	[simem:s7], [sflag:s8] =	dma.local @!p0 [hbm:s6], $0xF7A  }
0x23: {  	s9 =	sor.u32 $0xD0000000, s2;
	s6 =	simm.s32 $0x108;
	_ =	swait.ge @!p0 [sflag:s8], $0x0  }
0x24: {  	s3 =	sadd.s32 $0x88, s3;
	s6 =	simm.s32 @!p1 $0x1082;
	[sflag:s4] =	ssyncset.s32 $0xFFFFF086  }
0x25: {  	[simem:s6], [sflag:s4] =	dma.local [hbm:s3], $0xF7A  }
0x26: {  	[smem:$0x3F95] =	sst s1;
	(tag) =	ssettag s2;
	_ =	strace s9  }
0x27: {  	s1 =	sld [smem:$0x3FA5]  }
0x28: {  	s2 =	sld [smem:$0x3FA6]  }
0x29: {  	s4 =	sld [smem:$0x3FA8]  }
0x2a: {  	p0 =	seq.s32 s5, $0x0;
	s5 =	sld [smem:$0x3FA9]  }
0x2b: {  	s6 =	sld [smem:$0x3FAA]  }
0x2c: {  	s7 =	sld [smem:$0x3FAB]  }
0x2d: {  	s3 =	simm.s32 $0x108;
	s8 =	sld [smem:$0x3FAC]  }
0x2e: {  	s3 =	simm.s32 @!p0 $0x1082;
	s9 =	sld [smem:$0x3FAD]  }
0x2f: {  	lr =	sadd.s32 s0, s3;
	s0 =	sld [smem:$0x3FA4]  }
0x30: {  	s3 =	sld [smem:$0x3FA7]  }
0x31: {  	[smem:$0x3FB0] =	sst s10  }
0x32: {  	s10 =	sld [smem:$0x3FAE];
	_ =	sdelay $0x3  }
0x33: {  	p0 =	seq.s32 s10, $0x1;
	s10 =	sld [smem:$0x3FB0];
	_ =	sdelay $0x3  }
0x34: {  	[smem:$0x3FB0] =	sst s10  }
0x35: {  	s10 =	sld [smem:$0x3FAF];
	_ =	sdelay $0x3  }
0x36: {  	p1 =	seq.s32 s10, $0x1;
	s10 =	sld [smem:$0x3FB0];
	_ =	sdelay $0x3  }
0x37: {  	[smem:$0x3FB0] =	sst s10  }
0x38: {  	s10 =	sld [smem:$0x3FB1]  }
0x39: {  	_ = 	snop;
	(pc) =	sbr.ind lr, $3  }
0x3a: {  	_ = 	snop  }
0x3b: {  	_ = 	snop  }
0x3c: {  	p2 =	seq.s32 s10, $0x1;
	s10 =	sld [smem:$0x3FB0]  }
0x3d: {  	_ =	shalt  }
0x3e: {  	_ =	shalt  }
0x3f: {  	_ =	shalt  }
0x40: {  	_ =	shalt  }
0x41: {  	_ =	shalt  }
0x42: {  	_ =	shalt  }
0x43: {  	_ =	shalt  }
0x44: {  	_ =	shalt  }
0x45: {  	_ =	shalt  }
0x46: {  	_ =	shalt  }
0x47: {  	_ =	shalt  }
0x48: {  	_ =	shalt  }
0x49: {  	_ =	shalt  }
0x4a: {  	_ =	shalt  }
0x4b: {  	_ =	shalt  }
0x4c: {  	_ =	shalt  }
0x4d: {  	_ =	shalt  }
0x4e: {  	_ =	shalt  }
0x4f: {  	_ =	shalt  }
0x50: {  	_ =	shalt  }
0x51: {  	_ =	shalt  }
0x52: {  	_ =	shalt  }
0x53: {  	_ =	shalt  }
0x54: {  	_ =	shalt  }
0x55: {  	_ =	shalt  }
0x56: {  	_ =	shalt  }
0x57: {  	_ =	shalt  }
0x58: {  	_ =	shalt  }
0x59: {  	_ =	shalt  }
0x5a: {  	_ =	shalt  }
0x5b: {  	_ =	shalt  }
0x5c: {  	_ =	shalt  }
0x5d: {  	_ =	shalt  }
0x5e: {  	_ =	shalt  }
0x5f: {  	_ =	shalt  }
0x60: {  	_ =	shalt  }
0x61: {  	_ =	shalt  }
0x62: {  	_ =	shalt  }
0x63: {  	_ =	shalt  }
0x64: {  	_ =	shalt  }
0x65: {  	_ =	shalt  }
0x66: {  	_ =	shalt  }
0x67: {  	_ =	shalt  }
0x68: {  	_ =	shalt  }
0x69: {  	_ =	shalt  }
0x6a: {  	_ =	shalt  }
0x6b: {  	_ =	shalt  }
0x6c: {  	_ =	shalt  }
0x6d: {  	_ =	shalt  }
0x6e: {  	_ =	shalt  }
0x6f: {  	_ =	shalt  }
0x70: {  	_ =	shalt  }
0x71: {  	_ =	shalt  }
0x72: {  	_ =	shalt  }
0x73: {  	_ =	shalt  }
0x74: {  	_ =	shalt  }
0x75: {  	_ =	shalt  }
0x76: {  	_ =	shalt  }
0x77: {  	_ =	shalt  }
0x78: {  	_ =	shalt  }
0x79: {  	_ =	shalt  }
0x7a: {  	_ =	shalt  }
0x7b: {  	_ =	shalt  }
0x7c: {  	_ =	shalt  }
0x7d: {  	_ =	shalt  }
0x7e: {  	_ =	shalt  }
0x7f: {  	_ =	shalt  }
0x80: {  	_ =	shalt  }
0x81: {  	_ =	shalt  }
0x82: {  	_ =	shalt  }
0x83: {  	_ =	shalt  }
0x84: {  	_ =	shalt  }
0x85: {  	_ =	shalt  }
0x86: {  	_ =	shalt  }
0x87: {  	_ =	shalt  }
.Lfunc_end0:
.L_simem_size_0:
called_computation.3_lowered:
.L_overlay_start_0:
0x88: {  	s2 =	sld [smem:$0x3FD9]  }
0x89: {  	s3 =	sld [smem:$0x3FFE];
	_ =	sdelay $0x1  }
0x8a: {  	s1 =	srdreg.scid  }
0x8b: {  	s0 =	sand.u32 $0x1, s1  }
0x8c: {  	s16 =	sshll.u32 s0, $0xA;
	s2 =	sadd.s32 s3, s2  }
0x8d: {  	s2 =	sadd.s32 s2, s16  }
0x8e: {  	[smem:$0x3FBC] =	sst s2  }
0x8f: {  	_ = 	snop  }
0x90: {  	(tm) =	ssettm $0x1  }
0x91: {  	s17 =	sld [smem:$0x3FFB];
	_ =	sdelay $0x3  }
0x92: {  	_ =	strace s17  }
0x93: {  	s2 =	sld [smem:$0x3FFC];
	_ =	sdelay $0x3  }
0x94: {  	_ =	strace s2  }
0x95: {  	s2 =	sld [smem:$0x3FFD];
	_ =	sdelay $0x3  }
0x96: {  	_ =	strace s2  }
0x97: {  	_ =	strace $0x8FFFFFFF  }
0x98: {  	s18 =	sld [smem:$0x3FDB];
	_ =	sdelay $0x1  }
0x99: {  	s19 =	simm.s32 $_scs_section_size  }
0x9a: {  	s4 =	simm.s32 $_size__tile_overlayer_lowered;
	s5 =	simm.s32 $_tile_overlayer_lowered  }
0x9b: {  	s22 =	simm.s32 $0x1BFF;
	s21 =	sshll.u32 s5, $0x1;
	s2 =	sadd.s32 s19, s18  }
0x9c: {  	s6 =	simm.s32 $0x0;
	s20 =	sshll.u32 s4, $0x1;
	s4 =	sadd.s32 s21, s2  }
0x9d: {  	[timem:s6], [sflag:s22] =	dma.local [hbm:s4], s20  }
0x9e: {  	_ =	swait.ge [sflag:s22], s20  }
0x9f: {  	s3 =	ssub.s32 $0x0, s20;
	[sflag:s22] =	ssyncset.done $0x0  }
0xa0: {  	[sflag:s22] =	ssyncadd.s32 s3;
	_ =	sdelay $0x1  }
0xa1: {  	s23 =	simm.s32 $0x1B8B  }
0xa2: {  	_ =	swait.ge [sflag:s23], $0x1  }
0xa3: {  	[sflag:s23] =	ssyncset.done $0x0  }
0xa4: {  	s25 =	simm.s32 $0x1B8E;
	s24 =	sld [smem:$0x3FFE];
	[sflag:s23] =	ssyncadd.s32 $0xFFFFFFFF  }
0xa5: {  	s26 =	simm.s32 $execute0_lowered;
	[smem:$0x3FD2] =	sst s25  }
0xa6: {  	s4 =	sshll.u32 s26, $0x1;
	_ =	strace $0x8000004F;
	[dreg:$0x1] =	wrdreg $0xFFFFFFFF  }
0xa7: {  	s28 =	simm.s32 $_size_execute0_lowered;
	s2 =	sadd.s32 s2, s4;
	[dreg:$0x0] =	wrdreg $0x0  }
0xa8: {  	s4 =	sshll.u32 s28, $0x1;
	[dreg:$0x2] =	wrdreg s2  }
0xa9: {  	[dreg:$0x3] =	wrdreg s4  }
0xaa: {  	[dreg:$0x4] =	wrdreg $0xC0  }
0xab: {  	_ =	task [dreg:s6], $0x5FFFF  }
0xac: {  	[dreg:$0x1] =	wrdreg $0xFFFFFFFF  }
0xad: {  	[dreg:$0x0] =	wrdreg $0x60  }
0xae: {  	[dreg:$0x2] =	wrdreg s24  }
0xaf: {  	[dreg:$0x3] =	wrdreg $0xA8000  }
0xb0: {  	[dreg:$0x4] =	wrdreg $0x9  }
0xb1: {  	_ =	task.clear_ibuf [dreg:s6], $0x5FFFF;
	_ =	strace $0x9000004F  }
0xb2: {  	s29 =	simm.s32 $0x9;
	_ =	strace $0x80000051  }
0xb3: {  	_ =	swait.ge [sflag:s29], $0x1  }
0xb4: {  	[sflag:s29] =	ssyncadd.s32 $0xFFFFFFFF  }
0xb5: {  	_ =	strace $0x90000051  }
0xb6: {  	_ =	sfence  }
0xb7: {  	s30 =	sld [smem:$0x0];
	_ =	sdelay $0x2  }
0xb8: {  	s31 =	sshll.u32 s1, $0xD;
	s1 =	sshrl.u32 s1, $0x2  }
0xb9: {  	s3 =	sand.u32 $0x4000, s31;
	s1 =	sadd.s32 s1, s30  }
0xba: {  	s0 =	sor.u32 s3, s0;
	s1 =	sshll.u32 s1, $0x11  }
0xbb: {  	s0 =	sor.u32 s1, s0  }
0xbc: {  	s0 =	sadd.s32 $0x8F2B, s0  }
0xbd: {  	[sflag:s0] =	ssyncadd.remote.s32 $0x1  }
0xbe: {  	_ =	sfence.sel $0xFFFF  }
0xbf: {  	[dreg:$0x0] =	wrdreg $0xFFFFFFFF;
	(pc) =	sbr.abs _section_cstart, $3  }
0xc0: {  	[dreg:$0x1] =	wrdreg $0xFFFFFFFF  }
0xc1: {  	_ =	task.clear_ibuf [dreg:s6], $0x2FFFF;
	_ =	strace $0x9FFFFFFF  }
0xc2: {  	(tm) =	ssettm $0x7FFFFFFF  }
0xc3: {  	_ =	shalt  }
tec
execute0_lowered:
.L_overlay_start_1:
0x0: {  	(tag) =	ssettag $0x1  }
0x1: {  	s6 =	rddreg [dreg:$0x0]  }
0x2: {  	s1 =	rddreg [dreg:$0x1]  }
0x3: {  	s2 =	srdreg.scid;
	s0 =	rddreg [dreg:$0x2]  }
0x4: {  	s3 =	simm.s32 $0x0;
	s15 =	simm.s32 $0x1400;
	s16 =	simm.s32 $0x80  }
0x5: {  	s17 =	simm.s32 $0x2800;
	s18 =	simm.s32 $0x1;
	s19 =	simm.s32 $0x6800  }
0x6: {  	s20 =	simm.s32 $0x2;
	s21 =	simm.s32 $0x3;
	s22 =	simm.s32 $0x1380  }
0x7: {  	s5 =	sand.u32 $0x1, s2;
	s2 =	stileid.u32;
	[smem:$0x7FF] =	sst s3  }
0x8: {  	s4 =	sadd.s32 $0x1B200, s6;
	s9 =	sadd.s32 $0xEA00, s6;
	s7 =	smul.u32 $0x13C000, s5  }
0x9: {  	s10 =	sadd.s32 $0x4A00, s6;
	s8 =	smul.u32 $0x13C00, s2;
	_ =	strace $0x80000050  }
0xa: {  	s23 =	sshll.u32 s5, $0x4;
	s11 =	ssub.s32 $0x2, s5;
	s25 =	smul.u32 $0x4F000, s2  }
0xb: {  	s5 =	sadd.s32 $0x18A00, s6;
	s28 =	sshll.u32 s2, $0x6;
	s24 =	sor.u32 s2, s23  }
0xc: {  	s12 =	sshrl.u32 s11, $0x1;
	s23 =	simm.s32 $0x2780;
	s7 =	sadd.s32 s8, s7  }
0xd: {  	s13 =	smul.u32 $0x2800, s24;
	s12 =	ssub.s32 s11, s12;
	s26 =	sshrl.u32 s25, $0x2  }
0xe: {  	s24 =	simm.s32 $0x0;
	s7 =	sshrl.u32 s7, $0x3;
	s30 =	sadd.s32 s26, s1  }
0xf: {  	s12 =	smax.u32 s12, $0x1;
	s14 =	sadd.s32 s7, s6;
	s29 =	sshrl.u32 s13, $0x3  }
0x10: {  	s6 =	sor.u32 $0x1C04, s28;
	s13 =	sshrl.u32 s30, $0x3;
	s31 =	sadd.s32 $0x280, s29  }
0x11: {  	s7 =	sadd.s32 s9, s29;
	s8 =	sadd.s32 s10, s29;
	s11 =	sadd.s32 $0x42400, s14  }
0x12: {  	s14 =	simm.s32 $0x4;
	s9 =	sadd.s32 s9, s31;
	s10 =	sadd.s32 s10, s31  }
.LBB2_1:
0x13: {  	[spmem:s13], [sflag:s6] =	dma.local [hbm:s5], $0x2780  }
0x14: {  	_ =	swait.ge [sflag:s14], $0x2780  }
0x15: {  	[sflag:s14] =	ssyncset.done $0x0  }
0x16: {  	[sflag:s14] =	ssyncadd.s32 $0xFFFFD880  }
0x17: {  	[bflag:$0x0] =	sbarrier.arrive $0xFFFF  }
0x18: {  	[tilespmem:s3], [sflag:$0x4] =	stream.linear.gather [hbm4b:s7+s3], $0x1400, $0x38;
	[tilespmem:$0x1E400] =	vst v63  }
0x19: {  	_ =	swait.ge [sflag:s14], $0x1400  }
0x1a: {  	[sflag:s14] =	ssyncset.done $0x0  }
0x1b: {  	[sflag:s14] =	ssyncadd.s32 $0xFFFFEC00  }
0x1c: {  	[tilespmem:s15], [sflag:$0x4] =	stream.linear.gather [hbm4b:s8+s3], $0x1400, $0x38;
	[tilespmem:$0x1E400] =	vst v63  }
0x1d: {  	_ =	swait.ge [sflag:s14], $0x1400  }
0x1e: {  	[sflag:s14] =	ssyncset.done $0x0  }
0x1f: {  	[sflag:s14] =	ssyncadd.s32 $0xFFFFEC00  }
0x20: {  	[tilespmem:s17], [sflag:$0x1] =	stream.indirect.gather [hbm4b:s4+s16], $0x80, s3, s16, $0xb8;
	[tilespmem:$0x1E400] =	vst v63  }
0x21: {  	_ =	swait.ge [sflag:s18], $0x4000  }
0x22: {  	[sflag:s18] =	ssyncset.done $0x0  }
0x23: {  	[sflag:s18] =	ssyncadd.s32 $0xFFFFC000  }
0x24: {  	[spmem:s1] =	stream.indirect.scatter.add.f32 [tilespmem:s17], [sflag:$0x2], $0x80, s15, s16, $0xb8;
	[tilespmem:$0x1E400] =	vst v63  }
0x25: {  	s25 =	simm.s32 $0x80  }
0x26: {  	[tilespmem:s19], [sflag:$0x1] =	stream.indirect.gather [hbm4b:s4+s16], $0x80, s25, s16, $0xb8;
	[tilespmem:$0x1E400] =	vst v63  }
0x27: {  	_ =	swait.ge [sflag:s18], $0x4000  }
0x28: {  	[sflag:s18] =	ssyncset.done $0x0  }
0x29: {  	[sflag:s18] =	ssyncadd.s32 $0xFFFFC000  }
0x2a: {  	_ =	swait.ge [sflag:s20], $0x4000  }
0x2b: {  	[sflag:s20] =	ssyncset.done $0x0  }
0x2c: {  	s30 =	simm.s32 $0x1480;
	[sflag:s20] =	ssyncadd.s32 $0xFFFFC000  }
0x2d: {  	[spmem:s1] =	stream.indirect.scatter.add.f32 [tilespmem:s19], [sflag:$0x3], $0x80, s30, s16, $0xb8;
	[tilespmem:$0x1E400] =	vst v63  }
0x2e: {  	s31 =	simm.s32 $0x100  }
0x2f: {  	[tilespmem:s17], [sflag:$0x1] =	stream.indirect.gather [hbm4b:s4+s16], $0x80, s31, s16, $0xb8;
	[tilespmem:$0x1E400] =	vst v63  }
0x30: {  	_ =	swait.ge [sflag:s18], $0x4000  }
0x31: {  	[sflag:s18] =	ssyncset.done $0x0  }
0x32: {  	[sflag:s18] =	ssyncadd.s32 $0xFFFFC000  }
0x33: {  	_ =	swait.ge [sflag:s21], $0x4000  }
0x34: {  	s26 =	simm.s32 $0xFFFFBC00;
	[sflag:s21] =	ssyncset.done $0x0  }
0x35: {  	s28 =	simm.s32 $0x1500;
	s25 =	simm.s32 $0xFFFFEE00;
	[sflag:s21] =	ssyncadd.s32 $0xFFFFC000  }
.LBB2_2:
0x36: {  	[spmem:s1] =	stream.indirect.scatter.add.f32 [tilespmem:s17], [sflag:$0x2], $0x80, s28, s16, $0xb8;
	[tilespmem:$0x1E400] =	vst v63  }
0x37: {  	s28 =	smov.u32 s26  }
0x38: {  	s30 =	sadd.s32 $0x400, s26;
	s29 =	sshra.s32 s28, $0x2;
	s28 =	sadd.s32 $0x1380, s25  }
0x39: {  	[tilespmem:s19], [sflag:$0x1] =	stream.indirect.gather [hbm4b:s4+s16], $0x80, s28, s16, $0xb8;
	[tilespmem:$0x1E400] =	vst v63  }
0x3a: {  	p0 =	sne.s32 s26, $0xFFFFFC00;
	_ =	swait.ge [sflag:s18], $0x4000  }
0x3b: {  	[sflag:s18] =	ssyncset.done $0x0  }
0x3c: {  	[sflag:s18] =	ssyncadd.s32 $0xFFFFC000  }
0x3d: {  	_ =	swait.ge [sflag:s20], $0x4000  }
0x3e: {  	[sflag:s20] =	ssyncset.done $0x0  }
0x3f: {  	s26 =	sadd.s32 $0x2780, s25;
	[sflag:s20] =	ssyncadd.s32 $0xFFFFC000  }
0x40: {  	[spmem:s1] =	stream.indirect.scatter.add.f32 [tilespmem:s19], [sflag:$0x3], $0x80, s26, s16, $0xb8;
	[tilespmem:$0x1E400] =	vst v63  }
0x41: {  	s26 =	sadd.s32 $0x1400, s25  }
0x42: {  	[tilespmem:s17], [sflag:$0x1] =	stream.indirect.gather [hbm4b:s4+s16], $0x80, s26, s16, $0xb8;
	[tilespmem:$0x1E400] =	vst v63  }
0x43: {  	_ =	swait.ge [sflag:s18], $0x4000  }
.Ltmp0:
0x44: {  	[sflag:s18] =	ssyncset.done $0x0;
	(pc) =	sbr.rel @p0 .LBB2_2-.Ltmp0, $4  }
0x45: {  	[sflag:s18] =	ssyncadd.s32 $0xFFFFC000  }
0x46: {  	_ =	swait.ge [sflag:s21], $0x4000  }
0x47: {  	s28 =	sadd.s32 $0x2800, s25;
	[sflag:s21] =	ssyncset.done $0x0  }
0x48: {  	s25 =	smov.u32 s29;
	s26 =	smov.u32 s30;
	[sflag:s21] =	ssyncadd.s32 $0xFFFFC000  }
0x49: {  	[spmem:s1] =	stream.indirect.scatter.add.f32 [tilespmem:s17], [sflag:$0x2], $0x80, s28, s16, $0xb8;
	[tilespmem:$0x1E400] =	vst v63  }
0x4a: {  	s26 =	sadd.s32 $0x1380, s25  }
0x4b: {  	[tilespmem:s19], [sflag:$0x1] =	stream.indirect.gather [hbm4b:s4+s16], $0x80, s26, s16, $0xb8;
	[tilespmem:$0x1E400] =	vst v63  }
0x4c: {  	_ =	swait.ge [sflag:s18], $0x4000  }
0x4d: {  	[sflag:s18] =	ssyncset.done $0x0  }
0x4e: {  	[sflag:s18] =	ssyncadd.s32 $0xFFFFC000  }
0x4f: {  	_ =	swait.ge [sflag:s20], $0x4000  }
0x50: {  	[sflag:s20] =	ssyncset.done $0x0  }
0x51: {  	s30 =	sadd.s32 $0x2780, s25;
	[sflag:s20] =	ssyncadd.s32 $0xFFFFC000  }
0x52: {  	[spmem:s1] =	stream.indirect.scatter.add.f32 [tilespmem:s19], [sflag:$0x3], $0x80, s30, s16, $0xb8;
	[tilespmem:$0x1E400] =	vst v63  }
0x53: {  	s31 =	sadd.s32 $0x1400, s25  }
0x54: {  	[tilespmem:s17], [sflag:$0x1] =	stream.indirect.gather [hbm4b:s4+s16], $0x80, s31, s16, $0xb8;
	[tilespmem:$0x1E400] =	vst v63  }
0x55: {  	_ =	swait.ge [sflag:s18], $0x4000  }
0x56: {  	[sflag:s18] =	ssyncset.done $0x0  }
0x57: {  	[sflag:s18] =	ssyncadd.s32 $0xFFFFC000  }
0x58: {  	_ =	swait.ge [sflag:s21], $0x4000  }
0x59: {  	[sflag:s21] =	ssyncset.done $0x0  }
0x5a: {  	s26 =	sadd.s32 $0x2800, s25;
	[sflag:s21] =	ssyncadd.s32 $0xFFFFC000  }
0x5b: {  	[spmem:s1] =	stream.indirect.scatter.add.f32 [tilespmem:s17], [sflag:$0x2], $0x80, s26, s16, $0xb8;
	[tilespmem:$0x1E400] =	vst v63  }
0x5c: {  	_ = 	snop  }
0x5d: {  	[tilespmem:s19], [sflag:$0x1] =	stream.indirect.gather [hbm4b:s4+s16], $0x80, s22, s16, $0xb8;
	[tilespmem:$0x1E400] =	vst v63  }
0x5e: {  	_ =	swait.ge [sflag:s18], $0x4000  }
0x5f: {  	[sflag:s18] =	ssyncset.done $0x0  }
0x60: {  	[sflag:s18] =	ssyncadd.s32 $0xFFFFC000  }
0x61: {  	_ =	swait.ge [sflag:s20], $0x4000  }
0x62: {  	[sflag:s20] =	ssyncset.done $0x0  }
0x63: {  	[sflag:s20] =	ssyncadd.s32 $0xFFFFC000  }
0x64: {  	[spmem:s1] =	stream.indirect.scatter.add.f32 [tilespmem:s19], [sflag:$0x4], $0x80, s23, s16, $0xb8;
	[tilespmem:$0x1E400] =	vst v63  }
0x65: {  	_ =	swait.ge [sflag:s14], $0x4000  }
0x66: {  	[sflag:s14] =	ssyncset.done $0x0  }
0x67: {  	[sflag:s14] =	ssyncadd.s32 $0xFFFFC000  }
0x68: {  	[tilespmem:s3], [sflag:$0x4] =	stream.linear.gather [hbm4b:s9+s3], $0x1400, $0x38;
	[tilespmem:$0x1E400] =	vst v63  }
0x69: {  	_ =	swait.ge [sflag:s14], $0x1400  }
0x6a: {  	[sflag:s14] =	ssyncset.done $0x0  }
0x6b: {  	[sflag:s14] =	ssyncadd.s32 $0xFFFFEC00  }
0x6c: {  	[tilespmem:s15], [sflag:$0x4] =	stream.linear.gather [hbm4b:s10+s3], $0x1400, $0x38;
	[tilespmem:$0x1E400] =	vst v63  }
0x6d: {  	_ =	swait.ge [sflag:s14], $0x1400  }
0x6e: {  	[sflag:s14] =	ssyncset.done $0x0  }
0x6f: {  	[sflag:s14] =	ssyncadd.s32 $0xFFFFEC00  }
0x70: {  	[tilespmem:s17], [sflag:$0x1] =	stream.indirect.gather [hbm4b:s4+s16], $0x80, s3, s16, $0xb8;
	[tilespmem:$0x1E400] =	vst v63  }
0x71: {  	_ =	swait.ge [sflag:s18], $0x4000  }
0x72: {  	[sflag:s18] =	ssyncset.done $0x0  }
0x73: {  	[sflag:s18] =	ssyncadd.s32 $0xFFFFC000  }
0x74: {  	[spmem:s1] =	stream.indirect.scatter.add.f32 [tilespmem:s17], [sflag:$0x2], $0x80, s15, s16, $0xb8;
	[tilespmem:$0x1E400] =	vst v63  }
0x75: {  	s29 =	simm.s32 $0x80  }
0x76: {  	[tilespmem:s19], [sflag:$0x1] =	stream.indirect.gather [hbm4b:s4+s16], $0x80, s29, s16, $0xb8;
	[tilespmem:$0x1E400] =	vst v63  }
0x77: {  	_ =	swait.ge [sflag:s18], $0x4000  }
0x78: {  	[sflag:s18] =	ssyncset.done $0x0  }
0x79: {  	[sflag:s18] =	ssyncadd.s32 $0xFFFFC000  }
0x7a: {  	_ =	swait.ge [sflag:s20], $0x4000  }
0x7b: {  	[sflag:s20] =	ssyncset.done $0x0  }
0x7c: {  	s30 =	simm.s32 $0x1480;
	[sflag:s20] =	ssyncadd.s32 $0xFFFFC000  }
0x7d: {  	[spmem:s1] =	stream.indirect.scatter.add.f32 [tilespmem:s19], [sflag:$0x3], $0x80, s30, s16, $0xb8;
	[tilespmem:$0x1E400] =	vst v63  }
0x7e: {  	s31 =	simm.s32 $0x100  }
0x7f: {  	[tilespmem:s17], [sflag:$0x1] =	stream.indirect.gather [hbm4b:s4+s16], $0x80, s31, s16, $0xb8;
	[tilespmem:$0x1E400] =	vst v63  }
0x80: {  	_ =	swait.ge [sflag:s18], $0x4000  }
0x81: {  	[sflag:s18] =	ssyncset.done $0x0  }
0x82: {  	[sflag:s18] =	ssyncadd.s32 $0xFFFFC000  }
0x83: {  	_ =	swait.ge [sflag:s21], $0x4000  }
0x84: {  	s28 =	simm.s32 $0x1500;
	[sflag:s21] =	ssyncset.done $0x0  }
0x85: {  	s25 =	simm.s32 $0xFFFFEE00;
	s26 =	simm.s32 $0xFFFFBC00;
	[sflag:s21] =	ssyncadd.s32 $0xFFFFC000  }
.LBB2_4:
0x86: {  	[spmem:s1] =	stream.indirect.scatter.add.f32 [tilespmem:s17], [sflag:$0x2], $0x80, s28, s16, $0xb8;
	[tilespmem:$0x1E400] =	vst v63  }
0x87: {  	s28 =	smov.u32 s26  }
0x88: {  	s30 =	sadd.s32 $0x400, s26;
	s29 =	sshra.s32 s28, $0x2;
	s28 =	sadd.s32 $0x1380, s25  }
0x89: {  	[tilespmem:s19], [sflag:$0x1] =	stream.indirect.gather [hbm4b:s4+s16], $0x80, s28, s16, $0xb8;
	[tilespmem:$0x1E400] =	vst v63  }
0x8a: {  	p0 =	sne.s32 s26, $0xFFFFFC00;
	_ =	swait.ge [sflag:s18], $0x4000  }
0x8b: {  	[sflag:s18] =	ssyncset.done $0x0  }
0x8c: {  	[sflag:s18] =	ssyncadd.s32 $0xFFFFC000  }
0x8d: {  	_ =	swait.ge [sflag:s20], $0x4000  }
0x8e: {  	[sflag:s20] =	ssyncset.done $0x0  }
0x8f: {  	s26 =	sadd.s32 $0x2780, s25;
	[sflag:s20] =	ssyncadd.s32 $0xFFFFC000  }
0x90: {  	[spmem:s1] =	stream.indirect.scatter.add.f32 [tilespmem:s19], [sflag:$0x3], $0x80, s26, s16, $0xb8;
	[tilespmem:$0x1E400] =	vst v63  }
0x91: {  	s26 =	sadd.s32 $0x1400, s25  }
0x92: {  	[tilespmem:s17], [sflag:$0x1] =	stream.indirect.gather [hbm4b:s4+s16], $0x80, s26, s16, $0xb8;
	[tilespmem:$0x1E400] =	vst v63  }
0x93: {  	_ =	swait.ge [sflag:s18], $0x4000  }
.Ltmp1:
0x94: {  	[sflag:s18] =	ssyncset.done $0x0;
	(pc) =	sbr.rel @p0 .LBB2_4-.Ltmp1, $4  }
0x95: {  	[sflag:s18] =	ssyncadd.s32 $0xFFFFC000  }
0x96: {  	_ =	swait.ge [sflag:s21], $0x4000  }
0x97: {  	s28 =	sadd.s32 $0x2800, s25;
	[sflag:s21] =	ssyncset.done $0x0  }
0x98: {  	s25 =	smov.u32 s29;
	s26 =	smov.u32 s30;
	[sflag:s21] =	ssyncadd.s32 $0xFFFFC000  }
0x99: {  	[spmem:s1] =	stream.indirect.scatter.add.f32 [tilespmem:s17], [sflag:$0x2], $0x80, s28, s16, $0xb8;
	[tilespmem:$0x1E400] =	vst v63  }
0x9a: {  	s26 =	sadd.s32 $0x1380, s25  }
0x9b: {  	[tilespmem:s19], [sflag:$0x1] =	stream.indirect.gather [hbm4b:s4+s16], $0x80, s26, s16, $0xb8;
	[tilespmem:$0x1E400] =	vst v63  }
0x9c: {  	_ =	swait.ge [sflag:s18], $0x4000  }
0x9d: {  	[sflag:s18] =	ssyncset.done $0x0  }
0x9e: {  	[sflag:s18] =	ssyncadd.s32 $0xFFFFC000  }
0x9f: {  	_ =	swait.ge [sflag:s20], $0x4000  }
0xa0: {  	[sflag:s20] =	ssyncset.done $0x0  }
0xa1: {  	s29 =	sadd.s32 $0x2780, s25;
	[sflag:s20] =	ssyncadd.s32 $0xFFFFC000  }
0xa2: {  	[spmem:s1] =	stream.indirect.scatter.add.f32 [tilespmem:s19], [sflag:$0x3], $0x80, s29, s16, $0xb8;
	[tilespmem:$0x1E400] =	vst v63  }
0xa3: {  	s30 =	sadd.s32 $0x1400, s25  }
0xa4: {  	[tilespmem:s17], [sflag:$0x1] =	stream.indirect.gather [hbm4b:s4+s16], $0x80, s30, s16, $0xb8;
	[tilespmem:$0x1E400] =	vst v63  }
0xa5: {  	_ =	swait.ge [sflag:s18], $0x4000  }
0xa6: {  	[sflag:s18] =	ssyncset.done $0x0  }
0xa7: {  	[sflag:s18] =	ssyncadd.s32 $0xFFFFC000  }
0xa8: {  	_ =	swait.ge [sflag:s21], $0x4000  }
0xa9: {  	[sflag:s21] =	ssyncset.done $0x0  }
0xaa: {  	s31 =	sadd.s32 $0x2800, s25;
	[sflag:s21] =	ssyncadd.s32 $0xFFFFC000  }
0xab: {  	[spmem:s1] =	stream.indirect.scatter.add.f32 [tilespmem:s17], [sflag:$0x2], $0x80, s31, s16, $0xb8;
	[tilespmem:$0x1E400] =	vst v63  }
0xac: {  	_ = 	snop  }
0xad: {  	[tilespmem:s19], [sflag:$0x1] =	stream.indirect.gather [hbm4b:s4+s16], $0x80, s22, s16, $0xb8;
	[tilespmem:$0x1E400] =	vst v63  }
0xae: {  	_ =	swait.ge [sflag:s18], $0x4000  }
0xaf: {  	[sflag:s18] =	ssyncset.done $0x0  }
0xb0: {  	[sflag:s18] =	ssyncadd.s32 $0xFFFFC000  }
0xb1: {  	_ =	swait.ge [sflag:s20], $0x4000  }
0xb2: {  	[sflag:s20] =	ssyncset.done $0x0  }
0xb3: {  	[sflag:s20] =	ssyncadd.s32 $0xFFFFC000  }
0xb4: {  	[spmem:s1] =	stream.indirect.scatter.add.f32 [tilespmem:s19], [sflag:$0x4], $0x80, s23, s16, $0xb8;
	[tilespmem:$0x1E400] =	vst v63  }
0xb5: {  	_ =	swait.ge [sflag:s14], $0x4000  }
0xb6: {  	s24 =	sadd.s32 $0x1, s24;
	[sflag:s14] =	ssyncset.done $0x0  }
0xb7: {  	p0 =	sne.s32 s24, s12;
	[sflag:s14] =	ssyncadd.s32 $0xFFFFC000  }
.Ltmp2:
0xb8: {  	[bflag:$0x0] =	sbarrier.arrive $0xFFFF;
	(pc) =	sbr.rel @p0 .LBB2_1-.Ltmp2, $4  }
0xb9: {  	[hbm:s11], [sflag:s6] =	dma.local [spmem:s13], $0x2780  }
0xba: {  	_ =	swait.ge [sflag:s14], $0x2780  }
0xbb: {  	[sflag:s14] =	ssyncset.done $0x0  }
0xbc: {  	[sflag:s14] =	ssyncadd.s32 $0xFFFFD880  }
0xbd: {  	_ =	sfence.sel $0x180000  }
0xbe: {  	[bflag:$0x0] =	sbarrier.arrive $0xFFFF  }
0xbf: {  	p0 =	sne.s32 s2, $0x0;
	_ =	strace $0x90000050  }
0xc0: {  	s0 =	sadd.s32 @!p0 $0x100000, s0;
	[bflag:$0x2] =	sbarrier.arrive $0xFFFF  }
0xc1: {  	[sflag:s0] =	ssyncadd.tile.s32 @!p0 $0x1;
	_ =	shalt  }
.Lfunc_end2:
_tile_overlayer_lowered:
.L_overlay_start_2:
0xc2: {  	(tag) =	ssettag $0x2  }
0xc3: {  	s0 =	rddreg [dreg:$0x0];
	s2 =	stileid.u32  }
0xc4: {  	s1 =	rddreg [dreg:$0x1];
	p0 =	sne.s32 s2, $0x0  }
0xc5: {  	s3 =	rddreg [dreg:$0x2];
	[bflag:$0x3] =	sbarrier.arrive $0xFFFF;
	s2 =	simm.s32 @!p0 $0x1C04  }
0xc6: {  	[timem:s3], [sflag:s2] =	dma.local @!p0 [hbm:s0], s1  }
0xc7: {  	s0 =	simm.s32 @!p0 $0x4  }
0xc8: {  	_ =	swait.ge @!p0 [sflag:s0], s1  }
0xc9: {  	s1 =	ssub.s32 @!p0 $0x0, s1;
	[sflag:s0] =	ssyncset.done @!p0 $0x0  }
0xca: {  	[sflag:s0] =	ssyncadd.s32 @!p0 s1  }
0xcb: {  	[bflag:$0x3] =	sbarrier.arrive $0xFFFF  }
0xcc: {  	_ =	shalt  }

// kernel: kernel.26.cloned.1.call-start
scs
__scs_entry_jumppad:
0x0: {  	(pc) =	sbr.rel $0x88, $3  }
0x1: {  	(tag) =	ssettag $0x0;
	lr =	simm.s32 $0x1  }
0x2: {  	[smem:$0x3F95] =	sst lr;
	_ =	strace $0xD0000000  }
0x3: {  	_ = 	snop  }
0x4: {  	_ = 	snop  }
0x5: {  	_ = 	snop  }
0x6: {  	_ = 	snop  }
0x7: {  	_ = 	snop  }
__scs_overlays_trampoline_lowered:
0x8: {  	[smem:$0x3FA4] =	sst s0  }
0x9: {  	[smem:$0x3FA5] =	sst s1  }
0xa: {  	[smem:$0x3FA6] =	sst s2  }
0xb: {  	[smem:$0x3FA7] =	sst s3  }
0xc: {  	[smem:$0x3FA8] =	sst s4  }
0xd: {  	[smem:$0x3FA9] =	sst s5  }
0xe: {  	[smem:$0x3FAA] =	sst s6  }
0xf: {  	[smem:$0x3FAB] =	sst s7  }
0x10: {  	[smem:$0x3FAC] =	sst s8  }
0x11: {  	[smem:$0x3FAD] =	sst s9;
	s0 =	simm.s32 @!p0 $0x0  }
0x12: {  	s1 =	sld [smem:$0x3F93];
	s0 =	simm.s32 @p0 $0x1  }
0x13: {  	[smem:$0x3FAE] =	sst s0;
	s0 =	simm.s32 @!p1 $0x0  }
0x14: {  	s2 =	sld [smem:$0x3F92];
	s0 =	simm.s32 @p1 $0x1  }
0x15: {  	[smem:$0x3FAF] =	sst s0;
	s0 =	simm.s32 @!p2 $0x0  }
0x16: {  	s3 =	sld [smem:$0x3FDB];
	s0 =	simm.s32 @p2 $0x1  }
0x17: {  	s4 =	simm.s32 $0x1BF5;
	[smem:$0x3FB1] =	sst s0  }
0x18: {  	s0 =	sld [smem:$0x3F94];
	_ =	swait.ge [sflag:s4], $0x0  }
0x19: {  	s7 =	sld [smem:$0x3F95]  }
0x1a: {  	s8 =	sadd.s32 $0xFFFFE003, lr  }
0x1b: {  	s9 =	sadd.s32 $0xFFFFFEF7, lr;
	s5 =	simm.s32 $0xFFFFFFFF;
	p2 =	slt.u32 s8, $0xFFFFF086  }
0x1c: {  	p1 =	slt.u32 s9, $0xF7A;
	s5 =	simm.s32 @!p2 $0x0  }
0x1d: {  	s5 =	simm.s32 @p1 $0x1;
	p0 =	seq.s32 s7, s2  }
0x1e: {  	s7 =	smul.u32 @!p0 $0xF7A, s2;
	p2 =	seq.s32 @!p0 s5, $0x0  }
0x1f: {  	s9 =	smul.u32 $0xF7A, s1;
	s8 =	simm.s32 @!p0 $0x1BF5;
	p2 =	por !p2, p0  }
0x20: {  	[sflag:s8] =	ssyncset.s32 @!p0 $0xFFFFF086;
	s6 =	sadd.s32 @!p0 s3, s7;
	s7 =	simm.s32 @!p0 $0x108  }
0x21: {  	s3 =	sadd.s32 s3, s9;
	s6 =	sadd.s32 @!p0 $0x88, s6;
	s7 =	simm.s32 @p2 $0x1082  }
0x22: {  	[simem:s7], [sflag:s8] =	dma.local @!p0 [hbm:s6], $0xF7A  }
0x23: {  	s9 =	sor.u32 $0xD0000000, s2;
	s6 =	simm.s32 $0x108;
	_ =	swait.ge @!p0 [sflag:s8], $0x0  }
0x24: {  	s3 =	sadd.s32 $0x88, s3;
	s6 =	simm.s32 @!p1 $0x1082;
	[sflag:s4] =	ssyncset.s32 $0xFFFFF086  }
0x25: {  	[simem:s6], [sflag:s4] =	dma.local [hbm:s3], $0xF7A  }
0x26: {  	[smem:$0x3F95] =	sst s1;
	(tag) =	ssettag s2;
	_ =	strace s9  }
0x27: {  	s1 =	sld [smem:$0x3FA5]  }
0x28: {  	s2 =	sld [smem:$0x3FA6]  }
0x29: {  	s4 =	sld [smem:$0x3FA8]  }
0x2a: {  	p0 =	seq.s32 s5, $0x0;
	s5 =	sld [smem:$0x3FA9]  }
0x2b: {  	s6 =	sld [smem:$0x3FAA]  }
0x2c: {  	s7 =	sld [smem:$0x3FAB]  }
0x2d: {  	s3 =	simm.s32 $0x108;
	s8 =	sld [smem:$0x3FAC]  }
0x2e: {  	s3 =	simm.s32 @!p0 $0x1082;
	s9 =	sld [smem:$0x3FAD]  }
0x2f: {  	lr =	sadd.s32 s0, s3;
	s0 =	sld [smem:$0x3FA4]  }
0x30: {  	s3 =	sld [smem:$0x3FA7]  }
0x31: {  	[smem:$0x3FB0] =	sst s10  }
0x32: {  	s10 =	sld [smem:$0x3FAE];
	_ =	sdelay $0x3  }
0x33: {  	p0 =	seq.s32 s10, $0x1;
	s10 =	sld [smem:$0x3FB0];
	_ =	sdelay $0x3  }
0x34: {  	[smem:$0x3FB0] =	sst s10  }
0x35: {  	s10 =	sld [smem:$0x3FAF];
	_ =	sdelay $0x3  }
0x36: {  	p1 =	seq.s32 s10, $0x1;
	s10 =	sld [smem:$0x3FB0];
	_ =	sdelay $0x3  }
0x37: {  	[smem:$0x3FB0] =	sst s10  }
0x38: {  	s10 =	sld [smem:$0x3FB1]  }
0x39: {  	_ = 	snop;
	(pc) =	sbr.ind lr, $3  }
0x3a: {  	_ = 	snop  }
0x3b: {  	_ = 	snop  }
0x3c: {  	p2 =	seq.s32 s10, $0x1;
	s10 =	sld [smem:$0x3FB0]  }
0x3d: {  	_ =	shalt  }
0x3e: {  	_ =	shalt  }
0x3f: {  	_ =	shalt  }
0x40: {  	_ =	shalt  }
0x41: {  	_ =	shalt  }
0x42: {  	_ =	shalt  }
0x43: {  	_ =	shalt  }
0x44: {  	_ =	shalt  }
0x45: {  	_ =	shalt  }
0x46: {  	_ =	shalt  }
0x47: {  	_ =	shalt  }
0x48: {  	_ =	shalt  }
0x49: {  	_ =	shalt  }
0x4a: {  	_ =	shalt  }
0x4b: {  	_ =	shalt  }
0x4c: {  	_ =	shalt  }
0x4d: {  	_ =	shalt  }
0x4e: {  	_ =	shalt  }
0x4f: {  	_ =	shalt  }
0x50: {  	_ =	shalt  }
0x51: {  	_ =	shalt  }
0x52: {  	_ =	shalt  }
0x53: {  	_ =	shalt  }
0x54: {  	_ =	shalt  }
0x55: {  	_ =	shalt  }
0x56: {  	_ =	shalt  }
0x57: {  	_ =	shalt  }
0x58: {  	_ =	shalt  }
0x59: {  	_ =	shalt  }
0x5a: {  	_ =	shalt  }
0x5b: {  	_ =	shalt  }
0x5c: {  	_ =	shalt  }
0x5d: {  	_ =	shalt  }
0x5e: {  	_ =	shalt  }
0x5f: {  	_ =	shalt  }
0x60: {  	_ =	shalt  }
0x61: {  	_ =	shalt  }
0x62: {  	_ =	shalt  }
0x63: {  	_ =	shalt  }
0x64: {  	_ =	shalt  }
0x65: {  	_ =	shalt  }
0x66: {  	_ =	shalt  }
0x67: {  	_ =	shalt  }
0x68: {  	_ =	shalt  }
0x69: {  	_ =	shalt  }
0x6a: {  	_ =	shalt  }
0x6b: {  	_ =	shalt  }
0x6c: {  	_ =	shalt  }
0x6d: {  	_ =	shalt  }
0x6e: {  	_ =	shalt  }
0x6f: {  	_ =	shalt  }
0x70: {  	_ =	shalt  }
0x71: {  	_ =	shalt  }
0x72: {  	_ =	shalt  }
0x73: {  	_ =	shalt  }
0x74: {  	_ =	shalt  }
0x75: {  	_ =	shalt  }
0x76: {  	_ =	shalt  }
0x77: {  	_ =	shalt  }
0x78: {  	_ =	shalt  }
0x79: {  	_ =	shalt  }
0x7a: {  	_ =	shalt  }
0x7b: {  	_ =	shalt  }
0x7c: {  	_ =	shalt  }
0x7d: {  	_ =	shalt  }
0x7e: {  	_ =	shalt  }
0x7f: {  	_ =	shalt  }
0x80: {  	_ =	shalt  }
0x81: {  	_ =	shalt  }
0x82: {  	_ =	shalt  }
0x83: {  	_ =	shalt  }
0x84: {  	_ =	shalt  }
0x85: {  	_ =	shalt  }
0x86: {  	_ =	shalt  }
0x87: {  	_ =	shalt  }
.Lfunc_end0:
.L_simem_size_0:
called_computation.4_lowered:
.L_overlay_start_0:
0x88: {  	s2 =	sld [smem:$0x3FD9]  }
0x89: {  	s3 =	sld [smem:$0x3FFE];
	_ =	sdelay $0x1  }
0x8a: {  	s1 =	srdreg.scid  }
0x8b: {  	s0 =	sand.u32 $0x1, s1  }
0x8c: {  	s16 =	sshll.u32 s0, $0xA;
	s2 =	sadd.s32 s3, s2  }
0x8d: {  	s2 =	sadd.s32 s2, s16  }
0x8e: {  	[smem:$0x3FBC] =	sst s2  }
0x8f: {  	_ = 	snop  }
0x90: {  	(tm) =	ssettm $0x1  }
0x91: {  	s17 =	sld [smem:$0x3FFB];
	_ =	sdelay $0x3  }
0x92: {  	_ =	strace s17  }
0x93: {  	s2 =	sld [smem:$0x3FFC];
	_ =	sdelay $0x3  }
0x94: {  	_ =	strace s2  }
0x95: {  	s2 =	sld [smem:$0x3FFD];
	_ =	sdelay $0x3  }
0x96: {  	_ =	strace s2  }
0x97: {  	_ =	strace $0x8FFFFFFF  }
0x98: {  	s18 =	sld [smem:$0x3FDB];
	_ =	sdelay $0x1  }
0x99: {  	s19 =	simm.s32 $_scs_section_size  }
0x9a: {  	s4 =	simm.s32 $_size__tile_overlayer_lowered;
	s5 =	simm.s32 $_tile_overlayer_lowered  }
0x9b: {  	s22 =	simm.s32 $0x1BFF;
	s21 =	sshll.u32 s5, $0x1;
	s2 =	sadd.s32 s19, s18  }
0x9c: {  	s6 =	simm.s32 $0x0;
	s20 =	sshll.u32 s4, $0x1;
	s4 =	sadd.s32 s21, s2  }
0x9d: {  	[timem:s6], [sflag:s22] =	dma.local [hbm:s4], s20  }
0x9e: {  	_ =	swait.ge [sflag:s22], s20  }
0x9f: {  	s3 =	ssub.s32 $0x0, s20;
	[sflag:s22] =	ssyncset.done $0x0  }
0xa0: {  	[sflag:s22] =	ssyncadd.s32 s3;
	_ =	sdelay $0x1  }
0xa1: {  	s23 =	simm.s32 $0x1B8B  }
0xa2: {  	_ =	swait.ge [sflag:s23], $0x1  }
0xa3: {  	[sflag:s23] =	ssyncset.done $0x0  }
0xa4: {  	s25 =	simm.s32 $0x1B8E;
	s24 =	sld [smem:$0x3FFE];
	[sflag:s23] =	ssyncadd.s32 $0xFFFFFFFF  }
0xa5: {  	s26 =	simm.s32 $execute0_lowered;
	[smem:$0x3FD2] =	sst s25  }
0xa6: {  	s4 =	sshll.u32 s26, $0x1;
	_ =	strace $0x80000052;
	[dreg:$0x1] =	wrdreg $0xFFFFFFFF  }
0xa7: {  	s28 =	simm.s32 $_size_execute0_lowered;
	s2 =	sadd.s32 s2, s4;
	[dreg:$0x0] =	wrdreg $0x0  }
0xa8: {  	s4 =	sshll.u32 s28, $0x1;
	[dreg:$0x2] =	wrdreg s2  }
0xa9: {  	[dreg:$0x3] =	wrdreg s4  }
0xaa: {  	[dreg:$0x4] =	wrdreg $0xC0  }
0xab: {  	_ =	task [dreg:s6], $0x5FFFF  }
0xac: {  	[dreg:$0x1] =	wrdreg $0xFFFFFFFF  }
0xad: {  	[dreg:$0x0] =	wrdreg $0x60  }
0xae: {  	[dreg:$0x2] =	wrdreg s24  }
0xaf: {  	[dreg:$0x3] =	wrdreg $0xA8000  }
0xb0: {  	[dreg:$0x4] =	wrdreg $0x9  }
0xb1: {  	_ =	task.clear_ibuf [dreg:s6], $0x5FFFF;
	_ =	strace $0x90000052  }
0xb2: {  	s29 =	simm.s32 $0x9;
	_ =	strace $0x80000054  }
0xb3: {  	_ =	swait.ge [sflag:s29], $0x1  }
0xb4: {  	[sflag:s29] =	ssyncadd.s32 $0xFFFFFFFF  }
0xb5: {  	_ =	strace $0x90000054  }
0xb6: {  	_ =	sfence  }
0xb7: {  	s30 =	sld [smem:$0x0];
	_ =	sdelay $0x2  }
0xb8: {  	s31 =	sshll.u32 s1, $0xD;
	s1 =	sshrl.u32 s1, $0x2  }
0xb9: {  	s3 =	sand.u32 $0x4000, s31;
	s1 =	sadd.s32 s1, s30  }
0xba: {  	s0 =	sor.u32 s3, s0;
	s1 =	sshll.u32 s1, $0x11  }
0xbb: {  	s0 =	sor.u32 s1, s0  }
0xbc: {  	s0 =	sadd.s32 $0x8F2B, s0  }
0xbd: {  	[sflag:s0] =	ssyncadd.remote.s32 $0x1  }
0xbe: {  	_ =	sfence.sel $0xFFFF  }
0xbf: {  	[dreg:$0x0] =	wrdreg $0xFFFFFFFF;
	(pc) =	sbr.abs _section_cstart, $3  }
0xc0: {  	[dreg:$0x1] =	wrdreg $0xFFFFFFFF  }
0xc1: {  	_ =	task.clear_ibuf [dreg:s6], $0x2FFFF;
	_ =	strace $0x9FFFFFFF  }
0xc2: {  	(tm) =	ssettm $0x7FFFFFFF  }
0xc3: {  	_ =	shalt  }
tec
execute0_lowered:
.L_overlay_start_1:
0x0: {  	(tag) =	ssettag $0x1  }
0x1: {  	s6 =	rddreg [dreg:$0x0]  }
0x2: {  	s1 =	rddreg [dreg:$0x1]  }
0x3: {  	s2 =	srdreg.scid;
	s0 =	rddreg [dreg:$0x2]  }
0x4: {  	s3 =	simm.s32 $0x0;
	s15 =	simm.s32 $0x1400;
	s16 =	simm.s32 $0x80  }
0x5: {  	s17 =	simm.s32 $0x2800;
	s18 =	simm.s32 $0x1;
	s19 =	simm.s32 $0x6800  }
0x6: {  	s20 =	simm.s32 $0x2;
	s21 =	simm.s32 $0x3;
	s22 =	simm.s32 $0x1380  }
0x7: {  	s5 =	sand.u32 $0x1, s2;
	s2 =	stileid.u32;
	[smem:$0x7FF] =	sst s3  }
0x8: {  	s4 =	sadd.s32 $0x1B200, s6;
	s9 =	sadd.s32 $0xEA00, s6;
	s7 =	smul.u32 $0x13C000, s5  }
0x9: {  	s10 =	sadd.s32 $0x4A00, s6;
	s8 =	smul.u32 $0x13C00, s2;
	_ =	strace $0x80000053  }
0xa: {  	s23 =	sshll.u32 s5, $0x4;
	s11 =	ssub.s32 $0x2, s5;
	s25 =	smul.u32 $0x4F000, s2  }
0xb: {  	s5 =	sadd.s32 $0x18A00, s6;
	s28 =	sshll.u32 s2, $0x6;
	s24 =	sor.u32 s2, s23  }
0xc: {  	s12 =	sshrl.u32 s11, $0x1;
	s23 =	simm.s32 $0x2780;
	s7 =	sadd.s32 s8, s7  }
0xd: {  	s13 =	smul.u32 $0x2800, s24;
	s12 =	ssub.s32 s11, s12;
	s26 =	sshrl.u32 s25, $0x2  }
0xe: {  	s24 =	simm.s32 $0x0;
	s7 =	sshrl.u32 s7, $0x3;
	s30 =	sadd.s32 s26, s1  }
0xf: {  	s12 =	smax.u32 s12, $0x1;
	s14 =	sadd.s32 s7, s6;
	s29 =	sshrl.u32 s13, $0x3  }
0x10: {  	s6 =	sor.u32 $0x1C04, s28;
	s13 =	sshrl.u32 s30, $0x3;
	s31 =	sadd.s32 $0x280, s29  }
0x11: {  	s7 =	sadd.s32 s9, s29;
	s8 =	sadd.s32 s10, s29;
	s11 =	sadd.s32 $0x42400, s14  }
0x12: {  	s14 =	simm.s32 $0x4;
	s9 =	sadd.s32 s9, s31;
	s10 =	sadd.s32 s10, s31  }
.LBB2_1:
0x13: {  	[spmem:s13], [sflag:s6] =	dma.local [hbm:s5], $0x2780  }
0x14: {  	_ =	swait.ge [sflag:s14], $0x2780  }
0x15: {  	[sflag:s14] =	ssyncset.done $0x0  }
0x16: {  	[sflag:s14] =	ssyncadd.s32 $0xFFFFD880  }
0x17: {  	[bflag:$0x0] =	sbarrier.arrive $0xFFFF  }
0x18: {  	[tilespmem:s3], [sflag:$0x4] =	stream.linear.gather [hbm4b:s7+s3], $0x1400, $0x38;
	[tilespmem:$0x1E400] =	vst v63  }
0x19: {  	_ =	swait.ge [sflag:s14], $0x1400  }
0x1a: {  	[sflag:s14] =	ssyncset.done $0x0  }
0x1b: {  	[sflag:s14] =	ssyncadd.s32 $0xFFFFEC00  }
0x1c: {  	[tilespmem:s15], [sflag:$0x4] =	stream.linear.gather [hbm4b:s8+s3], $0x1400, $0x38;
	[tilespmem:$0x1E400] =	vst v63  }
0x1d: {  	_ =	swait.ge [sflag:s14], $0x1400  }
0x1e: {  	[sflag:s14] =	ssyncset.done $0x0  }
0x1f: {  	[sflag:s14] =	ssyncadd.s32 $0xFFFFEC00  }
0x20: {  	[tilespmem:s17], [sflag:$0x1] =	stream.indirect.gather [hbm4b:s4+s16], $0x80, s3, s16, $0xb8;
	[tilespmem:$0x1E400] =	vst v63  }
0x21: {  	_ =	swait.ge [sflag:s18], $0x4000  }
0x22: {  	[sflag:s18] =	ssyncset.done $0x0  }
0x23: {  	[sflag:s18] =	ssyncadd.s32 $0xFFFFC000  }
0x24: {  	[spmem:s1] =	stream.indirect.scatter.add.f32 [tilespmem:s17], [sflag:$0x2], $0x80, s15, s16, $0xb8;
	[tilespmem:$0x1E400] =	vst v63  }
0x25: {  	s25 =	simm.s32 $0x80  }
0x26: {  	[tilespmem:s19], [sflag:$0x1] =	stream.indirect.gather [hbm4b:s4+s16], $0x80, s25, s16, $0xb8;
	[tilespmem:$0x1E400] =	vst v63  }
0x27: {  	_ =	swait.ge [sflag:s18], $0x4000  }
0x28: {  	[sflag:s18] =	ssyncset.done $0x0  }
0x29: {  	[sflag:s18] =	ssyncadd.s32 $0xFFFFC000  }
0x2a: {  	_ =	swait.ge [sflag:s20], $0x4000  }
0x2b: {  	[sflag:s20] =	ssyncset.done $0x0  }
0x2c: {  	s30 =	simm.s32 $0x1480;
	[sflag:s20] =	ssyncadd.s32 $0xFFFFC000  }
0x2d: {  	[spmem:s1] =	stream.indirect.scatter.add.f32 [tilespmem:s19], [sflag:$0x3], $0x80, s30, s16, $0xb8;
	[tilespmem:$0x1E400] =	vst v63  }
0x2e: {  	s31 =	simm.s32 $0x100  }
0x2f: {  	[tilespmem:s17], [sflag:$0x1] =	stream.indirect.gather [hbm4b:s4+s16], $0x80, s31, s16, $0xb8;
	[tilespmem:$0x1E400] =	vst v63  }
0x30: {  	_ =	swait.ge [sflag:s18], $0x4000  }
0x31: {  	[sflag:s18] =	ssyncset.done $0x0  }
0x32: {  	[sflag:s18] =	ssyncadd.s32 $0xFFFFC000  }
0x33: {  	_ =	swait.ge [sflag:s21], $0x4000  }
0x34: {  	s26 =	simm.s32 $0xFFFFBC00;
	[sflag:s21] =	ssyncset.done $0x0  }
0x35: {  	s28 =	simm.s32 $0x1500;
	s25 =	simm.s32 $0xFFFFEE00;
	[sflag:s21] =	ssyncadd.s32 $0xFFFFC000  }
.LBB2_2:
0x36: {  	[spmem:s1] =	stream.indirect.scatter.add.f32 [tilespmem:s17], [sflag:$0x2], $0x80, s28, s16, $0xb8;
	[tilespmem:$0x1E400] =	vst v63  }
0x37: {  	s28 =	smov.u32 s26  }
0x38: {  	s30 =	sadd.s32 $0x400, s26;
	s29 =	sshra.s32 s28, $0x2;
	s28 =	sadd.s32 $0x1380, s25  }
0x39: {  	[tilespmem:s19], [sflag:$0x1] =	stream.indirect.gather [hbm4b:s4+s16], $0x80, s28, s16, $0xb8;
	[tilespmem:$0x1E400] =	vst v63  }
0x3a: {  	p0 =	sne.s32 s26, $0xFFFFFC00;
	_ =	swait.ge [sflag:s18], $0x4000  }
0x3b: {  	[sflag:s18] =	ssyncset.done $0x0  }
0x3c: {  	[sflag:s18] =	ssyncadd.s32 $0xFFFFC000  }
0x3d: {  	_ =	swait.ge [sflag:s20], $0x4000  }
0x3e: {  	[sflag:s20] =	ssyncset.done $0x0  }
0x3f: {  	s26 =	sadd.s32 $0x2780, s25;
	[sflag:s20] =	ssyncadd.s32 $0xFFFFC000  }
0x40: {  	[spmem:s1] =	stream.indirect.scatter.add.f32 [tilespmem:s19], [sflag:$0x3], $0x80, s26, s16, $0xb8;
	[tilespmem:$0x1E400] =	vst v63  }
0x41: {  	s26 =	sadd.s32 $0x1400, s25  }
0x42: {  	[tilespmem:s17], [sflag:$0x1] =	stream.indirect.gather [hbm4b:s4+s16], $0x80, s26, s16, $0xb8;
	[tilespmem:$0x1E400] =	vst v63  }
0x43: {  	_ =	swait.ge [sflag:s18], $0x4000  }
.Ltmp0:
0x44: {  	[sflag:s18] =	ssyncset.done $0x0;
	(pc) =	sbr.rel @p0 .LBB2_2-.Ltmp0, $4  }
0x45: {  	[sflag:s18] =	ssyncadd.s32 $0xFFFFC000  }
0x46: {  	_ =	swait.ge [sflag:s21], $0x4000  }
0x47: {  	s28 =	sadd.s32 $0x2800, s25;
	[sflag:s21] =	ssyncset.done $0x0  }
0x48: {  	s25 =	smov.u32 s29;
	s26 =	smov.u32 s30;
	[sflag:s21] =	ssyncadd.s32 $0xFFFFC000  }
0x49: {  	[spmem:s1] =	stream.indirect.scatter.add.f32 [tilespmem:s17], [sflag:$0x2], $0x80, s28, s16, $0xb8;
	[tilespmem:$0x1E400] =	vst v63  }
0x4a: {  	s26 =	sadd.s32 $0x1380, s25  }
0x4b: {  	[tilespmem:s19], [sflag:$0x1] =	stream.indirect.gather [hbm4b:s4+s16], $0x80, s26, s16, $0xb8;
	[tilespmem:$0x1E400] =	vst v63  }
0x4c: {  	_ =	swait.ge [sflag:s18], $0x4000  }
0x4d: {  	[sflag:s18] =	ssyncset.done $0x0  }
0x4e: {  	[sflag:s18] =	ssyncadd.s32 $0xFFFFC000  }
0x4f: {  	_ =	swait.ge [sflag:s20], $0x4000  }
0x50: {  	[sflag:s20] =	ssyncset.done $0x0  }
0x51: {  	s30 =	sadd.s32 $0x2780, s25;
	[sflag:s20] =	ssyncadd.s32 $0xFFFFC000  }
0x52: {  	[spmem:s1] =	stream.indirect.scatter.add.f32 [tilespmem:s19], [sflag:$0x3], $0x80, s30, s16, $0xb8;
	[tilespmem:$0x1E400] =	vst v63  }
0x53: {  	s31 =	sadd.s32 $0x1400, s25  }
0x54: {  	[tilespmem:s17], [sflag:$0x1] =	stream.indirect.gather [hbm4b:s4+s16], $0x80, s31, s16, $0xb8;
	[tilespmem:$0x1E400] =	vst v63  }
0x55: {  	_ =	swait.ge [sflag:s18], $0x4000  }
0x56: {  	[sflag:s18] =	ssyncset.done $0x0  }
0x57: {  	[sflag:s18] =	ssyncadd.s32 $0xFFFFC000  }
0x58: {  	_ =	swait.ge [sflag:s21], $0x4000  }
0x59: {  	[sflag:s21] =	ssyncset.done $0x0  }
0x5a: {  	s26 =	sadd.s32 $0x2800, s25;
	[sflag:s21] =	ssyncadd.s32 $0xFFFFC000  }
0x5b: {  	[spmem:s1] =	stream.indirect.scatter.add.f32 [tilespmem:s17], [sflag:$0x2], $0x80, s26, s16, $0xb8;
	[tilespmem:$0x1E400] =	vst v63  }
0x5c: {  	_ = 	snop  }
0x5d: {  	[tilespmem:s19], [sflag:$0x1] =	stream.indirect.gather [hbm4b:s4+s16], $0x80, s22, s16, $0xb8;
	[tilespmem:$0x1E400] =	vst v63  }
0x5e: {  	_ =	swait.ge [sflag:s18], $0x4000  }
0x5f: {  	[sflag:s18] =	ssyncset.done $0x0  }
0x60: {  	[sflag:s18] =	ssyncadd.s32 $0xFFFFC000  }
0x61: {  	_ =	swait.ge [sflag:s20], $0x4000  }
0x62: {  	[sflag:s20] =	ssyncset.done $0x0  }
0x63: {  	[sflag:s20] =	ssyncadd.s32 $0xFFFFC000  }
0x64: {  	[spmem:s1] =	stream.indirect.scatter.add.f32 [tilespmem:s19], [sflag:$0x4], $0x80, s23, s16, $0xb8;
	[tilespmem:$0x1E400] =	vst v63  }
0x65: {  	_ =	swait.ge [sflag:s14], $0x4000  }
0x66: {  	[sflag:s14] =	ssyncset.done $0x0  }
0x67: {  	[sflag:s14] =	ssyncadd.s32 $0xFFFFC000  }
0x68: {  	[tilespmem:s3], [sflag:$0x4] =	stream.linear.gather [hbm4b:s9+s3], $0x1400, $0x38;
	[tilespmem:$0x1E400] =	vst v63  }
0x69: {  	_ =	swait.ge [sflag:s14], $0x1400  }
0x6a: {  	[sflag:s14] =	ssyncset.done $0x0  }
0x6b: {  	[sflag:s14] =	ssyncadd.s32 $0xFFFFEC00  }
0x6c: {  	[tilespmem:s15], [sflag:$0x4] =	stream.linear.gather [hbm4b:s10+s3], $0x1400, $0x38;
	[tilespmem:$0x1E400] =	vst v63  }
0x6d: {  	_ =	swait.ge [sflag:s14], $0x1400  }
0x6e: {  	[sflag:s14] =	ssyncset.done $0x0  }
0x6f: {  	[sflag:s14] =	ssyncadd.s32 $0xFFFFEC00  }
0x70: {  	[tilespmem:s17], [sflag:$0x1] =	stream.indirect.gather [hbm4b:s4+s16], $0x80, s3, s16, $0xb8;
	[tilespmem:$0x1E400] =	vst v63  }
0x71: {  	_ =	swait.ge [sflag:s18], $0x4000  }
0x72: {  	[sflag:s18] =	ssyncset.done $0x0  }
0x73: {  	[sflag:s18] =	ssyncadd.s32 $0xFFFFC000  }
0x74: {  	[spmem:s1] =	stream.indirect.scatter.add.f32 [tilespmem:s17], [sflag:$0x2], $0x80, s15, s16, $0xb8;
	[tilespmem:$0x1E400] =	vst v63  }
0x75: {  	s29 =	simm.s32 $0x80  }
0x76: {  	[tilespmem:s19], [sflag:$0x1] =	stream.indirect.gather [hbm4b:s4+s16], $0x80, s29, s16, $0xb8;
	[tilespmem:$0x1E400] =	vst v63  }
0x77: {  	_ =	swait.ge [sflag:s18], $0x4000  }
0x78: {  	[sflag:s18] =	ssyncset.done $0x0  }
0x79: {  	[sflag:s18] =	ssyncadd.s32 $0xFFFFC000  }
0x7a: {  	_ =	swait.ge [sflag:s20], $0x4000  }
0x7b: {  	[sflag:s20] =	ssyncset.done $0x0  }
0x7c: {  	s30 =	simm.s32 $0x1480;
	[sflag:s20] =	ssyncadd.s32 $0xFFFFC000  }
0x7d: {  	[spmem:s1] =	stream.indirect.scatter.add.f32 [tilespmem:s19], [sflag:$0x3], $0x80, s30, s16, $0xb8;
	[tilespmem:$0x1E400] =	vst v63  }
0x7e: {  	s31 =	simm.s32 $0x100  }
0x7f: {  	[tilespmem:s17], [sflag:$0x1] =	stream.indirect.gather [hbm4b:s4+s16], $0x80, s31, s16, $0xb8;
	[tilespmem:$0x1E400] =	vst v63  }
0x80: {  	_ =	swait.ge [sflag:s18], $0x4000  }
0x81: {  	[sflag:s18] =	ssyncset.done $0x0  }
0x82: {  	[sflag:s18] =	ssyncadd.s32 $0xFFFFC000  }
0x83: {  	_ =	swait.ge [sflag:s21], $0x4000  }
0x84: {  	s28 =	simm.s32 $0x1500;
	[sflag:s21] =	ssyncset.done $0x0  }
0x85: {  	s25 =	simm.s32 $0xFFFFEE00;
	s26 =	simm.s32 $0xFFFFBC00;
	[sflag:s21] =	ssyncadd.s32 $0xFFFFC000  }
.LBB2_4:
0x86: {  	[spmem:s1] =	stream.indirect.scatter.add.f32 [tilespmem:s17], [sflag:$0x2], $0x80, s28, s16, $0xb8;
	[tilespmem:$0x1E400] =	vst v63  }
0x87: {  	s28 =	smov.u32 s26  }
0x88: {  	s30 =	sadd.s32 $0x400, s26;
	s29 =	sshra.s32 s28, $0x2;
	s28 =	sadd.s32 $0x1380, s25  }
0x89: {  	[tilespmem:s19], [sflag:$0x1] =	stream.indirect.gather [hbm4b:s4+s16], $0x80, s28, s16, $0xb8;
	[tilespmem:$0x1E400] =	vst v63  }
0x8a: {  	p0 =	sne.s32 s26, $0xFFFFFC00;
	_ =	swait.ge [sflag:s18], $0x4000  }
0x8b: {  	[sflag:s18] =	ssyncset.done $0x0  }
0x8c: {  	[sflag:s18] =	ssyncadd.s32 $0xFFFFC000  }
0x8d: {  	_ =	swait.ge [sflag:s20], $0x4000  }
0x8e: {  	[sflag:s20] =	ssyncset.done $0x0  }
0x8f: {  	s26 =	sadd.s32 $0x2780, s25;
	[sflag:s20] =	ssyncadd.s32 $0xFFFFC000  }
0x90: {  	[spmem:s1] =	stream.indirect.scatter.add.f32 [tilespmem:s19], [sflag:$0x3], $0x80, s26, s16, $0xb8;
	[tilespmem:$0x1E400] =	vst v63  }
0x91: {  	s26 =	sadd.s32 $0x1400, s25  }
0x92: {  	[tilespmem:s17], [sflag:$0x1] =	stream.indirect.gather [hbm4b:s4+s16], $0x80, s26, s16, $0xb8;
	[tilespmem:$0x1E400] =	vst v63  }
0x93: {  	_ =	swait.ge [sflag:s18], $0x4000  }
.Ltmp1:
0x94: {  	[sflag:s18] =	ssyncset.done $0x0;
	(pc) =	sbr.rel @p0 .LBB2_4-.Ltmp1, $4  }
0x95: {  	[sflag:s18] =	ssyncadd.s32 $0xFFFFC000  }
0x96: {  	_ =	swait.ge [sflag:s21], $0x4000  }
0x97: {  	s28 =	sadd.s32 $0x2800, s25;
	[sflag:s21] =	ssyncset.done $0x0  }
0x98: {  	s25 =	smov.u32 s29;
	s26 =	smov.u32 s30;
	[sflag:s21] =	ssyncadd.s32 $0xFFFFC000  }
0x99: {  	[spmem:s1] =	stream.indirect.scatter.add.f32 [tilespmem:s17], [sflag:$0x2], $0x80, s28, s16, $0xb8;
	[tilespmem:$0x1E400] =	vst v63  }
0x9a: {  	s26 =	sadd.s32 $0x1380, s25  }
0x9b: {  	[tilespmem:s19], [sflag:$0x1] =	stream.indirect.gather [hbm4b:s4+s16], $0x80, s26, s16, $0xb8;
	[tilespmem:$0x1E400] =	vst v63  }
0x9c: {  	_ =	swait.ge [sflag:s18], $0x4000  }
0x9d: {  	[sflag:s18] =	ssyncset.done $0x0  }
0x9e: {  	[sflag:s18] =	ssyncadd.s32 $0xFFFFC000  }
0x9f: {  	_ =	swait.ge [sflag:s20], $0x4000  }
0xa0: {  	[sflag:s20] =	ssyncset.done $0x0  }
0xa1: {  	s29 =	sadd.s32 $0x2780, s25;
	[sflag:s20] =	ssyncadd.s32 $0xFFFFC000  }
0xa2: {  	[spmem:s1] =	stream.indirect.scatter.add.f32 [tilespmem:s19], [sflag:$0x3], $0x80, s29, s16, $0xb8;
	[tilespmem:$0x1E400] =	vst v63  }
0xa3: {  	s30 =	sadd.s32 $0x1400, s25  }
0xa4: {  	[tilespmem:s17], [sflag:$0x1] =	stream.indirect.gather [hbm4b:s4+s16], $0x80, s30, s16, $0xb8;
	[tilespmem:$0x1E400] =	vst v63  }
0xa5: {  	_ =	swait.ge [sflag:s18], $0x4000  }
0xa6: {  	[sflag:s18] =	ssyncset.done $0x0  }
0xa7: {  	[sflag:s18] =	ssyncadd.s32 $0xFFFFC000  }
0xa8: {  	_ =	swait.ge [sflag:s21], $0x4000  }
0xa9: {  	[sflag:s21] =	ssyncset.done $0x0  }
0xaa: {  	s31 =	sadd.s32 $0x2800, s25;
	[sflag:s21] =	ssyncadd.s32 $0xFFFFC000  }
0xab: {  	[spmem:s1] =	stream.indirect.scatter.add.f32 [tilespmem:s17], [sflag:$0x2], $0x80, s31, s16, $0xb8;
	[tilespmem:$0x1E400] =	vst v63  }
0xac: {  	_ = 	snop  }
0xad: {  	[tilespmem:s19], [sflag:$0x1] =	stream.indirect.gather [hbm4b:s4+s16], $0x80, s22, s16, $0xb8;
	[tilespmem:$0x1E400] =	vst v63  }
0xae: {  	_ =	swait.ge [sflag:s18], $0x4000  }
0xaf: {  	[sflag:s18] =	ssyncset.done $0x0  }
0xb0: {  	[sflag:s18] =	ssyncadd.s32 $0xFFFFC000  }
0xb1: {  	_ =	swait.ge [sflag:s20], $0x4000  }
0xb2: {  	[sflag:s20] =	ssyncset.done $0x0  }
0xb3: {  	[sflag:s20] =	ssyncadd.s32 $0xFFFFC000  }
0xb4: {  	[spmem:s1] =	stream.indirect.scatter.add.f32 [tilespmem:s19], [sflag:$0x4], $0x80, s23, s16, $0xb8;
	[tilespmem:$0x1E400] =	vst v63  }
0xb5: {  	_ =	swait.ge [sflag:s14], $0x4000  }
0xb6: {  	s24 =	sadd.s32 $0x1, s24;
	[sflag:s14] =	ssyncset.done $0x0  }
0xb7: {  	p0 =	sne.s32 s24, s12;
	[sflag:s14] =	ssyncadd.s32 $0xFFFFC000  }
.Ltmp2:
0xb8: {  	[bflag:$0x0] =	sbarrier.arrive $0xFFFF;
	(pc) =	sbr.rel @p0 .LBB2_1-.Ltmp2, $4  }
0xb9: {  	[hbm:s11], [sflag:s6] =	dma.local [spmem:s13], $0x2780  }
0xba: {  	_ =	swait.ge [sflag:s14], $0x2780  }
0xbb: {  	[sflag:s14] =	ssyncset.done $0x0  }
0xbc: {  	[sflag:s14] =	ssyncadd.s32 $0xFFFFD880  }
0xbd: {  	_ =	sfence.sel $0x180000  }
0xbe: {  	[bflag:$0x0] =	sbarrier.arrive $0xFFFF  }
0xbf: {  	p0 =	sne.s32 s2, $0x0;
	_ =	strace $0x90000053  }
0xc0: {  	s0 =	sadd.s32 @!p0 $0x100000, s0;
	[bflag:$0x2] =	sbarrier.arrive $0xFFFF  }
0xc1: {  	[sflag:s0] =	ssyncadd.tile.s32 @!p0 $0x1;
	_ =	shalt  }
.Lfunc_end2:
_tile_overlayer_lowered:
.L_overlay_start_2:
0xc2: {  	(tag) =	ssettag $0x2  }
0xc3: {  	s0 =	rddreg [dreg:$0x0];
	s2 =	stileid.u32  }
0xc4: {  	s1 =	rddreg [dreg:$0x1];
	p0 =	sne.s32 s2, $0x0  }
0xc5: {  	s3 =	rddreg [dreg:$0x2];
	[bflag:$0x3] =	sbarrier.arrive $0xFFFF;
	s2 =	simm.s32 @!p0 $0x1C04  }
0xc6: {  	[timem:s3], [sflag:s2] =	dma.local @!p0 [hbm:s0], s1  }
0xc7: {  	s0 =	simm.s32 @!p0 $0x4  }
0xc8: {  	_ =	swait.ge @!p0 [sflag:s0], s1  }
0xc9: {  	s1 =	ssub.s32 @!p0 $0x0, s1;
	[sflag:s0] =	ssyncset.done @!p0 $0x0  }
0xca: {  	[sflag:s0] =	ssyncadd.s32 @!p0 s1  }
0xcb: {  	[bflag:$0x3] =	sbarrier.arrive $0xFFFF  }
0xcc: {  	_ =	shalt  }

// kernel: kernel.29.cloned.1.call-start
scs
__scs_entry_jumppad:
0x0: {  	(pc) =	sbr.rel $0x88, $3  }
0x1: {  	(tag) =	ssettag $0x0;
	lr =	simm.s32 $0x1  }
0x2: {  	[smem:$0x3F95] =	sst lr;
	_ =	strace $0xD0000000  }
0x3: {  	_ = 	snop  }
0x4: {  	_ = 	snop  }
0x5: {  	_ = 	snop  }
0x6: {  	_ = 	snop  }
0x7: {  	_ = 	snop  }
__scs_overlays_trampoline_lowered:
0x8: {  	[smem:$0x3FA4] =	sst s0  }
0x9: {  	[smem:$0x3FA5] =	sst s1  }
0xa: {  	[smem:$0x3FA6] =	sst s2  }
0xb: {  	[smem:$0x3FA7] =	sst s3  }
0xc: {  	[smem:$0x3FA8] =	sst s4  }
0xd: {  	[smem:$0x3FA9] =	sst s5  }
0xe: {  	[smem:$0x3FAA] =	sst s6  }
0xf: {  	[smem:$0x3FAB] =	sst s7  }
0x10: {  	[smem:$0x3FAC] =	sst s8  }
0x11: {  	[smem:$0x3FAD] =	sst s9;
	s0 =	simm.s32 @!p0 $0x0  }
0x12: {  	s1 =	sld [smem:$0x3F93];
	s0 =	simm.s32 @p0 $0x1  }
0x13: {  	[smem:$0x3FAE] =	sst s0;
	s0 =	simm.s32 @!p1 $0x0  }
0x14: {  	s2 =	sld [smem:$0x3F92];
	s0 =	simm.s32 @p1 $0x1  }
0x15: {  	[smem:$0x3FAF] =	sst s0;
	s0 =	simm.s32 @!p2 $0x0  }
0x16: {  	s3 =	sld [smem:$0x3FDB];
	s0 =	simm.s32 @p2 $0x1  }
0x17: {  	s4 =	simm.s32 $0x1BF5;
	[smem:$0x3FB1] =	sst s0  }
0x18: {  	s0 =	sld [smem:$0x3F94];
	_ =	swait.ge [sflag:s4], $0x0  }
0x19: {  	s7 =	sld [smem:$0x3F95]  }
0x1a: {  	s8 =	sadd.s32 $0xFFFFE003, lr  }
0x1b: {  	s9 =	sadd.s32 $0xFFFFFEF7, lr;
	s5 =	simm.s32 $0xFFFFFFFF;
	p2 =	slt.u32 s8, $0xFFFFF086  }
0x1c: {  	p1 =	slt.u32 s9, $0xF7A;
	s5 =	simm.s32 @!p2 $0x0  }
0x1d: {  	s5 =	simm.s32 @p1 $0x1;
	p0 =	seq.s32 s7, s2  }
0x1e: {  	s7 =	smul.u32 @!p0 $0xF7A, s2;
	p2 =	seq.s32 @!p0 s5, $0x0  }
0x1f: {  	s9 =	smul.u32 $0xF7A, s1;
	s8 =	simm.s32 @!p0 $0x1BF5;
	p2 =	por !p2, p0  }
0x20: {  	[sflag:s8] =	ssyncset.s32 @!p0 $0xFFFFF086;
	s6 =	sadd.s32 @!p0 s3, s7;
	s7 =	simm.s32 @!p0 $0x108  }
0x21: {  	s3 =	sadd.s32 s3, s9;
	s6 =	sadd.s32 @!p0 $0x88, s6;
	s7 =	simm.s32 @p2 $0x1082  }
0x22: {  	[simem:s7], [sflag:s8] =	dma.local @!p0 [hbm:s6], $0xF7A  }
0x23: {  	s9 =	sor.u32 $0xD0000000, s2;
	s6 =	simm.s32 $0x108;
	_ =	swait.ge @!p0 [sflag:s8], $0x0  }
0x24: {  	s3 =	sadd.s32 $0x88, s3;
	s6 =	simm.s32 @!p1 $0x1082;
	[sflag:s4] =	ssyncset.s32 $0xFFFFF086  }
0x25: {  	[simem:s6], [sflag:s4] =	dma.local [hbm:s3], $0xF7A  }
0x26: {  	[smem:$0x3F95] =	sst s1;
	(tag) =	ssettag s2;
	_ =	strace s9  }
0x27: {  	s1 =	sld [smem:$0x3FA5]  }
0x28: {  	s2 =	sld [smem:$0x3FA6]  }
0x29: {  	s4 =	sld [smem:$0x3FA8]  }
0x2a: {  	p0 =	seq.s32 s5, $0x0;
	s5 =	sld [smem:$0x3FA9]  }
0x2b: {  	s6 =	sld [smem:$0x3FAA]  }
0x2c: {  	s7 =	sld [smem:$0x3FAB]  }
0x2d: {  	s3 =	simm.s32 $0x108;
	s8 =	sld [smem:$0x3FAC]  }
0x2e: {  	s3 =	simm.s32 @!p0 $0x1082;
	s9 =	sld [smem:$0x3FAD]  }
0x2f: {  	lr =	sadd.s32 s0, s3;
	s0 =	sld [smem:$0x3FA4]  }
0x30: {  	s3 =	sld [smem:$0x3FA7]  }
0x31: {  	[smem:$0x3FB0] =	sst s10  }
0x32: {  	s10 =	sld [smem:$0x3FAE];
	_ =	sdelay $0x3  }
0x33: {  	p0 =	seq.s32 s10, $0x1;
	s10 =	sld [smem:$0x3FB0];
	_ =	sdelay $0x3  }
0x34: {  	[smem:$0x3FB0] =	sst s10  }
0x35: {  	s10 =	sld [smem:$0x3FAF];
	_ =	sdelay $0x3  }
0x36: {  	p1 =	seq.s32 s10, $0x1;
	s10 =	sld [smem:$0x3FB0];
	_ =	sdelay $0x3  }
0x37: {  	[smem:$0x3FB0] =	sst s10  }
0x38: {  	s10 =	sld [smem:$0x3FB1]  }
0x39: {  	_ = 	snop;
	(pc) =	sbr.ind lr, $3  }
0x3a: {  	_ = 	snop  }
0x3b: {  	_ = 	snop  }
0x3c: {  	p2 =	seq.s32 s10, $0x1;
	s10 =	sld [smem:$0x3FB0]  }
0x3d: {  	_ =	shalt  }
0x3e: {  	_ =	shalt  }
0x3f: {  	_ =	shalt  }
0x40: {  	_ =	shalt  }
0x41: {  	_ =	shalt  }
0x42: {  	_ =	shalt  }
0x43: {  	_ =	shalt  }
0x44: {  	_ =	shalt  }
0x45: {  	_ =	shalt  }
0x46: {  	_ =	shalt  }
0x47: {  	_ =	shalt  }
0x48: {  	_ =	shalt  }
0x49: {  	_ =	shalt  }
0x4a: {  	_ =	shalt  }
0x4b: {  	_ =	shalt  }
0x4c: {  	_ =	shalt  }
0x4d: {  	_ =	shalt  }
0x4e: {  	_ =	shalt  }
0x4f: {  	_ =	shalt  }
0x50: {  	_ =	shalt  }
0x51: {  	_ =	shalt  }
0x52: {  	_ =	shalt  }
0x53: {  	_ =	shalt  }
0x54: {  	_ =	shalt  }
0x55: {  	_ =	shalt  }
0x56: {  	_ =	shalt  }
0x57: {  	_ =	shalt  }
0x58: {  	_ =	shalt  }
0x59: {  	_ =	shalt  }
0x5a: {  	_ =	shalt  }
0x5b: {  	_ =	shalt  }
0x5c: {  	_ =	shalt  }
0x5d: {  	_ =	shalt  }
0x5e: {  	_ =	shalt  }
0x5f: {  	_ =	shalt  }
0x60: {  	_ =	shalt  }
0x61: {  	_ =	shalt  }
0x62: {  	_ =	shalt  }
0x63: {  	_ =	shalt  }
0x64: {  	_ =	shalt  }
0x65: {  	_ =	shalt  }
0x66: {  	_ =	shalt  }
0x67: {  	_ =	shalt  }
0x68: {  	_ =	shalt  }
0x69: {  	_ =	shalt  }
0x6a: {  	_ =	shalt  }
0x6b: {  	_ =	shalt  }
0x6c: {  	_ =	shalt  }
0x6d: {  	_ =	shalt  }
0x6e: {  	_ =	shalt  }
0x6f: {  	_ =	shalt  }
0x70: {  	_ =	shalt  }
0x71: {  	_ =	shalt  }
0x72: {  	_ =	shalt  }
0x73: {  	_ =	shalt  }
0x74: {  	_ =	shalt  }
0x75: {  	_ =	shalt  }
0x76: {  	_ =	shalt  }
0x77: {  	_ =	shalt  }
0x78: {  	_ =	shalt  }
0x79: {  	_ =	shalt  }
0x7a: {  	_ =	shalt  }
0x7b: {  	_ =	shalt  }
0x7c: {  	_ =	shalt  }
0x7d: {  	_ =	shalt  }
0x7e: {  	_ =	shalt  }
0x7f: {  	_ =	shalt  }
0x80: {  	_ =	shalt  }
0x81: {  	_ =	shalt  }
0x82: {  	_ =	shalt  }
0x83: {  	_ =	shalt  }
0x84: {  	_ =	shalt  }
0x85: {  	_ =	shalt  }
0x86: {  	_ =	shalt  }
0x87: {  	_ =	shalt  }
.Lfunc_end0:
.L_simem_size_0:
called_computation.5_lowered:
.L_overlay_start_0:
0x88: {  	s2 =	sld [smem:$0x3FD9]  }
0x89: {  	s3 =	sld [smem:$0x3FFE];
	_ =	sdelay $0x1  }
0x8a: {  	s1 =	srdreg.scid  }
0x8b: {  	s0 =	sand.u32 $0x1, s1  }
0x8c: {  	s16 =	sshll.u32 s0, $0xA;
	s2 =	sadd.s32 s3, s2  }
0x8d: {  	s2 =	sadd.s32 s2, s16  }
0x8e: {  	[smem:$0x3FBC] =	sst s2  }
0x8f: {  	_ = 	snop  }
0x90: {  	(tm) =	ssettm $0x1  }
0x91: {  	s17 =	sld [smem:$0x3FFB];
	_ =	sdelay $0x3  }
0x92: {  	_ =	strace s17  }
0x93: {  	s2 =	sld [smem:$0x3FFC];
	_ =	sdelay $0x3  }
0x94: {  	_ =	strace s2  }
0x95: {  	s2 =	sld [smem:$0x3FFD];
	_ =	sdelay $0x3  }
0x96: {  	_ =	strace s2  }
0x97: {  	_ =	strace $0x8FFFFFFF  }
0x98: {  	s18 =	sld [smem:$0x3FDB];
	_ =	sdelay $0x1  }
0x99: {  	s19 =	simm.s32 $_scs_section_size  }
0x9a: {  	s4 =	simm.s32 $_size__tile_overlayer_lowered;
	s5 =	simm.s32 $_tile_overlayer_lowered  }
0x9b: {  	s22 =	simm.s32 $0x1BFF;
	s21 =	sshll.u32 s5, $0x1;
	s2 =	sadd.s32 s19, s18  }
0x9c: {  	s6 =	simm.s32 $0x0;
	s20 =	sshll.u32 s4, $0x1;
	s4 =	sadd.s32 s21, s2  }
0x9d: {  	[timem:s6], [sflag:s22] =	dma.local [hbm:s4], s20  }
0x9e: {  	_ =	swait.ge [sflag:s22], s20  }
0x9f: {  	s3 =	ssub.s32 $0x0, s20;
	[sflag:s22] =	ssyncset.done $0x0  }
0xa0: {  	[sflag:s22] =	ssyncadd.s32 s3;
	_ =	sdelay $0x1  }
0xa1: {  	s23 =	simm.s32 $0x1B8B  }
0xa2: {  	_ =	swait.ge [sflag:s23], $0x1  }
0xa3: {  	[sflag:s23] =	ssyncset.done $0x0  }
0xa4: {  	s25 =	simm.s32 $0x1B8E;
	s24 =	sld [smem:$0x3FFE];
	[sflag:s23] =	ssyncadd.s32 $0xFFFFFFFF  }
0xa5: {  	s26 =	simm.s32 $execute0_lowered;
	[smem:$0x3FD2] =	sst s25  }
0xa6: {  	s4 =	sshll.u32 s26, $0x1;
	_ =	strace $0x80000055;
	[dreg:$0x1] =	wrdreg $0xFFFFFFFF  }
0xa7: {  	s28 =	simm.s32 $_size_execute0_lowered;
	s2 =	sadd.s32 s2, s4;
	[dreg:$0x0] =	wrdreg $0x0  }
0xa8: {  	s4 =	sshll.u32 s28, $0x1;
	[dreg:$0x2] =	wrdreg s2  }
0xa9: {  	[dreg:$0x3] =	wrdreg s4  }
0xaa: {  	[dreg:$0x4] =	wrdreg $0xC0  }
0xab: {  	_ =	task [dreg:s6], $0x5FFFF  }
0xac: {  	[dreg:$0x1] =	wrdreg $0xFFFFFFFF  }
0xad: {  	[dreg:$0x0] =	wrdreg $0x60  }
0xae: {  	[dreg:$0x2] =	wrdreg s24  }
0xaf: {  	[dreg:$0x3] =	wrdreg $0xA8000  }
0xb0: {  	[dreg:$0x4] =	wrdreg $0x9  }
0xb1: {  	_ =	task.clear_ibuf [dreg:s6], $0x5FFFF;
	_ =	strace $0x90000055  }
0xb2: {  	s29 =	simm.s32 $0x9;
	_ =	strace $0x80000057  }
0xb3: {  	_ =	swait.ge [sflag:s29], $0x1  }
0xb4: {  	[sflag:s29] =	ssyncadd.s32 $0xFFFFFFFF  }
0xb5: {  	_ =	strace $0x90000057  }
0xb6: {  	_ =	sfence  }
0xb7: {  	s30 =	sld [smem:$0x0];
	_ =	sdelay $0x2  }
0xb8: {  	s31 =	sshll.u32 s1, $0xD;
	s1 =	sshrl.u32 s1, $0x2  }
0xb9: {  	s3 =	sand.u32 $0x4000, s31;
	s1 =	sadd.s32 s1, s30  }
0xba: {  	s0 =	sor.u32 s3, s0;
	s1 =	sshll.u32 s1, $0x11  }
0xbb: {  	s0 =	sor.u32 s1, s0  }
0xbc: {  	s0 =	sadd.s32 $0x8F2B, s0  }
0xbd: {  	[sflag:s0] =	ssyncadd.remote.s32 $0x1  }
0xbe: {  	_ =	sfence.sel $0xFFFF  }
0xbf: {  	[dreg:$0x0] =	wrdreg $0xFFFFFFFF;
	(pc) =	sbr.abs _section_cstart, $3  }
0xc0: {  	[dreg:$0x1] =	wrdreg $0xFFFFFFFF  }
0xc1: {  	_ =	task.clear_ibuf [dreg:s6], $0x2FFFF;
	_ =	strace $0x9FFFFFFF  }
0xc2: {  	(tm) =	ssettm $0x7FFFFFFF  }
0xc3: {  	_ =	shalt  }
tec
execute0_lowered:
.L_overlay_start_1:
0x0: {  	(tag) =	ssettag $0x1  }
0x1: {  	s6 =	rddreg [dreg:$0x0]  }
0x2: {  	s1 =	rddreg [dreg:$0x1]  }
0x3: {  	s2 =	srdreg.scid;
	s0 =	rddreg [dreg:$0x2]  }
0x4: {  	s3 =	simm.s32 $0x0;
	s15 =	simm.s32 $0x1400;
	s16 =	simm.s32 $0x80  }
0x5: {  	s17 =	simm.s32 $0x2800;
	s18 =	simm.s32 $0x1;
	s19 =	simm.s32 $0x6800  }
0x6: {  	s20 =	simm.s32 $0x2;
	s21 =	simm.s32 $0x3;
	s22 =	simm.s32 $0x1380  }
0x7: {  	s5 =	sand.u32 $0x1, s2;
	s2 =	stileid.u32;
	[smem:$0x7FF] =	sst s3  }
0x8: {  	s4 =	sadd.s32 $0x1B200, s6;
	s9 =	sadd.s32 $0xEA00, s6;
	s7 =	smul.u32 $0x13C000, s5  }
0x9: {  	s10 =	sadd.s32 $0x4A00, s6;
	s8 =	smul.u32 $0x13C00, s2;
	_ =	strace $0x80000056  }
0xa: {  	s23 =	sshll.u32 s5, $0x4;
	s11 =	ssub.s32 $0x2, s5;
	s25 =	smul.u32 $0x4F000, s2  }
0xb: {  	s5 =	sadd.s32 $0x18A00, s6;
	s28 =	sshll.u32 s2, $0x6;
	s24 =	sor.u32 s2, s23  }
0xc: {  	s12 =	sshrl.u32 s11, $0x1;
	s23 =	simm.s32 $0x2780;
	s7 =	sadd.s32 s8, s7  }
0xd: {  	s13 =	smul.u32 $0x2800, s24;
	s12 =	ssub.s32 s11, s12;
	s26 =	sshrl.u32 s25, $0x2  }
0xe: {  	s24 =	simm.s32 $0x0;
	s7 =	sshrl.u32 s7, $0x3;
	s30 =	sadd.s32 s26, s1  }
0xf: {  	s12 =	smax.u32 s12, $0x1;
	s14 =	sadd.s32 s7, s6;
	s29 =	sshrl.u32 s13, $0x3  }
0x10: {  	s6 =	sor.u32 $0x1C04, s28;
	s13 =	sshrl.u32 s30, $0x3;
	s31 =	sadd.s32 $0x280, s29  }
0x11: {  	s7 =	sadd.s32 s9, s29;
	s8 =	sadd.s32 s10, s29;
	s11 =	sadd.s32 $0x42400, s14  }
0x12: {  	s14 =	simm.s32 $0x4;
	s9 =	sadd.s32 s9, s31;
	s10 =	sadd.s32 s10, s31  }
.LBB2_1:
0x13: {  	[spmem:s13], [sflag:s6] =	dma.local [hbm:s5], $0x2780  }
0x14: {  	_ =	swait.ge [sflag:s14], $0x2780  }
0x15: {  	[sflag:s14] =	ssyncset.done $0x0  }
0x16: {  	[sflag:s14] =	ssyncadd.s32 $0xFFFFD880  }
0x17: {  	[bflag:$0x0] =	sbarrier.arrive $0xFFFF  }
0x18: {  	[tilespmem:s3], [sflag:$0x4] =	stream.linear.gather [hbm4b:s7+s3], $0x1400, $0x38;
	[tilespmem:$0x1E400] =	vst v63  }
0x19: {  	_ =	swait.ge [sflag:s14], $0x1400  }
0x1a: {  	[sflag:s14] =	ssyncset.done $0x0  }
0x1b: {  	[sflag:s14] =	ssyncadd.s32 $0xFFFFEC00  }
0x1c: {  	[tilespmem:s15], [sflag:$0x4] =	stream.linear.gather [hbm4b:s8+s3], $0x1400, $0x38;
	[tilespmem:$0x1E400] =	vst v63  }
0x1d: {  	_ =	swait.ge [sflag:s14], $0x1400  }
0x1e: {  	[sflag:s14] =	ssyncset.done $0x0  }
0x1f: {  	[sflag:s14] =	ssyncadd.s32 $0xFFFFEC00  }
0x20: {  	[tilespmem:s17], [sflag:$0x1] =	stream.indirect.gather [hbm4b:s4+s16], $0x80, s3, s16, $0xb8;
	[tilespmem:$0x1E400] =	vst v63  }
0x21: {  	_ =	swait.ge [sflag:s18], $0x4000  }
0x22: {  	[sflag:s18] =	ssyncset.done $0x0  }
0x23: {  	[sflag:s18] =	ssyncadd.s32 $0xFFFFC000  }
0x24: {  	[spmem:s1] =	stream.indirect.scatter.add.f32 [tilespmem:s17], [sflag:$0x2], $0x80, s15, s16, $0xb8;
	[tilespmem:$0x1E400] =	vst v63  }
0x25: {  	s25 =	simm.s32 $0x80  }
0x26: {  	[tilespmem:s19], [sflag:$0x1] =	stream.indirect.gather [hbm4b:s4+s16], $0x80, s25, s16, $0xb8;
	[tilespmem:$0x1E400] =	vst v63  }
0x27: {  	_ =	swait.ge [sflag:s18], $0x4000  }
0x28: {  	[sflag:s18] =	ssyncset.done $0x0  }
0x29: {  	[sflag:s18] =	ssyncadd.s32 $0xFFFFC000  }
0x2a: {  	_ =	swait.ge [sflag:s20], $0x4000  }
0x2b: {  	[sflag:s20] =	ssyncset.done $0x0  }
0x2c: {  	s30 =	simm.s32 $0x1480;
	[sflag:s20] =	ssyncadd.s32 $0xFFFFC000  }
0x2d: {  	[spmem:s1] =	stream.indirect.scatter.add.f32 [tilespmem:s19], [sflag:$0x3], $0x80, s30, s16, $0xb8;
	[tilespmem:$0x1E400] =	vst v63  }
0x2e: {  	s31 =	simm.s32 $0x100  }
0x2f: {  	[tilespmem:s17], [sflag:$0x1] =	stream.indirect.gather [hbm4b:s4+s16], $0x80, s31, s16, $0xb8;
	[tilespmem:$0x1E400] =	vst v63  }
0x30: {  	_ =	swait.ge [sflag:s18], $0x4000  }
0x31: {  	[sflag:s18] =	ssyncset.done $0x0  }
0x32: {  	[sflag:s18] =	ssyncadd.s32 $0xFFFFC000  }
0x33: {  	_ =	swait.ge [sflag:s21], $0x4000  }
0x34: {  	s26 =	simm.s32 $0xFFFFBC00;
	[sflag:s21] =	ssyncset.done $0x0  }
0x35: {  	s28 =	simm.s32 $0x1500;
	s25 =	simm.s32 $0xFFFFEE00;
	[sflag:s21] =	ssyncadd.s32 $0xFFFFC000  }
.LBB2_2:
0x36: {  	[spmem:s1] =	stream.indirect.scatter.add.f32 [tilespmem:s17], [sflag:$0x2], $0x80, s28, s16, $0xb8;
	[tilespmem:$0x1E400] =	vst v63  }
0x37: {  	s28 =	smov.u32 s26  }
0x38: {  	s30 =	sadd.s32 $0x400, s26;
	s29 =	sshra.s32 s28, $0x2;
	s28 =	sadd.s32 $0x1380, s25  }
0x39: {  	[tilespmem:s19], [sflag:$0x1] =	stream.indirect.gather [hbm4b:s4+s16], $0x80, s28, s16, $0xb8;
	[tilespmem:$0x1E400] =	vst v63  }
0x3a: {  	p0 =	sne.s32 s26, $0xFFFFFC00;
	_ =	swait.ge [sflag:s18], $0x4000  }
0x3b: {  	[sflag:s18] =	ssyncset.done $0x0  }
0x3c: {  	[sflag:s18] =	ssyncadd.s32 $0xFFFFC000  }
0x3d: {  	_ =	swait.ge [sflag:s20], $0x4000  }
0x3e: {  	[sflag:s20] =	ssyncset.done $0x0  }
0x3f: {  	s26 =	sadd.s32 $0x2780, s25;
	[sflag:s20] =	ssyncadd.s32 $0xFFFFC000  }
0x40: {  	[spmem:s1] =	stream.indirect.scatter.add.f32 [tilespmem:s19], [sflag:$0x3], $0x80, s26, s16, $0xb8;
	[tilespmem:$0x1E400] =	vst v63  }
0x41: {  	s26 =	sadd.s32 $0x1400, s25  }
0x42: {  	[tilespmem:s17], [sflag:$0x1] =	stream.indirect.gather [hbm4b:s4+s16], $0x80, s26, s16, $0xb8;
	[tilespmem:$0x1E400] =	vst v63  }
0x43: {  	_ =	swait.ge [sflag:s18], $0x4000  }
.Ltmp0:
0x44: {  	[sflag:s18] =	ssyncset.done $0x0;
	(pc) =	sbr.rel @p0 .LBB2_2-.Ltmp0, $4  }
0x45: {  	[sflag:s18] =	ssyncadd.s32 $0xFFFFC000  }
0x46: {  	_ =	swait.ge [sflag:s21], $0x4000  }
0x47: {  	s28 =	sadd.s32 $0x2800, s25;
	[sflag:s21] =	ssyncset.done $0x0  }
0x48: {  	s25 =	smov.u32 s29;
	s26 =	smov.u32 s30;
	[sflag:s21] =	ssyncadd.s32 $0xFFFFC000  }
0x49: {  	[spmem:s1] =	stream.indirect.scatter.add.f32 [tilespmem:s17], [sflag:$0x2], $0x80, s28, s16, $0xb8;
	[tilespmem:$0x1E400] =	vst v63  }
0x4a: {  	s26 =	sadd.s32 $0x1380, s25  }
0x4b: {  	[tilespmem:s19], [sflag:$0x1] =	stream.indirect.gather [hbm4b:s4+s16], $0x80, s26, s16, $0xb8;
	[tilespmem:$0x1E400] =	vst v63  }
0x4c: {  	_ =	swait.ge [sflag:s18], $0x4000  }
0x4d: {  	[sflag:s18] =	ssyncset.done $0x0  }
0x4e: {  	[sflag:s18] =	ssyncadd.s32 $0xFFFFC000  }
0x4f: {  	_ =	swait.ge [sflag:s20], $0x4000  }
0x50: {  	[sflag:s20] =	ssyncset.done $0x0  }
0x51: {  	s30 =	sadd.s32 $0x2780, s25;
	[sflag:s20] =	ssyncadd.s32 $0xFFFFC000  }
0x52: {  	[spmem:s1] =	stream.indirect.scatter.add.f32 [tilespmem:s19], [sflag:$0x3], $0x80, s30, s16, $0xb8;
	[tilespmem:$0x1E400] =	vst v63  }
0x53: {  	s31 =	sadd.s32 $0x1400, s25  }
0x54: {  	[tilespmem:s17], [sflag:$0x1] =	stream.indirect.gather [hbm4b:s4+s16], $0x80, s31, s16, $0xb8;
	[tilespmem:$0x1E400] =	vst v63  }
0x55: {  	_ =	swait.ge [sflag:s18], $0x4000  }
0x56: {  	[sflag:s18] =	ssyncset.done $0x0  }
0x57: {  	[sflag:s18] =	ssyncadd.s32 $0xFFFFC000  }
0x58: {  	_ =	swait.ge [sflag:s21], $0x4000  }
0x59: {  	[sflag:s21] =	ssyncset.done $0x0  }
0x5a: {  	s26 =	sadd.s32 $0x2800, s25;
	[sflag:s21] =	ssyncadd.s32 $0xFFFFC000  }
0x5b: {  	[spmem:s1] =	stream.indirect.scatter.add.f32 [tilespmem:s17], [sflag:$0x2], $0x80, s26, s16, $0xb8;
	[tilespmem:$0x1E400] =	vst v63  }
0x5c: {  	_ = 	snop  }
0x5d: {  	[tilespmem:s19], [sflag:$0x1] =	stream.indirect.gather [hbm4b:s4+s16], $0x80, s22, s16, $0xb8;
	[tilespmem:$0x1E400] =	vst v63  }
0x5e: {  	_ =	swait.ge [sflag:s18], $0x4000  }
0x5f: {  	[sflag:s18] =	ssyncset.done $0x0  }
0x60: {  	[sflag:s18] =	ssyncadd.s32 $0xFFFFC000  }
0x61: {  	_ =	swait.ge [sflag:s20], $0x4000  }
0x62: {  	[sflag:s20] =	ssyncset.done $0x0  }
0x63: {  	[sflag:s20] =	ssyncadd.s32 $0xFFFFC000  }
0x64: {  	[spmem:s1] =	stream.indirect.scatter.add.f32 [tilespmem:s19], [sflag:$0x4], $0x80, s23, s16, $0xb8;
	[tilespmem:$0x1E400] =	vst v63  }
0x65: {  	_ =	swait.ge [sflag:s14], $0x4000  }
0x66: {  	[sflag:s14] =	ssyncset.done $0x0  }
0x67: {  	[sflag:s14] =	ssyncadd.s32 $0xFFFFC000  }
0x68: {  	[tilespmem:s3], [sflag:$0x4] =	stream.linear.gather [hbm4b:s9+s3], $0x1400, $0x38;
	[tilespmem:$0x1E400] =	vst v63  }
0x69: {  	_ =	swait.ge [sflag:s14], $0x1400  }
0x6a: {  	[sflag:s14] =	ssyncset.done $0x0  }
0x6b: {  	[sflag:s14] =	ssyncadd.s32 $0xFFFFEC00  }
0x6c: {  	[tilespmem:s15], [sflag:$0x4] =	stream.linear.gather [hbm4b:s10+s3], $0x1400, $0x38;
	[tilespmem:$0x1E400] =	vst v63  }
0x6d: {  	_ =	swait.ge [sflag:s14], $0x1400  }
0x6e: {  	[sflag:s14] =	ssyncset.done $0x0  }
0x6f: {  	[sflag:s14] =	ssyncadd.s32 $0xFFFFEC00  }
0x70: {  	[tilespmem:s17], [sflag:$0x1] =	stream.indirect.gather [hbm4b:s4+s16], $0x80, s3, s16, $0xb8;
	[tilespmem:$0x1E400] =	vst v63  }
0x71: {  	_ =	swait.ge [sflag:s18], $0x4000  }
0x72: {  	[sflag:s18] =	ssyncset.done $0x0  }
0x73: {  	[sflag:s18] =	ssyncadd.s32 $0xFFFFC000  }
0x74: {  	[spmem:s1] =	stream.indirect.scatter.add.f32 [tilespmem:s17], [sflag:$0x2], $0x80, s15, s16, $0xb8;
	[tilespmem:$0x1E400] =	vst v63  }
0x75: {  	s29 =	simm.s32 $0x80  }
0x76: {  	[tilespmem:s19], [sflag:$0x1] =	stream.indirect.gather [hbm4b:s4+s16], $0x80, s29, s16, $0xb8;
	[tilespmem:$0x1E400] =	vst v63  }
0x77: {  	_ =	swait.ge [sflag:s18], $0x4000  }
0x78: {  	[sflag:s18] =	ssyncset.done $0x0  }
0x79: {  	[sflag:s18] =	ssyncadd.s32 $0xFFFFC000  }
0x7a: {  	_ =	swait.ge [sflag:s20], $0x4000  }
0x7b: {  	[sflag:s20] =	ssyncset.done $0x0  }
0x7c: {  	s30 =	simm.s32 $0x1480;
	[sflag:s20] =	ssyncadd.s32 $0xFFFFC000  }
0x7d: {  	[spmem:s1] =	stream.indirect.scatter.add.f32 [tilespmem:s19], [sflag:$0x3], $0x80, s30, s16, $0xb8;
	[tilespmem:$0x1E400] =	vst v63  }
0x7e: {  	s31 =	simm.s32 $0x100  }
0x7f: {  	[tilespmem:s17], [sflag:$0x1] =	stream.indirect.gather [hbm4b:s4+s16], $0x80, s31, s16, $0xb8;
	[tilespmem:$0x1E400] =	vst v63  }
0x80: {  	_ =	swait.ge [sflag:s18], $0x4000  }
0x81: {  	[sflag:s18] =	ssyncset.done $0x0  }
0x82: {  	[sflag:s18] =	ssyncadd.s32 $0xFFFFC000  }
0x83: {  	_ =	swait.ge [sflag:s21], $0x4000  }
0x84: {  	s28 =	simm.s32 $0x1500;
	[sflag:s21] =	ssyncset.done $0x0  }
0x85: {  	s25 =	simm.s32 $0xFFFFEE00;
	s26 =	simm.s32 $0xFFFFBC00;
	[sflag:s21] =	ssyncadd.s32 $0xFFFFC000  }
.LBB2_4:
0x86: {  	[spmem:s1] =	stream.indirect.scatter.add.f32 [tilespmem:s17], [sflag:$0x2], $0x80, s28, s16, $0xb8;
	[tilespmem:$0x1E400] =	vst v63  }
0x87: {  	s28 =	smov.u32 s26  }
0x88: {  	s30 =	sadd.s32 $0x400, s26;
	s29 =	sshra.s32 s28, $0x2;
	s28 =	sadd.s32 $0x1380, s25  }
0x89: {  	[tilespmem:s19], [sflag:$0x1] =	stream.indirect.gather [hbm4b:s4+s16], $0x80, s28, s16, $0xb8;
	[tilespmem:$0x1E400] =	vst v63  }
0x8a: {  	p0 =	sne.s32 s26, $0xFFFFFC00;
	_ =	swait.ge [sflag:s18], $0x4000  }
0x8b: {  	[sflag:s18] =	ssyncset.done $0x0  }
0x8c: {  	[sflag:s18] =	ssyncadd.s32 $0xFFFFC000  }
0x8d: {  	_ =	swait.ge [sflag:s20], $0x4000  }
0x8e: {  	[sflag:s20] =	ssyncset.done $0x0  }
0x8f: {  	s26 =	sadd.s32 $0x2780, s25;
	[sflag:s20] =	ssyncadd.s32 $0xFFFFC000  }
0x90: {  	[spmem:s1] =	stream.indirect.scatter.add.f32 [tilespmem:s19], [sflag:$0x3], $0x80, s26, s16, $0xb8;
	[tilespmem:$0x1E400] =	vst v63  }
0x91: {  	s26 =	sadd.s32 $0x1400, s25  }
0x92: {  	[tilespmem:s17], [sflag:$0x1] =	stream.indirect.gather [hbm4b:s4+s16], $0x80, s26, s16, $0xb8;
	[tilespmem:$0x1E400] =	vst v63  }
0x93: {  	_ =	swait.ge [sflag:s18], $0x4000  }
.Ltmp1:
0x94: {  	[sflag:s18] =	ssyncset.done $0x0;
	(pc) =	sbr.rel @p0 .LBB2_4-.Ltmp1, $4  }
0x95: {  	[sflag:s18] =	ssyncadd.s32 $0xFFFFC000  }
0x96: {  	_ =	swait.ge [sflag:s21], $0x4000  }
0x97: {  	s28 =	sadd.s32 $0x2800, s25;
	[sflag:s21] =	ssyncset.done $0x0  }
0x98: {  	s25 =	smov.u32 s29;
	s26 =	smov.u32 s30;
	[sflag:s21] =	ssyncadd.s32 $0xFFFFC000  }
0x99: {  	[spmem:s1] =	stream.indirect.scatter.add.f32 [tilespmem:s17], [sflag:$0x2], $0x80, s28, s16, $0xb8;
	[tilespmem:$0x1E400] =	vst v63  }
0x9a: {  	s26 =	sadd.s32 $0x1380, s25  }
0x9b: {  	[tilespmem:s19], [sflag:$0x1] =	stream.indirect.gather [hbm4b:s4+s16], $0x80, s26, s16, $0xb8;
	[tilespmem:$0x1E400] =	vst v63  }
0x9c: {  	_ =	swait.ge [sflag:s18], $0x4000  }
0x9d: {  	[sflag:s18] =	ssyncset.done $0x0  }
0x9e: {  	[sflag:s18] =	ssyncadd.s32 $0xFFFFC000  }
0x9f: {  	_ =	swait.ge [sflag:s20], $0x4000  }
0xa0: {  	[sflag:s20] =	ssyncset.done $0x0  }
0xa1: {  	s29 =	sadd.s32 $0x2780, s25;
	[sflag:s20] =	ssyncadd.s32 $0xFFFFC000  }
0xa2: {  	[spmem:s1] =	stream.indirect.scatter.add.f32 [tilespmem:s19], [sflag:$0x3], $0x80, s29, s16, $0xb8;
	[tilespmem:$0x1E400] =	vst v63  }
0xa3: {  	s30 =	sadd.s32 $0x1400, s25  }
0xa4: {  	[tilespmem:s17], [sflag:$0x1] =	stream.indirect.gather [hbm4b:s4+s16], $0x80, s30, s16, $0xb8;
	[tilespmem:$0x1E400] =	vst v63  }
0xa5: {  	_ =	swait.ge [sflag:s18], $0x4000  }
0xa6: {  	[sflag:s18] =	ssyncset.done $0x0  }
0xa7: {  	[sflag:s18] =	ssyncadd.s32 $0xFFFFC000  }
0xa8: {  	_ =	swait.ge [sflag:s21], $0x4000  }
0xa9: {  	[sflag:s21] =	ssyncset.done $0x0  }
0xaa: {  	s31 =	sadd.s32 $0x2800, s25;
	[sflag:s21] =	ssyncadd.s32 $0xFFFFC000  }
0xab: {  	[spmem:s1] =	stream.indirect.scatter.add.f32 [tilespmem:s17], [sflag:$0x2], $0x80, s31, s16, $0xb8;
	[tilespmem:$0x1E400] =	vst v63  }
0xac: {  	_ = 	snop  }
0xad: {  	[tilespmem:s19], [sflag:$0x1] =	stream.indirect.gather [hbm4b:s4+s16], $0x80, s22, s16, $0xb8;
	[tilespmem:$0x1E400] =	vst v63  }
0xae: {  	_ =	swait.ge [sflag:s18], $0x4000  }
0xaf: {  	[sflag:s18] =	ssyncset.done $0x0  }
0xb0: {  	[sflag:s18] =	ssyncadd.s32 $0xFFFFC000  }
0xb1: {  	_ =	swait.ge [sflag:s20], $0x4000  }
0xb2: {  	[sflag:s20] =	ssyncset.done $0x0  }
0xb3: {  	[sflag:s20] =	ssyncadd.s32 $0xFFFFC000  }
0xb4: {  	[spmem:s1] =	stream.indirect.scatter.add.f32 [tilespmem:s19], [sflag:$0x4], $0x80, s23, s16, $0xb8;
	[tilespmem:$0x1E400] =	vst v63  }
0xb5: {  	_ =	swait.ge [sflag:s14], $0x4000  }
0xb6: {  	s24 =	sadd.s32 $0x1, s24;
	[sflag:s14] =	ssyncset.done $0x0  }
0xb7: {  	p0 =	sne.s32 s24, s12;
	[sflag:s14] =	ssyncadd.s32 $0xFFFFC000  }
.Ltmp2:
0xb8: {  	[bflag:$0x0] =	sbarrier.arrive $0xFFFF;
	(pc) =	sbr.rel @p0 .LBB2_1-.Ltmp2, $4  }
0xb9: {  	[hbm:s11], [sflag:s6] =	dma.local [spmem:s13], $0x2780  }
0xba: {  	_ =	swait.ge [sflag:s14], $0x2780  }
0xbb: {  	[sflag:s14] =	ssyncset.done $0x0  }
0xbc: {  	[sflag:s14] =	ssyncadd.s32 $0xFFFFD880  }
0xbd: {  	_ =	sfence.sel $0x180000  }
0xbe: {  	[bflag:$0x0] =	sbarrier.arrive $0xFFFF  }
0xbf: {  	p0 =	sne.s32 s2, $0x0;
	_ =	strace $0x90000056  }
0xc0: {  	s0 =	sadd.s32 @!p0 $0x100000, s0;
	[bflag:$0x2] =	sbarrier.arrive $0xFFFF  }
0xc1: {  	[sflag:s0] =	ssyncadd.tile.s32 @!p0 $0x1;
	_ =	shalt  }
.Lfunc_end2:
_tile_overlayer_lowered:
.L_overlay_start_2:
0xc2: {  	(tag) =	ssettag $0x2  }
0xc3: {  	s0 =	rddreg [dreg:$0x0];
	s2 =	stileid.u32  }
0xc4: {  	s1 =	rddreg [dreg:$0x1];
	p0 =	sne.s32 s2, $0x0  }
0xc5: {  	s3 =	rddreg [dreg:$0x2];
	[bflag:$0x3] =	sbarrier.arrive $0xFFFF;
	s2 =	simm.s32 @!p0 $0x1C04  }
0xc6: {  	[timem:s3], [sflag:s2] =	dma.local @!p0 [hbm:s0], s1  }
0xc7: {  	s0 =	simm.s32 @!p0 $0x4  }
0xc8: {  	_ =	swait.ge @!p0 [sflag:s0], s1  }
0xc9: {  	s1 =	ssub.s32 @!p0 $0x0, s1;
	[sflag:s0] =	ssyncset.done @!p0 $0x0  }
0xca: {  	[sflag:s0] =	ssyncadd.s32 @!p0 s1  }
0xcb: {  	[bflag:$0x3] =	sbarrier.arrive $0xFFFF  }
0xcc: {  	_ =	shalt  }

</sc_bundles>
